<compile_context>
chip_gen: v7x
topology: tpu7x:2x2x1
jax: 0.10.2.dev20260603
libtpu: 0.0.44.dev20260713+nightly
codegen_flags: <defaults>
</compile_context>

<pallas_src>
import functools

import jax
import jax.numpy as jnp
from jax import lax
from jax.experimental import pallas as pl
from jax.experimental.pallas import tpu as pltpu
from jax.experimental.pallas import tpu_sc as plsc

H2 = 64
NC, NS = 2, 16
NW = NC * NS
KB = 128
NSEG_PAD = 10240
RPT = NSEG_PAD // NS


def _make_gat_sc(nh, n_nodes, nb):
    D = 128
    CH = 8 // nh
    mesh = plsc.VectorSubcoreMesh(core_axis_name="c", subcore_axis_name="s")
    out_type = [jax.ShapeDtypeStruct((NC, NSEG_PAD, D), jnp.float32)] + [
        jax.ShapeDtypeStruct((NC, NSEG_PAD), jnp.float32) for _ in range(nh)
    ]
    scratch = (
        [
            pltpu.VMEM((nb, KB), jnp.int32),
            pltpu.VMEM((nb, KB), jnp.int32),
        ]
        + [pltpu.VMEM((KB,), jnp.int32) for _ in range(2 * nh)]
        + [pltpu.VMEM((KB,), jnp.float32) for _ in range(2 * nh)]
        + [pltpu.VMEM((KB,), jnp.float32) for _ in range(nh)]
        + [
            pltpu.VMEM((KB, D), jnp.float32),
            pltpu.VMEM((RPT,), jnp.float32),
            pltpu.VMEM_SHARED((NSEG_PAD, D), jnp.float32),
        ]
        + [pltpu.VMEM_SHARED((NSEG_PAD,), jnp.float32) for _ in range(nh)]
        + [pltpu.SemaphoreType.DMA, pltpu.SemaphoreType.DMA]
    )

    @functools.partial(
        pl.kernel, out_type=out_type, mesh=mesh, scratch_types=scratch,
        compiler_params=pltpu.CompilerParams(needs_layout_passes=False))
    def gat(h_hbm, src_hbm, dst_hbm, sc_hbm, rows_out, *rest):
        den_outs = rest[:nh]
        r2 = rest[nh:]
        src_v, dst_v = r2[0], r2[1]
        gidx = r2[2:2 + 2 * nh]
        sbufs = r2[2 + 2 * nh:2 + 4 * nh]
        ex_bufs = r2[2 + 4 * nh:2 + 5 * nh]
        rows_v, den_b, acc_s = r2[2 + 5 * nh:5 + 5 * nh]
        den_sh = r2[5 + 5 * nh:5 + 6 * nh]
        sem, sem2 = r2[-2], r2[-1]
        stride = 2 * nh

        c = lax.axis_index("c")
        s = lax.axis_index("s")
        w = c * NS + s
        zero16 = jnp.zeros((16,), jnp.float32)

        pltpu.sync_copy(src_hbm.at[w], src_v)
        pltpu.sync_copy(dst_hbm.at[w], dst_v)

        @pl.loop(0, KB)
        def _zr(r):
            for cc in range(8):
                rows_v[r, pl.ds(cc * 16, 16)] = zero16

        @pl.loop(0, RPT // 16)
        def _zd(i):
            den_b[pl.ds(i * 16, 16)] = zero16

        base = s * RPT
        for i in range(RPT // KB):
            pltpu.sync_copy(rows_v, acc_s.at[pl.ds(base + i * KB, KB)])
        for hd in range(nh):
            pltpu.sync_copy(den_b, den_sh[hd].at[pl.ds(base, RPT)])
        plsc.subcore_barrier()

        @pl.loop(0, nb)
        def _batch(b):
            for i in range(KB // 16):
                sv = src_v[b, pl.ds(i * 16, 16)] * stride
                dv = dst_v[b, pl.ds(i * 16, 16)] * stride
                for hd in range(nh):
                    gidx[2 * hd][pl.ds(i * 16, 16)] = sv + (2 * hd)
                    gidx[2 * hd + 1][pl.ds(i * 16, 16)] = dv + (2 * hd + 1)
            rcp = pltpu.async_copy(h_hbm.at[src_v.at[b]], rows_v, sem2)
            cps = [pltpu.async_copy(sc_hbm.at[gidx[k]], sbufs[k], sem)
                   for k in range(2 * nh)]
            for cp in cps:
                cp.wait()
            for i in range(KB // 16):
                sl = pl.ds(i * 16, 16)
                for hd in range(nh):
                    e = sbufs[2 * hd][sl] + sbufs[2 * hd + 1][sl]
                    e = jnp.where(e > 0, e, 0.2 * e)
                    ex_bufs[hd][sl] = jnp.exp(e)
            for hd in range(nh):
                pltpu.sync_copy(ex_bufs[hd], den_sh[hd].at[dst_v.at[b]],
                                add=True)

            rcp.wait()

            @pl.loop(0, KB, unroll=4)
            def _scale(j):
                jv = jnp.zeros((16,), jnp.int32) + j
                for hd in range(nh):
                    exj = plsc.load_gather(ex_bufs[hd], [jv])
                    for cc in range(hd * CH, (hd + 1) * CH):
                        rows_v[j, pl.ds(cc * 16, 16)] = (
                            rows_v[j, pl.ds(cc * 16, 16)] * exj)

            pltpu.sync_copy(rows_v, acc_s.at[dst_v.at[b]], add=True)

        plsc.subcore_barrier()

        for i in range(RPT // KB):
            pltpu.sync_copy(acc_s.at[pl.ds(base + i * KB, KB)], rows_v)
            pltpu.sync_copy(rows_v, rows_out.at[c, pl.ds(base + i * KB, KB)])
        for hd in range(nh):
            pltpu.sync_copy(den_sh[hd].at[pl.ds(base, RPT)], den_b)
            pltpu.sync_copy(den_b, den_outs[hd].at[c, pl.ds(base, RPT)])

    return gat


def _proj1_body(x_ref, w1_ref, wm1_ref, a1_ref, h_ref, xw_ref, sc_ref):
    xb = x_ref[...]
    h = jnp.dot(xb, w1_ref[...], preferred_element_type=jnp.float32)
    h_ref[...] = h
    xw_ref[...] = jnp.dot(xb, wm1_ref[...], preferred_element_type=jnp.float32)
    sc_ref[...] = jnp.dot(h, a1_ref[...], preferred_element_type=jnp.float32)


def _gcn1_body(adj_ref, xw_ref, wm23_ref, bm1_ref, xlm_ref, t23_ref):
    acc = jnp.dot(adj_ref[...], xw_ref[...], preferred_element_type=jnp.float32)
    xlm = jnp.maximum(acc + bm1_ref[...], 0.0)
    xlm_ref[...] = xlm
    t23_ref[...] = jnp.dot(xlm, wm23_ref[...],
                           preferred_element_type=jnp.float32)


def _gcn2_body(adj_ref, t23_ref, bm2_ref, bm3_ref, mu_ref, lv_ref):
    acc = jnp.dot(adj_ref[...], t23_ref[...], preferred_element_type=jnp.float32)
    mu_ref[...] = acc[:, :H2] + bm2_ref[...]
    lv_ref[...] = acc[:, H2:] + bm3_ref[...]


def _fin1_body(rp_ref, dp_ref, b1_ref, w23_ref, a23_ref,
               xl_ref, h23_ref, sc_ref):
    rp = rp_ref[...]
    dp = dp_ref[...]
    den = dp[0, 0] + dp[0, 1]
    xl = jnp.maximum((rp[0] + rp[1]) / (den[:, None] + 1e-16) + b1_ref[...],
                     0.0)
    xl_ref[...] = xl
    h23 = jnp.dot(xl, w23_ref[...], preferred_element_type=jnp.float32)
    h23_ref[...] = h23
    sc_ref[...] = jnp.dot(h23, a23_ref[...], preferred_element_type=jnp.float32)


def _fin23_body(rp_ref, dA_ref, dB_ref, b2_ref, b3_ref, mu_ref, lv_ref):
    rp = rp_ref[...]
    r = rp[0] + rp[1]
    dA = dA_ref[...]
    dB = dB_ref[...]
    denA = dA[0, 0] + dA[0, 1]
    denB = dB[0, 0] + dB[0, 1]
    mu_ref[...] = r[:, :H2] / (denA[:, None] + 1e-16) + b2_ref[...]
    lv_ref[...] = r[:, H2:] / (denB[:, None] + 1e-16) + b3_ref[...]


def _full(shape):
    return pl.BlockSpec(shape, lambda i: tuple(0 for _ in shape))


def kernel(x, edge_index, adj, W1, a1s, a1d, b1, W2, a2s, a2d, b2,
           W3, a3s, a3d, b3, Wm1, bm1, Wm2, bm2, Wm3, bm3):
    n = x.shape[0]
    d_in = x.shape[1]
    h1d = W1.shape[1]
    e = edge_index.shape[1]
    f32 = jnp.float32

    loops = jnp.arange(n, dtype=edge_index.dtype)
    src = jnp.concatenate([edge_index[0], loops])
    dst = jnp.concatenate([edge_index[1], loops])
    ne = e + n
    nb = -(-ne // (NW * KB))
    pad = NW * nb * KB - ne
    src = jnp.concatenate([src, jnp.zeros((pad,), src.dtype)])
    dst = jnp.concatenate([dst, jnp.full((pad,), n, dst.dtype)])
    src = src.reshape(NW, nb, KB)
    dst = dst.reshape(NW, nb, KB)

    A1 = jnp.stack([a1s, a1d], axis=1)
    z = jnp.zeros_like(a2s)
    A23 = jnp.stack([jnp.concatenate([a2s, z]),
                     jnp.concatenate([a2d, z]),
                     jnp.concatenate([z, a3s]),
                     jnp.concatenate([z, a3d])], axis=1)
    W23 = jnp.concatenate([W2, W3], axis=1)
    Wm23 = jnp.concatenate([Wm2, Wm3], axis=1)
    b1r = b1.reshape(1, h1d)
    bm1r = bm1.reshape(1, h1d)
    b2r = b2.reshape(1, H2)
    b3r = b3.reshape(1, H2)
    bm2r = bm2.reshape(1, H2)
    bm3r = bm3.reshape(1, H2)

    BN = 1000
    gn = n // BN
    BR = 200
    gr = n // BR

    h1, xw, sc1 = pl.pallas_call(
        _proj1_body,
        grid=(gn,),
        in_specs=[pl.BlockSpec((BN, d_in), lambda i: (i, 0)),
                  _full((d_in, h1d)), _full((d_in, h1d)), _full((d_in, 2))],
        out_specs=[pl.BlockSpec((BN, h1d), lambda i: (i, 0)),
                   pl.BlockSpec((BN, h1d), lambda i: (i, 0)),
                   pl.BlockSpec((BN, 2), lambda i: (i, 0))],
        out_shape=[jax.ShapeDtypeStruct((n, h1d), f32),
                   jax.ShapeDtypeStruct((n, h1d), f32),
                   jax.ShapeDtypeStruct((n, 2), f32)],
    )(x, W1, Wm1, A1)

    sc1p = jnp.pad(sc1, ((0, NSEG_PAD - n), (0, 0))).reshape(-1)
    rows1, den1 = _make_gat_sc(1, n, nb)(h1, src, dst, sc1p)

    xlm, t23 = pl.pallas_call(
        _gcn1_body,
        grid=(gr,),
        in_specs=[pl.BlockSpec((BR, n), lambda i: (i, 0)),
                  _full((n, h1d)), _full((h1d, h1d)), _full((1, h1d))],
        out_specs=[pl.BlockSpec((BR, h1d), lambda i: (i, 0)),
                   pl.BlockSpec((BR, h1d), lambda i: (i, 0))],
        out_shape=[jax.ShapeDtypeStruct((n, h1d), f32),
                   jax.ShapeDtypeStruct((n, h1d), f32)],
    )(adj, xw, Wm23, bm1r)

    den1r = den1[:, :n].reshape(NC, gn, BN).transpose(1, 0, 2)
    xl, h23, sc23 = pl.pallas_call(
        _fin1_body,
        grid=(gn,),
        in_specs=[pl.BlockSpec((NC, BN, h1d), lambda i: (0, i, 0)),
                  pl.BlockSpec((1, NC, BN), lambda i: (i, 0, 0)),
                  _full((1, h1d)), _full((h1d, h1d)), _full((h1d, 4))],
        out_specs=[pl.BlockSpec((BN, h1d), lambda i: (i, 0)),
                   pl.BlockSpec((BN, h1d), lambda i: (i, 0)),
                   pl.BlockSpec((BN, 4), lambda i: (i, 0))],
        out_shape=[jax.ShapeDtypeStruct((n, h1d), f32),
                   jax.ShapeDtypeStruct((n, h1d), f32),
                   jax.ShapeDtypeStruct((n, 4), f32)],
    )(rows1, den1r, b1r, W23, A23)

    sc23p = jnp.pad(sc23, ((0, NSEG_PAD - n), (0, 0))).reshape(-1)
    rows23, den2p, den3p = _make_gat_sc(2, n, nb)(h23, src, dst, sc23p)

    mu_m, logvar_m = pl.pallas_call(
        _gcn2_body,
        grid=(gr,),
        in_specs=[pl.BlockSpec((BR, n), lambda i: (i, 0)),
                  _full((n, h1d)), _full((1, H2)), _full((1, H2))],
        out_specs=[pl.BlockSpec((BR, H2), lambda i: (i, 0)),
                   pl.BlockSpec((BR, H2), lambda i: (i, 0))],
        out_shape=[jax.ShapeDtypeStruct((n, H2), f32),
                   jax.ShapeDtypeStruct((n, H2), f32)],
    )(adj, t23, bm2r, bm3r)

    den2r = den2p[:, :n].reshape(NC, gn, BN).transpose(1, 0, 2)
    den3r = den3p[:, :n].reshape(NC, gn, BN).transpose(1, 0, 2)
    mu, logvar = pl.pallas_call(
        _fin23_body,
        grid=(gn,),
        in_specs=[pl.BlockSpec((NC, BN, h1d), lambda i: (0, i, 0)),
                  pl.BlockSpec((1, NC, BN), lambda i: (i, 0, 0)),
                  pl.BlockSpec((1, NC, BN), lambda i: (i, 0, 0)),
                  _full((1, H2)), _full((1, H2))],
        out_specs=[pl.BlockSpec((BN, H2), lambda i: (i, 0)),
                   pl.BlockSpec((BN, H2), lambda i: (i, 0))],
        out_shape=[jax.ShapeDtypeStruct((n, H2), f32),
                   jax.ShapeDtypeStruct((n, H2), f32)],
    )(rows23, den2r, den3r, b2r, b3r)

    return (xl, mu, mu, logvar, xlm, mu_m, mu_m, logvar_m)

# --- scband reference (transcript-rebuilt; emitter-appended) ---
"""Pipeline reference for scband-encoder-p-90555090469564 (READ-ONLY COPY).

The authoritative reference and input builder live on the scoring server;
editing this copy changes nothing except your own understanding.
"""

import jax, jax.numpy as jnp
import numpy as np

N = 10000
E = 320000
D_IN, H1, H2 = 128, 128, 64


def _gat(x, ei, W, a_s, a_d, b, n):
    h = x @ W
    src, dst = ei[0], ei[1]
    e = (h * a_s).sum(-1)[src] + (h * a_d).sum(-1)[dst]
    e = jnp.where(e > 0, e, 0.2 * e)  # leaky_relu(0.2)
    m = jax.ops.segment_max(e, dst, num_segments=n)
    m = jnp.where(jnp.isfinite(m), m, 0.0)
    ex = jnp.exp(e - m[dst])
    den = jax.ops.segment_sum(ex, dst, num_segments=n)
    alpha = ex / (den[dst] + 1e-16)
    out = jax.ops.segment_sum(alpha[:, None] * h[src], dst, num_segments=n)
    return out + b


def setup_inputs(seed: int = 0) -> dict:
    key = jax.random.key(seed)
    ks = jax.random.split(key, 24)
    x = jax.random.normal(ks[0], (N, D_IN), dtype=jnp.float32)
    edge_index = jax.random.randint(ks[1], (2, E), 0, N, dtype=jnp.int32)
    adj = jax.random.uniform(ks[2], (N, N), dtype=jnp.float32)
    s1 = 1.0 / np.sqrt(D_IN)
    s2 = 1.0 / np.sqrt(H1)
    inp = {
        'x': x, 'edge_index': edge_index, 'adj': adj,
        'W1': jax.random.normal(ks[3], (D_IN, H1), dtype=jnp.float32) * s1,
        'a1s': jax.random.normal(ks[4], (H1,), dtype=jnp.float32) * s2,
        'a1d': jax.random.normal(ks[5], (H1,), dtype=jnp.float32) * s2,
        'b1': jnp.zeros((H1,), dtype=jnp.float32),
        'W2': jax.random.normal(ks[6], (H1, H2), dtype=jnp.float32) * s2,
        'a2s': jax.random.normal(ks[7], (H2,), dtype=jnp.float32) / np.sqrt(H2),
        'a2d': jax.random.normal(ks[8], (H2,), dtype=jnp.float32) / np.sqrt(H2),
        'b2': jnp.zeros((H2,), dtype=jnp.float32),
        'W3': jax.random.normal(ks[9], (H1, H2), dtype=jnp.float32) * s2,
        'a3s': jax.random.normal(ks[10], (H2,), dtype=jnp.float32) / np.sqrt(H2),
        'a3d': jax.random.normal(ks[11], (H2,), dtype=jnp.float32) / np.sqrt(H2),
        'b3': jnp.zeros((H2,), dtype=jnp.float32),
        'Wm1': jax.random.uniform(ks[12], (D_IN, H1), dtype=jnp.float32, minval=-s2, maxval=s2),
        'bm1': jax.random.uniform(ks[13], (H1,), dtype=jnp.float32, minval=-s2, maxval=s2),
        'Wm2': jax.random.uniform(ks[14], (H1, H2), dtype=jnp.float32, minval=-1.0/np.sqrt(H2), maxval=1.0/np.sqrt(H2)),
        'bm2': jax.random.uniform(ks[15], (H2,), dtype=jnp.float32, minval=-1.0/np.sqrt(H2), maxval=1.0/np.sqrt(H2)),
        'Wm3': jax.random.uniform(ks[16], (H1, H2), dtype=jnp.float32, minval=-1.0/np.sqrt(H2), maxval=1.0/np.sqrt(H2)),
        'bm3': jax.random.uniform(ks[17], (H2,), dtype=jnp.float32, minval=-1.0/np.sqrt(H2), maxval=1.0/np.sqrt(H2)),
    }
    return inp


def reference(x, edge_index, adj, W1, a1s, a1d, b1, W2, a2s, a2d, b2, W3, a3s, a3d, b3, Wm1, bm1, Wm2, bm2, Wm3, bm3):
    n = x.shape[0]
    loops = jnp.arange(n, dtype=edge_index.dtype)
    ei = jnp.concatenate([edge_index, jnp.stack([loops, loops])], axis=1)
    # GAT branch (eval mode: dropout off, reparameterize -> mu)
    x_l = jax.nn.relu(_gat(x, ei, W1, a1s, a1d, b1, n))
    mu = _gat(x_l, ei, W2, a2s, a2d, b2, n)
    logvar = _gat(x_l, ei, W3, a3s, a3d, b3, n)
    x_h = mu
    # GCN branch with dense adj (torch.spmm equivalent)
    x_l_m = jax.nn.relu(adj @ (x @ Wm1) + bm1)
    mu_m = adj @ (x_l_m @ Wm2) + bm2
    logvar_m = adj @ (x_l_m @ Wm3) + bm3
    x_h_m = mu_m
    return (x_l, x_h, mu, logvar, x_l_m, x_h_m, mu_m, logvar_m)

if __name__ == "__main__":
    import jax
    _d = setup_inputs()
    print(jax.jit(kernel)(*tuple(_d.values())))

</pallas_src>

<mosaic_0001>
#map = affine_map<(d0, d1) -> (0, 0)>
#map1 = affine_map<(d0, d1) -> (0, 0, 0)>
#map2 = affine_map<(d0, d1) -> (0)>
module attributes {stable_mosaic.version = 14 : i64} {
  func.func @gat(%arg0: i32, %arg1: i32, %arg2: memref<10000x128xf32, #tpu.memory_space<hbm>>, %arg3: memref<32x81x128xi32, #tpu.memory_space<hbm>>, %arg4: memref<32x81x128xi32, #tpu.memory_space<hbm>>, %arg5: memref<40960xf32, #tpu.memory_space<hbm>>, %arg6: memref<2x10240x128xf32, #tpu.memory_space<hbm>>, %arg7: memref<2x10240xf32, #tpu.memory_space<hbm>>, %arg8: memref<2x10240xf32, #tpu.memory_space<hbm>>, %arg9: memref<81x128xi32, #tpu.memory_space<vmem>>, %arg10: memref<81x128xi32, #tpu.memory_space<vmem>>, %arg11: memref<128xi32, #tpu.memory_space<vmem>>, %arg12: memref<128xi32, #tpu.memory_space<vmem>>, %arg13: memref<128xi32, #tpu.memory_space<vmem>>, %arg14: memref<128xi32, #tpu.memory_space<vmem>>, %arg15: memref<128xf32, #tpu.memory_space<vmem>>, %arg16: memref<128xf32, #tpu.memory_space<vmem>>, %arg17: memref<128xf32, #tpu.memory_space<vmem>>, %arg18: memref<128xf32, #tpu.memory_space<vmem>>, %arg19: memref<128xf32, #tpu.memory_space<vmem>>, %arg20: memref<128xf32, #tpu.memory_space<vmem>>, %arg21: memref<128x128xf32, #tpu.memory_space<vmem>>, %arg22: memref<640xf32, #tpu.memory_space<vmem>>, %arg23: memref<10240x128xf32, #tpu.memory_space<vmem_shared>>, %arg24: memref<10240xf32, #tpu.memory_space<vmem_shared>>, %arg25: memref<10240xf32, #tpu.memory_space<vmem_shared>>, %arg26: memref<!tpu.dma_semaphore, #tpu.memory_space<semaphore_mem>>, %arg27: memref<!tpu.dma_semaphore, #tpu.memory_space<semaphore_mem>>) attributes {dimension_semantics = [#tpu.dimension_semantics<core_parallel>, #tpu.dimension_semantics<subcore_parallel>], iteration_bounds = array<i64: 2, 16>, scalar_prefetch = 0 : i64, scratch_operands = 19 : i64, tpu.core_type = #tpu.core_type<sc_vector_subcore>, window_params = [{transform_indices = #map}, {transform_indices = #map1}, {transform_indices = #map1}, {transform_indices = #map2}, {transform_indices = #map1}, {transform_indices = #map}, {transform_indices = #map}]} {
    %mul3A = arith.constant 16 : i32
    %mul3A_0 = arith.muli %arg0, %mul3A : i32
    %add3A = arith.addi %mul3A_0, %arg1 : i32
    %broadcast_in_dim3A = arith.constant 0.000000e+00 : f32
    %broadcast_in_dim3A_1 = vector.broadcast %broadcast_in_dim3A : f32 to vector<16xf32>
    "tpu.region"() ({
      %run_scoped3A = tpu.sem_alloc : memref<!tpu.dma_semaphore, #tpu.memory_space<semaphore_mem>>
      %dma_start3A = arith.constant 0 : i32
      %dma_start3A_49 = arith.constant 0 : i32
      %dma_start3A_50 = tpu.memref_slice %arg3[%add3A, %dma_start3A, %dma_start3A_49] : memref<32x81x128xi32, #tpu.memory_space<hbm>> -> memref<1x81x128xi32, #tpu.memory_space<hbm>>
      %dma_start3A_51 = tpu.memref_squeeze %dma_start3A_50 : memref<1x81x128xi32, #tpu.memory_space<hbm>> -> memref<81x128xi32, #tpu.memory_space<hbm>>
      %dma_start3A_52 = arith.constant 0 : i32
      %dma_start3A_53 = arith.constant 0 : i32
      %dma_start3A_54 = tpu.memref_slice %arg3[%add3A, %dma_start3A_52, %dma_start3A_53] : memref<32x81x128xi32, #tpu.memory_space<hbm>> -> memref<1x81x128xi32, #tpu.memory_space<hbm>>
      %dma_start3A_55 = tpu.memref_squeeze %dma_start3A_54 : memref<1x81x128xi32, #tpu.memory_space<hbm>> -> memref<81x128xi32, #tpu.memory_space<hbm>>
      tpu.enqueue_dma source(%dma_start3A_55 : memref<81x128xi32, #tpu.memory_space<hbm>>) target(%arg9 : memref<81x128xi32, #tpu.memory_space<vmem>>) target_semaphore(%run_scoped3A : memref<!tpu.dma_semaphore, #tpu.memory_space<semaphore_mem>>)
      %dma_wait3A = arith.constant 0 : i32
      %dma_wait3A_56 = arith.constant 0 : i32
      %dma_wait3A_57 = tpu.memref_slice %arg3[%add3A, %dma_wait3A, %dma_wait3A_56] : memref<32x81x128xi32, #tpu.memory_space<hbm>> -> memref<1x81x128xi32, #tpu.memory_space<hbm>>
      %dma_wait3A_58 = tpu.memref_squeeze %dma_wait3A_57 : memref<1x81x128xi32, #tpu.memory_space<hbm>> -> memref<81x128xi32, #tpu.memory_space<hbm>>
      %dma_wait3A_59 = arith.constant 0 : i32
      %dma_wait3A_60 = arith.constant 0 : i32
      %dma_wait3A_61 = tpu.memref_slice %arg3[%add3A, %dma_wait3A_59, %dma_wait3A_60] : memref<32x81x128xi32, #tpu.memory_space<hbm>> -> memref<1x81x128xi32, #tpu.memory_space<hbm>>
      %dma_wait3A_62 = tpu.memref_squeeze %dma_wait3A_61 : memref<1x81x128xi32, #tpu.memory_space<hbm>> -> memref<81x128xi32, #tpu.memory_space<hbm>>
      tpu.wait_dma2 semaphore(%run_scoped3A : memref<!tpu.dma_semaphore, #tpu.memory_space<semaphore_mem>>) src(%dma_wait3A_62 : memref<81x128xi32, #tpu.memory_space<hbm>>) dst(%arg9 : memref<81x128xi32, #tpu.memory_space<vmem>>)
      tpu.yield
    }) : () -> ()
    "tpu.region"() ({
      %run_scoped3A = tpu.sem_alloc : memref<!tpu.dma_semaphore, #tpu.memory_space<semaphore_mem>>
      %dma_start3A = arith.constant 0 : i32
      %dma_start3A_49 = arith.constant 0 : i32
      %dma_start3A_50 = tpu.memref_slice %arg4[%add3A, %dma_start3A, %dma_start3A_49] : memref<32x81x128xi32, #tpu.memory_space<hbm>> -> memref<1x81x128xi32, #tpu.memory_space<hbm>>
      %dma_start3A_51 = tpu.memref_squeeze %dma_start3A_50 : memref<1x81x128xi32, #tpu.memory_space<hbm>> -> memref<81x128xi32, #tpu.memory_space<hbm>>
      %dma_start3A_52 = arith.constant 0 : i32
      %dma_start3A_53 = arith.constant 0 : i32
      %dma_start3A_54 = tpu.memref_slice %arg4[%add3A, %dma_start3A_52, %dma_start3A_53] : memref<32x81x128xi32, #tpu.memory_space<hbm>> -> memref<1x81x128xi32, #tpu.memory_space<hbm>>
      %dma_start3A_55 = tpu.memref_squeeze %dma_start3A_54 : memref<1x81x128xi32, #tpu.memory_space<hbm>> -> memref<81x128xi32, #tpu.memory_space<hbm>>
      tpu.enqueue_dma source(%dma_start3A_55 : memref<81x128xi32, #tpu.memory_space<hbm>>) target(%arg10 : memref<81x128xi32, #tpu.memory_space<vmem>>) target_semaphore(%run_scoped3A : memref<!tpu.dma_semaphore, #tpu.memory_space<semaphore_mem>>)
      %dma_wait3A = arith.constant 0 : i32
      %dma_wait3A_56 = arith.constant 0 : i32
      %dma_wait3A_57 = tpu.memref_slice %arg4[%add3A, %dma_wait3A, %dma_wait3A_56] : memref<32x81x128xi32, #tpu.memory_space<hbm>> -> memref<1x81x128xi32, #tpu.memory_space<hbm>>
      %dma_wait3A_58 = tpu.memref_squeeze %dma_wait3A_57 : memref<1x81x128xi32, #tpu.memory_space<hbm>> -> memref<81x128xi32, #tpu.memory_space<hbm>>
      %dma_wait3A_59 = arith.constant 0 : i32
      %dma_wait3A_60 = arith.constant 0 : i32
      %dma_wait3A_61 = tpu.memref_slice %arg4[%add3A, %dma_wait3A_59, %dma_wait3A_60] : memref<32x81x128xi32, #tpu.memory_space<hbm>> -> memref<1x81x128xi32, #tpu.memory_space<hbm>>
      %dma_wait3A_62 = tpu.memref_squeeze %dma_wait3A_61 : memref<1x81x128xi32, #tpu.memory_space<hbm>> -> memref<81x128xi32, #tpu.memory_space<hbm>>
      tpu.wait_dma2 semaphore(%run_scoped3A : memref<!tpu.dma_semaphore, #tpu.memory_space<semaphore_mem>>) src(%dma_wait3A_62 : memref<81x128xi32, #tpu.memory_space<hbm>>) dst(%arg10 : memref<81x128xi32, #tpu.memory_space<vmem>>)
      tpu.yield
    }) : () -> ()
    %scan3A = arith.constant 0 : i32
    %scan3A_2 = arith.constant 128 : i32
    %scan3A_3 = arith.addi %scan3A, %scan3A_2 : i32
    %scan3A_4 = arith.constant 1 : i32
    scf.for %scan3A_49 = %scan3A to %scan3A_3 step %scan3A_4  : i32 {
      %mul3A_50 = arith.constant 1 : i32
      %mul3A_51 = arith.muli %scan3A_49, %mul3A_50 : i32
      %add3A_52 = arith.constant 0 : i32
      %add3A_53 = arith.addi %add3A_52, %mul3A_51 : i32
      %swap3A = arith.index_cast %add3A_53 : i32 to index
      %swap3A_54 = arith.constant 0 : index
      %swap3A_55 = tpu.vector_load %arg21[%swap3A, %swap3A_54] {strides = array<i32>} : memref<128x128xf32, #tpu.memory_space<vmem>>, vector<16xf32>,
      tpu.vector_store %arg21[%swap3A, %swap3A_54], %broadcast_in_dim3A_1 {strides = array<i32>} : memref<128x128xf32, #tpu.memory_space<vmem>>, vector<16xf32>,
      %swap3A_56 = arith.index_cast %add3A_53 : i32 to index
      %swap3A_57 = arith.constant 16 : index
      %swap3A_58 = tpu.vector_load %arg21[%swap3A_56, %swap3A_57] {strides = array<i32>} : memref<128x128xf32, #tpu.memory_space<vmem>>, vector<16xf32>,
      tpu.vector_store %arg21[%swap3A_56, %swap3A_57], %broadcast_in_dim3A_1 {strides = array<i32>} : memref<128x128xf32, #tpu.memory_space<vmem>>, vector<16xf32>,
      %swap3A_59 = arith.index_cast %add3A_53 : i32 to index
      %swap3A_60 = arith.constant 32 : index
      %swap3A_61 = tpu.vector_load %arg21[%swap3A_59, %swap3A_60] {strides = array<i32>} : memref<128x128xf32, #tpu.memory_space<vmem>>, vector<16xf32>,
      tpu.vector_store %arg21[%swap3A_59, %swap3A_60], %broadcast_in_dim3A_1 {strides = array<i32>} : memref<128x128xf32, #tpu.memory_space<vmem>>, vector<16xf32>,
      %swap3A_62 = arith.index_cast %add3A_53 : i32 to index
      %swap3A_63 = arith.constant 48 : index
      %swap3A_64 = tpu.vector_load %arg21[%swap3A_62, %swap3A_63] {strides = array<i32>} : memref<128x128xf32, #tpu.memory_space<vmem>>, vector<16xf32>,
      tpu.vector_store %arg21[%swap3A_62, %swap3A_63], %broadcast_in_dim3A_1 {strides = array<i32>} : memref<128x128xf32, #tpu.memory_space<vmem>>, vector<16xf32>,
      %swap3A_65 = arith.index_cast %add3A_53 : i32 to index
      %swap3A_66 = arith.constant 64 : index
      %swap3A_67 = tpu.vector_load %arg21[%swap3A_65, %swap3A_66] {strides = array<i32>} : memref<128x128xf32, #tpu.memory_space<vmem>>, vector<16xf32>,
      tpu.vector_store %arg21[%swap3A_65, %swap3A_66], %broadcast_in_dim3A_1 {strides = array<i32>} : memref<128x128xf32, #tpu.memory_space<vmem>>, vector<16xf32>,
      %swap3A_68 = arith.index_cast %add3A_53 : i32 to index
      %swap3A_69 = arith.constant 80 : index
      %swap3A_70 = tpu.vector_load %arg21[%swap3A_68, %swap3A_69] {strides = array<i32>} : memref<128x128xf32, #tpu.memory_space<vmem>>, vector<16xf32>,
      tpu.vector_store %arg21[%swap3A_68, %swap3A_69], %broadcast_in_dim3A_1 {strides = array<i32>} : memref<128x128xf32, #tpu.memory_space<vmem>>, vector<16xf32>,
      %swap3A_71 = arith.index_cast %add3A_53 : i32 to index
      %swap3A_72 = arith.constant 96 : index
      %swap3A_73 = tpu.vector_load %arg21[%swap3A_71, %swap3A_72] {strides = array<i32>} : memref<128x128xf32, #tpu.memory_space<vmem>>, vector<16xf32>,
      tpu.vector_store %arg21[%swap3A_71, %swap3A_72], %broadcast_in_dim3A_1 {strides = array<i32>} : memref<128x128xf32, #tpu.memory_space<vmem>>, vector<16xf32>,
      %swap3A_74 = arith.index_cast %add3A_53 : i32 to index
      %swap3A_75 = arith.constant 112 : index
      %swap3A_76 = tpu.vector_load %arg21[%swap3A_74, %swap3A_75] {strides = array<i32>} : memref<128x128xf32, #tpu.memory_space<vmem>>, vector<16xf32>,
      tpu.vector_store %arg21[%swap3A_74, %swap3A_75], %broadcast_in_dim3A_1 {strides = array<i32>} : memref<128x128xf32, #tpu.memory_space<vmem>>, vector<16xf32>,
    }
    %scan3A_5 = arith.constant 128 : i32
    %scan3A_6 = arith.constant 0 : i32
    %scan3A_7 = arith.constant 40 : i32
    %scan3A_8 = arith.addi %scan3A_6, %scan3A_7 : i32
    %scan3A_9 = arith.constant 1 : i32
    scf.for %scan3A_49 = %scan3A_6 to %scan3A_8 step %scan3A_9  : i32 {
      %mul3A_50 = arith.constant 1 : i32
      %mul3A_51 = arith.muli %scan3A_49, %mul3A_50 : i32
      %add3A_52 = arith.constant 0 : i32
      %add3A_53 = arith.addi %add3A_52, %mul3A_51 : i32
      %mul3A_54 = arith.constant 16 : i32
      %mul3A_55 = arith.muli %add3A_53, %mul3A_54 : i32
      %swap3A = arith.index_cast %mul3A_55 : i32 to index
      %swap3A_56 = tpu.vector_load %arg22[%swap3A] {strides = array<i32>} : memref<640xf32, #tpu.memory_space<vmem>>, vector<16xf32>,
      tpu.vector_store %arg22[%swap3A], %broadcast_in_dim3A_1 {strides = array<i32>} : memref<640xf32, #tpu.memory_space<vmem>>, vector<16xf32>,
    }
    %scan3A_10 = arith.constant 40 : i32
    %mul3A_11 = arith.constant 640 : i32
    %mul3A_12 = arith.muli %arg1, %mul3A_11 : i32
    %add3A_13 = arith.constant 0 : i32
    %add3A_14 = arith.addi %mul3A_12, %add3A_13 : i32
    "tpu.region"() ({
      %run_scoped3A = tpu.sem_alloc : memref<!tpu.dma_semaphore, #tpu.memory_space<semaphore_mem>>
      %dma_start3A = arith.constant 0 : i32
      %dma_start3A_49 = tpu.memref_slice %arg23[%add3A_14, %dma_start3A] : memref<10240x128xf32, #tpu.memory_space<vmem_shared>> -> memref<128x128xf32, #tpu.memory_space<vmem_shared>>
      %dma_start3A_50 = arith.constant 0 : i32
      %dma_start3A_51 = tpu.memref_slice %arg23[%add3A_14, %dma_start3A_50] : memref<10240x128xf32, #tpu.memory_space<vmem_shared>> -> memref<128x128xf32, #tpu.memory_space<vmem_shared>>
      tpu.enqueue_dma source(%arg21 : memref<128x128xf32, #tpu.memory_space<vmem>>) target(%dma_start3A_51 : memref<128x128xf32, #tpu.memory_space<vmem_shared>>) target_semaphore(%run_scoped3A : memref<!tpu.dma_semaphore, #tpu.memory_space<semaphore_mem>>)
      %dma_wait3A = arith.constant 0 : i32
      %dma_wait3A_52 = tpu.memref_slice %arg23[%add3A_14, %dma_wait3A] : memref<10240x128xf32, #tpu.memory_space<vmem_shared>> -> memref<128x128xf32, #tpu.memory_space<vmem_shared>>
      %dma_wait3A_53 = arith.constant 0 : i32
      %dma_wait3A_54 = tpu.memref_slice %arg23[%add3A_14, %dma_wait3A_53] : memref<10240x128xf32, #tpu.memory_space<vmem_shared>> -> memref<128x128xf32, #tpu.memory_space<vmem_shared>>
      tpu.wait_dma2 semaphore(%run_scoped3A : memref<!tpu.dma_semaphore, #tpu.memory_space<semaphore_mem>>) src(%arg21 : memref<128x128xf32, #tpu.memory_space<vmem>>) dst(%dma_wait3A_54 : memref<128x128xf32, #tpu.memory_space<vmem_shared>>)
      tpu.yield
    }) : () -> ()
    %add3A_15 = arith.constant 128 : i32
    %add3A_16 = arith.addi %mul3A_12, %add3A_15 : i32
    "tpu.region"() ({
      %run_scoped3A = tpu.sem_alloc : memref<!tpu.dma_semaphore, #tpu.memory_space<semaphore_mem>>
      %dma_start3A = arith.constant 0 : i32
      %dma_start3A_49 = tpu.memref_slice %arg23[%add3A_16, %dma_start3A] : memref<10240x128xf32, #tpu.memory_space<vmem_shared>> -> memref<128x128xf32, #tpu.memory_space<vmem_shared>>
      %dma_start3A_50 = arith.constant 0 : i32
      %dma_start3A_51 = tpu.memref_slice %arg23[%add3A_16, %dma_start3A_50] : memref<10240x128xf32, #tpu.memory_space<vmem_shared>> -> memref<128x128xf32, #tpu.memory_space<vmem_shared>>
      tpu.enqueue_dma source(%arg21 : memref<128x128xf32, #tpu.memory_space<vmem>>) target(%dma_start3A_51 : memref<128x128xf32, #tpu.memory_space<vmem_shared>>) target_semaphore(%run_scoped3A : memref<!tpu.dma_semaphore, #tpu.memory_space<semaphore_mem>>)
      %dma_wait3A = arith.constant 0 : i32
      %dma_wait3A_52 = tpu.memref_slice %arg23[%add3A_16, %dma_wait3A] : memref<10240x128xf32, #tpu.memory_space<vmem_shared>> -> memref<128x128xf32, #tpu.memory_space<vmem_shared>>
      %dma_wait3A_53 = arith.constant 0 : i32
      %dma_wait3A_54 = tpu.memref_slice %arg23[%add3A_16, %dma_wait3A_53] : memref<10240x128xf32, #tpu.memory_space<vmem_shared>> -> memref<128x128xf32, #tpu.memory_space<vmem_shared>>
      tpu.wait_dma2 semaphore(%run_scoped3A : memref<!tpu.dma_semaphore, #tpu.memory_space<semaphore_mem>>) src(%arg21 : memref<128x128xf32, #tpu.memory_space<vmem>>) dst(%dma_wait3A_54 : memref<128x128xf32, #tpu.memory_space<vmem_shared>>)
      tpu.yield
    }) : () -> ()
    %add3A_17 = arith.constant 256 : i32
    %add3A_18 = arith.addi %mul3A_12, %add3A_17 : i32
    "tpu.region"() ({
      %run_scoped3A = tpu.sem_alloc : memref<!tpu.dma_semaphore, #tpu.memory_space<semaphore_mem>>
      %dma_start3A = arith.constant 0 : i32
      %dma_start3A_49 = tpu.memref_slice %arg23[%add3A_18, %dma_start3A] : memref<10240x128xf32, #tpu.memory_space<vmem_shared>> -> memref<128x128xf32, #tpu.memory_space<vmem_shared>>
      %dma_start3A_50 = arith.constant 0 : i32
      %dma_start3A_51 = tpu.memref_slice %arg23[%add3A_18, %dma_start3A_50] : memref<10240x128xf32, #tpu.memory_space<vmem_shared>> -> memref<128x128xf32, #tpu.memory_space<vmem_shared>>
      tpu.enqueue_dma source(%arg21 : memref<128x128xf32, #tpu.memory_space<vmem>>) target(%dma_start3A_51 : memref<128x128xf32, #tpu.memory_space<vmem_shared>>) target_semaphore(%run_scoped3A : memref<!tpu.dma_semaphore, #tpu.memory_space<semaphore_mem>>)
      %dma_wait3A = arith.constant 0 : i32
      %dma_wait3A_52 = tpu.memref_slice %arg23[%add3A_18, %dma_wait3A] : memref<10240x128xf32, #tpu.memory_space<vmem_shared>> -> memref<128x128xf32, #tpu.memory_space<vmem_shared>>
      %dma_wait3A_53 = arith.constant 0 : i32
      %dma_wait3A_54 = tpu.memref_slice %arg23[%add3A_18, %dma_wait3A_53] : memref<10240x128xf32, #tpu.memory_space<vmem_shared>> -> memref<128x128xf32, #tpu.memory_space<vmem_shared>>
      tpu.wait_dma2 semaphore(%run_scoped3A : memref<!tpu.dma_semaphore, #tpu.memory_space<semaphore_mem>>) src(%arg21 : memref<128x128xf32, #tpu.memory_space<vmem>>) dst(%dma_wait3A_54 : memref<128x128xf32, #tpu.memory_space<vmem_shared>>)
      tpu.yield
    }) : () -> ()
    %add3A_19 = arith.constant 384 : i32
    %add3A_20 = arith.addi %mul3A_12, %add3A_19 : i32
    "tpu.region"() ({
      %run_scoped3A = tpu.sem_alloc : memref<!tpu.dma_semaphore, #tpu.memory_space<semaphore_mem>>
      %dma_start3A = arith.constant 0 : i32
      %dma_start3A_49 = tpu.memref_slice %arg23[%add3A_20, %dma_start3A] : memref<10240x128xf32, #tpu.memory_space<vmem_shared>> -> memref<128x128xf32, #tpu.memory_space<vmem_shared>>
      %dma_start3A_50 = arith.constant 0 : i32
      %dma_start3A_51 = tpu.memref_slice %arg23[%add3A_20, %dma_start3A_50] : memref<10240x128xf32, #tpu.memory_space<vmem_shared>> -> memref<128x128xf32, #tpu.memory_space<vmem_shared>>
      tpu.enqueue_dma source(%arg21 : memref<128x128xf32, #tpu.memory_space<vmem>>) target(%dma_start3A_51 : memref<128x128xf32, #tpu.memory_space<vmem_shared>>) target_semaphore(%run_scoped3A : memref<!tpu.dma_semaphore, #tpu.memory_space<semaphore_mem>>)
      %dma_wait3A = arith.constant 0 : i32
      %dma_wait3A_52 = tpu.memref_slice %arg23[%add3A_20, %dma_wait3A] : memref<10240x128xf32, #tpu.memory_space<vmem_shared>> -> memref<128x128xf32, #tpu.memory_space<vmem_shared>>
      %dma_wait3A_53 = arith.constant 0 : i32
      %dma_wait3A_54 = tpu.memref_slice %arg23[%add3A_20, %dma_wait3A_53] : memref<10240x128xf32, #tpu.memory_space<vmem_shared>> -> memref<128x128xf32, #tpu.memory_space<vmem_shared>>
      tpu.wait_dma2 semaphore(%run_scoped3A : memref<!tpu.dma_semaphore, #tpu.memory_space<semaphore_mem>>) src(%arg21 : memref<128x128xf32, #tpu.memory_space<vmem>>) dst(%dma_wait3A_54 : memref<128x128xf32, #tpu.memory_space<vmem_shared>>)
      tpu.yield
    }) : () -> ()
    %add3A_21 = arith.constant 512 : i32
    %add3A_22 = arith.addi %mul3A_12, %add3A_21 : i32
    "tpu.region"() ({
      %run_scoped3A = tpu.sem_alloc : memref<!tpu.dma_semaphore, #tpu.memory_space<semaphore_mem>>
      %dma_start3A = arith.constant 0 : i32
      %dma_start3A_49 = tpu.memref_slice %arg23[%add3A_22, %dma_start3A] : memref<10240x128xf32, #tpu.memory_space<vmem_shared>> -> memref<128x128xf32, #tpu.memory_space<vmem_shared>>
      %dma_start3A_50 = arith.constant 0 : i32
      %dma_start3A_51 = tpu.memref_slice %arg23[%add3A_22, %dma_start3A_50] : memref<10240x128xf32, #tpu.memory_space<vmem_shared>> -> memref<128x128xf32, #tpu.memory_space<vmem_shared>>
      tpu.enqueue_dma source(%arg21 : memref<128x128xf32, #tpu.memory_space<vmem>>) target(%dma_start3A_51 : memref<128x128xf32, #tpu.memory_space<vmem_shared>>) target_semaphore(%run_scoped3A : memref<!tpu.dma_semaphore, #tpu.memory_space<semaphore_mem>>)
      %dma_wait3A = arith.constant 0 : i32
      %dma_wait3A_52 = tpu.memref_slice %arg23[%add3A_22, %dma_wait3A] : memref<10240x128xf32, #tpu.memory_space<vmem_shared>> -> memref<128x128xf32, #tpu.memory_space<vmem_shared>>
      %dma_wait3A_53 = arith.constant 0 : i32
      %dma_wait3A_54 = tpu.memref_slice %arg23[%add3A_22, %dma_wait3A_53] : memref<10240x128xf32, #tpu.memory_space<vmem_shared>> -> memref<128x128xf32, #tpu.memory_space<vmem_shared>>
      tpu.wait_dma2 semaphore(%run_scoped3A : memref<!tpu.dma_semaphore, #tpu.memory_space<semaphore_mem>>) src(%arg21 : memref<128x128xf32, #tpu.memory_space<vmem>>) dst(%dma_wait3A_54 : memref<128x128xf32, #tpu.memory_space<vmem_shared>>)
      tpu.yield
    }) : () -> ()
    "tpu.region"() ({
      %run_scoped3A = tpu.sem_alloc : memref<!tpu.dma_semaphore, #tpu.memory_space<semaphore_mem>>
      %dma_start3A = tpu.memref_slice %arg24[%mul3A_12] : memref<10240xf32, #tpu.memory_space<vmem_shared>> -> memref<640xf32, #tpu.memory_space<vmem_shared>>
      %dma_start3A_49 = tpu.memref_slice %arg24[%mul3A_12] : memref<10240xf32, #tpu.memory_space<vmem_shared>> -> memref<640xf32, #tpu.memory_space<vmem_shared>>
      tpu.enqueue_dma source(%arg22 : memref<640xf32, #tpu.memory_space<vmem>>) target(%dma_start3A_49 : memref<640xf32, #tpu.memory_space<vmem_shared>>) target_semaphore(%run_scoped3A : memref<!tpu.dma_semaphore, #tpu.memory_space<semaphore_mem>>)
      %dma_wait3A = tpu.memref_slice %arg24[%mul3A_12] : memref<10240xf32, #tpu.memory_space<vmem_shared>> -> memref<640xf32, #tpu.memory_space<vmem_shared>>
      %dma_wait3A_50 = tpu.memref_slice %arg24[%mul3A_12] : memref<10240xf32, #tpu.memory_space<vmem_shared>> -> memref<640xf32, #tpu.memory_space<vmem_shared>>
      tpu.wait_dma2 semaphore(%run_scoped3A : memref<!tpu.dma_semaphore, #tpu.memory_space<semaphore_mem>>) src(%arg22 : memref<640xf32, #tpu.memory_space<vmem>>) dst(%dma_wait3A_50 : memref<640xf32, #tpu.memory_space<vmem_shared>>)
      tpu.yield
    }) : () -> ()
    "tpu.region"() ({
      %run_scoped3A = tpu.sem_alloc : memref<!tpu.dma_semaphore, #tpu.memory_space<semaphore_mem>>
      %dma_start3A = tpu.memref_slice %arg25[%mul3A_12] : memref<10240xf32, #tpu.memory_space<vmem_shared>> -> memref<640xf32, #tpu.memory_space<vmem_shared>>
      %dma_start3A_49 = tpu.memref_slice %arg25[%mul3A_12] : memref<10240xf32, #tpu.memory_space<vmem_shared>> -> memref<640xf32, #tpu.memory_space<vmem_shared>>
      tpu.enqueue_dma source(%arg22 : memref<640xf32, #tpu.memory_space<vmem>>) target(%dma_start3A_49 : memref<640xf32, #tpu.memory_space<vmem_shared>>) target_semaphore(%run_scoped3A : memref<!tpu.dma_semaphore, #tpu.memory_space<semaphore_mem>>)
      %dma_wait3A = tpu.memref_slice %arg25[%mul3A_12] : memref<10240xf32, #tpu.memory_space<vmem_shared>> -> memref<640xf32, #tpu.memory_space<vmem_shared>>
      %dma_wait3A_50 = tpu.memref_slice %arg25[%mul3A_12] : memref<10240xf32, #tpu.memory_space<vmem_shared>> -> memref<640xf32, #tpu.memory_space<vmem_shared>>
      tpu.wait_dma2 semaphore(%run_scoped3A : memref<!tpu.dma_semaphore, #tpu.memory_space<semaphore_mem>>) src(%arg22 : memref<640xf32, #tpu.memory_space<vmem>>) dst(%dma_wait3A_50 : memref<640xf32, #tpu.memory_space<vmem_shared>>)
      tpu.yield
    }) : () -> ()
    %barrier3A = arith.constant 0 : index
    tpu.barrier barrier_id(%barrier3A)
    %scan3A_23 = arith.constant 0 : i32
    %scan3A_24 = arith.constant 81 : i32
    %scan3A_25 = arith.addi %scan3A_23, %scan3A_24 : i32
    %scan3A_26 = arith.constant 1 : i32
    scf.for %scan3A_49 = %scan3A_23 to %scan3A_25 step %scan3A_26  : i32 {
      %mul3A_50 = arith.constant 1 : i32
      %mul3A_51 = arith.muli %scan3A_49, %mul3A_50 : i32
      %add3A_52 = arith.constant 0 : i32
      %add3A_53 = arith.addi %add3A_52, %mul3A_51 : i32
      %get3A = arith.index_cast %add3A_53 : i32 to index
      %get3A_54 = arith.constant 0 : index
      %get3A_55 = tpu.vector_load %arg9[%get3A, %get3A_54] {strides = array<i32>} : memref<81x128xi32, #tpu.memory_space<vmem>>, vector<16xi32>,
      %mul3A_56 = arith.constant 4 : i32
      %mul3A_57 = vector.broadcast %mul3A_56 : i32 to vector<16xi32>
      %mul3A_58 = arith.muli %get3A_55, %mul3A_57 : vector<16xi32>
      %get3A_59 = arith.index_cast %add3A_53 : i32 to index
      %get3A_60 = arith.constant 0 : index
      %get3A_61 = tpu.vector_load %arg10[%get3A_59, %get3A_60] {strides = array<i32>} : memref<81x128xi32, #tpu.memory_space<vmem>>, vector<16xi32>,
      %mul3A_62 = arith.constant 4 : i32
      %mul3A_63 = vector.broadcast %mul3A_62 : i32 to vector<16xi32>
      %mul3A_64 = arith.muli %get3A_61, %mul3A_63 : vector<16xi32>
      %add3A_65 = arith.constant 0 : i32
      %add3A_66 = vector.broadcast %add3A_65 : i32 to vector<16xi32>
      %add3A_67 = arith.addi %mul3A_58, %add3A_66 : vector<16xi32>
      %swap3A = arith.constant 0 : index
      %swap3A_68 = tpu.vector_load %arg11[%swap3A] {strides = array<i32>} : memref<128xi32, #tpu.memory_space<vmem>>, vector<16xi32>,
      tpu.vector_store %arg11[%swap3A], %add3A_67 {strides = array<i32>} : memref<128xi32, #tpu.memory_space<vmem>>, vector<16xi32>,
      %add3A_69 = arith.constant 1 : i32
      %add3A_70 = vector.broadcast %add3A_69 : i32 to vector<16xi32>
      %add3A_71 = arith.addi %mul3A_64, %add3A_70 : vector<16xi32>
      %swap3A_72 = arith.constant 0 : index
      %swap3A_73 = tpu.vector_load %arg12[%swap3A_72] {strides = array<i32>} : memref<128xi32, #tpu.memory_space<vmem>>, vector<16xi32>,
      tpu.vector_store %arg12[%swap3A_72], %add3A_71 {strides = array<i32>} : memref<128xi32, #tpu.memory_space<vmem>>, vector<16xi32>,
      %add3A_74 = arith.constant 2 : i32
      %add3A_75 = vector.broadcast %add3A_74 : i32 to vector<16xi32>
      %add3A_76 = arith.addi %mul3A_58, %add3A_75 : vector<16xi32>
      %swap3A_77 = arith.constant 0 : index
      %swap3A_78 = tpu.vector_load %arg13[%swap3A_77] {strides = array<i32>} : memref<128xi32, #tpu.memory_space<vmem>>, vector<16xi32>,
      tpu.vector_store %arg13[%swap3A_77], %add3A_76 {strides = array<i32>} : memref<128xi32, #tpu.memory_space<vmem>>, vector<16xi32>,
      %add3A_79 = arith.constant 3 : i32
      %add3A_80 = vector.broadcast %add3A_79 : i32 to vector<16xi32>
      %add3A_81 = arith.addi %mul3A_64, %add3A_80 : vector<16xi32>
      %swap3A_82 = arith.constant 0 : index
      %swap3A_83 = tpu.vector_load %arg14[%swap3A_82] {strides = array<i32>} : memref<128xi32, #tpu.memory_space<vmem>>, vector<16xi32>,
      tpu.vector_store %arg14[%swap3A_82], %add3A_81 {strides = array<i32>} : memref<128xi32, #tpu.memory_space<vmem>>, vector<16xi32>,
      %get3A_84 = arith.index_cast %add3A_53 : i32 to index
      %get3A_85 = arith.constant 16 : index
      %get3A_86 = tpu.vector_load %arg9[%get3A_84, %get3A_85] {strides = array<i32>} : memref<81x128xi32, #tpu.memory_space<vmem>>, vector<16xi32>,
      %mul3A_87 = arith.constant 4 : i32
      %mul3A_88 = vector.broadcast %mul3A_87 : i32 to vector<16xi32>
      %mul3A_89 = arith.muli %get3A_86, %mul3A_88 : vector<16xi32>
      %get3A_90 = arith.index_cast %add3A_53 : i32 to index
      %get3A_91 = arith.constant 16 : index
      %get3A_92 = tpu.vector_load %arg10[%get3A_90, %get3A_91] {strides = array<i32>} : memref<81x128xi32, #tpu.memory_space<vmem>>, vector<16xi32>,
      %mul3A_93 = arith.constant 4 : i32
      %mul3A_94 = vector.broadcast %mul3A_93 : i32 to vector<16xi32>
      %mul3A_95 = arith.muli %get3A_92, %mul3A_94 : vector<16xi32>
      %add3A_96 = arith.constant 0 : i32
      %add3A_97 = vector.broadcast %add3A_96 : i32 to vector<16xi32>
      %add3A_98 = arith.addi %mul3A_89, %add3A_97 : vector<16xi32>
      %swap3A_99 = arith.constant 16 : index
      %swap3A_100 = tpu.vector_load %arg11[%swap3A_99] {strides = array<i32>} : memref<128xi32, #tpu.memory_space<vmem>>, vector<16xi32>,
      tpu.vector_store %arg11[%swap3A_99], %add3A_98 {strides = array<i32>} : memref<128xi32, #tpu.memory_space<vmem>>, vector<16xi32>,
      %add3A_101 = arith.constant 1 : i32
      %add3A_102 = vector.broadcast %add3A_101 : i32 to vector<16xi32>
      %add3A_103 = arith.addi %mul3A_95, %add3A_102 : vector<16xi32>
      %swap3A_104 = arith.constant 16 : index
      %swap3A_105 = tpu.vector_load %arg12[%swap3A_104] {strides = array<i32>} : memref<128xi32, #tpu.memory_space<vmem>>, vector<16xi32>,
      tpu.vector_store %arg12[%swap3A_104], %add3A_103 {strides = array<i32>} : memref<128xi32, #tpu.memory_space<vmem>>, vector<16xi32>,
      %add3A_106 = arith.constant 2 : i32
      %add3A_107 = vector.broadcast %add3A_106 : i32 to vector<16xi32>
      %add3A_108 = arith.addi %mul3A_89, %add3A_107 : vector<16xi32>
      %swap3A_109 = arith.constant 16 : index
      %swap3A_110 = tpu.vector_load %arg13[%swap3A_109] {strides = array<i32>} : memref<128xi32, #tpu.memory_space<vmem>>, vector<16xi32>,
      tpu.vector_store %arg13[%swap3A_109], %add3A_108 {strides = array<i32>} : memref<128xi32, #tpu.memory_space<vmem>>, vector<16xi32>,
      %add3A_111 = arith.constant 3 : i32
      %add3A_112 = vector.broadcast %add3A_111 : i32 to vector<16xi32>
      %add3A_113 = arith.addi %mul3A_95, %add3A_112 : vector<16xi32>
      %swap3A_114 = arith.constant 16 : index
      %swap3A_115 = tpu.vector_load %arg14[%swap3A_114] {strides = array<i32>} : memref<128xi32, #tpu.memory_space<vmem>>, vector<16xi32>,
      tpu.vector_store %arg14[%swap3A_114], %add3A_113 {strides = array<i32>} : memref<128xi32, #tpu.memory_space<vmem>>, vector<16xi32>,
      %get3A_116 = arith.index_cast %add3A_53 : i32 to index
      %get3A_117 = arith.constant 32 : index
      %get3A_118 = tpu.vector_load %arg9[%get3A_116, %get3A_117] {strides = array<i32>} : memref<81x128xi32, #tpu.memory_space<vmem>>, vector<16xi32>,
      %mul3A_119 = arith.constant 4 : i32
      %mul3A_120 = vector.broadcast %mul3A_119 : i32 to vector<16xi32>
      %mul3A_121 = arith.muli %get3A_118, %mul3A_120 : vector<16xi32>
      %get3A_122 = arith.index_cast %add3A_53 : i32 to index
      %get3A_123 = arith.constant 32 : index
      %get3A_124 = tpu.vector_load %arg10[%get3A_122, %get3A_123] {strides = array<i32>} : memref<81x128xi32, #tpu.memory_space<vmem>>, vector<16xi32>,
      %mul3A_125 = arith.constant 4 : i32
      %mul3A_126 = vector.broadcast %mul3A_125 : i32 to vector<16xi32>
      %mul3A_127 = arith.muli %get3A_124, %mul3A_126 : vector<16xi32>
      %add3A_128 = arith.constant 0 : i32
      %add3A_129 = vector.broadcast %add3A_128 : i32 to vector<16xi32>
      %add3A_130 = arith.addi %mul3A_121, %add3A_129 : vector<16xi32>
      %swap3A_131 = arith.constant 32 : index
      %swap3A_132 = tpu.vector_load %arg11[%swap3A_131] {strides = array<i32>} : memref<128xi32, #tpu.memory_space<vmem>>, vector<16xi32>,
      tpu.vector_store %arg11[%swap3A_131], %add3A_130 {strides = array<i32>} : memref<128xi32, #tpu.memory_space<vmem>>, vector<16xi32>,
      %add3A_133 = arith.constant 1 : i32
      %add3A_134 = vector.broadcast %add3A_133 : i32 to vector<16xi32>
      %add3A_135 = arith.addi %mul3A_127, %add3A_134 : vector<16xi32>
      %swap3A_136 = arith.constant 32 : index
      %swap3A_137 = tpu.vector_load %arg12[%swap3A_136] {strides = array<i32>} : memref<128xi32, #tpu.memory_space<vmem>>, vector<16xi32>,
      tpu.vector_store %arg12[%swap3A_136], %add3A_135 {strides = array<i32>} : memref<128xi32, #tpu.memory_space<vmem>>, vector<16xi32>,
      %add3A_138 = arith.constant 2 : i32
      %add3A_139 = vector.broadcast %add3A_138 : i32 to vector<16xi32>
      %add3A_140 = arith.addi %mul3A_121, %add3A_139 : vector<16xi32>
      %swap3A_141 = arith.constant 32 : index
      %swap3A_142 = tpu.vector_load %arg13[%swap3A_141] {strides = array<i32>} : memref<128xi32, #tpu.memory_space<vmem>>, vector<16xi32>,
      tpu.vector_store %arg13[%swap3A_141], %add3A_140 {strides = array<i32>} : memref<128xi32, #tpu.memory_space<vmem>>, vector<16xi32>,
      %add3A_143 = arith.constant 3 : i32
      %add3A_144 = vector.broadcast %add3A_143 : i32 to vector<16xi32>
      %add3A_145 = arith.addi %mul3A_127, %add3A_144 : vector<16xi32>
      %swap3A_146 = arith.constant 32 : index
      %swap3A_147 = tpu.vector_load %arg14[%swap3A_146] {strides = array<i32>} : memref<128xi32, #tpu.memory_space<vmem>>, vector<16xi32>,
      tpu.vector_store %arg14[%swap3A_146], %add3A_145 {strides = array<i32>} : memref<128xi32, #tpu.memory_space<vmem>>, vector<16xi32>,
      %get3A_148 = arith.index_cast %add3A_53 : i32 to index
      %get3A_149 = arith.constant 48 : index
      %get3A_150 = tpu.vector_load %arg9[%get3A_148, %get3A_149] {strides = array<i32>} : memref<81x128xi32, #tpu.memory_space<vmem>>, vector<16xi32>,
      %mul3A_151 = arith.constant 4 : i32
      %mul3A_152 = vector.broadcast %mul3A_151 : i32 to vector<16xi32>
      %mul3A_153 = arith.muli %get3A_150, %mul3A_152 : vector<16xi32>
      %get3A_154 = arith.index_cast %add3A_53 : i32 to index
      %get3A_155 = arith.constant 48 : index
      %get3A_156 = tpu.vector_load %arg10[%get3A_154, %get3A_155] {strides = array<i32>} : memref<81x128xi32, #tpu.memory_space<vmem>>, vector<16xi32>,
      %mul3A_157 = arith.constant 4 : i32
      %mul3A_158 = vector.broadcast %mul3A_157 : i32 to vector<16xi32>
      %mul3A_159 = arith.muli %get3A_156, %mul3A_158 : vector<16xi32>
      %add3A_160 = arith.constant 0 : i32
      %add3A_161 = vector.broadcast %add3A_160 : i32 to vector<16xi32>
      %add3A_162 = arith.addi %mul3A_153, %add3A_161 : vector<16xi32>
      %swap3A_163 = arith.constant 48 : index
      %swap3A_164 = tpu.vector_load %arg11[%swap3A_163] {strides = array<i32>} : memref<128xi32, #tpu.memory_space<vmem>>, vector<16xi32>,
      tpu.vector_store %arg11[%swap3A_163], %add3A_162 {strides = array<i32>} : memref<128xi32, #tpu.memory_space<vmem>>, vector<16xi32>,
      %add3A_165 = arith.constant 1 : i32
      %add3A_166 = vector.broadcast %add3A_165 : i32 to vector<16xi32>
      %add3A_167 = arith.addi %mul3A_159, %add3A_166 : vector<16xi32>
      %swap3A_168 = arith.constant 48 : index
      %swap3A_169 = tpu.vector_load %arg12[%swap3A_168] {strides = array<i32>} : memref<128xi32, #tpu.memory_space<vmem>>, vector<16xi32>,
      tpu.vector_store %arg12[%swap3A_168], %add3A_167 {strides = array<i32>} : memref<128xi32, #tpu.memory_space<vmem>>, vector<16xi32>,
      %add3A_170 = arith.constant 2 : i32
      %add3A_171 = vector.broadcast %add3A_170 : i32 to vector<16xi32>
      %add3A_172 = arith.addi %mul3A_153, %add3A_171 : vector<16xi32>
      %swap3A_173 = arith.constant 48 : index
      %swap3A_174 = tpu.vector_load %arg13[%swap3A_173] {strides = array<i32>} : memref<128xi32, #tpu.memory_space<vmem>>, vector<16xi32>,
      tpu.vector_store %arg13[%swap3A_173], %add3A_172 {strides = array<i32>} : memref<128xi32, #tpu.memory_space<vmem>>, vector<16xi32>,
      %add3A_175 = arith.constant 3 : i32
      %add3A_176 = vector.broadcast %add3A_175 : i32 to vector<16xi32>
      %add3A_177 = arith.addi %mul3A_159, %add3A_176 : vector<16xi32>
      %swap3A_178 = arith.constant 48 : index
      %swap3A_179 = tpu.vector_load %arg14[%swap3A_178] {strides = array<i32>} : memref<128xi32, #tpu.memory_space<vmem>>, vector<16xi32>,
      tpu.vector_store %arg14[%swap3A_178], %add3A_177 {strides = array<i32>} : memref<128xi32, #tpu.memory_space<vmem>>, vector<16xi32>,
      %get3A_180 = arith.index_cast %add3A_53 : i32 to index
      %get3A_181 = arith.constant 64 : index
      %get3A_182 = tpu.vector_load %arg9[%get3A_180, %get3A_181] {strides = array<i32>} : memref<81x128xi32, #tpu.memory_space<vmem>>, vector<16xi32>,
      %mul3A_183 = arith.constant 4 : i32
      %mul3A_184 = vector.broadcast %mul3A_183 : i32 to vector<16xi32>
      %mul3A_185 = arith.muli %get3A_182, %mul3A_184 : vector<16xi32>
      %get3A_186 = arith.index_cast %add3A_53 : i32 to index
      %get3A_187 = arith.constant 64 : index
      %get3A_188 = tpu.vector_load %arg10[%get3A_186, %get3A_187] {strides = array<i32>} : memref<81x128xi32, #tpu.memory_space<vmem>>, vector<16xi32>,
      %mul3A_189 = arith.constant 4 : i32
      %mul3A_190 = vector.broadcast %mul3A_189 : i32 to vector<16xi32>
      %mul3A_191 = arith.muli %get3A_188, %mul3A_190 : vector<16xi32>
      %add3A_192 = arith.constant 0 : i32
      %add3A_193 = vector.broadcast %add3A_192 : i32 to vector<16xi32>
      %add3A_194 = arith.addi %mul3A_185, %add3A_193 : vector<16xi32>
      %swap3A_195 = arith.constant 64 : index
      %swap3A_196 = tpu.vector_load %arg11[%swap3A_195] {strides = array<i32>} : memref<128xi32, #tpu.memory_space<vmem>>, vector<16xi32>,
      tpu.vector_store %arg11[%swap3A_195], %add3A_194 {strides = array<i32>} : memref<128xi32, #tpu.memory_space<vmem>>, vector<16xi32>,
      %add3A_197 = arith.constant 1 : i32
      %add3A_198 = vector.broadcast %add3A_197 : i32 to vector<16xi32>
      %add3A_199 = arith.addi %mul3A_191, %add3A_198 : vector<16xi32>
      %swap3A_200 = arith.constant 64 : index
      %swap3A_201 = tpu.vector_load %arg12[%swap3A_200] {strides = array<i32>} : memref<128xi32, #tpu.memory_space<vmem>>, vector<16xi32>,
      tpu.vector_store %arg12[%swap3A_200], %add3A_199 {strides = array<i32>} : memref<128xi32, #tpu.memory_space<vmem>>, vector<16xi32>,
      %add3A_202 = arith.constant 2 : i32
      %add3A_203 = vector.broadcast %add3A_202 : i32 to vector<16xi32>
      %add3A_204 = arith.addi %mul3A_185, %add3A_203 : vector<16xi32>
      %swap3A_205 = arith.constant 64 : index
      %swap3A_206 = tpu.vector_load %arg13[%swap3A_205] {strides = array<i32>} : memref<128xi32, #tpu.memory_space<vmem>>, vector<16xi32>,
      tpu.vector_store %arg13[%swap3A_205], %add3A_204 {strides = array<i32>} : memref<128xi32, #tpu.memory_space<vmem>>, vector<16xi32>,
      %add3A_207 = arith.constant 3 : i32
      %add3A_208 = vector.broadcast %add3A_207 : i32 to vector<16xi32>
      %add3A_209 = arith.addi %mul3A_191, %add3A_208 : vector<16xi32>
      %swap3A_210 = arith.constant 64 : index
      %swap3A_211 = tpu.vector_load %arg14[%swap3A_210] {strides = array<i32>} : memref<128xi32, #tpu.memory_space<vmem>>, vector<16xi32>,
      tpu.vector_store %arg14[%swap3A_210], %add3A_209 {strides = array<i32>} : memref<128xi32, #tpu.memory_space<vmem>>, vector<16xi32>,
      %get3A_212 = arith.index_cast %add3A_53 : i32 to index
      %get3A_213 = arith.constant 80 : index
      %get3A_214 = tpu.vector_load %arg9[%get3A_212, %get3A_213] {strides = array<i32>} : memref<81x128xi32, #tpu.memory_space<vmem>>, vector<16xi32>,
      %mul3A_215 = arith.constant 4 : i32
      %mul3A_216 = vector.broadcast %mul3A_215 : i32 to vector<16xi32>
      %mul3A_217 = arith.muli %get3A_214, %mul3A_216 : vector<16xi32>
      %get3A_218 = arith.index_cast %add3A_53 : i32 to index
      %get3A_219 = arith.constant 80 : index
      %get3A_220 = tpu.vector_load %arg10[%get3A_218, %get3A_219] {strides = array<i32>} : memref<81x128xi32, #tpu.memory_space<vmem>>, vector<16xi32>,
      %mul3A_221 = arith.constant 4 : i32
      %mul3A_222 = vector.broadcast %mul3A_221 : i32 to vector<16xi32>
      %mul3A_223 = arith.muli %get3A_220, %mul3A_222 : vector<16xi32>
      %add3A_224 = arith.constant 0 : i32
      %add3A_225 = vector.broadcast %add3A_224 : i32 to vector<16xi32>
      %add3A_226 = arith.addi %mul3A_217, %add3A_225 : vector<16xi32>
      %swap3A_227 = arith.constant 80 : index
      %swap3A_228 = tpu.vector_load %arg11[%swap3A_227] {strides = array<i32>} : memref<128xi32, #tpu.memory_space<vmem>>, vector<16xi32>,
      tpu.vector_store %arg11[%swap3A_227], %add3A_226 {strides = array<i32>} : memref<128xi32, #tpu.memory_space<vmem>>, vector<16xi32>,
      %add3A_229 = arith.constant 1 : i32
      %add3A_230 = vector.broadcast %add3A_229 : i32 to vector<16xi32>
      %add3A_231 = arith.addi %mul3A_223, %add3A_230 : vector<16xi32>
      %swap3A_232 = arith.constant 80 : index
      %swap3A_233 = tpu.vector_load %arg12[%swap3A_232] {strides = array<i32>} : memref<128xi32, #tpu.memory_space<vmem>>, vector<16xi32>,
      tpu.vector_store %arg12[%swap3A_232], %add3A_231 {strides = array<i32>} : memref<128xi32, #tpu.memory_space<vmem>>, vector<16xi32>,
      %add3A_234 = arith.constant 2 : i32
      %add3A_235 = vector.broadcast %add3A_234 : i32 to vector<16xi32>
      %add3A_236 = arith.addi %mul3A_217, %add3A_235 : vector<16xi32>
      %swap3A_237 = arith.constant 80 : index
      %swap3A_238 = tpu.vector_load %arg13[%swap3A_237] {strides = array<i32>} : memref<128xi32, #tpu.memory_space<vmem>>, vector<16xi32>,
      tpu.vector_store %arg13[%swap3A_237], %add3A_236 {strides = array<i32>} : memref<128xi32, #tpu.memory_space<vmem>>, vector<16xi32>,
      %add3A_239 = arith.constant 3 : i32
      %add3A_240 = vector.broadcast %add3A_239 : i32 to vector<16xi32>
      %add3A_241 = arith.addi %mul3A_223, %add3A_240 : vector<16xi32>
      %swap3A_242 = arith.constant 80 : index
      %swap3A_243 = tpu.vector_load %arg14[%swap3A_242] {strides = array<i32>} : memref<128xi32, #tpu.memory_space<vmem>>, vector<16xi32>,
      tpu.vector_store %arg14[%swap3A_242], %add3A_241 {strides = array<i32>} : memref<128xi32, #tpu.memory_space<vmem>>, vector<16xi32>,
      %get3A_244 = arith.index_cast %add3A_53 : i32 to index
      %get3A_245 = arith.constant 96 : index
      %get3A_246 = tpu.vector_load %arg9[%get3A_244, %get3A_245] {strides = array<i32>} : memref<81x128xi32, #tpu.memory_space<vmem>>, vector<16xi32>,
      %mul3A_247 = arith.constant 4 : i32
      %mul3A_248 = vector.broadcast %mul3A_247 : i32 to vector<16xi32>
      %mul3A_249 = arith.muli %get3A_246, %mul3A_248 : vector<16xi32>
      %get3A_250 = arith.index_cast %add3A_53 : i32 to index
      %get3A_251 = arith.constant 96 : index
      %get3A_252 = tpu.vector_load %arg10[%get3A_250, %get3A_251] {strides = array<i32>} : memref<81x128xi32, #tpu.memory_space<vmem>>, vector<16xi32>,
      %mul3A_253 = arith.constant 4 : i32
      %mul3A_254 = vector.broadcast %mul3A_253 : i32 to vector<16xi32>
      %mul3A_255 = arith.muli %get3A_252, %mul3A_254 : vector<16xi32>
      %add3A_256 = arith.constant 0 : i32
      %add3A_257 = vector.broadcast %add3A_256 : i32 to vector<16xi32>
      %add3A_258 = arith.addi %mul3A_249, %add3A_257 : vector<16xi32>
      %swap3A_259 = arith.constant 96 : index
      %swap3A_260 = tpu.vector_load %arg11[%swap3A_259] {strides = array<i32>} : memref<128xi32, #tpu.memory_space<vmem>>, vector<16xi32>,
      tpu.vector_store %arg11[%swap3A_259], %add3A_258 {strides = array<i32>} : memref<128xi32, #tpu.memory_space<vmem>>, vector<16xi32>,
      %add3A_261 = arith.constant 1 : i32
      %add3A_262 = vector.broadcast %add3A_261 : i32 to vector<16xi32>
      %add3A_263 = arith.addi %mul3A_255, %add3A_262 : vector<16xi32>
      %swap3A_264 = arith.constant 96 : index
      %swap3A_265 = tpu.vector_load %arg12[%swap3A_264] {strides = array<i32>} : memref<128xi32, #tpu.memory_space<vmem>>, vector<16xi32>,
      tpu.vector_store %arg12[%swap3A_264], %add3A_263 {strides = array<i32>} : memref<128xi32, #tpu.memory_space<vmem>>, vector<16xi32>,
      %add3A_266 = arith.constant 2 : i32
      %add3A_267 = vector.broadcast %add3A_266 : i32 to vector<16xi32>
      %add3A_268 = arith.addi %mul3A_249, %add3A_267 : vector<16xi32>
      %swap3A_269 = arith.constant 96 : index
      %swap3A_270 = tpu.vector_load %arg13[%swap3A_269] {strides = array<i32>} : memref<128xi32, #tpu.memory_space<vmem>>, vector<16xi32>,
      tpu.vector_store %arg13[%swap3A_269], %add3A_268 {strides = array<i32>} : memref<128xi32, #tpu.memory_space<vmem>>, vector<16xi32>,
      %add3A_271 = arith.constant 3 : i32
      %add3A_272 = vector.broadcast %add3A_271 : i32 to vector<16xi32>
      %add3A_273 = arith.addi %mul3A_255, %add3A_272 : vector<16xi32>
      %swap3A_274 = arith.constant 96 : index
      %swap3A_275 = tpu.vector_load %arg14[%swap3A_274] {strides = array<i32>} : memref<128xi32, #tpu.memory_space<vmem>>, vector<16xi32>,
      tpu.vector_store %arg14[%swap3A_274], %add3A_273 {strides = array<i32>} : memref<128xi32, #tpu.memory_space<vmem>>, vector<16xi32>,
      %get3A_276 = arith.index_cast %add3A_53 : i32 to index
      %get3A_277 = arith.constant 112 : index
      %get3A_278 = tpu.vector_load %arg9[%get3A_276, %get3A_277] {strides = array<i32>} : memref<81x128xi32, #tpu.memory_space<vmem>>, vector<16xi32>,
      %mul3A_279 = arith.constant 4 : i32
      %mul3A_280 = vector.broadcast %mul3A_279 : i32 to vector<16xi32>
      %mul3A_281 = arith.muli %get3A_278, %mul3A_280 : vector<16xi32>
      %get3A_282 = arith.index_cast %add3A_53 : i32 to index
      %get3A_283 = arith.constant 112 : index
      %get3A_284 = tpu.vector_load %arg10[%get3A_282, %get3A_283] {strides = array<i32>} : memref<81x128xi32, #tpu.memory_space<vmem>>, vector<16xi32>,
      %mul3A_285 = arith.constant 4 : i32
      %mul3A_286 = vector.broadcast %mul3A_285 : i32 to vector<16xi32>
      %mul3A_287 = arith.muli %get3A_284, %mul3A_286 : vector<16xi32>
      %add3A_288 = arith.constant 0 : i32
      %add3A_289 = vector.broadcast %add3A_288 : i32 to vector<16xi32>
      %add3A_290 = arith.addi %mul3A_281, %add3A_289 : vector<16xi32>
      %swap3A_291 = arith.constant 112 : index
      %swap3A_292 = tpu.vector_load %arg11[%swap3A_291] {strides = array<i32>} : memref<128xi32, #tpu.memory_space<vmem>>, vector<16xi32>,
      tpu.vector_store %arg11[%swap3A_291], %add3A_290 {strides = array<i32>} : memref<128xi32, #tpu.memory_space<vmem>>, vector<16xi32>,
      %add3A_293 = arith.constant 1 : i32
      %add3A_294 = vector.broadcast %add3A_293 : i32 to vector<16xi32>
      %add3A_295 = arith.addi %mul3A_287, %add3A_294 : vector<16xi32>
      %swap3A_296 = arith.constant 112 : index
      %swap3A_297 = tpu.vector_load %arg12[%swap3A_296] {strides = array<i32>} : memref<128xi32, #tpu.memory_space<vmem>>, vector<16xi32>,
      tpu.vector_store %arg12[%swap3A_296], %add3A_295 {strides = array<i32>} : memref<128xi32, #tpu.memory_space<vmem>>, vector<16xi32>,
      %add3A_298 = arith.constant 2 : i32
      %add3A_299 = vector.broadcast %add3A_298 : i32 to vector<16xi32>
      %add3A_300 = arith.addi %mul3A_281, %add3A_299 : vector<16xi32>
      %swap3A_301 = arith.constant 112 : index
      %swap3A_302 = tpu.vector_load %arg13[%swap3A_301] {strides = array<i32>} : memref<128xi32, #tpu.memory_space<vmem>>, vector<16xi32>,
      tpu.vector_store %arg13[%swap3A_301], %add3A_300 {strides = array<i32>} : memref<128xi32, #tpu.memory_space<vmem>>, vector<16xi32>,
      %add3A_303 = arith.constant 3 : i32
      %add3A_304 = vector.broadcast %add3A_303 : i32 to vector<16xi32>
      %add3A_305 = arith.addi %mul3A_287, %add3A_304 : vector<16xi32>
      %swap3A_306 = arith.constant 112 : index
      %swap3A_307 = tpu.vector_load %arg14[%swap3A_306] {strides = array<i32>} : memref<128xi32, #tpu.memory_space<vmem>>, vector<16xi32>,
      tpu.vector_store %arg14[%swap3A_306], %add3A_305 {strides = array<i32>} : memref<128xi32, #tpu.memory_space<vmem>>, vector<16xi32>,
      %dma_start3A = arith.constant 0 : i32
      %dma_start3A_308 = tpu.memref_slice %arg9[%add3A_53, %dma_start3A] : memref<81x128xi32, #tpu.memory_space<vmem>> -> memref<1x128xi32, #tpu.memory_space<vmem>>
      %dma_start3A_309 = tpu.memref_squeeze %dma_start3A_308 : memref<1x128xi32, #tpu.memory_space<vmem>> -> memref<128xi32, #tpu.memory_space<vmem>>
      %dma_start3A_310 = arith.constant 0 : i32
      %dma_start3A_311 = arith.constant 0 : i32
      %dma_start3A_312 = tpu.memref_slice %arg2[%dma_start3A_310, %dma_start3A_311] : memref<10000x128xf32, #tpu.memory_space<hbm>> -> memref<10000x128xf32, #tpu.memory_space<hbm>>
      tpu.enqueue_indirect_dma source(%dma_start3A_312 : memref<10000x128xf32, #tpu.memory_space<hbm>>) target(%arg21 : memref<128x128xf32, #tpu.memory_space<vmem>>) offsets(%dma_start3A_309 : memref<128xi32, #tpu.memory_space<vmem>>) semaphore(%arg27 : memref<!tpu.dma_semaphore, #tpu.memory_space<semaphore_mem>>)
      %dma_start3A_313 = arith.constant 0 : i32
      %dma_start3A_314 = tpu.memref_slice %arg5[%dma_start3A_313] : memref<40960xf32, #tpu.memory_space<hbm>> -> memref<40960xf32, #tpu.memory_space<hbm>>
      tpu.enqueue_indirect_dma source(%dma_start3A_314 : memref<40960xf32, #tpu.memory_space<hbm>>) target(%arg15 : memref<128xf32, #tpu.memory_space<vmem>>) offsets(%arg11 : memref<128xi32, #tpu.memory_space<vmem>>) semaphore(%arg26 : memref<!tpu.dma_semaphore, #tpu.memory_space<semaphore_mem>>)
      %dma_start3A_315 = arith.constant 0 : i32
      %dma_start3A_316 = tpu.memref_slice %arg5[%dma_start3A_315] : memref<40960xf32, #tpu.memory_space<hbm>> -> memref<40960xf32, #tpu.memory_space<hbm>>
      tpu.enqueue_indirect_dma source(%dma_start3A_316 : memref<40960xf32, #tpu.memory_space<hbm>>) target(%arg16 : memref<128xf32, #tpu.memory_space<vmem>>) offsets(%arg12 : memref<128xi32, #tpu.memory_space<vmem>>) semaphore(%arg26 : memref<!tpu.dma_semaphore, #tpu.memory_space<semaphore_mem>>)
      %dma_start3A_317 = arith.constant 0 : i32
      %dma_start3A_318 = tpu.memref_slice %arg5[%dma_start3A_317] : memref<40960xf32, #tpu.memory_space<hbm>> -> memref<40960xf32, #tpu.memory_space<hbm>>
      tpu.enqueue_indirect_dma source(%dma_start3A_318 : memref<40960xf32, #tpu.memory_space<hbm>>) target(%arg17 : memref<128xf32, #tpu.memory_space<vmem>>) offsets(%arg13 : memref<128xi32, #tpu.memory_space<vmem>>) semaphore(%arg26 : memref<!tpu.dma_semaphore, #tpu.memory_space<semaphore_mem>>)
      %dma_start3A_319 = arith.constant 0 : i32
      %dma_start3A_320 = tpu.memref_slice %arg5[%dma_start3A_319] : memref<40960xf32, #tpu.memory_space<hbm>> -> memref<40960xf32, #tpu.memory_space<hbm>>
      tpu.enqueue_indirect_dma source(%dma_start3A_320 : memref<40960xf32, #tpu.memory_space<hbm>>) target(%arg18 : memref<128xf32, #tpu.memory_space<vmem>>) offsets(%arg14 : memref<128xi32, #tpu.memory_space<vmem>>) semaphore(%arg26 : memref<!tpu.dma_semaphore, #tpu.memory_space<semaphore_mem>>)
      %dma_wait3A = arith.constant 0 : i32
      %dma_wait3A_321 = tpu.memref_slice %arg5[%dma_wait3A] : memref<40960xf32, #tpu.memory_space<hbm>> -> memref<40960xf32, #tpu.memory_space<hbm>>
      tpu.wait_indirect_dma semaphore(%arg26 : memref<!tpu.dma_semaphore, #tpu.memory_space<semaphore_mem>>) src(%dma_wait3A_321 : memref<40960xf32, #tpu.memory_space<hbm>>) dst(%arg15 : memref<128xf32, #tpu.memory_space<vmem>>)
      %dma_wait3A_322 = arith.constant 0 : i32
      %dma_wait3A_323 = tpu.memref_slice %arg5[%dma_wait3A_322] : memref<40960xf32, #tpu.memory_space<hbm>> -> memref<40960xf32, #tpu.memory_space<hbm>>
      tpu.wait_indirect_dma semaphore(%arg26 : memref<!tpu.dma_semaphore, #tpu.memory_space<semaphore_mem>>) src(%dma_wait3A_323 : memref<40960xf32, #tpu.memory_space<hbm>>) dst(%arg16 : memref<128xf32, #tpu.memory_space<vmem>>)
      %dma_wait3A_324 = arith.constant 0 : i32
      %dma_wait3A_325 = tpu.memref_slice %arg5[%dma_wait3A_324] : memref<40960xf32, #tpu.memory_space<hbm>> -> memref<40960xf32, #tpu.memory_space<hbm>>
      tpu.wait_indirect_dma semaphore(%arg26 : memref<!tpu.dma_semaphore, #tpu.memory_space<semaphore_mem>>) src(%dma_wait3A_325 : memref<40960xf32, #tpu.memory_space<hbm>>) dst(%arg17 : memref<128xf32, #tpu.memory_space<vmem>>)
      %dma_wait3A_326 = arith.constant 0 : i32
      %dma_wait3A_327 = tpu.memref_slice %arg5[%dma_wait3A_326] : memref<40960xf32, #tpu.memory_space<hbm>> -> memref<40960xf32, #tpu.memory_space<hbm>>
      tpu.wait_indirect_dma semaphore(%arg26 : memref<!tpu.dma_semaphore, #tpu.memory_space<semaphore_mem>>) src(%dma_wait3A_327 : memref<40960xf32, #tpu.memory_space<hbm>>) dst(%arg18 : memref<128xf32, #tpu.memory_space<vmem>>)
      %get3A_328 = arith.constant 0 : index
      %get3A_329 = tpu.vector_load %arg15[%get3A_328] {strides = array<i32>} : memref<128xf32, #tpu.memory_space<vmem>>, vector<16xf32>,
      %get3A_330 = arith.constant 0 : index
      %get3A_331 = tpu.vector_load %arg16[%get3A_330] {strides = array<i32>} : memref<128xf32, #tpu.memory_space<vmem>>, vector<16xf32>,
      %add3A_332 = arith.addf %get3A_329, %get3A_331 : vector<16xf32>
      %gt3A = arith.constant 0.000000e+00 : f32
      %gt3A_333 = vector.broadcast %gt3A : f32 to vector<16xf32>
      %gt3A_334 = arith.cmpf ogt, %add3A_332, %gt3A_333 : vector<16xf32>
      %mul3A_335 = arith.constant 2.000000e-01 : f32
      %mul3A_336 = vector.broadcast %mul3A_335 : f32 to vector<16xf32>
      %mul3A_337 = arith.mulf %mul3A_336, %add3A_332 : vector<16xf32>
      %select_n3A = arith.select %gt3A_334, %add3A_332, %mul3A_337 : vector<16xi1>, vector<16xf32>
      %exp3A = math.exp %select_n3A : vector<16xf32>
      %swap3A_338 = arith.constant 0 : index
      %swap3A_339 = tpu.vector_load %arg19[%swap3A_338] {strides = array<i32>} : memref<128xf32, #tpu.memory_space<vmem>>, vector<16xf32>,
      tpu.vector_store %arg19[%swap3A_338], %exp3A {strides = array<i32>} : memref<128xf32, #tpu.memory_space<vmem>>, vector<16xf32>,
      %get3A_340 = arith.constant 0 : index
      %get3A_341 = tpu.vector_load %arg17[%get3A_340] {strides = array<i32>} : memref<128xf32, #tpu.memory_space<vmem>>, vector<16xf32>,
      %get3A_342 = arith.constant 0 : index
      %get3A_343 = tpu.vector_load %arg18[%get3A_342] {strides = array<i32>} : memref<128xf32, #tpu.memory_space<vmem>>, vector<16xf32>,
      %add3A_344 = arith.addf %get3A_341, %get3A_343 : vector<16xf32>
      %gt3A_345 = arith.constant 0.000000e+00 : f32
      %gt3A_346 = vector.broadcast %gt3A_345 : f32 to vector<16xf32>
      %gt3A_347 = arith.cmpf ogt, %add3A_344, %gt3A_346 : vector<16xf32>
      %mul3A_348 = arith.constant 2.000000e-01 : f32
      %mul3A_349 = vector.broadcast %mul3A_348 : f32 to vector<16xf32>
      %mul3A_350 = arith.mulf %mul3A_349, %add3A_344 : vector<16xf32>
      %select_n3A_351 = arith.select %gt3A_347, %add3A_344, %mul3A_350 : vector<16xi1>, vector<16xf32>
      %exp3A_352 = math.exp %select_n3A_351 : vector<16xf32>
      %swap3A_353 = arith.constant 0 : index
      %swap3A_354 = tpu.vector_load %arg20[%swap3A_353] {strides = array<i32>} : memref<128xf32, #tpu.memory_space<vmem>>, vector<16xf32>,
      tpu.vector_store %arg20[%swap3A_353], %exp3A_352 {strides = array<i32>} : memref<128xf32, #tpu.memory_space<vmem>>, vector<16xf32>,
      %get3A_355 = arith.constant 16 : index
      %get3A_356 = tpu.vector_load %arg15[%get3A_355] {strides = array<i32>} : memref<128xf32, #tpu.memory_space<vmem>>, vector<16xf32>,
      %get3A_357 = arith.constant 16 : index
      %get3A_358 = tpu.vector_load %arg16[%get3A_357] {strides = array<i32>} : memref<128xf32, #tpu.memory_space<vmem>>, vector<16xf32>,
      %add3A_359 = arith.addf %get3A_356, %get3A_358 : vector<16xf32>
      %gt3A_360 = arith.constant 0.000000e+00 : f32
      %gt3A_361 = vector.broadcast %gt3A_360 : f32 to vector<16xf32>
      %gt3A_362 = arith.cmpf ogt, %add3A_359, %gt3A_361 : vector<16xf32>
      %mul3A_363 = arith.constant 2.000000e-01 : f32
      %mul3A_364 = vector.broadcast %mul3A_363 : f32 to vector<16xf32>
      %mul3A_365 = arith.mulf %mul3A_364, %add3A_359 : vector<16xf32>
      %select_n3A_366 = arith.select %gt3A_362, %add3A_359, %mul3A_365 : vector<16xi1>, vector<16xf32>
      %exp3A_367 = math.exp %select_n3A_366 : vector<16xf32>
      %swap3A_368 = arith.constant 16 : index
      %swap3A_369 = tpu.vector_load %arg19[%swap3A_368] {strides = array<i32>} : memref<128xf32, #tpu.memory_space<vmem>>, vector<16xf32>,
      tpu.vector_store %arg19[%swap3A_368], %exp3A_367 {strides = array<i32>} : memref<128xf32, #tpu.memory_space<vmem>>, vector<16xf32>,
      %get3A_370 = arith.constant 16 : index
      %get3A_371 = tpu.vector_load %arg17[%get3A_370] {strides = array<i32>} : memref<128xf32, #tpu.memory_space<vmem>>, vector<16xf32>,
      %get3A_372 = arith.constant 16 : index
      %get3A_373 = tpu.vector_load %arg18[%get3A_372] {strides = array<i32>} : memref<128xf32, #tpu.memory_space<vmem>>, vector<16xf32>,
      %add3A_374 = arith.addf %get3A_371, %get3A_373 : vector<16xf32>
      %gt3A_375 = arith.constant 0.000000e+00 : f32
      %gt3A_376 = vector.broadcast %gt3A_375 : f32 to vector<16xf32>
      %gt3A_377 = arith.cmpf ogt, %add3A_374, %gt3A_376 : vector<16xf32>
      %mul3A_378 = arith.constant 2.000000e-01 : f32
      %mul3A_379 = vector.broadcast %mul3A_378 : f32 to vector<16xf32>
      %mul3A_380 = arith.mulf %mul3A_379, %add3A_374 : vector<16xf32>
      %select_n3A_381 = arith.select %gt3A_377, %add3A_374, %mul3A_380 : vector<16xi1>, vector<16xf32>
      %exp3A_382 = math.exp %select_n3A_381 : vector<16xf32>
      %swap3A_383 = arith.constant 16 : index
      %swap3A_384 = tpu.vector_load %arg20[%swap3A_383] {strides = array<i32>} : memref<128xf32, #tpu.memory_space<vmem>>, vector<16xf32>,
      tpu.vector_store %arg20[%swap3A_383], %exp3A_382 {strides = array<i32>} : memref<128xf32, #tpu.memory_space<vmem>>, vector<16xf32>,
      %get3A_385 = arith.constant 32 : index
      %get3A_386 = tpu.vector_load %arg15[%get3A_385] {strides = array<i32>} : memref<128xf32, #tpu.memory_space<vmem>>, vector<16xf32>,
      %get3A_387 = arith.constant 32 : index
      %get3A_388 = tpu.vector_load %arg16[%get3A_387] {strides = array<i32>} : memref<128xf32, #tpu.memory_space<vmem>>, vector<16xf32>,
      %add3A_389 = arith.addf %get3A_386, %get3A_388 : vector<16xf32>
      %gt3A_390 = arith.constant 0.000000e+00 : f32
      %gt3A_391 = vector.broadcast %gt3A_390 : f32 to vector<16xf32>
      %gt3A_392 = arith.cmpf ogt, %add3A_389, %gt3A_391 : vector<16xf32>
      %mul3A_393 = arith.constant 2.000000e-01 : f32
      %mul3A_394 = vector.broadcast %mul3A_393 : f32 to vector<16xf32>
      %mul3A_395 = arith.mulf %mul3A_394, %add3A_389 : vector<16xf32>
      %select_n3A_396 = arith.select %gt3A_392, %add3A_389, %mul3A_395 : vector<16xi1>, vector<16xf32>
      %exp3A_397 = math.exp %select_n3A_396 : vector<16xf32>
      %swap3A_398 = arith.constant 32 : index
      %swap3A_399 = tpu.vector_load %arg19[%swap3A_398] {strides = array<i32>} : memref<128xf32, #tpu.memory_space<vmem>>, vector<16xf32>,
      tpu.vector_store %arg19[%swap3A_398], %exp3A_397 {strides = array<i32>} : memref<128xf32, #tpu.memory_space<vmem>>, vector<16xf32>,
      %get3A_400 = arith.constant 32 : index
      %get3A_401 = tpu.vector_load %arg17[%get3A_400] {strides = array<i32>} : memref<128xf32, #tpu.memory_space<vmem>>, vector<16xf32>,
      %get3A_402 = arith.constant 32 : index
      %get3A_403 = tpu.vector_load %arg18[%get3A_402] {strides = array<i32>} : memref<128xf32, #tpu.memory_space<vmem>>, vector<16xf32>,
      %add3A_404 = arith.addf %get3A_401, %get3A_403 : vector<16xf32>
      %gt3A_405 = arith.constant 0.000000e+00 : f32
      %gt3A_406 = vector.broadcast %gt3A_405 : f32 to vector<16xf32>
      %gt3A_407 = arith.cmpf ogt, %add3A_404, %gt3A_406 : vector<16xf32>
      %mul3A_408 = arith.constant 2.000000e-01 : f32
      %mul3A_409 = vector.broadcast %mul3A_408 : f32 to vector<16xf32>
      %mul3A_410 = arith.mulf %mul3A_409, %add3A_404 : vector<16xf32>
      %select_n3A_411 = arith.select %gt3A_407, %add3A_404, %mul3A_410 : vector<16xi1>, vector<16xf32>
      %exp3A_412 = math.exp %select_n3A_411 : vector<16xf32>
      %swap3A_413 = arith.constant 32 : index
      %swap3A_414 = tpu.vector_load %arg20[%swap3A_413] {strides = array<i32>} : memref<128xf32, #tpu.memory_space<vmem>>, vector<16xf32>,
      tpu.vector_store %arg20[%swap3A_413], %exp3A_412 {strides = array<i32>} : memref<128xf32, #tpu.memory_space<vmem>>, vector<16xf32>,
      %get3A_415 = arith.constant 48 : index
      %get3A_416 = tpu.vector_load %arg15[%get3A_415] {strides = array<i32>} : memref<128xf32, #tpu.memory_space<vmem>>, vector<16xf32>,
      %get3A_417 = arith.constant 48 : index
      %get3A_418 = tpu.vector_load %arg16[%get3A_417] {strides = array<i32>} : memref<128xf32, #tpu.memory_space<vmem>>, vector<16xf32>,
      %add3A_419 = arith.addf %get3A_416, %get3A_418 : vector<16xf32>
      %gt3A_420 = arith.constant 0.000000e+00 : f32
      %gt3A_421 = vector.broadcast %gt3A_420 : f32 to vector<16xf32>
      %gt3A_422 = arith.cmpf ogt, %add3A_419, %gt3A_421 : vector<16xf32>
      %mul3A_423 = arith.constant 2.000000e-01 : f32
      %mul3A_424 = vector.broadcast %mul3A_423 : f32 to vector<16xf32>
      %mul3A_425 = arith.mulf %mul3A_424, %add3A_419 : vector<16xf32>
      %select_n3A_426 = arith.select %gt3A_422, %add3A_419, %mul3A_425 : vector<16xi1>, vector<16xf32>
      %exp3A_427 = math.exp %select_n3A_426 : vector<16xf32>
      %swap3A_428 = arith.constant 48 : index
      %swap3A_429 = tpu.vector_load %arg19[%swap3A_428] {strides = array<i32>} : memref<128xf32, #tpu.memory_space<vmem>>, vector<16xf32>,
      tpu.vector_store %arg19[%swap3A_428], %exp3A_427 {strides = array<i32>} : memref<128xf32, #tpu.memory_space<vmem>>, vector<16xf32>,
      %get3A_430 = arith.constant 48 : index
      %get3A_431 = tpu.vector_load %arg17[%get3A_430] {strides = array<i32>} : memref<128xf32, #tpu.memory_space<vmem>>, vector<16xf32>,
      %get3A_432 = arith.constant 48 : index
      %get3A_433 = tpu.vector_load %arg18[%get3A_432] {strides = array<i32>} : memref<128xf32, #tpu.memory_space<vmem>>, vector<16xf32>,
      %add3A_434 = arith.addf %get3A_431, %get3A_433 : vector<16xf32>
      %gt3A_435 = arith.constant 0.000000e+00 : f32
      %gt3A_436 = vector.broadcast %gt3A_435 : f32 to vector<16xf32>
      %gt3A_437 = arith.cmpf ogt, %add3A_434, %gt3A_436 : vector<16xf32>
      %mul3A_438 = arith.constant 2.000000e-01 : f32
      %mul3A_439 = vector.broadcast %mul3A_438 : f32 to vector<16xf32>
      %mul3A_440 = arith.mulf %mul3A_439, %add3A_434 : vector<16xf32>
      %select_n3A_441 = arith.select %gt3A_437, %add3A_434, %mul3A_440 : vector<16xi1>, vector<16xf32>
      %exp3A_442 = math.exp %select_n3A_441 : vector<16xf32>
      %swap3A_443 = arith.constant 48 : index
      %swap3A_444 = tpu.vector_load %arg20[%swap3A_443] {strides = array<i32>} : memref<128xf32, #tpu.memory_space<vmem>>, vector<16xf32>,
      tpu.vector_store %arg20[%swap3A_443], %exp3A_442 {strides = array<i32>} : memref<128xf32, #tpu.memory_space<vmem>>, vector<16xf32>,
      %get3A_445 = arith.constant 64 : index
      %get3A_446 = tpu.vector_load %arg15[%get3A_445] {strides = array<i32>} : memref<128xf32, #tpu.memory_space<vmem>>, vector<16xf32>,
      %get3A_447 = arith.constant 64 : index
      %get3A_448 = tpu.vector_load %arg16[%get3A_447] {strides = array<i32>} : memref<128xf32, #tpu.memory_space<vmem>>, vector<16xf32>,
      %add3A_449 = arith.addf %get3A_446, %get3A_448 : vector<16xf32>
      %gt3A_450 = arith.constant 0.000000e+00 : f32
      %gt3A_451 = vector.broadcast %gt3A_450 : f32 to vector<16xf32>
      %gt3A_452 = arith.cmpf ogt, %add3A_449, %gt3A_451 : vector<16xf32>
      %mul3A_453 = arith.constant 2.000000e-01 : f32
      %mul3A_454 = vector.broadcast %mul3A_453 : f32 to vector<16xf32>
      %mul3A_455 = arith.mulf %mul3A_454, %add3A_449 : vector<16xf32>
      %select_n3A_456 = arith.select %gt3A_452, %add3A_449, %mul3A_455 : vector<16xi1>, vector<16xf32>
      %exp3A_457 = math.exp %select_n3A_456 : vector<16xf32>
      %swap3A_458 = arith.constant 64 : index
      %swap3A_459 = tpu.vector_load %arg19[%swap3A_458] {strides = array<i32>} : memref<128xf32, #tpu.memory_space<vmem>>, vector<16xf32>,
      tpu.vector_store %arg19[%swap3A_458], %exp3A_457 {strides = array<i32>} : memref<128xf32, #tpu.memory_space<vmem>>, vector<16xf32>,
      %get3A_460 = arith.constant 64 : index
      %get3A_461 = tpu.vector_load %arg17[%get3A_460] {strides = array<i32>} : memref<128xf32, #tpu.memory_space<vmem>>, vector<16xf32>,
      %get3A_462 = arith.constant 64 : index
      %get3A_463 = tpu.vector_load %arg18[%get3A_462] {strides = array<i32>} : memref<128xf32, #tpu.memory_space<vmem>>, vector<16xf32>,
      %add3A_464 = arith.addf %get3A_461, %get3A_463 : vector<16xf32>
      %gt3A_465 = arith.constant 0.000000e+00 : f32
      %gt3A_466 = vector.broadcast %gt3A_465 : f32 to vector<16xf32>
      %gt3A_467 = arith.cmpf ogt, %add3A_464, %gt3A_466 : vector<16xf32>
      %mul3A_468 = arith.constant 2.000000e-01 : f32
      %mul3A_469 = vector.broadcast %mul3A_468 : f32 to vector<16xf32>
      %mul3A_470 = arith.mulf %mul3A_469, %add3A_464 : vector<16xf32>
      %select_n3A_471 = arith.select %gt3A_467, %add3A_464, %mul3A_470 : vector<16xi1>, vector<16xf32>
      %exp3A_472 = math.exp %select_n3A_471 : vector<16xf32>
      %swap3A_473 = arith.constant 64 : index
      %swap3A_474 = tpu.vector_load %arg20[%swap3A_473] {strides = array<i32>} : memref<128xf32, #tpu.memory_space<vmem>>, vector<16xf32>,
      tpu.vector_store %arg20[%swap3A_473], %exp3A_472 {strides = array<i32>} : memref<128xf32, #tpu.memory_space<vmem>>, vector<16xf32>,
      %get3A_475 = arith.constant 80 : index
      %get3A_476 = tpu.vector_load %arg15[%get3A_475] {strides = array<i32>} : memref<128xf32, #tpu.memory_space<vmem>>, vector<16xf32>,
      %get3A_477 = arith.constant 80 : index
      %get3A_478 = tpu.vector_load %arg16[%get3A_477] {strides = array<i32>} : memref<128xf32, #tpu.memory_space<vmem>>, vector<16xf32>,
      %add3A_479 = arith.addf %get3A_476, %get3A_478 : vector<16xf32>
      %gt3A_480 = arith.constant 0.000000e+00 : f32
      %gt3A_481 = vector.broadcast %gt3A_480 : f32 to vector<16xf32>
      %gt3A_482 = arith.cmpf ogt, %add3A_479, %gt3A_481 : vector<16xf32>
      %mul3A_483 = arith.constant 2.000000e-01 : f32
      %mul3A_484 = vector.broadcast %mul3A_483 : f32 to vector<16xf32>
      %mul3A_485 = arith.mulf %mul3A_484, %add3A_479 : vector<16xf32>
      %select_n3A_486 = arith.select %gt3A_482, %add3A_479, %mul3A_485 : vector<16xi1>, vector<16xf32>
      %exp3A_487 = math.exp %select_n3A_486 : vector<16xf32>
      %swap3A_488 = arith.constant 80 : index
      %swap3A_489 = tpu.vector_load %arg19[%swap3A_488] {strides = array<i32>} : memref<128xf32, #tpu.memory_space<vmem>>, vector<16xf32>,
      tpu.vector_store %arg19[%swap3A_488], %exp3A_487 {strides = array<i32>} : memref<128xf32, #tpu.memory_space<vmem>>, vector<16xf32>,
      %get3A_490 = arith.constant 80 : index
      %get3A_491 = tpu.vector_load %arg17[%get3A_490] {strides = array<i32>} : memref<128xf32, #tpu.memory_space<vmem>>, vector<16xf32>,
      %get3A_492 = arith.constant 80 : index
      %get3A_493 = tpu.vector_load %arg18[%get3A_492] {strides = array<i32>} : memref<128xf32, #tpu.memory_space<vmem>>, vector<16xf32>,
      %add3A_494 = arith.addf %get3A_491, %get3A_493 : vector<16xf32>
      %gt3A_495 = arith.constant 0.000000e+00 : f32
      %gt3A_496 = vector.broadcast %gt3A_495 : f32 to vector<16xf32>
      %gt3A_497 = arith.cmpf ogt, %add3A_494, %gt3A_496 : vector<16xf32>
      %mul3A_498 = arith.constant 2.000000e-01 : f32
      %mul3A_499 = vector.broadcast %mul3A_498 : f32 to vector<16xf32>
      %mul3A_500 = arith.mulf %mul3A_499, %add3A_494 : vector<16xf32>
      %select_n3A_501 = arith.select %gt3A_497, %add3A_494, %mul3A_500 : vector<16xi1>, vector<16xf32>
      %exp3A_502 = math.exp %select_n3A_501 : vector<16xf32>
      %swap3A_503 = arith.constant 80 : index
      %swap3A_504 = tpu.vector_load %arg20[%swap3A_503] {strides = array<i32>} : memref<128xf32, #tpu.memory_space<vmem>>, vector<16xf32>,
      tpu.vector_store %arg20[%swap3A_503], %exp3A_502 {strides = array<i32>} : memref<128xf32, #tpu.memory_space<vmem>>, vector<16xf32>,
      %get3A_505 = arith.constant 96 : index
      %get3A_506 = tpu.vector_load %arg15[%get3A_505] {strides = array<i32>} : memref<128xf32, #tpu.memory_space<vmem>>, vector<16xf32>,
      %get3A_507 = arith.constant 96 : index
      %get3A_508 = tpu.vector_load %arg16[%get3A_507] {strides = array<i32>} : memref<128xf32, #tpu.memory_space<vmem>>, vector<16xf32>,
      %add3A_509 = arith.addf %get3A_506, %get3A_508 : vector<16xf32>
      %gt3A_510 = arith.constant 0.000000e+00 : f32
      %gt3A_511 = vector.broadcast %gt3A_510 : f32 to vector<16xf32>
      %gt3A_512 = arith.cmpf ogt, %add3A_509, %gt3A_511 : vector<16xf32>
      %mul3A_513 = arith.constant 2.000000e-01 : f32
      %mul3A_514 = vector.broadcast %mul3A_513 : f32 to vector<16xf32>
      %mul3A_515 = arith.mulf %mul3A_514, %add3A_509 : vector<16xf32>
      %select_n3A_516 = arith.select %gt3A_512, %add3A_509, %mul3A_515 : vector<16xi1>, vector<16xf32>
      %exp3A_517 = math.exp %select_n3A_516 : vector<16xf32>
      %swap3A_518 = arith.constant 96 : index
      %swap3A_519 = tpu.vector_load %arg19[%swap3A_518] {strides = array<i32>} : memref<128xf32, #tpu.memory_space<vmem>>, vector<16xf32>,
      tpu.vector_store %arg19[%swap3A_518], %exp3A_517 {strides = array<i32>} : memref<128xf32, #tpu.memory_space<vmem>>, vector<16xf32>,
      %get3A_520 = arith.constant 96 : index
      %get3A_521 = tpu.vector_load %arg17[%get3A_520] {strides = array<i32>} : memref<128xf32, #tpu.memory_space<vmem>>, vector<16xf32>,
      %get3A_522 = arith.constant 96 : index
      %get3A_523 = tpu.vector_load %arg18[%get3A_522] {strides = array<i32>} : memref<128xf32, #tpu.memory_space<vmem>>, vector<16xf32>,
      %add3A_524 = arith.addf %get3A_521, %get3A_523 : vector<16xf32>
      %gt3A_525 = arith.constant 0.000000e+00 : f32
      %gt3A_526 = vector.broadcast %gt3A_525 : f32 to vector<16xf32>
      %gt3A_527 = arith.cmpf ogt, %add3A_524, %gt3A_526 : vector<16xf32>
      %mul3A_528 = arith.constant 2.000000e-01 : f32
      %mul3A_529 = vector.broadcast %mul3A_528 : f32 to vector<16xf32>
      %mul3A_530 = arith.mulf %mul3A_529, %add3A_524 : vector<16xf32>
      %select_n3A_531 = arith.select %gt3A_527, %add3A_524, %mul3A_530 : vector<16xi1>, vector<16xf32>
      %exp3A_532 = math.exp %select_n3A_531 : vector<16xf32>
      %swap3A_533 = arith.constant 96 : index
      %swap3A_534 = tpu.vector_load %arg20[%swap3A_533] {strides = array<i32>} : memref<128xf32, #tpu.memory_space<vmem>>, vector<16xf32>,
      tpu.vector_store %arg20[%swap3A_533], %exp3A_532 {strides = array<i32>} : memref<128xf32, #tpu.memory_space<vmem>>, vector<16xf32>,
      %get3A_535 = arith.constant 112 : index
      %get3A_536 = tpu.vector_load %arg15[%get3A_535] {strides = array<i32>} : memref<128xf32, #tpu.memory_space<vmem>>, vector<16xf32>,
      %get3A_537 = arith.constant 112 : index
      %get3A_538 = tpu.vector_load %arg16[%get3A_537] {strides = array<i32>} : memref<128xf32, #tpu.memory_space<vmem>>, vector<16xf32>,
      %add3A_539 = arith.addf %get3A_536, %get3A_538 : vector<16xf32>
      %gt3A_540 = arith.constant 0.000000e+00 : f32
      %gt3A_541 = vector.broadcast %gt3A_540 : f32 to vector<16xf32>
      %gt3A_542 = arith.cmpf ogt, %add3A_539, %gt3A_541 : vector<16xf32>
      %mul3A_543 = arith.constant 2.000000e-01 : f32
      %mul3A_544 = vector.broadcast %mul3A_543 : f32 to vector<16xf32>
      %mul3A_545 = arith.mulf %mul3A_544, %add3A_539 : vector<16xf32>
      %select_n3A_546 = arith.select %gt3A_542, %add3A_539, %mul3A_545 : vector<16xi1>, vector<16xf32>
      %exp3A_547 = math.exp %select_n3A_546 : vector<16xf32>
      %swap3A_548 = arith.constant 112 : index
      %swap3A_549 = tpu.vector_load %arg19[%swap3A_548] {strides = array<i32>} : memref<128xf32, #tpu.memory_space<vmem>>, vector<16xf32>,
      tpu.vector_store %arg19[%swap3A_548], %exp3A_547 {strides = array<i32>} : memref<128xf32, #tpu.memory_space<vmem>>, vector<16xf32>,
      %get3A_550 = arith.constant 112 : index
      %get3A_551 = tpu.vector_load %arg17[%get3A_550] {strides = array<i32>} : memref<128xf32, #tpu.memory_space<vmem>>, vector<16xf32>,
      %get3A_552 = arith.constant 112 : index
      %get3A_553 = tpu.vector_load %arg18[%get3A_552] {strides = array<i32>} : memref<128xf32, #tpu.memory_space<vmem>>, vector<16xf32>,
      %add3A_554 = arith.addf %get3A_551, %get3A_553 : vector<16xf32>
      %gt3A_555 = arith.constant 0.000000e+00 : f32
      %gt3A_556 = vector.broadcast %gt3A_555 : f32 to vector<16xf32>
      %gt3A_557 = arith.cmpf ogt, %add3A_554, %gt3A_556 : vector<16xf32>
      %mul3A_558 = arith.constant 2.000000e-01 : f32
      %mul3A_559 = vector.broadcast %mul3A_558 : f32 to vector<16xf32>
      %mul3A_560 = arith.mulf %mul3A_559, %add3A_554 : vector<16xf32>
      %select_n3A_561 = arith.select %gt3A_557, %add3A_554, %mul3A_560 : vector<16xi1>, vector<16xf32>
      %exp3A_562 = math.exp %select_n3A_561 : vector<16xf32>
      %swap3A_563 = arith.constant 112 : index
      %swap3A_564 = tpu.vector_load %arg20[%swap3A_563] {strides = array<i32>} : memref<128xf32, #tpu.memory_space<vmem>>, vector<16xf32>,
      tpu.vector_store %arg20[%swap3A_563], %exp3A_562 {strides = array<i32>} : memref<128xf32, #tpu.memory_space<vmem>>, vector<16xf32>,
      "tpu.region"() ({
        %run_scoped3A = tpu.sem_alloc : memref<!tpu.dma_semaphore, #tpu.memory_space<semaphore_mem>>
        %dma_start3A_576 = arith.constant 0 : i32
        %dma_start3A_577 = tpu.memref_slice %arg10[%add3A_53, %dma_start3A_576] : memref<81x128xi32, #tpu.memory_space<vmem>> -> memref<1x128xi32, #tpu.memory_space<vmem>>
        %dma_start3A_578 = tpu.memref_squeeze %dma_start3A_577 : memref<1x128xi32, #tpu.memory_space<vmem>> -> memref<128xi32, #tpu.memory_space<vmem>>
        %dma_start3A_579 = arith.constant 0 : i32
        %dma_start3A_580 = tpu.memref_slice %arg24[%dma_start3A_579] : memref<10240xf32, #tpu.memory_space<vmem_shared>> -> memref<10240xf32, #tpu.memory_space<vmem_shared>>
        tpu.enqueue_indirect_dma source(%arg19 : memref<128xf32, #tpu.memory_space<vmem>>) target(%dma_start3A_580 : memref<10240xf32, #tpu.memory_space<vmem_shared>>) offsets(%dma_start3A_578 : memref<128xi32, #tpu.memory_space<vmem>>) semaphore(%run_scoped3A : memref<!tpu.dma_semaphore, #tpu.memory_space<semaphore_mem>>) {add = true}
        %dma_wait3A_581 = arith.constant 0 : i32
        %dma_wait3A_582 = tpu.memref_slice %arg10[%add3A_53, %dma_wait3A_581] : memref<81x128xi32, #tpu.memory_space<vmem>> -> memref<1x128xi32, #tpu.memory_space<vmem>>
        %dma_wait3A_583 = tpu.memref_squeeze %dma_wait3A_582 : memref<1x128xi32, #tpu.memory_space<vmem>> -> memref<128xi32, #tpu.memory_space<vmem>>
        %dma_wait3A_584 = arith.constant 0 : i32
        %dma_wait3A_585 = tpu.memref_slice %arg24[%dma_wait3A_584] : memref<10240xf32, #tpu.memory_space<vmem_shared>> -> memref<10240xf32, #tpu.memory_space<vmem_shared>>
        tpu.wait_indirect_dma semaphore(%run_scoped3A : memref<!tpu.dma_semaphore, #tpu.memory_space<semaphore_mem>>) src(%arg19 : memref<128xf32, #tpu.memory_space<vmem>>) dst(%dma_wait3A_585 : memref<10240xf32, #tpu.memory_space<vmem_shared>>)
        tpu.yield
      }) : () -> ()
      "tpu.region"() ({
        %run_scoped3A = tpu.sem_alloc : memref<!tpu.dma_semaphore, #tpu.memory_space<semaphore_mem>>
        %dma_start3A_576 = arith.constant 0 : i32
        %dma_start3A_577 = tpu.memref_slice %arg10[%add3A_53, %dma_start3A_576] : memref<81x128xi32, #tpu.memory_space<vmem>> -> memref<1x128xi32, #tpu.memory_space<vmem>>
        %dma_start3A_578 = tpu.memref_squeeze %dma_start3A_577 : memref<1x128xi32, #tpu.memory_space<vmem>> -> memref<128xi32, #tpu.memory_space<vmem>>
        %dma_start3A_579 = arith.constant 0 : i32
        %dma_start3A_580 = tpu.memref_slice %arg25[%dma_start3A_579] : memref<10240xf32, #tpu.memory_space<vmem_shared>> -> memref<10240xf32, #tpu.memory_space<vmem_shared>>
        tpu.enqueue_indirect_dma source(%arg20 : memref<128xf32, #tpu.memory_space<vmem>>) target(%dma_start3A_580 : memref<10240xf32, #tpu.memory_space<vmem_shared>>) offsets(%dma_start3A_578 : memref<128xi32, #tpu.memory_space<vmem>>) semaphore(%run_scoped3A : memref<!tpu.dma_semaphore, #tpu.memory_space<semaphore_mem>>) {add = true}
        %dma_wait3A_581 = arith.constant 0 : i32
        %dma_wait3A_582 = tpu.memref_slice %arg10[%add3A_53, %dma_wait3A_581] : memref<81x128xi32, #tpu.memory_space<vmem>> -> memref<1x128xi32, #tpu.memory_space<vmem>>
        %dma_wait3A_583 = tpu.memref_squeeze %dma_wait3A_582 : memref<1x128xi32, #tpu.memory_space<vmem>> -> memref<128xi32, #tpu.memory_space<vmem>>
        %dma_wait3A_584 = arith.constant 0 : i32
        %dma_wait3A_585 = tpu.memref_slice %arg25[%dma_wait3A_584] : memref<10240xf32, #tpu.memory_space<vmem_shared>> -> memref<10240xf32, #tpu.memory_space<vmem_shared>>
        tpu.wait_indirect_dma semaphore(%run_scoped3A : memref<!tpu.dma_semaphore, #tpu.memory_space<semaphore_mem>>) src(%arg20 : memref<128xf32, #tpu.memory_space<vmem>>) dst(%dma_wait3A_585 : memref<10240xf32, #tpu.memory_space<vmem_shared>>)
        tpu.yield
      }) : () -> ()
      %dma_wait3A_565 = arith.constant 0 : i32
      %dma_wait3A_566 = tpu.memref_slice %arg9[%add3A_53, %dma_wait3A_565] : memref<81x128xi32, #tpu.memory_space<vmem>> -> memref<1x128xi32, #tpu.memory_space<vmem>>
      %dma_wait3A_567 = tpu.memref_squeeze %dma_wait3A_566 : memref<1x128xi32, #tpu.memory_space<vmem>> -> memref<128xi32, #tpu.memory_space<vmem>>
      %dma_wait3A_568 = arith.constant 0 : i32
      %dma_wait3A_569 = arith.constant 0 : i32
      %dma_wait3A_570 = tpu.memref_slice %arg2[%dma_wait3A_568, %dma_wait3A_569] : memref<10000x128xf32, #tpu.memory_space<hbm>> -> memref<10000x128xf32, #tpu.memory_space<hbm>>
      tpu.wait_indirect_dma semaphore(%arg27 : memref<!tpu.dma_semaphore, #tpu.memory_space<semaphore_mem>>) src(%dma_wait3A_570 : memref<10000x128xf32, #tpu.memory_space<hbm>>) dst(%arg21 : memref<128x128xf32, #tpu.memory_space<vmem>>)
      %scan3A_571 = arith.constant 0 : i32
      %scan3A_572 = arith.constant 128 : i32
      %scan3A_573 = arith.addi %scan3A_571, %scan3A_572 : i32
      %scan3A_574 = arith.constant 4 : i32
      scf.for %scan3A_576 = %scan3A_571 to %scan3A_573 step %scan3A_574  : i32 {
        %mul3A_577 = arith.constant 1 : i32
        %mul3A_578 = arith.muli %scan3A_576, %mul3A_577 : i32
        %add3A_579 = arith.constant 0 : i32
        %add3A_580 = arith.addi %add3A_579, %mul3A_578 : i32
        %broadcast_in_dim3A_581 = arith.constant 0 : i32
        %broadcast_in_dim3A_582 = vector.broadcast %broadcast_in_dim3A_581 : i32 to vector<16xi32>
        %add3A_583 = vector.broadcast %add3A_580 : i32 to vector<16xi32>
        %add3A_584 = arith.addi %broadcast_in_dim3A_582, %add3A_583 : vector<16xi32>
        %gather3A = tpu.vector_load_idx %arg19[%add3A_584] : memref<128xf32, #tpu.memory_space<vmem>>[vector<16xi32>], vector<16xf32>,
        %get3A_585 = arith.index_cast %add3A_580 : i32 to index
        %get3A_586 = arith.constant 0 : index
        %get3A_587 = tpu.vector_load %arg21[%get3A_585, %get3A_586] {strides = array<i32>} : memref<128x128xf32, #tpu.memory_space<vmem>>, vector<16xf32>,
        %mul3A_588 = arith.mulf %get3A_587, %gather3A : vector<16xf32>
        %swap3A_589 = arith.index_cast %add3A_580 : i32 to index
        %swap3A_590 = arith.constant 0 : index
        %swap3A_591 = tpu.vector_load %arg21[%swap3A_589, %swap3A_590] {strides = array<i32>} : memref<128x128xf32, #tpu.memory_space<vmem>>, vector<16xf32>,
        tpu.vector_store %arg21[%swap3A_589, %swap3A_590], %mul3A_588 {strides = array<i32>} : memref<128x128xf32, #tpu.memory_space<vmem>>, vector<16xf32>,
        %get3A_592 = arith.index_cast %add3A_580 : i32 to index
        %get3A_593 = arith.constant 16 : index
        %get3A_594 = tpu.vector_load %arg21[%get3A_592, %get3A_593] {strides = array<i32>} : memref<128x128xf32, #tpu.memory_space<vmem>>, vector<16xf32>,
        %mul3A_595 = arith.mulf %get3A_594, %gather3A : vector<16xf32>
        %swap3A_596 = arith.index_cast %add3A_580 : i32 to index
        %swap3A_597 = arith.constant 16 : index
        %swap3A_598 = tpu.vector_load %arg21[%swap3A_596, %swap3A_597] {strides = array<i32>} : memref<128x128xf32, #tpu.memory_space<vmem>>, vector<16xf32>,
        tpu.vector_store %arg21[%swap3A_596, %swap3A_597], %mul3A_595 {strides = array<i32>} : memref<128x128xf32, #tpu.memory_space<vmem>>, vector<16xf32>,
        %get3A_599 = arith.index_cast %add3A_580 : i32 to index
        %get3A_600 = arith.constant 32 : index
        %get3A_601 = tpu.vector_load %arg21[%get3A_599, %get3A_600] {strides = array<i32>} : memref<128x128xf32, #tpu.memory_space<vmem>>, vector<16xf32>,
        %mul3A_602 = arith.mulf %get3A_601, %gather3A : vector<16xf32>
        %swap3A_603 = arith.index_cast %add3A_580 : i32 to index
        %swap3A_604 = arith.constant 32 : index
        %swap3A_605 = tpu.vector_load %arg21[%swap3A_603, %swap3A_604] {strides = array<i32>} : memref<128x128xf32, #tpu.memory_space<vmem>>, vector<16xf32>,
        tpu.vector_store %arg21[%swap3A_603, %swap3A_604], %mul3A_602 {strides = array<i32>} : memref<128x128xf32, #tpu.memory_space<vmem>>, vector<16xf32>,
        %get3A_606 = arith.index_cast %add3A_580 : i32 to index
        %get3A_607 = arith.constant 48 : index
        %get3A_608 = tpu.vector_load %arg21[%get3A_606, %get3A_607] {strides = array<i32>} : memref<128x128xf32, #tpu.memory_space<vmem>>, vector<16xf32>,
        %mul3A_609 = arith.mulf %get3A_608, %gather3A : vector<16xf32>
        %swap3A_610 = arith.index_cast %add3A_580 : i32 to index
        %swap3A_611 = arith.constant 48 : index
        %swap3A_612 = tpu.vector_load %arg21[%swap3A_610, %swap3A_611] {strides = array<i32>} : memref<128x128xf32, #tpu.memory_space<vmem>>, vector<16xf32>,
        tpu.vector_store %arg21[%swap3A_610, %swap3A_611], %mul3A_609 {strides = array<i32>} : memref<128x128xf32, #tpu.memory_space<vmem>>, vector<16xf32>,
        %gather3A_613 = tpu.vector_load_idx %arg20[%add3A_584] : memref<128xf32, #tpu.memory_space<vmem>>[vector<16xi32>], vector<16xf32>,
        %get3A_614 = arith.index_cast %add3A_580 : i32 to index
        %get3A_615 = arith.constant 64 : index
        %get3A_616 = tpu.vector_load %arg21[%get3A_614, %get3A_615] {strides = array<i32>} : memref<128x128xf32, #tpu.memory_space<vmem>>, vector<16xf32>,
        %mul3A_617 = arith.mulf %get3A_616, %gather3A_613 : vector<16xf32>
        %swap3A_618 = arith.index_cast %add3A_580 : i32 to index
        %swap3A_619 = arith.constant 64 : index
        %swap3A_620 = tpu.vector_load %arg21[%swap3A_618, %swap3A_619] {strides = array<i32>} : memref<128x128xf32, #tpu.memory_space<vmem>>, vector<16xf32>,
        tpu.vector_store %arg21[%swap3A_618, %swap3A_619], %mul3A_617 {strides = array<i32>} : memref<128x128xf32, #tpu.memory_space<vmem>>, vector<16xf32>,
        %get3A_621 = arith.index_cast %add3A_580 : i32 to index
        %get3A_622 = arith.constant 80 : index
        %get3A_623 = tpu.vector_load %arg21[%get3A_621, %get3A_622] {strides = array<i32>} : memref<128x128xf32, #tpu.memory_space<vmem>>, vector<16xf32>,
        %mul3A_624 = arith.mulf %get3A_623, %gather3A_613 : vector<16xf32>
        %swap3A_625 = arith.index_cast %add3A_580 : i32 to index
        %swap3A_626 = arith.constant 80 : index
        %swap3A_627 = tpu.vector_load %arg21[%swap3A_625, %swap3A_626] {strides = array<i32>} : memref<128x128xf32, #tpu.memory_space<vmem>>, vector<16xf32>,
        tpu.vector_store %arg21[%swap3A_625, %swap3A_626], %mul3A_624 {strides = array<i32>} : memref<128x128xf32, #tpu.memory_space<vmem>>, vector<16xf32>,
        %get3A_628 = arith.index_cast %add3A_580 : i32 to index
        %get3A_629 = arith.constant 96 : index
        %get3A_630 = tpu.vector_load %arg21[%get3A_628, %get3A_629] {strides = array<i32>} : memref<128x128xf32, #tpu.memory_space<vmem>>, vector<16xf32>,
        %mul3A_631 = arith.mulf %get3A_630, %gather3A_613 : vector<16xf32>
        %swap3A_632 = arith.index_cast %add3A_580 : i32 to index
        %swap3A_633 = arith.constant 96 : index
        %swap3A_634 = tpu.vector_load %arg21[%swap3A_632, %swap3A_633] {strides = array<i32>} : memref<128x128xf32, #tpu.memory_space<vmem>>, vector<16xf32>,
        tpu.vector_store %arg21[%swap3A_632, %swap3A_633], %mul3A_631 {strides = array<i32>} : memref<128x128xf32, #tpu.memory_space<vmem>>, vector<16xf32>,
        %get3A_635 = arith.index_cast %add3A_580 : i32 to index
        %get3A_636 = arith.constant 112 : index
        %get3A_637 = tpu.vector_load %arg21[%get3A_635, %get3A_636] {strides = array<i32>} : memref<128x128xf32, #tpu.memory_space<vmem>>, vector<16xf32>,
        %mul3A_638 = arith.mulf %get3A_637, %gather3A_613 : vector<16xf32>
        %swap3A_639 = arith.index_cast %add3A_580 : i32 to index
        %swap3A_640 = arith.constant 112 : index
        %swap3A_641 = tpu.vector_load %arg21[%swap3A_639, %swap3A_640] {strides = array<i32>} : memref<128x128xf32, #tpu.memory_space<vmem>>, vector<16xf32>,
        tpu.vector_store %arg21[%swap3A_639, %swap3A_640], %mul3A_638 {strides = array<i32>} : memref<128x128xf32, #tpu.memory_space<vmem>>, vector<16xf32>,
        %scan3A_642 = arith.constant 1 : i32
        %scan3A_643 = arith.addi %scan3A_576, %scan3A_642 : i32
        %mul3A_644 = arith.constant 1 : i32
        %mul3A_645 = arith.muli %scan3A_643, %mul3A_644 : i32
        %add3A_646 = arith.constant 0 : i32
        %add3A_647 = arith.addi %add3A_646, %mul3A_645 : i32
        %broadcast_in_dim3A_648 = arith.constant 0 : i32
        %broadcast_in_dim3A_649 = vector.broadcast %broadcast_in_dim3A_648 : i32 to vector<16xi32>
        %add3A_650 = vector.broadcast %add3A_647 : i32 to vector<16xi32>
        %add3A_651 = arith.addi %broadcast_in_dim3A_649, %add3A_650 : vector<16xi32>
        %gather3A_652 = tpu.vector_load_idx %arg19[%add3A_651] : memref<128xf32, #tpu.memory_space<vmem>>[vector<16xi32>], vector<16xf32>,
        %get3A_653 = arith.index_cast %add3A_647 : i32 to index
        %get3A_654 = arith.constant 0 : index
        %get3A_655 = tpu.vector_load %arg21[%get3A_653, %get3A_654] {strides = array<i32>} : memref<128x128xf32, #tpu.memory_space<vmem>>, vector<16xf32>,
        %mul3A_656 = arith.mulf %get3A_655, %gather3A_652 : vector<16xf32>
        %swap3A_657 = arith.index_cast %add3A_647 : i32 to index
        %swap3A_658 = arith.constant 0 : index
        %swap3A_659 = tpu.vector_load %arg21[%swap3A_657, %swap3A_658] {strides = array<i32>} : memref<128x128xf32, #tpu.memory_space<vmem>>, vector<16xf32>,
        tpu.vector_store %arg21[%swap3A_657, %swap3A_658], %mul3A_656 {strides = array<i32>} : memref<128x128xf32, #tpu.memory_space<vmem>>, vector<16xf32>,
        %get3A_660 = arith.index_cast %add3A_647 : i32 to index
        %get3A_661 = arith.constant 16 : index
        %get3A_662 = tpu.vector_load %arg21[%get3A_660, %get3A_661] {strides = array<i32>} : memref<128x128xf32, #tpu.memory_space<vmem>>, vector<16xf32>,
        %mul3A_663 = arith.mulf %get3A_662, %gather3A_652 : vector<16xf32>
        %swap3A_664 = arith.index_cast %add3A_647 : i32 to index
        %swap3A_665 = arith.constant 16 : index
        %swap3A_666 = tpu.vector_load %arg21[%swap3A_664, %swap3A_665] {strides = array<i32>} : memref<128x128xf32, #tpu.memory_space<vmem>>, vector<16xf32>,
        tpu.vector_store %arg21[%swap3A_664, %swap3A_665], %mul3A_663 {strides = array<i32>} : memref<128x128xf32, #tpu.memory_space<vmem>>, vector<16xf32>,
        %get3A_667 = arith.index_cast %add3A_647 : i32 to index
        %get3A_668 = arith.constant 32 : index
        %get3A_669 = tpu.vector_load %arg21[%get3A_667, %get3A_668] {strides = array<i32>} : memref<128x128xf32, #tpu.memory_space<vmem>>, vector<16xf32>,
        %mul3A_670 = arith.mulf %get3A_669, %gather3A_652 : vector<16xf32>
        %swap3A_671 = arith.index_cast %add3A_647 : i32 to index
        %swap3A_672 = arith.constant 32 : index
        %swap3A_673 = tpu.vector_load %arg21[%swap3A_671, %swap3A_672] {strides = array<i32>} : memref<128x128xf32, #tpu.memory_space<vmem>>, vector<16xf32>,
        tpu.vector_store %arg21[%swap3A_671, %swap3A_672], %mul3A_670 {strides = array<i32>} : memref<128x128xf32, #tpu.memory_space<vmem>>, vector<16xf32>,
        %get3A_674 = arith.index_cast %add3A_647 : i32 to index
        %get3A_675 = arith.constant 48 : index
        %get3A_676 = tpu.vector_load %arg21[%get3A_674, %get3A_675] {strides = array<i32>} : memref<128x128xf32, #tpu.memory_space<vmem>>, vector<16xf32>,
        %mul3A_677 = arith.mulf %get3A_676, %gather3A_652 : vector<16xf32>
        %swap3A_678 = arith.index_cast %add3A_647 : i32 to index
        %swap3A_679 = arith.constant 48 : index
        %swap3A_680 = tpu.vector_load %arg21[%swap3A_678, %swap3A_679] {strides = array<i32>} : memref<128x128xf32, #tpu.memory_space<vmem>>, vector<16xf32>,
        tpu.vector_store %arg21[%swap3A_678, %swap3A_679], %mul3A_677 {strides = array<i32>} : memref<128x128xf32, #tpu.memory_space<vmem>>, vector<16xf32>,
        %gather3A_681 = tpu.vector_load_idx %arg20[%add3A_651] : memref<128xf32, #tpu.memory_space<vmem>>[vector<16xi32>], vector<16xf32>,
        %get3A_682 = arith.index_cast %add3A_647 : i32 to index
        %get3A_683 = arith.constant 64 : index
        %get3A_684 = tpu.vector_load %arg21[%get3A_682, %get3A_683] {strides = array<i32>} : memref<128x128xf32, #tpu.memory_space<vmem>>, vector<16xf32>,
        %mul3A_685 = arith.mulf %get3A_684, %gather3A_681 : vector<16xf32>
        %swap3A_686 = arith.index_cast %add3A_647 : i32 to index
        %swap3A_687 = arith.constant 64 : index
        %swap3A_688 = tpu.vector_load %arg21[%swap3A_686, %swap3A_687] {strides = array<i32>} : memref<128x128xf32, #tpu.memory_space<vmem>>, vector<16xf32>,
        tpu.vector_store %arg21[%swap3A_686, %swap3A_687], %mul3A_685 {strides = array<i32>} : memref<128x128xf32, #tpu.memory_space<vmem>>, vector<16xf32>,
        %get3A_689 = arith.index_cast %add3A_647 : i32 to index
        %get3A_690 = arith.constant 80 : index
        %get3A_691 = tpu.vector_load %arg21[%get3A_689, %get3A_690] {strides = array<i32>} : memref<128x128xf32, #tpu.memory_space<vmem>>, vector<16xf32>,
        %mul3A_692 = arith.mulf %get3A_691, %gather3A_681 : vector<16xf32>
        %swap3A_693 = arith.index_cast %add3A_647 : i32 to index
        %swap3A_694 = arith.constant 80 : index
        %swap3A_695 = tpu.vector_load %arg21[%swap3A_693, %swap3A_694] {strides = array<i32>} : memref<128x128xf32, #tpu.memory_space<vmem>>, vector<16xf32>,
        tpu.vector_store %arg21[%swap3A_693, %swap3A_694], %mul3A_692 {strides = array<i32>} : memref<128x128xf32, #tpu.memory_space<vmem>>, vector<16xf32>,
        %get3A_696 = arith.index_cast %add3A_647 : i32 to index
        %get3A_697 = arith.constant 96 : index
        %get3A_698 = tpu.vector_load %arg21[%get3A_696, %get3A_697] {strides = array<i32>} : memref<128x128xf32, #tpu.memory_space<vmem>>, vector<16xf32>,
        %mul3A_699 = arith.mulf %get3A_698, %gather3A_681 : vector<16xf32>
        %swap3A_700 = arith.index_cast %add3A_647 : i32 to index
        %swap3A_701 = arith.constant 96 : index
        %swap3A_702 = tpu.vector_load %arg21[%swap3A_700, %swap3A_701] {strides = array<i32>} : memref<128x128xf32, #tpu.memory_space<vmem>>, vector<16xf32>,
        tpu.vector_store %arg21[%swap3A_700, %swap3A_701], %mul3A_699 {strides = array<i32>} : memref<128x128xf32, #tpu.memory_space<vmem>>, vector<16xf32>,
        %get3A_703 = arith.index_cast %add3A_647 : i32 to index
        %get3A_704 = arith.constant 112 : index
        %get3A_705 = tpu.vector_load %arg21[%get3A_703, %get3A_704] {strides = array<i32>} : memref<128x128xf32, #tpu.memory_space<vmem>>, vector<16xf32>,
        %mul3A_706 = arith.mulf %get3A_705, %gather3A_681 : vector<16xf32>
        %swap3A_707 = arith.index_cast %add3A_647 : i32 to index
        %swap3A_708 = arith.constant 112 : index
        %swap3A_709 = tpu.vector_load %arg21[%swap3A_707, %swap3A_708] {strides = array<i32>} : memref<128x128xf32, #tpu.memory_space<vmem>>, vector<16xf32>,
        tpu.vector_store %arg21[%swap3A_707, %swap3A_708], %mul3A_706 {strides = array<i32>} : memref<128x128xf32, #tpu.memory_space<vmem>>, vector<16xf32>,
        %scan3A_710 = arith.constant 2 : i32
        %scan3A_711 = arith.addi %scan3A_576, %scan3A_710 : i32
        %mul3A_712 = arith.constant 1 : i32
        %mul3A_713 = arith.muli %scan3A_711, %mul3A_712 : i32
        %add3A_714 = arith.constant 0 : i32
        %add3A_715 = arith.addi %add3A_714, %mul3A_713 : i32
        %broadcast_in_dim3A_716 = arith.constant 0 : i32
        %broadcast_in_dim3A_717 = vector.broadcast %broadcast_in_dim3A_716 : i32 to vector<16xi32>
        %add3A_718 = vector.broadcast %add3A_715 : i32 to vector<16xi32>
        %add3A_719 = arith.addi %broadcast_in_dim3A_717, %add3A_718 : vector<16xi32>
        %gather3A_720 = tpu.vector_load_idx %arg19[%add3A_719] : memref<128xf32, #tpu.memory_space<vmem>>[vector<16xi32>], vector<16xf32>,
        %get3A_721 = arith.index_cast %add3A_715 : i32 to index
        %get3A_722 = arith.constant 0 : index
        %get3A_723 = tpu.vector_load %arg21[%get3A_721, %get3A_722] {strides = array<i32>} : memref<128x128xf32, #tpu.memory_space<vmem>>, vector<16xf32>,
        %mul3A_724 = arith.mulf %get3A_723, %gather3A_720 : vector<16xf32>
        %swap3A_725 = arith.index_cast %add3A_715 : i32 to index
        %swap3A_726 = arith.constant 0 : index
        %swap3A_727 = tpu.vector_load %arg21[%swap3A_725, %swap3A_726] {strides = array<i32>} : memref<128x128xf32, #tpu.memory_space<vmem>>, vector<16xf32>,
        tpu.vector_store %arg21[%swap3A_725, %swap3A_726], %mul3A_724 {strides = array<i32>} : memref<128x128xf32, #tpu.memory_space<vmem>>, vector<16xf32>,
        %get3A_728 = arith.index_cast %add3A_715 : i32 to index
        %get3A_729 = arith.constant 16 : index
        %get3A_730 = tpu.vector_load %arg21[%get3A_728, %get3A_729] {strides = array<i32>} : memref<128x128xf32, #tpu.memory_space<vmem>>, vector<16xf32>,
        %mul3A_731 = arith.mulf %get3A_730, %gather3A_720 : vector<16xf32>
        %swap3A_732 = arith.index_cast %add3A_715 : i32 to index
        %swap3A_733 = arith.constant 16 : index
        %swap3A_734 = tpu.vector_load %arg21[%swap3A_732, %swap3A_733] {strides = array<i32>} : memref<128x128xf32, #tpu.memory_space<vmem>>, vector<16xf32>,
        tpu.vector_store %arg21[%swap3A_732, %swap3A_733], %mul3A_731 {strides = array<i32>} : memref<128x128xf32, #tpu.memory_space<vmem>>, vector<16xf32>,
        %get3A_735 = arith.index_cast %add3A_715 : i32 to index
        %get3A_736 = arith.constant 32 : index
        %get3A_737 = tpu.vector_load %arg21[%get3A_735, %get3A_736] {strides = array<i32>} : memref<128x128xf32, #tpu.memory_space<vmem>>, vector<16xf32>,
        %mul3A_738 = arith.mulf %get3A_737, %gather3A_720 : vector<16xf32>
        %swap3A_739 = arith.index_cast %add3A_715 : i32 to index
        %swap3A_740 = arith.constant 32 : index
        %swap3A_741 = tpu.vector_load %arg21[%swap3A_739, %swap3A_740] {strides = array<i32>} : memref<128x128xf32, #tpu.memory_space<vmem>>, vector<16xf32>,
        tpu.vector_store %arg21[%swap3A_739, %swap3A_740], %mul3A_738 {strides = array<i32>} : memref<128x128xf32, #tpu.memory_space<vmem>>, vector<16xf32>,
        %get3A_742 = arith.index_cast %add3A_715 : i32 to index
        %get3A_743 = arith.constant 48 : index
        %get3A_744 = tpu.vector_load %arg21[%get3A_742, %get3A_743] {strides = array<i32>} : memref<128x128xf32, #tpu.memory_space<vmem>>, vector<16xf32>,
        %mul3A_745 = arith.mulf %get3A_744, %gather3A_720 : vector<16xf32>
        %swap3A_746 = arith.index_cast %add3A_715 : i32 to index
        %swap3A_747 = arith.constant 48 : index
        %swap3A_748 = tpu.vector_load %arg21[%swap3A_746, %swap3A_747] {strides = array<i32>} : memref<128x128xf32, #tpu.memory_space<vmem>>, vector<16xf32>,
        tpu.vector_store %arg21[%swap3A_746, %swap3A_747], %mul3A_745 {strides = array<i32>} : memref<128x128xf32, #tpu.memory_space<vmem>>, vector<16xf32>,
        %gather3A_749 = tpu.vector_load_idx %arg20[%add3A_719] : memref<128xf32, #tpu.memory_space<vmem>>[vector<16xi32>], vector<16xf32>,
        %get3A_750 = arith.index_cast %add3A_715 : i32 to index
        %get3A_751 = arith.constant 64 : index
        %get3A_752 = tpu.vector_load %arg21[%get3A_750, %get3A_751] {strides = array<i32>} : memref<128x128xf32, #tpu.memory_space<vmem>>, vector<16xf32>,
        %mul3A_753 = arith.mulf %get3A_752, %gather3A_749 : vector<16xf32>
        %swap3A_754 = arith.index_cast %add3A_715 : i32 to index
        %swap3A_755 = arith.constant 64 : index
        %swap3A_756 = tpu.vector_load %arg21[%swap3A_754, %swap3A_755] {strides = array<i32>} : memref<128x128xf32, #tpu.memory_space<vmem>>, vector<16xf32>,
        tpu.vector_store %arg21[%swap3A_754, %swap3A_755], %mul3A_753 {strides = array<i32>} : memref<128x128xf32, #tpu.memory_space<vmem>>, vector<16xf32>,
        %get3A_757 = arith.index_cast %add3A_715 : i32 to index
        %get3A_758 = arith.constant 80 : index
        %get3A_759 = tpu.vector_load %arg21[%get3A_757, %get3A_758] {strides = array<i32>} : memref<128x128xf32, #tpu.memory_space<vmem>>, vector<16xf32>,
        %mul3A_760 = arith.mulf %get3A_759, %gather3A_749 : vector<16xf32>
        %swap3A_761 = arith.index_cast %add3A_715 : i32 to index
        %swap3A_762 = arith.constant 80 : index
        %swap3A_763 = tpu.vector_load %arg21[%swap3A_761, %swap3A_762] {strides = array<i32>} : memref<128x128xf32, #tpu.memory_space<vmem>>, vector<16xf32>,
        tpu.vector_store %arg21[%swap3A_761, %swap3A_762], %mul3A_760 {strides = array<i32>} : memref<128x128xf32, #tpu.memory_space<vmem>>, vector<16xf32>,
        %get3A_764 = arith.index_cast %add3A_715 : i32 to index
        %get3A_765 = arith.constant 96 : index
        %get3A_766 = tpu.vector_load %arg21[%get3A_764, %get3A_765] {strides = array<i32>} : memref<128x128xf32, #tpu.memory_space<vmem>>, vector<16xf32>,
        %mul3A_767 = arith.mulf %get3A_766, %gather3A_749 : vector<16xf32>
        %swap3A_768 = arith.index_cast %add3A_715 : i32 to index
        %swap3A_769 = arith.constant 96 : index
        %swap3A_770 = tpu.vector_load %arg21[%swap3A_768, %swap3A_769] {strides = array<i32>} : memref<128x128xf32, #tpu.memory_space<vmem>>, vector<16xf32>,
        tpu.vector_store %arg21[%swap3A_768, %swap3A_769], %mul3A_767 {strides = array<i32>} : memref<128x128xf32, #tpu.memory_space<vmem>>, vector<16xf32>,
        %get3A_771 = arith.index_cast %add3A_715 : i32 to index
        %get3A_772 = arith.constant 112 : index
        %get3A_773 = tpu.vector_load %arg21[%get3A_771, %get3A_772] {strides = array<i32>} : memref<128x128xf32, #tpu.memory_space<vmem>>, vector<16xf32>,
        %mul3A_774 = arith.mulf %get3A_773, %gather3A_749 : vector<16xf32>
        %swap3A_775 = arith.index_cast %add3A_715 : i32 to index
        %swap3A_776 = arith.constant 112 : index
        %swap3A_777 = tpu.vector_load %arg21[%swap3A_775, %swap3A_776] {strides = array<i32>} : memref<128x128xf32, #tpu.memory_space<vmem>>, vector<16xf32>,
        tpu.vector_store %arg21[%swap3A_775, %swap3A_776], %mul3A_774 {strides = array<i32>} : memref<128x128xf32, #tpu.memory_space<vmem>>, vector<16xf32>,
        %scan3A_778 = arith.constant 3 : i32
        %scan3A_779 = arith.addi %scan3A_576, %scan3A_778 : i32
        %mul3A_780 = arith.constant 1 : i32
        %mul3A_781 = arith.muli %scan3A_779, %mul3A_780 : i32
        %add3A_782 = arith.constant 0 : i32
        %add3A_783 = arith.addi %add3A_782, %mul3A_781 : i32
        %broadcast_in_dim3A_784 = arith.constant 0 : i32
        %broadcast_in_dim3A_785 = vector.broadcast %broadcast_in_dim3A_784 : i32 to vector<16xi32>
        %add3A_786 = vector.broadcast %add3A_783 : i32 to vector<16xi32>
        %add3A_787 = arith.addi %broadcast_in_dim3A_785, %add3A_786 : vector<16xi32>
        %gather3A_788 = tpu.vector_load_idx %arg19[%add3A_787] : memref<128xf32, #tpu.memory_space<vmem>>[vector<16xi32>], vector<16xf32>,
        %get3A_789 = arith.index_cast %add3A_783 : i32 to index
        %get3A_790 = arith.constant 0 : index
        %get3A_791 = tpu.vector_load %arg21[%get3A_789, %get3A_790] {strides = array<i32>} : memref<128x128xf32, #tpu.memory_space<vmem>>, vector<16xf32>,
        %mul3A_792 = arith.mulf %get3A_791, %gather3A_788 : vector<16xf32>
        %swap3A_793 = arith.index_cast %add3A_783 : i32 to index
        %swap3A_794 = arith.constant 0 : index
        %swap3A_795 = tpu.vector_load %arg21[%swap3A_793, %swap3A_794] {strides = array<i32>} : memref<128x128xf32, #tpu.memory_space<vmem>>, vector<16xf32>,
        tpu.vector_store %arg21[%swap3A_793, %swap3A_794], %mul3A_792 {strides = array<i32>} : memref<128x128xf32, #tpu.memory_space<vmem>>, vector<16xf32>,
        %get3A_796 = arith.index_cast %add3A_783 : i32 to index
        %get3A_797 = arith.constant 16 : index
        %get3A_798 = tpu.vector_load %arg21[%get3A_796, %get3A_797] {strides = array<i32>} : memref<128x128xf32, #tpu.memory_space<vmem>>, vector<16xf32>,
        %mul3A_799 = arith.mulf %get3A_798, %gather3A_788 : vector<16xf32>
        %swap3A_800 = arith.index_cast %add3A_783 : i32 to index
        %swap3A_801 = arith.constant 16 : index
        %swap3A_802 = tpu.vector_load %arg21[%swap3A_800, %swap3A_801] {strides = array<i32>} : memref<128x128xf32, #tpu.memory_space<vmem>>, vector<16xf32>,
        tpu.vector_store %arg21[%swap3A_800, %swap3A_801], %mul3A_799 {strides = array<i32>} : memref<128x128xf32, #tpu.memory_space<vmem>>, vector<16xf32>,
        %get3A_803 = arith.index_cast %add3A_783 : i32 to index
        %get3A_804 = arith.constant 32 : index
        %get3A_805 = tpu.vector_load %arg21[%get3A_803, %get3A_804] {strides = array<i32>} : memref<128x128xf32, #tpu.memory_space<vmem>>, vector<16xf32>,
        %mul3A_806 = arith.mulf %get3A_805, %gather3A_788 : vector<16xf32>
        %swap3A_807 = arith.index_cast %add3A_783 : i32 to index
        %swap3A_808 = arith.constant 32 : index
        %swap3A_809 = tpu.vector_load %arg21[%swap3A_807, %swap3A_808] {strides = array<i32>} : memref<128x128xf32, #tpu.memory_space<vmem>>, vector<16xf32>,
        tpu.vector_store %arg21[%swap3A_807, %swap3A_808], %mul3A_806 {strides = array<i32>} : memref<128x128xf32, #tpu.memory_space<vmem>>, vector<16xf32>,
        %get3A_810 = arith.index_cast %add3A_783 : i32 to index
        %get3A_811 = arith.constant 48 : index
        %get3A_812 = tpu.vector_load %arg21[%get3A_810, %get3A_811] {strides = array<i32>} : memref<128x128xf32, #tpu.memory_space<vmem>>, vector<16xf32>,
        %mul3A_813 = arith.mulf %get3A_812, %gather3A_788 : vector<16xf32>
        %swap3A_814 = arith.index_cast %add3A_783 : i32 to index
        %swap3A_815 = arith.constant 48 : index
        %swap3A_816 = tpu.vector_load %arg21[%swap3A_814, %swap3A_815] {strides = array<i32>} : memref<128x128xf32, #tpu.memory_space<vmem>>, vector<16xf32>,
        tpu.vector_store %arg21[%swap3A_814, %swap3A_815], %mul3A_813 {strides = array<i32>} : memref<128x128xf32, #tpu.memory_space<vmem>>, vector<16xf32>,
        %gather3A_817 = tpu.vector_load_idx %arg20[%add3A_787] : memref<128xf32, #tpu.memory_space<vmem>>[vector<16xi32>], vector<16xf32>,
        %get3A_818 = arith.index_cast %add3A_783 : i32 to index
        %get3A_819 = arith.constant 64 : index
        %get3A_820 = tpu.vector_load %arg21[%get3A_818, %get3A_819] {strides = array<i32>} : memref<128x128xf32, #tpu.memory_space<vmem>>, vector<16xf32>,
        %mul3A_821 = arith.mulf %get3A_820, %gather3A_817 : vector<16xf32>
        %swap3A_822 = arith.index_cast %add3A_783 : i32 to index
        %swap3A_823 = arith.constant 64 : index
        %swap3A_824 = tpu.vector_load %arg21[%swap3A_822, %swap3A_823] {strides = array<i32>} : memref<128x128xf32, #tpu.memory_space<vmem>>, vector<16xf32>,
        tpu.vector_store %arg21[%swap3A_822, %swap3A_823], %mul3A_821 {strides = array<i32>} : memref<128x128xf32, #tpu.memory_space<vmem>>, vector<16xf32>,
        %get3A_825 = arith.index_cast %add3A_783 : i32 to index
        %get3A_826 = arith.constant 80 : index
        %get3A_827 = tpu.vector_load %arg21[%get3A_825, %get3A_826] {strides = array<i32>} : memref<128x128xf32, #tpu.memory_space<vmem>>, vector<16xf32>,
        %mul3A_828 = arith.mulf %get3A_827, %gather3A_817 : vector<16xf32>
        %swap3A_829 = arith.index_cast %add3A_783 : i32 to index
        %swap3A_830 = arith.constant 80 : index
        %swap3A_831 = tpu.vector_load %arg21[%swap3A_829, %swap3A_830] {strides = array<i32>} : memref<128x128xf32, #tpu.memory_space<vmem>>, vector<16xf32>,
        tpu.vector_store %arg21[%swap3A_829, %swap3A_830], %mul3A_828 {strides = array<i32>} : memref<128x128xf32, #tpu.memory_space<vmem>>, vector<16xf32>,
        %get3A_832 = arith.index_cast %add3A_783 : i32 to index
        %get3A_833 = arith.constant 96 : index
        %get3A_834 = tpu.vector_load %arg21[%get3A_832, %get3A_833] {strides = array<i32>} : memref<128x128xf32, #tpu.memory_space<vmem>>, vector<16xf32>,
        %mul3A_835 = arith.mulf %get3A_834, %gather3A_817 : vector<16xf32>
        %swap3A_836 = arith.index_cast %add3A_783 : i32 to index
        %swap3A_837 = arith.constant 96 : index
        %swap3A_838 = tpu.vector_load %arg21[%swap3A_836, %swap3A_837] {strides = array<i32>} : memref<128x128xf32, #tpu.memory_space<vmem>>, vector<16xf32>,
        tpu.vector_store %arg21[%swap3A_836, %swap3A_837], %mul3A_835 {strides = array<i32>} : memref<128x128xf32, #tpu.memory_space<vmem>>, vector<16xf32>,
        %get3A_839 = arith.index_cast %add3A_783 : i32 to index
        %get3A_840 = arith.constant 112 : index
        %get3A_841 = tpu.vector_load %arg21[%get3A_839, %get3A_840] {strides = array<i32>} : memref<128x128xf32, #tpu.memory_space<vmem>>, vector<16xf32>,
        %mul3A_842 = arith.mulf %get3A_841, %gather3A_817 : vector<16xf32>
        %swap3A_843 = arith.index_cast %add3A_783 : i32 to index
        %swap3A_844 = arith.constant 112 : index
        %swap3A_845 = tpu.vector_load %arg21[%swap3A_843, %swap3A_844] {strides = array<i32>} : memref<128x128xf32, #tpu.memory_space<vmem>>, vector<16xf32>,
        tpu.vector_store %arg21[%swap3A_843, %swap3A_844], %mul3A_842 {strides = array<i32>} : memref<128x128xf32, #tpu.memory_space<vmem>>, vector<16xf32>,
      }
      %scan3A_575 = arith.constant 128 : i32
      "tpu.region"() ({
        %run_scoped3A = tpu.sem_alloc : memref<!tpu.dma_semaphore, #tpu.memory_space<semaphore_mem>>
        %dma_start3A_576 = arith.constant 0 : i32
        %dma_start3A_577 = tpu.memref_slice %arg10[%add3A_53, %dma_start3A_576] : memref<81x128xi32, #tpu.memory_space<vmem>> -> memref<1x128xi32, #tpu.memory_space<vmem>>
        %dma_start3A_578 = tpu.memref_squeeze %dma_start3A_577 : memref<1x128xi32, #tpu.memory_space<vmem>> -> memref<128xi32, #tpu.memory_space<vmem>>
        %dma_start3A_579 = arith.constant 0 : i32
        %dma_start3A_580 = arith.constant 0 : i32
        %dma_start3A_581 = tpu.memref_slice %arg23[%dma_start3A_579, %dma_start3A_580] : memref<10240x128xf32, #tpu.memory_space<vmem_shared>> -> memref<10240x128xf32, #tpu.memory_space<vmem_shared>>
        tpu.enqueue_indirect_dma source(%arg21 : memref<128x128xf32, #tpu.memory_space<vmem>>) target(%dma_start3A_581 : memref<10240x128xf32, #tpu.memory_space<vmem_shared>>) offsets(%dma_start3A_578 : memref<128xi32, #tpu.memory_space<vmem>>) semaphore(%run_scoped3A : memref<!tpu.dma_semaphore, #tpu.memory_space<semaphore_mem>>) {add = true}
        %dma_wait3A_582 = arith.constant 0 : i32
        %dma_wait3A_583 = tpu.memref_slice %arg10[%add3A_53, %dma_wait3A_582] : memref<81x128xi32, #tpu.memory_space<vmem>> -> memref<1x128xi32, #tpu.memory_space<vmem>>
        %dma_wait3A_584 = tpu.memref_squeeze %dma_wait3A_583 : memref<1x128xi32, #tpu.memory_space<vmem>> -> memref<128xi32, #tpu.memory_space<vmem>>
        %dma_wait3A_585 = arith.constant 0 : i32
        %dma_wait3A_586 = arith.constant 0 : i32
        %dma_wait3A_587 = tpu.memref_slice %arg23[%dma_wait3A_585, %dma_wait3A_586] : memref<10240x128xf32, #tpu.memory_space<vmem_shared>> -> memref<10240x128xf32, #tpu.memory_space<vmem_shared>>
        tpu.wait_indirect_dma semaphore(%run_scoped3A : memref<!tpu.dma_semaphore, #tpu.memory_space<semaphore_mem>>) src(%arg21 : memref<128x128xf32, #tpu.memory_space<vmem>>) dst(%dma_wait3A_587 : memref<10240x128xf32, #tpu.memory_space<vmem_shared>>)
        tpu.yield
      }) : () -> ()
    }
    %scan3A_27 = arith.constant 81 : i32
    %barrier3A_28 = arith.constant 0 : index
    tpu.barrier barrier_id(%barrier3A_28)
    %add3A_29 = arith.constant 0 : i32
    %add3A_30 = arith.addi %mul3A_12, %add3A_29 : i32
    "tpu.region"() ({
      %run_scoped3A = tpu.sem_alloc : memref<!tpu.dma_semaphore, #tpu.memory_space<semaphore_mem>>
      %dma_start3A = arith.constant 0 : i32
      %dma_start3A_49 = tpu.memref_slice %arg23[%add3A_30, %dma_start3A] : memref<10240x128xf32, #tpu.memory_space<vmem_shared>> -> memref<128x128xf32, #tpu.memory_space<vmem_shared>>
      %dma_start3A_50 = arith.constant 0 : i32
      %dma_start3A_51 = tpu.memref_slice %arg23[%add3A_30, %dma_start3A_50] : memref<10240x128xf32, #tpu.memory_space<vmem_shared>> -> memref<128x128xf32, #tpu.memory_space<vmem_shared>>
      tpu.enqueue_dma source(%dma_start3A_51 : memref<128x128xf32, #tpu.memory_space<vmem_shared>>) target(%arg21 : memref<128x128xf32, #tpu.memory_space<vmem>>) target_semaphore(%run_scoped3A : memref<!tpu.dma_semaphore, #tpu.memory_space<semaphore_mem>>)
      %dma_wait3A = arith.constant 0 : i32
      %dma_wait3A_52 = tpu.memref_slice %arg23[%add3A_30, %dma_wait3A] : memref<10240x128xf32, #tpu.memory_space<vmem_shared>> -> memref<128x128xf32, #tpu.memory_space<vmem_shared>>
      %dma_wait3A_53 = arith.constant 0 : i32
      %dma_wait3A_54 = tpu.memref_slice %arg23[%add3A_30, %dma_wait3A_53] : memref<10240x128xf32, #tpu.memory_space<vmem_shared>> -> memref<128x128xf32, #tpu.memory_space<vmem_shared>>
      tpu.wait_dma2 semaphore(%run_scoped3A : memref<!tpu.dma_semaphore, #tpu.memory_space<semaphore_mem>>) src(%dma_wait3A_54 : memref<128x128xf32, #tpu.memory_space<vmem_shared>>) dst(%arg21 : memref<128x128xf32, #tpu.memory_space<vmem>>)
      tpu.yield
    }) : () -> ()
    %add3A_31 = arith.constant 0 : i32
    %add3A_32 = arith.addi %mul3A_12, %add3A_31 : i32
    "tpu.region"() ({
      %run_scoped3A = tpu.sem_alloc : memref<!tpu.dma_semaphore, #tpu.memory_space<semaphore_mem>>
      %dma_start3A = arith.constant 0 : i32
      %dma_start3A_49 = tpu.memref_slice %arg6[%arg0, %add3A_32, %dma_start3A] : memref<2x10240x128xf32, #tpu.memory_space<hbm>> -> memref<1x128x128xf32, #tpu.memory_space<hbm>>
      %dma_start3A_50 = tpu.memref_squeeze %dma_start3A_49 : memref<1x128x128xf32, #tpu.memory_space<hbm>> -> memref<128x128xf32, #tpu.memory_space<hbm>>
      %dma_start3A_51 = arith.constant 0 : i32
      %dma_start3A_52 = tpu.memref_slice %arg6[%arg0, %add3A_32, %dma_start3A_51] : memref<2x10240x128xf32, #tpu.memory_space<hbm>> -> memref<1x128x128xf32, #tpu.memory_space<hbm>>
      %dma_start3A_53 = tpu.memref_squeeze %dma_start3A_52 : memref<1x128x128xf32, #tpu.memory_space<hbm>> -> memref<128x128xf32, #tpu.memory_space<hbm>>
      tpu.enqueue_dma source(%arg21 : memref<128x128xf32, #tpu.memory_space<vmem>>) target(%dma_start3A_53 : memref<128x128xf32, #tpu.memory_space<hbm>>) target_semaphore(%run_scoped3A : memref<!tpu.dma_semaphore, #tpu.memory_space<semaphore_mem>>)
      %dma_wait3A = arith.constant 0 : i32
      %dma_wait3A_54 = tpu.memref_slice %arg6[%arg0, %add3A_32, %dma_wait3A] : memref<2x10240x128xf32, #tpu.memory_space<hbm>> -> memref<1x128x128xf32, #tpu.memory_space<hbm>>
      %dma_wait3A_55 = tpu.memref_squeeze %dma_wait3A_54 : memref<1x128x128xf32, #tpu.memory_space<hbm>> -> memref<128x128xf32, #tpu.memory_space<hbm>>
      %dma_wait3A_56 = arith.constant 0 : i32
      %dma_wait3A_57 = tpu.memref_slice %arg6[%arg0, %add3A_32, %dma_wait3A_56] : memref<2x10240x128xf32, #tpu.memory_space<hbm>> -> memref<1x128x128xf32, #tpu.memory_space<hbm>>
      %dma_wait3A_58 = tpu.memref_squeeze %dma_wait3A_57 : memref<1x128x128xf32, #tpu.memory_space<hbm>> -> memref<128x128xf32, #tpu.memory_space<hbm>>
      tpu.wait_dma2 semaphore(%run_scoped3A : memref<!tpu.dma_semaphore, #tpu.memory_space<semaphore_mem>>) src(%arg21 : memref<128x128xf32, #tpu.memory_space<vmem>>) dst(%dma_wait3A_58 : memref<128x128xf32, #tpu.memory_space<hbm>>)
      tpu.yield
    }) : () -> ()
    %add3A_33 = arith.constant 128 : i32
    %add3A_34 = arith.addi %mul3A_12, %add3A_33 : i32
    "tpu.region"() ({
      %run_scoped3A = tpu.sem_alloc : memref<!tpu.dma_semaphore, #tpu.memory_space<semaphore_mem>>
      %dma_start3A = arith.constant 0 : i32
      %dma_start3A_49 = tpu.memref_slice %arg23[%add3A_34, %dma_start3A] : memref<10240x128xf32, #tpu.memory_space<vmem_shared>> -> memref<128x128xf32, #tpu.memory_space<vmem_shared>>
      %dma_start3A_50 = arith.constant 0 : i32
      %dma_start3A_51 = tpu.memref_slice %arg23[%add3A_34, %dma_start3A_50] : memref<10240x128xf32, #tpu.memory_space<vmem_shared>> -> memref<128x128xf32, #tpu.memory_space<vmem_shared>>
      tpu.enqueue_dma source(%dma_start3A_51 : memref<128x128xf32, #tpu.memory_space<vmem_shared>>) target(%arg21 : memref<128x128xf32, #tpu.memory_space<vmem>>) target_semaphore(%run_scoped3A : memref<!tpu.dma_semaphore, #tpu.memory_space<semaphore_mem>>)
      %dma_wait3A = arith.constant 0 : i32
      %dma_wait3A_52 = tpu.memref_slice %arg23[%add3A_34, %dma_wait3A] : memref<10240x128xf32, #tpu.memory_space<vmem_shared>> -> memref<128x128xf32, #tpu.memory_space<vmem_shared>>
      %dma_wait3A_53 = arith.constant 0 : i32
      %dma_wait3A_54 = tpu.memref_slice %arg23[%add3A_34, %dma_wait3A_53] : memref<10240x128xf32, #tpu.memory_space<vmem_shared>> -> memref<128x128xf32, #tpu.memory_space<vmem_shared>>
      tpu.wait_dma2 semaphore(%run_scoped3A : memref<!tpu.dma_semaphore, #tpu.memory_space<semaphore_mem>>) src(%dma_wait3A_54 : memref<128x128xf32, #tpu.memory_space<vmem_shared>>) dst(%arg21 : memref<128x128xf32, #tpu.memory_space<vmem>>)
      tpu.yield
    }) : () -> ()
    %add3A_35 = arith.constant 128 : i32
    %add3A_36 = arith.addi %mul3A_12, %add3A_35 : i32
    "tpu.region"() ({
      %run_scoped3A = tpu.sem_alloc : memref<!tpu.dma_semaphore, #tpu.memory_space<semaphore_mem>>
      %dma_start3A = arith.constant 0 : i32
      %dma_start3A_49 = tpu.memref_slice %arg6[%arg0, %add3A_36, %dma_start3A] : memref<2x10240x128xf32, #tpu.memory_space<hbm>> -> memref<1x128x128xf32, #tpu.memory_space<hbm>>
      %dma_start3A_50 = tpu.memref_squeeze %dma_start3A_49 : memref<1x128x128xf32, #tpu.memory_space<hbm>> -> memref<128x128xf32, #tpu.memory_space<hbm>>
      %dma_start3A_51 = arith.constant 0 : i32
      %dma_start3A_52 = tpu.memref_slice %arg6[%arg0, %add3A_36, %dma_start3A_51] : memref<2x10240x128xf32, #tpu.memory_space<hbm>> -> memref<1x128x128xf32, #tpu.memory_space<hbm>>
      %dma_start3A_53 = tpu.memref_squeeze %dma_start3A_52 : memref<1x128x128xf32, #tpu.memory_space<hbm>> -> memref<128x128xf32, #tpu.memory_space<hbm>>
      tpu.enqueue_dma source(%arg21 : memref<128x128xf32, #tpu.memory_space<vmem>>) target(%dma_start3A_53 : memref<128x128xf32, #tpu.memory_space<hbm>>) target_semaphore(%run_scoped3A : memref<!tpu.dma_semaphore, #tpu.memory_space<semaphore_mem>>)
      %dma_wait3A = arith.constant 0 : i32
      %dma_wait3A_54 = tpu.memref_slice %arg6[%arg0, %add3A_36, %dma_wait3A] : memref<2x10240x128xf32, #tpu.memory_space<hbm>> -> memref<1x128x128xf32, #tpu.memory_space<hbm>>
      %dma_wait3A_55 = tpu.memref_squeeze %dma_wait3A_54 : memref<1x128x128xf32, #tpu.memory_space<hbm>> -> memref<128x128xf32, #tpu.memory_space<hbm>>
      %dma_wait3A_56 = arith.constant 0 : i32
      %dma_wait3A_57 = tpu.memref_slice %arg6[%arg0, %add3A_36, %dma_wait3A_56] : memref<2x10240x128xf32, #tpu.memory_space<hbm>> -> memref<1x128x128xf32, #tpu.memory_space<hbm>>
      %dma_wait3A_58 = tpu.memref_squeeze %dma_wait3A_57 : memref<1x128x128xf32, #tpu.memory_space<hbm>> -> memref<128x128xf32, #tpu.memory_space<hbm>>
      tpu.wait_dma2 semaphore(%run_scoped3A : memref<!tpu.dma_semaphore, #tpu.memory_space<semaphore_mem>>) src(%arg21 : memref<128x128xf32, #tpu.memory_space<vmem>>) dst(%dma_wait3A_58 : memref<128x128xf32, #tpu.memory_space<hbm>>)
      tpu.yield
    }) : () -> ()
    %add3A_37 = arith.constant 256 : i32
    %add3A_38 = arith.addi %mul3A_12, %add3A_37 : i32
    "tpu.region"() ({
      %run_scoped3A = tpu.sem_alloc : memref<!tpu.dma_semaphore, #tpu.memory_space<semaphore_mem>>
      %dma_start3A = arith.constant 0 : i32
      %dma_start3A_49 = tpu.memref_slice %arg23[%add3A_38, %dma_start3A] : memref<10240x128xf32, #tpu.memory_space<vmem_shared>> -> memref<128x128xf32, #tpu.memory_space<vmem_shared>>
      %dma_start3A_50 = arith.constant 0 : i32
      %dma_start3A_51 = tpu.memref_slice %arg23[%add3A_38, %dma_start3A_50] : memref<10240x128xf32, #tpu.memory_space<vmem_shared>> -> memref<128x128xf32, #tpu.memory_space<vmem_shared>>
      tpu.enqueue_dma source(%dma_start3A_51 : memref<128x128xf32, #tpu.memory_space<vmem_shared>>) target(%arg21 : memref<128x128xf32, #tpu.memory_space<vmem>>) target_semaphore(%run_scoped3A : memref<!tpu.dma_semaphore, #tpu.memory_space<semaphore_mem>>)
      %dma_wait3A = arith.constant 0 : i32
      %dma_wait3A_52 = tpu.memref_slice %arg23[%add3A_38, %dma_wait3A] : memref<10240x128xf32, #tpu.memory_space<vmem_shared>> -> memref<128x128xf32, #tpu.memory_space<vmem_shared>>
      %dma_wait3A_53 = arith.constant 0 : i32
      %dma_wait3A_54 = tpu.memref_slice %arg23[%add3A_38, %dma_wait3A_53] : memref<10240x128xf32, #tpu.memory_space<vmem_shared>> -> memref<128x128xf32, #tpu.memory_space<vmem_shared>>
      tpu.wait_dma2 semaphore(%run_scoped3A : memref<!tpu.dma_semaphore, #tpu.memory_space<semaphore_mem>>) src(%dma_wait3A_54 : memref<128x128xf32, #tpu.memory_space<vmem_shared>>) dst(%arg21 : memref<128x128xf32, #tpu.memory_space<vmem>>)
      tpu.yield
    }) : () -> ()
    %add3A_39 = arith.constant 256 : i32
    %add3A_40 = arith.addi %mul3A_12, %add3A_39 : i32
    "tpu.region"() ({
      %run_scoped3A = tpu.sem_alloc : memref<!tpu.dma_semaphore, #tpu.memory_space<semaphore_mem>>
      %dma_start3A = arith.constant 0 : i32
      %dma_start3A_49 = tpu.memref_slice %arg6[%arg0, %add3A_40, %dma_start3A] : memref<2x10240x128xf32, #tpu.memory_space<hbm>> -> memref<1x128x128xf32, #tpu.memory_space<hbm>>
      %dma_start3A_50 = tpu.memref_squeeze %dma_start3A_49 : memref<1x128x128xf32, #tpu.memory_space<hbm>> -> memref<128x128xf32, #tpu.memory_space<hbm>>
      %dma_start3A_51 = arith.constant 0 : i32
      %dma_start3A_52 = tpu.memref_slice %arg6[%arg0, %add3A_40, %dma_start3A_51] : memref<2x10240x128xf32, #tpu.memory_space<hbm>> -> memref<1x128x128xf32, #tpu.memory_space<hbm>>
      %dma_start3A_53 = tpu.memref_squeeze %dma_start3A_52 : memref<1x128x128xf32, #tpu.memory_space<hbm>> -> memref<128x128xf32, #tpu.memory_space<hbm>>
      tpu.enqueue_dma source(%arg21 : memref<128x128xf32, #tpu.memory_space<vmem>>) target(%dma_start3A_53 : memref<128x128xf32, #tpu.memory_space<hbm>>) target_semaphore(%run_scoped3A : memref<!tpu.dma_semaphore, #tpu.memory_space<semaphore_mem>>)
      %dma_wait3A = arith.constant 0 : i32
      %dma_wait3A_54 = tpu.memref_slice %arg6[%arg0, %add3A_40, %dma_wait3A] : memref<2x10240x128xf32, #tpu.memory_space<hbm>> -> memref<1x128x128xf32, #tpu.memory_space<hbm>>
      %dma_wait3A_55 = tpu.memref_squeeze %dma_wait3A_54 : memref<1x128x128xf32, #tpu.memory_space<hbm>> -> memref<128x128xf32, #tpu.memory_space<hbm>>
      %dma_wait3A_56 = arith.constant 0 : i32
      %dma_wait3A_57 = tpu.memref_slice %arg6[%arg0, %add3A_40, %dma_wait3A_56] : memref<2x10240x128xf32, #tpu.memory_space<hbm>> -> memref<1x128x128xf32, #tpu.memory_space<hbm>>
      %dma_wait3A_58 = tpu.memref_squeeze %dma_wait3A_57 : memref<1x128x128xf32, #tpu.memory_space<hbm>> -> memref<128x128xf32, #tpu.memory_space<hbm>>
      tpu.wait_dma2 semaphore(%run_scoped3A : memref<!tpu.dma_semaphore, #tpu.memory_space<semaphore_mem>>) src(%arg21 : memref<128x128xf32, #tpu.memory_space<vmem>>) dst(%dma_wait3A_58 : memref<128x128xf32, #tpu.memory_space<hbm>>)
      tpu.yield
    }) : () -> ()
    %add3A_41 = arith.constant 384 : i32
    %add3A_42 = arith.addi %mul3A_12, %add3A_41 : i32
    "tpu.region"() ({
      %run_scoped3A = tpu.sem_alloc : memref<!tpu.dma_semaphore, #tpu.memory_space<semaphore_mem>>
      %dma_start3A = arith.constant 0 : i32
      %dma_start3A_49 = tpu.memref_slice %arg23[%add3A_42, %dma_start3A] : memref<10240x128xf32, #tpu.memory_space<vmem_shared>> -> memref<128x128xf32, #tpu.memory_space<vmem_shared>>
      %dma_start3A_50 = arith.constant 0 : i32
      %dma_start3A_51 = tpu.memref_slice %arg23[%add3A_42, %dma_start3A_50] : memref<10240x128xf32, #tpu.memory_space<vmem_shared>> -> memref<128x128xf32, #tpu.memory_space<vmem_shared>>
      tpu.enqueue_dma source(%dma_start3A_51 : memref<128x128xf32, #tpu.memory_space<vmem_shared>>) target(%arg21 : memref<128x128xf32, #tpu.memory_space<vmem>>) target_semaphore(%run_scoped3A : memref<!tpu.dma_semaphore, #tpu.memory_space<semaphore_mem>>)
      %dma_wait3A = arith.constant 0 : i32
      %dma_wait3A_52 = tpu.memref_slice %arg23[%add3A_42, %dma_wait3A] : memref<10240x128xf32, #tpu.memory_space<vmem_shared>> -> memref<128x128xf32, #tpu.memory_space<vmem_shared>>
      %dma_wait3A_53 = arith.constant 0 : i32
      %dma_wait3A_54 = tpu.memref_slice %arg23[%add3A_42, %dma_wait3A_53] : memref<10240x128xf32, #tpu.memory_space<vmem_shared>> -> memref<128x128xf32, #tpu.memory_space<vmem_shared>>
      tpu.wait_dma2 semaphore(%run_scoped3A : memref<!tpu.dma_semaphore, #tpu.memory_space<semaphore_mem>>) src(%dma_wait3A_54 : memref<128x128xf32, #tpu.memory_space<vmem_shared>>) dst(%arg21 : memref<128x128xf32, #tpu.memory_space<vmem>>)
      tpu.yield
    }) : () -> ()
    %add3A_43 = arith.constant 384 : i32
    %add3A_44 = arith.addi %mul3A_12, %add3A_43 : i32
    "tpu.region"() ({
      %run_scoped3A = tpu.sem_alloc : memref<!tpu.dma_semaphore, #tpu.memory_space<semaphore_mem>>
      %dma_start3A = arith.constant 0 : i32
      %dma_start3A_49 = tpu.memref_slice %arg6[%arg0, %add3A_44, %dma_start3A] : memref<2x10240x128xf32, #tpu.memory_space<hbm>> -> memref<1x128x128xf32, #tpu.memory_space<hbm>>
      %dma_start3A_50 = tpu.memref_squeeze %dma_start3A_49 : memref<1x128x128xf32, #tpu.memory_space<hbm>> -> memref<128x128xf32, #tpu.memory_space<hbm>>
      %dma_start3A_51 = arith.constant 0 : i32
      %dma_start3A_52 = tpu.memref_slice %arg6[%arg0, %add3A_44, %dma_start3A_51] : memref<2x10240x128xf32, #tpu.memory_space<hbm>> -> memref<1x128x128xf32, #tpu.memory_space<hbm>>
      %dma_start3A_53 = tpu.memref_squeeze %dma_start3A_52 : memref<1x128x128xf32, #tpu.memory_space<hbm>> -> memref<128x128xf32, #tpu.memory_space<hbm>>
      tpu.enqueue_dma source(%arg21 : memref<128x128xf32, #tpu.memory_space<vmem>>) target(%dma_start3A_53 : memref<128x128xf32, #tpu.memory_space<hbm>>) target_semaphore(%run_scoped3A : memref<!tpu.dma_semaphore, #tpu.memory_space<semaphore_mem>>)
      %dma_wait3A = arith.constant 0 : i32
      %dma_wait3A_54 = tpu.memref_slice %arg6[%arg0, %add3A_44, %dma_wait3A] : memref<2x10240x128xf32, #tpu.memory_space<hbm>> -> memref<1x128x128xf32, #tpu.memory_space<hbm>>
      %dma_wait3A_55 = tpu.memref_squeeze %dma_wait3A_54 : memref<1x128x128xf32, #tpu.memory_space<hbm>> -> memref<128x128xf32, #tpu.memory_space<hbm>>
      %dma_wait3A_56 = arith.constant 0 : i32
      %dma_wait3A_57 = tpu.memref_slice %arg6[%arg0, %add3A_44, %dma_wait3A_56] : memref<2x10240x128xf32, #tpu.memory_space<hbm>> -> memref<1x128x128xf32, #tpu.memory_space<hbm>>
      %dma_wait3A_58 = tpu.memref_squeeze %dma_wait3A_57 : memref<1x128x128xf32, #tpu.memory_space<hbm>> -> memref<128x128xf32, #tpu.memory_space<hbm>>
      tpu.wait_dma2 semaphore(%run_scoped3A : memref<!tpu.dma_semaphore, #tpu.memory_space<semaphore_mem>>) src(%arg21 : memref<128x128xf32, #tpu.memory_space<vmem>>) dst(%dma_wait3A_58 : memref<128x128xf32, #tpu.memory_space<hbm>>)
      tpu.yield
    }) : () -> ()
    %add3A_45 = arith.constant 512 : i32
    %add3A_46 = arith.addi %mul3A_12, %add3A_45 : i32
    "tpu.region"() ({
      %run_scoped3A = tpu.sem_alloc : memref<!tpu.dma_semaphore, #tpu.memory_space<semaphore_mem>>
      %dma_start3A = arith.constant 0 : i32
      %dma_start3A_49 = tpu.memref_slice %arg23[%add3A_46, %dma_start3A] : memref<10240x128xf32, #tpu.memory_space<vmem_shared>> -> memref<128x128xf32, #tpu.memory_space<vmem_shared>>
      %dma_start3A_50 = arith.constant 0 : i32
      %dma_start3A_51 = tpu.memref_slice %arg23[%add3A_46, %dma_start3A_50] : memref<10240x128xf32, #tpu.memory_space<vmem_shared>> -> memref<128x128xf32, #tpu.memory_space<vmem_shared>>
      tpu.enqueue_dma source(%dma_start3A_51 : memref<128x128xf32, #tpu.memory_space<vmem_shared>>) target(%arg21 : memref<128x128xf32, #tpu.memory_space<vmem>>) target_semaphore(%run_scoped3A : memref<!tpu.dma_semaphore, #tpu.memory_space<semaphore_mem>>)
      %dma_wait3A = arith.constant 0 : i32
      %dma_wait3A_52 = tpu.memref_slice %arg23[%add3A_46, %dma_wait3A] : memref<10240x128xf32, #tpu.memory_space<vmem_shared>> -> memref<128x128xf32, #tpu.memory_space<vmem_shared>>
      %dma_wait3A_53 = arith.constant 0 : i32
      %dma_wait3A_54 = tpu.memref_slice %arg23[%add3A_46, %dma_wait3A_53] : memref<10240x128xf32, #tpu.memory_space<vmem_shared>> -> memref<128x128xf32, #tpu.memory_space<vmem_shared>>
      tpu.wait_dma2 semaphore(%run_scoped3A : memref<!tpu.dma_semaphore, #tpu.memory_space<semaphore_mem>>) src(%dma_wait3A_54 : memref<128x128xf32, #tpu.memory_space<vmem_shared>>) dst(%arg21 : memref<128x128xf32, #tpu.memory_space<vmem>>)
      tpu.yield
    }) : () -> ()
    %add3A_47 = arith.constant 512 : i32
    %add3A_48 = arith.addi %mul3A_12, %add3A_47 : i32
    "tpu.region"() ({
      %run_scoped3A = tpu.sem_alloc : memref<!tpu.dma_semaphore, #tpu.memory_space<semaphore_mem>>
      %dma_start3A = arith.constant 0 : i32
      %dma_start3A_49 = tpu.memref_slice %arg6[%arg0, %add3A_48, %dma_start3A] : memref<2x10240x128xf32, #tpu.memory_space<hbm>> -> memref<1x128x128xf32, #tpu.memory_space<hbm>>
      %dma_start3A_50 = tpu.memref_squeeze %dma_start3A_49 : memref<1x128x128xf32, #tpu.memory_space<hbm>> -> memref<128x128xf32, #tpu.memory_space<hbm>>
      %dma_start3A_51 = arith.constant 0 : i32
      %dma_start3A_52 = tpu.memref_slice %arg6[%arg0, %add3A_48, %dma_start3A_51] : memref<2x10240x128xf32, #tpu.memory_space<hbm>> -> memref<1x128x128xf32, #tpu.memory_space<hbm>>
      %dma_start3A_53 = tpu.memref_squeeze %dma_start3A_52 : memref<1x128x128xf32, #tpu.memory_space<hbm>> -> memref<128x128xf32, #tpu.memory_space<hbm>>
      tpu.enqueue_dma source(%arg21 : memref<128x128xf32, #tpu.memory_space<vmem>>) target(%dma_start3A_53 : memref<128x128xf32, #tpu.memory_space<hbm>>) target_semaphore(%run_scoped3A : memref<!tpu.dma_semaphore, #tpu.memory_space<semaphore_mem>>)
      %dma_wait3A = arith.constant 0 : i32
      %dma_wait3A_54 = tpu.memref_slice %arg6[%arg0, %add3A_48, %dma_wait3A] : memref<2x10240x128xf32, #tpu.memory_space<hbm>> -> memref<1x128x128xf32, #tpu.memory_space<hbm>>
      %dma_wait3A_55 = tpu.memref_squeeze %dma_wait3A_54 : memref<1x128x128xf32, #tpu.memory_space<hbm>> -> memref<128x128xf32, #tpu.memory_space<hbm>>
      %dma_wait3A_56 = arith.constant 0 : i32
      %dma_wait3A_57 = tpu.memref_slice %arg6[%arg0, %add3A_48, %dma_wait3A_56] : memref<2x10240x128xf32, #tpu.memory_space<hbm>> -> memref<1x128x128xf32, #tpu.memory_space<hbm>>
      %dma_wait3A_58 = tpu.memref_squeeze %dma_wait3A_57 : memref<1x128x128xf32, #tpu.memory_space<hbm>> -> memref<128x128xf32, #tpu.memory_space<hbm>>
      tpu.wait_dma2 semaphore(%run_scoped3A : memref<!tpu.dma_semaphore, #tpu.memory_space<semaphore_mem>>) src(%arg21 : memref<128x128xf32, #tpu.memory_space<vmem>>) dst(%dma_wait3A_58 : memref<128x128xf32, #tpu.memory_space<hbm>>)
      tpu.yield
    }) : () -> ()
    "tpu.region"() ({
      %run_scoped3A = tpu.sem_alloc : memref<!tpu.dma_semaphore, #tpu.memory_space<semaphore_mem>>
      %dma_start3A = tpu.memref_slice %arg24[%mul3A_12] : memref<10240xf32, #tpu.memory_space<vmem_shared>> -> memref<640xf32, #tpu.memory_space<vmem_shared>>
      %dma_start3A_49 = tpu.memref_slice %arg24[%mul3A_12] : memref<10240xf32, #tpu.memory_space<vmem_shared>> -> memref<640xf32, #tpu.memory_space<vmem_shared>>
      tpu.enqueue_dma source(%dma_start3A_49 : memref<640xf32, #tpu.memory_space<vmem_shared>>) target(%arg22 : memref<640xf32, #tpu.memory_space<vmem>>) target_semaphore(%run_scoped3A : memref<!tpu.dma_semaphore, #tpu.memory_space<semaphore_mem>>)
      %dma_wait3A = tpu.memref_slice %arg24[%mul3A_12] : memref<10240xf32, #tpu.memory_space<vmem_shared>> -> memref<640xf32, #tpu.memory_space<vmem_shared>>
      %dma_wait3A_50 = tpu.memref_slice %arg24[%mul3A_12] : memref<10240xf32, #tpu.memory_space<vmem_shared>> -> memref<640xf32, #tpu.memory_space<vmem_shared>>
      tpu.wait_dma2 semaphore(%run_scoped3A : memref<!tpu.dma_semaphore, #tpu.memory_space<semaphore_mem>>) src(%dma_wait3A_50 : memref<640xf32, #tpu.memory_space<vmem_shared>>) dst(%arg22 : memref<640xf32, #tpu.memory_space<vmem>>)
      tpu.yield
    }) : () -> ()
    "tpu.region"() ({
      %run_scoped3A = tpu.sem_alloc : memref<!tpu.dma_semaphore, #tpu.memory_space<semaphore_mem>>
      %dma_start3A = tpu.memref_slice %arg7[%arg0, %mul3A_12] : memref<2x10240xf32, #tpu.memory_space<hbm>> -> memref<1x640xf32, #tpu.memory_space<hbm>>
      %dma_start3A_49 = tpu.memref_squeeze %dma_start3A : memref<1x640xf32, #tpu.memory_space<hbm>> -> memref<640xf32, #tpu.memory_space<hbm>>
      %dma_start3A_50 = tpu.memref_slice %arg7[%arg0, %mul3A_12] : memref<2x10240xf32, #tpu.memory_space<hbm>> -> memref<1x640xf32, #tpu.memory_space<hbm>>
      %dma_start3A_51 = tpu.memref_squeeze %dma_start3A_50 : memref<1x640xf32, #tpu.memory_space<hbm>> -> memref<640xf32, #tpu.memory_space<hbm>>
      tpu.enqueue_dma source(%arg22 : memref<640xf32, #tpu.memory_space<vmem>>) target(%dma_start3A_51 : memref<640xf32, #tpu.memory_space<hbm>>) target_semaphore(%run_scoped3A : memref<!tpu.dma_semaphore, #tpu.memory_space<semaphore_mem>>)
      %dma_wait3A = tpu.memref_slice %arg7[%arg0, %mul3A_12] : memref<2x10240xf32, #tpu.memory_space<hbm>> -> memref<1x640xf32, #tpu.memory_space<hbm>>
      %dma_wait3A_52 = tpu.memref_squeeze %dma_wait3A : memref<1x640xf32, #tpu.memory_space<hbm>> -> memref<640xf32, #tpu.memory_space<hbm>>
      %dma_wait3A_53 = tpu.memref_slice %arg7[%arg0, %mul3A_12] : memref<2x10240xf32, #tpu.memory_space<hbm>> -> memref<1x640xf32, #tpu.memory_space<hbm>>
      %dma_wait3A_54 = tpu.memref_squeeze %dma_wait3A_53 : memref<1x640xf32, #tpu.memory_space<hbm>> -> memref<640xf32, #tpu.memory_space<hbm>>
      tpu.wait_dma2 semaphore(%run_scoped3A : memref<!tpu.dma_semaphore, #tpu.memory_space<semaphore_mem>>) src(%arg22 : memref<640xf32, #tpu.memory_space<vmem>>) dst(%dma_wait3A_54 : memref<640xf32, #tpu.memory_space<hbm>>)
      tpu.yield
    }) : () -> ()
    "tpu.region"() ({
      %run_scoped3A = tpu.sem_alloc : memref<!tpu.dma_semaphore, #tpu.memory_space<semaphore_mem>>
      %dma_start3A = tpu.memref_slice %arg25[%mul3A_12] : memref<10240xf32, #tpu.memory_space<vmem_shared>> -> memref<640xf32, #tpu.memory_space<vmem_shared>>
      %dma_start3A_49 = tpu.memref_slice %arg25[%mul3A_12] : memref<10240xf32, #tpu.memory_space<vmem_shared>> -> memref<640xf32, #tpu.memory_space<vmem_shared>>
      tpu.enqueue_dma source(%dma_start3A_49 : memref<640xf32, #tpu.memory_space<vmem_shared>>) target(%arg22 : memref<640xf32, #tpu.memory_space<vmem>>) target_semaphore(%run_scoped3A : memref<!tpu.dma_semaphore, #tpu.memory_space<semaphore_mem>>)
      %dma_wait3A = tpu.memref_slice %arg25[%mul3A_12] : memref<10240xf32, #tpu.memory_space<vmem_shared>> -> memref<640xf32, #tpu.memory_space<vmem_shared>>
      %dma_wait3A_50 = tpu.memref_slice %arg25[%mul3A_12] : memref<10240xf32, #tpu.memory_space<vmem_shared>> -> memref<640xf32, #tpu.memory_space<vmem_shared>>
      tpu.wait_dma2 semaphore(%run_scoped3A : memref<!tpu.dma_semaphore, #tpu.memory_space<semaphore_mem>>) src(%dma_wait3A_50 : memref<640xf32, #tpu.memory_space<vmem_shared>>) dst(%arg22 : memref<640xf32, #tpu.memory_space<vmem>>)
      tpu.yield
    }) : () -> ()
    "tpu.region"() ({
      %run_scoped3A = tpu.sem_alloc : memref<!tpu.dma_semaphore, #tpu.memory_space<semaphore_mem>>
      %dma_start3A = tpu.memref_slice %arg8[%arg0, %mul3A_12] : memref<2x10240xf32, #tpu.memory_space<hbm>> -> memref<1x640xf32, #tpu.memory_space<hbm>>
      %dma_start3A_49 = tpu.memref_squeeze %dma_start3A : memref<1x640xf32, #tpu.memory_space<hbm>> -> memref<640xf32, #tpu.memory_space<hbm>>
      %dma_start3A_50 = tpu.memref_slice %arg8[%arg0, %mul3A_12] : memref<2x10240xf32, #tpu.memory_space<hbm>> -> memref<1x640xf32, #tpu.memory_space<hbm>>
      %dma_start3A_51 = tpu.memref_squeeze %dma_start3A_50 : memref<1x640xf32, #tpu.memory_space<hbm>> -> memref<640xf32, #tpu.memory_space<hbm>>
      tpu.enqueue_dma source(%arg22 : memref<640xf32, #tpu.memory_space<vmem>>) target(%dma_start3A_51 : memref<640xf32, #tpu.memory_space<hbm>>) target_semaphore(%run_scoped3A : memref<!tpu.dma_semaphore, #tpu.memory_space<semaphore_mem>>)
      %dma_wait3A = tpu.memref_slice %arg8[%arg0, %mul3A_12] : memref<2x10240xf32, #tpu.memory_space<hbm>> -> memref<1x640xf32, #tpu.memory_space<hbm>>
      %dma_wait3A_52 = tpu.memref_squeeze %dma_wait3A : memref<1x640xf32, #tpu.memory_space<hbm>> -> memref<640xf32, #tpu.memory_space<hbm>>
      %dma_wait3A_53 = tpu.memref_slice %arg8[%arg0, %mul3A_12] : memref<2x10240xf32, #tpu.memory_space<hbm>> -> memref<1x640xf32, #tpu.memory_space<hbm>>
      %dma_wait3A_54 = tpu.memref_squeeze %dma_wait3A_53 : memref<1x640xf32, #tpu.memory_space<hbm>> -> memref<640xf32, #tpu.memory_space<hbm>>
      tpu.wait_dma2 semaphore(%run_scoped3A : memref<!tpu.dma_semaphore, #tpu.memory_space<semaphore_mem>>) src(%arg22 : memref<640xf32, #tpu.memory_space<vmem>>) dst(%dma_wait3A_54 : memref<640xf32, #tpu.memory_space<hbm>>)
      tpu.yield
    }) : () -> ()
    return
  }
}

#map = affine_map<(d0, d1) -> (0, 0)>
#map1 = affine_map<(d0, d1) -> (0, 0, 0)>
#map2 = affine_map<(d0, d1) -> (0)>
module attributes {stable_mosaic.version = 14 : i64} {
  func.func @gat(%arg0: i32, %arg1: i32, %arg2: memref<10000x128xf32, #tpu.memory_space<hbm>>, %arg3: memref<32x81x128xi32, #tpu.memory_space<hbm>>, %arg4: memref<32x81x128xi32, #tpu.memory_space<hbm>>, %arg5: memref<20480xf32, #tpu.memory_space<hbm>>, %arg6: memref<2x10240x128xf32, #tpu.memory_space<hbm>>, %arg7: memref<2x10240xf32, #tpu.memory_space<hbm>>, %arg8: memref<81x128xi32, #tpu.memory_space<vmem>>, %arg9: memref<81x128xi32, #tpu.memory_space<vmem>>, %arg10: memref<128xi32, #tpu.memory_space<vmem>>, %arg11: memref<128xi32, #tpu.memory_space<vmem>>, %arg12: memref<128xf32, #tpu.memory_space<vmem>>, %arg13: memref<128xf32, #tpu.memory_space<vmem>>, %arg14: memref<128xf32, #tpu.memory_space<vmem>>, %arg15: memref<128x128xf32, #tpu.memory_space<vmem>>, %arg16: memref<640xf32, #tpu.memory_space<vmem>>, %arg17: memref<10240x128xf32, #tpu.memory_space<vmem_shared>>, %arg18: memref<10240xf32, #tpu.memory_space<vmem_shared>>, %arg19: memref<!tpu.dma_semaphore, #tpu.memory_space<semaphore_mem>>, %arg20: memref<!tpu.dma_semaphore, #tpu.memory_space<semaphore_mem>>) attributes {dimension_semantics = [#tpu.dimension_semantics<core_parallel>, #tpu.dimension_semantics<subcore_parallel>], iteration_bounds = array<i64: 2, 16>, scalar_prefetch = 0 : i64, scratch_operands = 13 : i64, tpu.core_type = #tpu.core_type<sc_vector_subcore>, window_params = [{transform_indices = #map}, {transform_indices = #map1}, {transform_indices = #map1}, {transform_indices = #map2}, {transform_indices = #map1}, {transform_indices = #map}]} {
    %mul3A = arith.constant 16 : i32
    %mul3A_0 = arith.muli %arg0, %mul3A : i32
    %add3A = arith.addi %mul3A_0, %arg1 : i32
    %broadcast_in_dim3A = arith.constant 0.000000e+00 : f32
    %broadcast_in_dim3A_1 = vector.broadcast %broadcast_in_dim3A : f32 to vector<16xf32>
    "tpu.region"() ({
      %run_scoped3A = tpu.sem_alloc : memref<!tpu.dma_semaphore, #tpu.memory_space<semaphore_mem>>
      %dma_start3A = arith.constant 0 : i32
      %dma_start3A_49 = arith.constant 0 : i32
      %dma_start3A_50 = tpu.memref_slice %arg3[%add3A, %dma_start3A, %dma_start3A_49] : memref<32x81x128xi32, #tpu.memory_space<hbm>> -> memref<1x81x128xi32, #tpu.memory_space<hbm>>
      %dma_start3A_51 = tpu.memref_squeeze %dma_start3A_50 : memref<1x81x128xi32, #tpu.memory_space<hbm>> -> memref<81x128xi32, #tpu.memory_space<hbm>>
      %dma_start3A_52 = arith.constant 0 : i32
      %dma_start3A_53 = arith.constant 0 : i32
      %dma_start3A_54 = tpu.memref_slice %arg3[%add3A, %dma_start3A_52, %dma_start3A_53] : memref<32x81x128xi32, #tpu.memory_space<hbm>> -> memref<1x81x128xi32, #tpu.memory_space<hbm>>
      %dma_start3A_55 = tpu.memref_squeeze %dma_start3A_54 : memref<1x81x128xi32, #tpu.memory_space<hbm>> -> memref<81x128xi32, #tpu.memory_space<hbm>>
      tpu.enqueue_dma source(%dma_start3A_55 : memref<81x128xi32, #tpu.memory_space<hbm>>) target(%arg8 : memref<81x128xi32, #tpu.memory_space<vmem>>) target_semaphore(%run_scoped3A : memref<!tpu.dma_semaphore, #tpu.memory_space<semaphore_mem>>)
      %dma_wait3A = arith.constant 0 : i32
      %dma_wait3A_56 = arith.constant 0 : i32
      %dma_wait3A_57 = tpu.memref_slice %arg3[%add3A, %dma_wait3A, %dma_wait3A_56] : memref<32x81x128xi32, #tpu.memory_space<hbm>> -> memref<1x81x128xi32, #tpu.memory_space<hbm>>
      %dma_wait3A_58 = tpu.memref_squeeze %dma_wait3A_57 : memref<1x81x128xi32, #tpu.memory_space<hbm>> -> memref<81x128xi32, #tpu.memory_space<hbm>>
      %dma_wait3A_59 = arith.constant 0 : i32
      %dma_wait3A_60 = arith.constant 0 : i32
      %dma_wait3A_61 = tpu.memref_slice %arg3[%add3A, %dma_wait3A_59, %dma_wait3A_60] : memref<32x81x128xi32, #tpu.memory_space<hbm>> -> memref<1x81x128xi32, #tpu.memory_space<hbm>>
      %dma_wait3A_62 = tpu.memref_squeeze %dma_wait3A_61 : memref<1x81x128xi32, #tpu.memory_space<hbm>> -> memref<81x128xi32, #tpu.memory_space<hbm>>
      tpu.wait_dma2 semaphore(%run_scoped3A : memref<!tpu.dma_semaphore, #tpu.memory_space<semaphore_mem>>) src(%dma_wait3A_62 : memref<81x128xi32, #tpu.memory_space<hbm>>) dst(%arg8 : memref<81x128xi32, #tpu.memory_space<vmem>>)
      tpu.yield
    }) : () -> ()
    "tpu.region"() ({
      %run_scoped3A = tpu.sem_alloc : memref<!tpu.dma_semaphore, #tpu.memory_space<semaphore_mem>>
      %dma_start3A = arith.constant 0 : i32
      %dma_start3A_49 = arith.constant 0 : i32
      %dma_start3A_50 = tpu.memref_slice %arg4[%add3A, %dma_start3A, %dma_start3A_49] : memref<32x81x128xi32, #tpu.memory_space<hbm>> -> memref<1x81x128xi32, #tpu.memory_space<hbm>>
      %dma_start3A_51 = tpu.memref_squeeze %dma_start3A_50 : memref<1x81x128xi32, #tpu.memory_space<hbm>> -> memref<81x128xi32, #tpu.memory_space<hbm>>
      %dma_start3A_52 = arith.constant 0 : i32
      %dma_start3A_53 = arith.constant 0 : i32
      %dma_start3A_54 = tpu.memref_slice %arg4[%add3A, %dma_start3A_52, %dma_start3A_53] : memref<32x81x128xi32, #tpu.memory_space<hbm>> -> memref<1x81x128xi32, #tpu.memory_space<hbm>>
      %dma_start3A_55 = tpu.memref_squeeze %dma_start3A_54 : memref<1x81x128xi32, #tpu.memory_space<hbm>> -> memref<81x128xi32, #tpu.memory_space<hbm>>
      tpu.enqueue_dma source(%dma_start3A_55 : memref<81x128xi32, #tpu.memory_space<hbm>>) target(%arg9 : memref<81x128xi32, #tpu.memory_space<vmem>>) target_semaphore(%run_scoped3A : memref<!tpu.dma_semaphore, #tpu.memory_space<semaphore_mem>>)
      %dma_wait3A = arith.constant 0 : i32
      %dma_wait3A_56 = arith.constant 0 : i32
      %dma_wait3A_57 = tpu.memref_slice %arg4[%add3A, %dma_wait3A, %dma_wait3A_56] : memref<32x81x128xi32, #tpu.memory_space<hbm>> -> memref<1x81x128xi32, #tpu.memory_space<hbm>>
      %dma_wait3A_58 = tpu.memref_squeeze %dma_wait3A_57 : memref<1x81x128xi32, #tpu.memory_space<hbm>> -> memref<81x128xi32, #tpu.memory_space<hbm>>
      %dma_wait3A_59 = arith.constant 0 : i32
      %dma_wait3A_60 = arith.constant 0 : i32
      %dma_wait3A_61 = tpu.memref_slice %arg4[%add3A, %dma_wait3A_59, %dma_wait3A_60] : memref<32x81x128xi32, #tpu.memory_space<hbm>> -> memref<1x81x128xi32, #tpu.memory_space<hbm>>
      %dma_wait3A_62 = tpu.memref_squeeze %dma_wait3A_61 : memref<1x81x128xi32, #tpu.memory_space<hbm>> -> memref<81x128xi32, #tpu.memory_space<hbm>>
      tpu.wait_dma2 semaphore(%run_scoped3A : memref<!tpu.dma_semaphore, #tpu.memory_space<semaphore_mem>>) src(%dma_wait3A_62 : memref<81x128xi32, #tpu.memory_space<hbm>>) dst(%arg9 : memref<81x128xi32, #tpu.memory_space<vmem>>)
      tpu.yield
    }) : () -> ()
    %scan3A = arith.constant 0 : i32
    %scan3A_2 = arith.constant 128 : i32
    %scan3A_3 = arith.addi %scan3A, %scan3A_2 : i32
    %scan3A_4 = arith.constant 1 : i32
    scf.for %scan3A_49 = %scan3A to %scan3A_3 step %scan3A_4  : i32 {
      %mul3A_50 = arith.constant 1 : i32
      %mul3A_51 = arith.muli %scan3A_49, %mul3A_50 : i32
      %add3A_52 = arith.constant 0 : i32
      %add3A_53 = arith.addi %add3A_52, %mul3A_51 : i32
      %swap3A = arith.index_cast %add3A_53 : i32 to index
      %swap3A_54 = arith.constant 0 : index
      %swap3A_55 = tpu.vector_load %arg15[%swap3A, %swap3A_54] {strides = array<i32>} : memref<128x128xf32, #tpu.memory_space<vmem>>, vector<16xf32>,
      tpu.vector_store %arg15[%swap3A, %swap3A_54], %broadcast_in_dim3A_1 {strides = array<i32>} : memref<128x128xf32, #tpu.memory_space<vmem>>, vector<16xf32>,
      %swap3A_56 = arith.index_cast %add3A_53 : i32 to index
      %swap3A_57 = arith.constant 16 : index
      %swap3A_58 = tpu.vector_load %arg15[%swap3A_56, %swap3A_57] {strides = array<i32>} : memref<128x128xf32, #tpu.memory_space<vmem>>, vector<16xf32>,
      tpu.vector_store %arg15[%swap3A_56, %swap3A_57], %broadcast_in_dim3A_1 {strides = array<i32>} : memref<128x128xf32, #tpu.memory_space<vmem>>, vector<16xf32>,
      %swap3A_59 = arith.index_cast %add3A_53 : i32 to index
      %swap3A_60 = arith.constant 32 : index
      %swap3A_61 = tpu.vector_load %arg15[%swap3A_59, %swap3A_60] {strides = array<i32>} : memref<128x128xf32, #tpu.memory_space<vmem>>, vector<16xf32>,
      tpu.vector_store %arg15[%swap3A_59, %swap3A_60], %broadcast_in_dim3A_1 {strides = array<i32>} : memref<128x128xf32, #tpu.memory_space<vmem>>, vector<16xf32>,
      %swap3A_62 = arith.index_cast %add3A_53 : i32 to index
      %swap3A_63 = arith.constant 48 : index
      %swap3A_64 = tpu.vector_load %arg15[%swap3A_62, %swap3A_63] {strides = array<i32>} : memref<128x128xf32, #tpu.memory_space<vmem>>, vector<16xf32>,
      tpu.vector_store %arg15[%swap3A_62, %swap3A_63], %broadcast_in_dim3A_1 {strides = array<i32>} : memref<128x128xf32, #tpu.memory_space<vmem>>, vector<16xf32>,
      %swap3A_65 = arith.index_cast %add3A_53 : i32 to index
      %swap3A_66 = arith.constant 64 : index
      %swap3A_67 = tpu.vector_load %arg15[%swap3A_65, %swap3A_66] {strides = array<i32>} : memref<128x128xf32, #tpu.memory_space<vmem>>, vector<16xf32>,
      tpu.vector_store %arg15[%swap3A_65, %swap3A_66], %broadcast_in_dim3A_1 {strides = array<i32>} : memref<128x128xf32, #tpu.memory_space<vmem>>, vector<16xf32>,
      %swap3A_68 = arith.index_cast %add3A_53 : i32 to index
      %swap3A_69 = arith.constant 80 : index
      %swap3A_70 = tpu.vector_load %arg15[%swap3A_68, %swap3A_69] {strides = array<i32>} : memref<128x128xf32, #tpu.memory_space<vmem>>, vector<16xf32>,
      tpu.vector_store %arg15[%swap3A_68, %swap3A_69], %broadcast_in_dim3A_1 {strides = array<i32>} : memref<128x128xf32, #tpu.memory_space<vmem>>, vector<16xf32>,
      %swap3A_71 = arith.index_cast %add3A_53 : i32 to index
      %swap3A_72 = arith.constant 96 : index
      %swap3A_73 = tpu.vector_load %arg15[%swap3A_71, %swap3A_72] {strides = array<i32>} : memref<128x128xf32, #tpu.memory_space<vmem>>, vector<16xf32>,
      tpu.vector_store %arg15[%swap3A_71, %swap3A_72], %broadcast_in_dim3A_1 {strides = array<i32>} : memref<128x128xf32, #tpu.memory_space<vmem>>, vector<16xf32>,
      %swap3A_74 = arith.index_cast %add3A_53 : i32 to index
      %swap3A_75 = arith.constant 112 : index
      %swap3A_76 = tpu.vector_load %arg15[%swap3A_74, %swap3A_75] {strides = array<i32>} : memref<128x128xf32, #tpu.memory_space<vmem>>, vector<16xf32>,
      tpu.vector_store %arg15[%swap3A_74, %swap3A_75], %broadcast_in_dim3A_1 {strides = array<i32>} : memref<128x128xf32, #tpu.memory_space<vmem>>, vector<16xf32>,
    }
    %scan3A_5 = arith.constant 128 : i32
    %scan3A_6 = arith.constant 0 : i32
    %scan3A_7 = arith.constant 40 : i32
    %scan3A_8 = arith.addi %scan3A_6, %scan3A_7 : i32
    %scan3A_9 = arith.constant 1 : i32
    scf.for %scan3A_49 = %scan3A_6 to %scan3A_8 step %scan3A_9  : i32 {
      %mul3A_50 = arith.constant 1 : i32
      %mul3A_51 = arith.muli %scan3A_49, %mul3A_50 : i32
      %add3A_52 = arith.constant 0 : i32
      %add3A_53 = arith.addi %add3A_52, %mul3A_51 : i32
      %mul3A_54 = arith.constant 16 : i32
      %mul3A_55 = arith.muli %add3A_53, %mul3A_54 : i32
      %swap3A = arith.index_cast %mul3A_55 : i32 to index
      %swap3A_56 = tpu.vector_load %arg16[%swap3A] {strides = array<i32>} : memref<640xf32, #tpu.memory_space<vmem>>, vector<16xf32>,
      tpu.vector_store %arg16[%swap3A], %broadcast_in_dim3A_1 {strides = array<i32>} : memref<640xf32, #tpu.memory_space<vmem>>, vector<16xf32>,
    }
    %scan3A_10 = arith.constant 40 : i32
    %mul3A_11 = arith.constant 640 : i32
    %mul3A_12 = arith.muli %arg1, %mul3A_11 : i32
    %add3A_13 = arith.constant 0 : i32
    %add3A_14 = arith.addi %mul3A_12, %add3A_13 : i32
    "tpu.region"() ({
      %run_scoped3A = tpu.sem_alloc : memref<!tpu.dma_semaphore, #tpu.memory_space<semaphore_mem>>
      %dma_start3A = arith.constant 0 : i32
      %dma_start3A_49 = tpu.memref_slice %arg17[%add3A_14, %dma_start3A] : memref<10240x128xf32, #tpu.memory_space<vmem_shared>> -> memref<128x128xf32, #tpu.memory_space<vmem_shared>>
      %dma_start3A_50 = arith.constant 0 : i32
      %dma_start3A_51 = tpu.memref_slice %arg17[%add3A_14, %dma_start3A_50] : memref<10240x128xf32, #tpu.memory_space<vmem_shared>> -> memref<128x128xf32, #tpu.memory_space<vmem_shared>>
      tpu.enqueue_dma source(%arg15 : memref<128x128xf32, #tpu.memory_space<vmem>>) target(%dma_start3A_51 : memref<128x128xf32, #tpu.memory_space<vmem_shared>>) target_semaphore(%run_scoped3A : memref<!tpu.dma_semaphore, #tpu.memory_space<semaphore_mem>>)
      %dma_wait3A = arith.constant 0 : i32
      %dma_wait3A_52 = tpu.memref_slice %arg17[%add3A_14, %dma_wait3A] : memref<10240x128xf32, #tpu.memory_space<vmem_shared>> -> memref<128x128xf32, #tpu.memory_space<vmem_shared>>
      %dma_wait3A_53 = arith.constant 0 : i32
      %dma_wait3A_54 = tpu.memref_slice %arg17[%add3A_14, %dma_wait3A_53] : memref<10240x128xf32, #tpu.memory_space<vmem_shared>> -> memref<128x128xf32, #tpu.memory_space<vmem_shared>>
      tpu.wait_dma2 semaphore(%run_scoped3A : memref<!tpu.dma_semaphore, #tpu.memory_space<semaphore_mem>>) src(%arg15 : memref<128x128xf32, #tpu.memory_space<vmem>>) dst(%dma_wait3A_54 : memref<128x128xf32, #tpu.memory_space<vmem_shared>>)
      tpu.yield
    }) : () -> ()
    %add3A_15 = arith.constant 128 : i32
    %add3A_16 = arith.addi %mul3A_12, %add3A_15 : i32
    "tpu.region"() ({
      %run_scoped3A = tpu.sem_alloc : memref<!tpu.dma_semaphore, #tpu.memory_space<semaphore_mem>>
      %dma_start3A = arith.constant 0 : i32
      %dma_start3A_49 = tpu.memref_slice %arg17[%add3A_16, %dma_start3A] : memref<10240x128xf32, #tpu.memory_space<vmem_shared>> -> memref<128x128xf32, #tpu.memory_space<vmem_shared>>
      %dma_start3A_50 = arith.constant 0 : i32
      %dma_start3A_51 = tpu.memref_slice %arg17[%add3A_16, %dma_start3A_50] : memref<10240x128xf32, #tpu.memory_space<vmem_shared>> -> memref<128x128xf32, #tpu.memory_space<vmem_shared>>
      tpu.enqueue_dma source(%arg15 : memref<128x128xf32, #tpu.memory_space<vmem>>) target(%dma_start3A_51 : memref<128x128xf32, #tpu.memory_space<vmem_shared>>) target_semaphore(%run_scoped3A : memref<!tpu.dma_semaphore, #tpu.memory_space<semaphore_mem>>)
      %dma_wait3A = arith.constant 0 : i32
      %dma_wait3A_52 = tpu.memref_slice %arg17[%add3A_16, %dma_wait3A] : memref<10240x128xf32, #tpu.memory_space<vmem_shared>> -> memref<128x128xf32, #tpu.memory_space<vmem_shared>>
      %dma_wait3A_53 = arith.constant 0 : i32
      %dma_wait3A_54 = tpu.memref_slice %arg17[%add3A_16, %dma_wait3A_53] : memref<10240x128xf32, #tpu.memory_space<vmem_shared>> -> memref<128x128xf32, #tpu.memory_space<vmem_shared>>
      tpu.wait_dma2 semaphore(%run_scoped3A : memref<!tpu.dma_semaphore, #tpu.memory_space<semaphore_mem>>) src(%arg15 : memref<128x128xf32, #tpu.memory_space<vmem>>) dst(%dma_wait3A_54 : memref<128x128xf32, #tpu.memory_space<vmem_shared>>)
      tpu.yield
    }) : () -> ()
    %add3A_17 = arith.constant 256 : i32
    %add3A_18 = arith.addi %mul3A_12, %add3A_17 : i32
    "tpu.region"() ({
      %run_scoped3A = tpu.sem_alloc : memref<!tpu.dma_semaphore, #tpu.memory_space<semaphore_mem>>
      %dma_start3A = arith.constant 0 : i32
      %dma_start3A_49 = tpu.memref_slice %arg17[%add3A_18, %dma_start3A] : memref<10240x128xf32, #tpu.memory_space<vmem_shared>> -> memref<128x128xf32, #tpu.memory_space<vmem_shared>>
      %dma_start3A_50 = arith.constant 0 : i32
      %dma_start3A_51 = tpu.memref_slice %arg17[%add3A_18, %dma_start3A_50] : memref<10240x128xf32, #tpu.memory_space<vmem_shared>> -> memref<128x128xf32, #tpu.memory_space<vmem_shared>>
      tpu.enqueue_dma source(%arg15 : memref<128x128xf32, #tpu.memory_space<vmem>>) target(%dma_start3A_51 : memref<128x128xf32, #tpu.memory_space<vmem_shared>>) target_semaphore(%run_scoped3A : memref<!tpu.dma_semaphore, #tpu.memory_space<semaphore_mem>>)
      %dma_wait3A = arith.constant 0 : i32
      %dma_wait3A_52 = tpu.memref_slice %arg17[%add3A_18, %dma_wait3A] : memref<10240x128xf32, #tpu.memory_space<vmem_shared>> -> memref<128x128xf32, #tpu.memory_space<vmem_shared>>
      %dma_wait3A_53 = arith.constant 0 : i32
      %dma_wait3A_54 = tpu.memref_slice %arg17[%add3A_18, %dma_wait3A_53] : memref<10240x128xf32, #tpu.memory_space<vmem_shared>> -> memref<128x128xf32, #tpu.memory_space<vmem_shared>>
      tpu.wait_dma2 semaphore(%run_scoped3A : memref<!tpu.dma_semaphore, #tpu.memory_space<semaphore_mem>>) src(%arg15 : memref<128x128xf32, #tpu.memory_space<vmem>>) dst(%dma_wait3A_54 : memref<128x128xf32, #tpu.memory_space<vmem_shared>>)
      tpu.yield
    }) : () -> ()
    %add3A_19 = arith.constant 384 : i32
    %add3A_20 = arith.addi %mul3A_12, %add3A_19 : i32
    "tpu.region"() ({
      %run_scoped3A = tpu.sem_alloc : memref<!tpu.dma_semaphore, #tpu.memory_space<semaphore_mem>>
      %dma_start3A = arith.constant 0 : i32
      %dma_start3A_49 = tpu.memref_slice %arg17[%add3A_20, %dma_start3A] : memref<10240x128xf32, #tpu.memory_space<vmem_shared>> -> memref<128x128xf32, #tpu.memory_space<vmem_shared>>
      %dma_start3A_50 = arith.constant 0 : i32
      %dma_start3A_51 = tpu.memref_slice %arg17[%add3A_20, %dma_start3A_50] : memref<10240x128xf32, #tpu.memory_space<vmem_shared>> -> memref<128x128xf32, #tpu.memory_space<vmem_shared>>
      tpu.enqueue_dma source(%arg15 : memref<128x128xf32, #tpu.memory_space<vmem>>) target(%dma_start3A_51 : memref<128x128xf32, #tpu.memory_space<vmem_shared>>) target_semaphore(%run_scoped3A : memref<!tpu.dma_semaphore, #tpu.memory_space<semaphore_mem>>)
      %dma_wait3A = arith.constant 0 : i32
      %dma_wait3A_52 = tpu.memref_slice %arg17[%add3A_20, %dma_wait3A] : memref<10240x128xf32, #tpu.memory_space<vmem_shared>> -> memref<128x128xf32, #tpu.memory_space<vmem_shared>>
      %dma_wait3A_53 = arith.constant 0 : i32
      %dma_wait3A_54 = tpu.memref_slice %arg17[%add3A_20, %dma_wait3A_53] : memref<10240x128xf32, #tpu.memory_space<vmem_shared>> -> memref<128x128xf32, #tpu.memory_space<vmem_shared>>
      tpu.wait_dma2 semaphore(%run_scoped3A : memref<!tpu.dma_semaphore, #tpu.memory_space<semaphore_mem>>) src(%arg15 : memref<128x128xf32, #tpu.memory_space<vmem>>) dst(%dma_wait3A_54 : memref<128x128xf32, #tpu.memory_space<vmem_shared>>)
      tpu.yield
    }) : () -> ()
    %add3A_21 = arith.constant 512 : i32
    %add3A_22 = arith.addi %mul3A_12, %add3A_21 : i32
    "tpu.region"() ({
      %run_scoped3A = tpu.sem_alloc : memref<!tpu.dma_semaphore, #tpu.memory_space<semaphore_mem>>
      %dma_start3A = arith.constant 0 : i32
      %dma_start3A_49 = tpu.memref_slice %arg17[%add3A_22, %dma_start3A] : memref<10240x128xf32, #tpu.memory_space<vmem_shared>> -> memref<128x128xf32, #tpu.memory_space<vmem_shared>>
      %dma_start3A_50 = arith.constant 0 : i32
      %dma_start3A_51 = tpu.memref_slice %arg17[%add3A_22, %dma_start3A_50] : memref<10240x128xf32, #tpu.memory_space<vmem_shared>> -> memref<128x128xf32, #tpu.memory_space<vmem_shared>>
      tpu.enqueue_dma source(%arg15 : memref<128x128xf32, #tpu.memory_space<vmem>>) target(%dma_start3A_51 : memref<128x128xf32, #tpu.memory_space<vmem_shared>>) target_semaphore(%run_scoped3A : memref<!tpu.dma_semaphore, #tpu.memory_space<semaphore_mem>>)
      %dma_wait3A = arith.constant 0 : i32
      %dma_wait3A_52 = tpu.memref_slice %arg17[%add3A_22, %dma_wait3A] : memref<10240x128xf32, #tpu.memory_space<vmem_shared>> -> memref<128x128xf32, #tpu.memory_space<vmem_shared>>
      %dma_wait3A_53 = arith.constant 0 : i32
      %dma_wait3A_54 = tpu.memref_slice %arg17[%add3A_22, %dma_wait3A_53] : memref<10240x128xf32, #tpu.memory_space<vmem_shared>> -> memref<128x128xf32, #tpu.memory_space<vmem_shared>>
      tpu.wait_dma2 semaphore(%run_scoped3A : memref<!tpu.dma_semaphore, #tpu.memory_space<semaphore_mem>>) src(%arg15 : memref<128x128xf32, #tpu.memory_space<vmem>>) dst(%dma_wait3A_54 : memref<128x128xf32, #tpu.memory_space<vmem_shared>>)
      tpu.yield
    }) : () -> ()
    "tpu.region"() ({
      %run_scoped3A = tpu.sem_alloc : memref<!tpu.dma_semaphore, #tpu.memory_space<semaphore_mem>>
      %dma_start3A = tpu.memref_slice %arg18[%mul3A_12] : memref<10240xf32, #tpu.memory_space<vmem_shared>> -> memref<640xf32, #tpu.memory_space<vmem_shared>>
      %dma_start3A_49 = tpu.memref_slice %arg18[%mul3A_12] : memref<10240xf32, #tpu.memory_space<vmem_shared>> -> memref<640xf32, #tpu.memory_space<vmem_shared>>
      tpu.enqueue_dma source(%arg16 : memref<640xf32, #tpu.memory_space<vmem>>) target(%dma_start3A_49 : memref<640xf32, #tpu.memory_space<vmem_shared>>) target_semaphore(%run_scoped3A : memref<!tpu.dma_semaphore, #tpu.memory_space<semaphore_mem>>)
      %dma_wait3A = tpu.memref_slice %arg18[%mul3A_12] : memref<10240xf32, #tpu.memory_space<vmem_shared>> -> memref<640xf32, #tpu.memory_space<vmem_shared>>
      %dma_wait3A_50 = tpu.memref_slice %arg18[%mul3A_12] : memref<10240xf32, #tpu.memory_space<vmem_shared>> -> memref<640xf32, #tpu.memory_space<vmem_shared>>
      tpu.wait_dma2 semaphore(%run_scoped3A : memref<!tpu.dma_semaphore, #tpu.memory_space<semaphore_mem>>) src(%arg16 : memref<640xf32, #tpu.memory_space<vmem>>) dst(%dma_wait3A_50 : memref<640xf32, #tpu.memory_space<vmem_shared>>)
      tpu.yield
    }) : () -> ()
    %barrier3A = arith.constant 0 : index
    tpu.barrier barrier_id(%barrier3A)
    %scan3A_23 = arith.constant 0 : i32
    %scan3A_24 = arith.constant 81 : i32
    %scan3A_25 = arith.addi %scan3A_23, %scan3A_24 : i32
    %scan3A_26 = arith.constant 1 : i32
    scf.for %scan3A_49 = %scan3A_23 to %scan3A_25 step %scan3A_26  : i32 {
      %mul3A_50 = arith.constant 1 : i32
      %mul3A_51 = arith.muli %scan3A_49, %mul3A_50 : i32
      %add3A_52 = arith.constant 0 : i32
      %add3A_53 = arith.addi %add3A_52, %mul3A_51 : i32
      %get3A = arith.index_cast %add3A_53 : i32 to index
      %get3A_54 = arith.constant 0 : index
      %get3A_55 = tpu.vector_load %arg8[%get3A, %get3A_54] {strides = array<i32>} : memref<81x128xi32, #tpu.memory_space<vmem>>, vector<16xi32>,
      %mul3A_56 = arith.constant 2 : i32
      %mul3A_57 = vector.broadcast %mul3A_56 : i32 to vector<16xi32>
      %mul3A_58 = arith.muli %get3A_55, %mul3A_57 : vector<16xi32>
      %get3A_59 = arith.index_cast %add3A_53 : i32 to index
      %get3A_60 = arith.constant 0 : index
      %get3A_61 = tpu.vector_load %arg9[%get3A_59, %get3A_60] {strides = array<i32>} : memref<81x128xi32, #tpu.memory_space<vmem>>, vector<16xi32>,
      %mul3A_62 = arith.constant 2 : i32
      %mul3A_63 = vector.broadcast %mul3A_62 : i32 to vector<16xi32>
      %mul3A_64 = arith.muli %get3A_61, %mul3A_63 : vector<16xi32>
      %add3A_65 = arith.constant 0 : i32
      %add3A_66 = vector.broadcast %add3A_65 : i32 to vector<16xi32>
      %add3A_67 = arith.addi %mul3A_58, %add3A_66 : vector<16xi32>
      %swap3A = arith.constant 0 : index
      %swap3A_68 = tpu.vector_load %arg10[%swap3A] {strides = array<i32>} : memref<128xi32, #tpu.memory_space<vmem>>, vector<16xi32>,
      tpu.vector_store %arg10[%swap3A], %add3A_67 {strides = array<i32>} : memref<128xi32, #tpu.memory_space<vmem>>, vector<16xi32>,
      %add3A_69 = arith.constant 1 : i32
      %add3A_70 = vector.broadcast %add3A_69 : i32 to vector<16xi32>
      %add3A_71 = arith.addi %mul3A_64, %add3A_70 : vector<16xi32>
      %swap3A_72 = arith.constant 0 : index
      %swap3A_73 = tpu.vector_load %arg11[%swap3A_72] {strides = array<i32>} : memref<128xi32, #tpu.memory_space<vmem>>, vector<16xi32>,
      tpu.vector_store %arg11[%swap3A_72], %add3A_71 {strides = array<i32>} : memref<128xi32, #tpu.memory_space<vmem>>, vector<16xi32>,
      %get3A_74 = arith.index_cast %add3A_53 : i32 to index
      %get3A_75 = arith.constant 16 : index
      %get3A_76 = tpu.vector_load %arg8[%get3A_74, %get3A_75] {strides = array<i32>} : memref<81x128xi32, #tpu.memory_space<vmem>>, vector<16xi32>,
      %mul3A_77 = arith.constant 2 : i32
      %mul3A_78 = vector.broadcast %mul3A_77 : i32 to vector<16xi32>
      %mul3A_79 = arith.muli %get3A_76, %mul3A_78 : vector<16xi32>
      %get3A_80 = arith.index_cast %add3A_53 : i32 to index
      %get3A_81 = arith.constant 16 : index
      %get3A_82 = tpu.vector_load %arg9[%get3A_80, %get3A_81] {strides = array<i32>} : memref<81x128xi32, #tpu.memory_space<vmem>>, vector<16xi32>,
      %mul3A_83 = arith.constant 2 : i32
      %mul3A_84 = vector.broadcast %mul3A_83 : i32 to vector<16xi32>
      %mul3A_85 = arith.muli %get3A_82, %mul3A_84 : vector<16xi32>
      %add3A_86 = arith.constant 0 : i32
      %add3A_87 = vector.broadcast %add3A_86 : i32 to vector<16xi32>
      %add3A_88 = arith.addi %mul3A_79, %add3A_87 : vector<16xi32>
      %swap3A_89 = arith.constant 16 : index
      %swap3A_90 = tpu.vector_load %arg10[%swap3A_89] {strides = array<i32>} : memref<128xi32, #tpu.memory_space<vmem>>, vector<16xi32>,
      tpu.vector_store %arg10[%swap3A_89], %add3A_88 {strides = array<i32>} : memref<128xi32, #tpu.memory_space<vmem>>, vector<16xi32>,
      %add3A_91 = arith.constant 1 : i32
      %add3A_92 = vector.broadcast %add3A_91 : i32 to vector<16xi32>
      %add3A_93 = arith.addi %mul3A_85, %add3A_92 : vector<16xi32>
      %swap3A_94 = arith.constant 16 : index
      %swap3A_95 = tpu.vector_load %arg11[%swap3A_94] {strides = array<i32>} : memref<128xi32, #tpu.memory_space<vmem>>, vector<16xi32>,
      tpu.vector_store %arg11[%swap3A_94], %add3A_93 {strides = array<i32>} : memref<128xi32, #tpu.memory_space<vmem>>, vector<16xi32>,
      %get3A_96 = arith.index_cast %add3A_53 : i32 to index
      %get3A_97 = arith.constant 32 : index
      %get3A_98 = tpu.vector_load %arg8[%get3A_96, %get3A_97] {strides = array<i32>} : memref<81x128xi32, #tpu.memory_space<vmem>>, vector<16xi32>,
      %mul3A_99 = arith.constant 2 : i32
      %mul3A_100 = vector.broadcast %mul3A_99 : i32 to vector<16xi32>
      %mul3A_101 = arith.muli %get3A_98, %mul3A_100 : vector<16xi32>
      %get3A_102 = arith.index_cast %add3A_53 : i32 to index
      %get3A_103 = arith.constant 32 : index
      %get3A_104 = tpu.vector_load %arg9[%get3A_102, %get3A_103] {strides = array<i32>} : memref<81x128xi32, #tpu.memory_space<vmem>>, vector<16xi32>,
      %mul3A_105 = arith.constant 2 : i32
      %mul3A_106 = vector.broadcast %mul3A_105 : i32 to vector<16xi32>
      %mul3A_107 = arith.muli %get3A_104, %mul3A_106 : vector<16xi32>
      %add3A_108 = arith.constant 0 : i32
      %add3A_109 = vector.broadcast %add3A_108 : i32 to vector<16xi32>
      %add3A_110 = arith.addi %mul3A_101, %add3A_109 : vector<16xi32>
      %swap3A_111 = arith.constant 32 : index
      %swap3A_112 = tpu.vector_load %arg10[%swap3A_111] {strides = array<i32>} : memref<128xi32, #tpu.memory_space<vmem>>, vector<16xi32>,
      tpu.vector_store %arg10[%swap3A_111], %add3A_110 {strides = array<i32>} : memref<128xi32, #tpu.memory_space<vmem>>, vector<16xi32>,
      %add3A_113 = arith.constant 1 : i32
      %add3A_114 = vector.broadcast %add3A_113 : i32 to vector<16xi32>
      %add3A_115 = arith.addi %mul3A_107, %add3A_114 : vector<16xi32>
      %swap3A_116 = arith.constant 32 : index
      %swap3A_117 = tpu.vector_load %arg11[%swap3A_116] {strides = array<i32>} : memref<128xi32, #tpu.memory_space<vmem>>, vector<16xi32>,
      tpu.vector_store %arg11[%swap3A_116], %add3A_115 {strides = array<i32>} : memref<128xi32, #tpu.memory_space<vmem>>, vector<16xi32>,
      %get3A_118 = arith.index_cast %add3A_53 : i32 to index
      %get3A_119 = arith.constant 48 : index
      %get3A_120 = tpu.vector_load %arg8[%get3A_118, %get3A_119] {strides = array<i32>} : memref<81x128xi32, #tpu.memory_space<vmem>>, vector<16xi32>,
      %mul3A_121 = arith.constant 2 : i32
      %mul3A_122 = vector.broadcast %mul3A_121 : i32 to vector<16xi32>
      %mul3A_123 = arith.muli %get3A_120, %mul3A_122 : vector<16xi32>
      %get3A_124 = arith.index_cast %add3A_53 : i32 to index
      %get3A_125 = arith.constant 48 : index
      %get3A_126 = tpu.vector_load %arg9[%get3A_124, %get3A_125] {strides = array<i32>} : memref<81x128xi32, #tpu.memory_space<vmem>>, vector<16xi32>,
      %mul3A_127 = arith.constant 2 : i32
      %mul3A_128 = vector.broadcast %mul3A_127 : i32 to vector<16xi32>
      %mul3A_129 = arith.muli %get3A_126, %mul3A_128 : vector<16xi32>
      %add3A_130 = arith.constant 0 : i32
      %add3A_131 = vector.broadcast %add3A_130 : i32 to vector<16xi32>
      %add3A_132 = arith.addi %mul3A_123, %add3A_131 : vector<16xi32>
      %swap3A_133 = arith.constant 48 : index
      %swap3A_134 = tpu.vector_load %arg10[%swap3A_133] {strides = array<i32>} : memref<128xi32, #tpu.memory_space<vmem>>, vector<16xi32>,
      tpu.vector_store %arg10[%swap3A_133], %add3A_132 {strides = array<i32>} : memref<128xi32, #tpu.memory_space<vmem>>, vector<16xi32>,
      %add3A_135 = arith.constant 1 : i32
      %add3A_136 = vector.broadcast %add3A_135 : i32 to vector<16xi32>
      %add3A_137 = arith.addi %mul3A_129, %add3A_136 : vector<16xi32>
      %swap3A_138 = arith.constant 48 : index
      %swap3A_139 = tpu.vector_load %arg11[%swap3A_138] {strides = array<i32>} : memref<128xi32, #tpu.memory_space<vmem>>, vector<16xi32>,
      tpu.vector_store %arg11[%swap3A_138], %add3A_137 {strides = array<i32>} : memref<128xi32, #tpu.memory_space<vmem>>, vector<16xi32>,
      %get3A_140 = arith.index_cast %add3A_53 : i32 to index
      %get3A_141 = arith.constant 64 : index
      %get3A_142 = tpu.vector_load %arg8[%get3A_140, %get3A_141] {strides = array<i32>} : memref<81x128xi32, #tpu.memory_space<vmem>>, vector<16xi32>,
      %mul3A_143 = arith.constant 2 : i32
      %mul3A_144 = vector.broadcast %mul3A_143 : i32 to vector<16xi32>
      %mul3A_145 = arith.muli %get3A_142, %mul3A_144 : vector<16xi32>
      %get3A_146 = arith.index_cast %add3A_53 : i32 to index
      %get3A_147 = arith.constant 64 : index
      %get3A_148 = tpu.vector_load %arg9[%get3A_146, %get3A_147] {strides = array<i32>} : memref<81x128xi32, #tpu.memory_space<vmem>>, vector<16xi32>,
      %mul3A_149 = arith.constant 2 : i32
      %mul3A_150 = vector.broadcast %mul3A_149 : i32 to vector<16xi32>
      %mul3A_151 = arith.muli %get3A_148, %mul3A_150 : vector<16xi32>
      %add3A_152 = arith.constant 0 : i32
      %add3A_153 = vector.broadcast %add3A_152 : i32 to vector<16xi32>
      %add3A_154 = arith.addi %mul3A_145, %add3A_153 : vector<16xi32>
      %swap3A_155 = arith.constant 64 : index
      %swap3A_156 = tpu.vector_load %arg10[%swap3A_155] {strides = array<i32>} : memref<128xi32, #tpu.memory_space<vmem>>, vector<16xi32>,
      tpu.vector_store %arg10[%swap3A_155], %add3A_154 {strides = array<i32>} : memref<128xi32, #tpu.memory_space<vmem>>, vector<16xi32>,
      %add3A_157 = arith.constant 1 : i32
      %add3A_158 = vector.broadcast %add3A_157 : i32 to vector<16xi32>
      %add3A_159 = arith.addi %mul3A_151, %add3A_158 : vector<16xi32>
      %swap3A_160 = arith.constant 64 : index
      %swap3A_161 = tpu.vector_load %arg11[%swap3A_160] {strides = array<i32>} : memref<128xi32, #tpu.memory_space<vmem>>, vector<16xi32>,
      tpu.vector_store %arg11[%swap3A_160], %add3A_159 {strides = array<i32>} : memref<128xi32, #tpu.memory_space<vmem>>, vector<16xi32>,
      %get3A_162 = arith.index_cast %add3A_53 : i32 to index
      %get3A_163 = arith.constant 80 : index
      %get3A_164 = tpu.vector_load %arg8[%get3A_162, %get3A_163] {strides = array<i32>} : memref<81x128xi32, #tpu.memory_space<vmem>>, vector<16xi32>,
      %mul3A_165 = arith.constant 2 : i32
      %mul3A_166 = vector.broadcast %mul3A_165 : i32 to vector<16xi32>
      %mul3A_167 = arith.muli %get3A_164, %mul3A_166 : vector<16xi32>
      %get3A_168 = arith.index_cast %add3A_53 : i32 to index
      %get3A_169 = arith.constant 80 : index
      %get3A_170 = tpu.vector_load %arg9[%get3A_168, %get3A_169] {strides = array<i32>} : memref<81x128xi32, #tpu.memory_space<vmem>>, vector<16xi32>,
      %mul3A_171 = arith.constant 2 : i32
      %mul3A_172 = vector.broadcast %mul3A_171 : i32 to vector<16xi32>
      %mul3A_173 = arith.muli %get3A_170, %mul3A_172 : vector<16xi32>
      %add3A_174 = arith.constant 0 : i32
      %add3A_175 = vector.broadcast %add3A_174 : i32 to vector<16xi32>
      %add3A_176 = arith.addi %mul3A_167, %add3A_175 : vector<16xi32>
      %swap3A_177 = arith.constant 80 : index
      %swap3A_178 = tpu.vector_load %arg10[%swap3A_177] {strides = array<i32>} : memref<128xi32, #tpu.memory_space<vmem>>, vector<16xi32>,
      tpu.vector_store %arg10[%swap3A_177], %add3A_176 {strides = array<i32>} : memref<128xi32, #tpu.memory_space<vmem>>, vector<16xi32>,
      %add3A_179 = arith.constant 1 : i32
      %add3A_180 = vector.broadcast %add3A_179 : i32 to vector<16xi32>
      %add3A_181 = arith.addi %mul3A_173, %add3A_180 : vector<16xi32>
      %swap3A_182 = arith.constant 80 : index
      %swap3A_183 = tpu.vector_load %arg11[%swap3A_182] {strides = array<i32>} : memref<128xi32, #tpu.memory_space<vmem>>, vector<16xi32>,
      tpu.vector_store %arg11[%swap3A_182], %add3A_181 {strides = array<i32>} : memref<128xi32, #tpu.memory_space<vmem>>, vector<16xi32>,
      %get3A_184 = arith.index_cast %add3A_53 : i32 to index
      %get3A_185 = arith.constant 96 : index
      %get3A_186 = tpu.vector_load %arg8[%get3A_184, %get3A_185] {strides = array<i32>} : memref<81x128xi32, #tpu.memory_space<vmem>>, vector<16xi32>,
      %mul3A_187 = arith.constant 2 : i32
      %mul3A_188 = vector.broadcast %mul3A_187 : i32 to vector<16xi32>
      %mul3A_189 = arith.muli %get3A_186, %mul3A_188 : vector<16xi32>
      %get3A_190 = arith.index_cast %add3A_53 : i32 to index
      %get3A_191 = arith.constant 96 : index
      %get3A_192 = tpu.vector_load %arg9[%get3A_190, %get3A_191] {strides = array<i32>} : memref<81x128xi32, #tpu.memory_space<vmem>>, vector<16xi32>,
      %mul3A_193 = arith.constant 2 : i32
      %mul3A_194 = vector.broadcast %mul3A_193 : i32 to vector<16xi32>
      %mul3A_195 = arith.muli %get3A_192, %mul3A_194 : vector<16xi32>
      %add3A_196 = arith.constant 0 : i32
      %add3A_197 = vector.broadcast %add3A_196 : i32 to vector<16xi32>
      %add3A_198 = arith.addi %mul3A_189, %add3A_197 : vector<16xi32>
      %swap3A_199 = arith.constant 96 : index
      %swap3A_200 = tpu.vector_load %arg10[%swap3A_199] {strides = array<i32>} : memref<128xi32, #tpu.memory_space<vmem>>, vector<16xi32>,
      tpu.vector_store %arg10[%swap3A_199], %add3A_198 {strides = array<i32>} : memref<128xi32, #tpu.memory_space<vmem>>, vector<16xi32>,
      %add3A_201 = arith.constant 1 : i32
      %add3A_202 = vector.broadcast %add3A_201 : i32 to vector<16xi32>
      %add3A_203 = arith.addi %mul3A_195, %add3A_202 : vector<16xi32>
      %swap3A_204 = arith.constant 96 : index
      %swap3A_205 = tpu.vector_load %arg11[%swap3A_204] {strides = array<i32>} : memref<128xi32, #tpu.memory_space<vmem>>, vector<16xi32>,
      tpu.vector_store %arg11[%swap3A_204], %add3A_203 {strides = array<i32>} : memref<128xi32, #tpu.memory_space<vmem>>, vector<16xi32>,
      %get3A_206 = arith.index_cast %add3A_53 : i32 to index
      %get3A_207 = arith.constant 112 : index
      %get3A_208 = tpu.vector_load %arg8[%get3A_206, %get3A_207] {strides = array<i32>} : memref<81x128xi32, #tpu.memory_space<vmem>>, vector<16xi32>,
      %mul3A_209 = arith.constant 2 : i32
      %mul3A_210 = vector.broadcast %mul3A_209 : i32 to vector<16xi32>
      %mul3A_211 = arith.muli %get3A_208, %mul3A_210 : vector<16xi32>
      %get3A_212 = arith.index_cast %add3A_53 : i32 to index
      %get3A_213 = arith.constant 112 : index
      %get3A_214 = tpu.vector_load %arg9[%get3A_212, %get3A_213] {strides = array<i32>} : memref<81x128xi32, #tpu.memory_space<vmem>>, vector<16xi32>,
      %mul3A_215 = arith.constant 2 : i32
      %mul3A_216 = vector.broadcast %mul3A_215 : i32 to vector<16xi32>
      %mul3A_217 = arith.muli %get3A_214, %mul3A_216 : vector<16xi32>
      %add3A_218 = arith.constant 0 : i32
      %add3A_219 = vector.broadcast %add3A_218 : i32 to vector<16xi32>
      %add3A_220 = arith.addi %mul3A_211, %add3A_219 : vector<16xi32>
      %swap3A_221 = arith.constant 112 : index
      %swap3A_222 = tpu.vector_load %arg10[%swap3A_221] {strides = array<i32>} : memref<128xi32, #tpu.memory_space<vmem>>, vector<16xi32>,
      tpu.vector_store %arg10[%swap3A_221], %add3A_220 {strides = array<i32>} : memref<128xi32, #tpu.memory_space<vmem>>, vector<16xi32>,
      %add3A_223 = arith.constant 1 : i32
      %add3A_224 = vector.broadcast %add3A_223 : i32 to vector<16xi32>
      %add3A_225 = arith.addi %mul3A_217, %add3A_224 : vector<16xi32>
      %swap3A_226 = arith.constant 112 : index
      %swap3A_227 = tpu.vector_load %arg11[%swap3A_226] {strides = array<i32>} : memref<128xi32, #tpu.memory_space<vmem>>, vector<16xi32>,
      tpu.vector_store %arg11[%swap3A_226], %add3A_225 {strides = array<i32>} : memref<128xi32, #tpu.memory_space<vmem>>, vector<16xi32>,
      %dma_start3A = arith.constant 0 : i32
      %dma_start3A_228 = tpu.memref_slice %arg8[%add3A_53, %dma_start3A] : memref<81x128xi32, #tpu.memory_space<vmem>> -> memref<1x128xi32, #tpu.memory_space<vmem>>
      %dma_start3A_229 = tpu.memref_squeeze %dma_start3A_228 : memref<1x128xi32, #tpu.memory_space<vmem>> -> memref<128xi32, #tpu.memory_space<vmem>>
      %dma_start3A_230 = arith.constant 0 : i32
      %dma_start3A_231 = arith.constant 0 : i32
      %dma_start3A_232 = tpu.memref_slice %arg2[%dma_start3A_230, %dma_start3A_231] : memref<10000x128xf32, #tpu.memory_space<hbm>> -> memref<10000x128xf32, #tpu.memory_space<hbm>>
      tpu.enqueue_indirect_dma source(%dma_start3A_232 : memref<10000x128xf32, #tpu.memory_space<hbm>>) target(%arg15 : memref<128x128xf32, #tpu.memory_space<vmem>>) offsets(%dma_start3A_229 : memref<128xi32, #tpu.memory_space<vmem>>) semaphore(%arg20 : memref<!tpu.dma_semaphore, #tpu.memory_space<semaphore_mem>>)
      %dma_start3A_233 = arith.constant 0 : i32
      %dma_start3A_234 = tpu.memref_slice %arg5[%dma_start3A_233] : memref<20480xf32, #tpu.memory_space<hbm>> -> memref<20480xf32, #tpu.memory_space<hbm>>
      tpu.enqueue_indirect_dma source(%dma_start3A_234 : memref<20480xf32, #tpu.memory_space<hbm>>) target(%arg12 : memref<128xf32, #tpu.memory_space<vmem>>) offsets(%arg10 : memref<128xi32, #tpu.memory_space<vmem>>) semaphore(%arg19 : memref<!tpu.dma_semaphore, #tpu.memory_space<semaphore_mem>>)
      %dma_start3A_235 = arith.constant 0 : i32
      %dma_start3A_236 = tpu.memref_slice %arg5[%dma_start3A_235] : memref<20480xf32, #tpu.memory_space<hbm>> -> memref<20480xf32, #tpu.memory_space<hbm>>
      tpu.enqueue_indirect_dma source(%dma_start3A_236 : memref<20480xf32, #tpu.memory_space<hbm>>) target(%arg13 : memref<128xf32, #tpu.memory_space<vmem>>) offsets(%arg11 : memref<128xi32, #tpu.memory_space<vmem>>) semaphore(%arg19 : memref<!tpu.dma_semaphore, #tpu.memory_space<semaphore_mem>>)
      %dma_wait3A = arith.constant 0 : i32
      %dma_wait3A_237 = tpu.memref_slice %arg5[%dma_wait3A] : memref<20480xf32, #tpu.memory_space<hbm>> -> memref<20480xf32, #tpu.memory_space<hbm>>
      tpu.wait_indirect_dma semaphore(%arg19 : memref<!tpu.dma_semaphore, #tpu.memory_space<semaphore_mem>>) src(%dma_wait3A_237 : memref<20480xf32, #tpu.memory_space<hbm>>) dst(%arg12 : memref<128xf32, #tpu.memory_space<vmem>>)
      %dma_wait3A_238 = arith.constant 0 : i32
      %dma_wait3A_239 = tpu.memref_slice %arg5[%dma_wait3A_238] : memref<20480xf32, #tpu.memory_space<hbm>> -> memref<20480xf32, #tpu.memory_space<hbm>>
      tpu.wait_indirect_dma semaphore(%arg19 : memref<!tpu.dma_semaphore, #tpu.memory_space<semaphore_mem>>) src(%dma_wait3A_239 : memref<20480xf32, #tpu.memory_space<hbm>>) dst(%arg13 : memref<128xf32, #tpu.memory_space<vmem>>)
      %get3A_240 = arith.constant 0 : index
      %get3A_241 = tpu.vector_load %arg12[%get3A_240] {strides = array<i32>} : memref<128xf32, #tpu.memory_space<vmem>>, vector<16xf32>,
      %get3A_242 = arith.constant 0 : index
      %get3A_243 = tpu.vector_load %arg13[%get3A_242] {strides = array<i32>} : memref<128xf32, #tpu.memory_space<vmem>>, vector<16xf32>,
      %add3A_244 = arith.addf %get3A_241, %get3A_243 : vector<16xf32>
      %gt3A = arith.constant 0.000000e+00 : f32
      %gt3A_245 = vector.broadcast %gt3A : f32 to vector<16xf32>
      %gt3A_246 = arith.cmpf ogt, %add3A_244, %gt3A_245 : vector<16xf32>
      %mul3A_247 = arith.constant 2.000000e-01 : f32
      %mul3A_248 = vector.broadcast %mul3A_247 : f32 to vector<16xf32>
      %mul3A_249 = arith.mulf %mul3A_248, %add3A_244 : vector<16xf32>
      %select_n3A = arith.select %gt3A_246, %add3A_244, %mul3A_249 : vector<16xi1>, vector<16xf32>
      %exp3A = math.exp %select_n3A : vector<16xf32>
      %swap3A_250 = arith.constant 0 : index
      %swap3A_251 = tpu.vector_load %arg14[%swap3A_250] {strides = array<i32>} : memref<128xf32, #tpu.memory_space<vmem>>, vector<16xf32>,
      tpu.vector_store %arg14[%swap3A_250], %exp3A {strides = array<i32>} : memref<128xf32, #tpu.memory_space<vmem>>, vector<16xf32>,
      %get3A_252 = arith.constant 16 : index
      %get3A_253 = tpu.vector_load %arg12[%get3A_252] {strides = array<i32>} : memref<128xf32, #tpu.memory_space<vmem>>, vector<16xf32>,
      %get3A_254 = arith.constant 16 : index
      %get3A_255 = tpu.vector_load %arg13[%get3A_254] {strides = array<i32>} : memref<128xf32, #tpu.memory_space<vmem>>, vector<16xf32>,
      %add3A_256 = arith.addf %get3A_253, %get3A_255 : vector<16xf32>
      %gt3A_257 = arith.constant 0.000000e+00 : f32
      %gt3A_258 = vector.broadcast %gt3A_257 : f32 to vector<16xf32>
      %gt3A_259 = arith.cmpf ogt, %add3A_256, %gt3A_258 : vector<16xf32>
      %mul3A_260 = arith.constant 2.000000e-01 : f32
      %mul3A_261 = vector.broadcast %mul3A_260 : f32 to vector<16xf32>
      %mul3A_262 = arith.mulf %mul3A_261, %add3A_256 : vector<16xf32>
      %select_n3A_263 = arith.select %gt3A_259, %add3A_256, %mul3A_262 : vector<16xi1>, vector<16xf32>
      %exp3A_264 = math.exp %select_n3A_263 : vector<16xf32>
      %swap3A_265 = arith.constant 16 : index
      %swap3A_266 = tpu.vector_load %arg14[%swap3A_265] {strides = array<i32>} : memref<128xf32, #tpu.memory_space<vmem>>, vector<16xf32>,
      tpu.vector_store %arg14[%swap3A_265], %exp3A_264 {strides = array<i32>} : memref<128xf32, #tpu.memory_space<vmem>>, vector<16xf32>,
      %get3A_267 = arith.constant 32 : index
      %get3A_268 = tpu.vector_load %arg12[%get3A_267] {strides = array<i32>} : memref<128xf32, #tpu.memory_space<vmem>>, vector<16xf32>,
      %get3A_269 = arith.constant 32 : index
      %get3A_270 = tpu.vector_load %arg13[%get3A_269] {strides = array<i32>} : memref<128xf32, #tpu.memory_space<vmem>>, vector<16xf32>,
      %add3A_271 = arith.addf %get3A_268, %get3A_270 : vector<16xf32>
      %gt3A_272 = arith.constant 0.000000e+00 : f32
      %gt3A_273 = vector.broadcast %gt3A_272 : f32 to vector<16xf32>
      %gt3A_274 = arith.cmpf ogt, %add3A_271, %gt3A_273 : vector<16xf32>
      %mul3A_275 = arith.constant 2.000000e-01 : f32
      %mul3A_276 = vector.broadcast %mul3A_275 : f32 to vector<16xf32>
      %mul3A_277 = arith.mulf %mul3A_276, %add3A_271 : vector<16xf32>
      %select_n3A_278 = arith.select %gt3A_274, %add3A_271, %mul3A_277 : vector<16xi1>, vector<16xf32>
      %exp3A_279 = math.exp %select_n3A_278 : vector<16xf32>
      %swap3A_280 = arith.constant 32 : index
      %swap3A_281 = tpu.vector_load %arg14[%swap3A_280] {strides = array<i32>} : memref<128xf32, #tpu.memory_space<vmem>>, vector<16xf32>,
      tpu.vector_store %arg14[%swap3A_280], %exp3A_279 {strides = array<i32>} : memref<128xf32, #tpu.memory_space<vmem>>, vector<16xf32>,
      %get3A_282 = arith.constant 48 : index
      %get3A_283 = tpu.vector_load %arg12[%get3A_282] {strides = array<i32>} : memref<128xf32, #tpu.memory_space<vmem>>, vector<16xf32>,
      %get3A_284 = arith.constant 48 : index
      %get3A_285 = tpu.vector_load %arg13[%get3A_284] {strides = array<i32>} : memref<128xf32, #tpu.memory_space<vmem>>, vector<16xf32>,
      %add3A_286 = arith.addf %get3A_283, %get3A_285 : vector<16xf32>
      %gt3A_287 = arith.constant 0.000000e+00 : f32
      %gt3A_288 = vector.broadcast %gt3A_287 : f32 to vector<16xf32>
      %gt3A_289 = arith.cmpf ogt, %add3A_286, %gt3A_288 : vector<16xf32>
      %mul3A_290 = arith.constant 2.000000e-01 : f32
      %mul3A_291 = vector.broadcast %mul3A_290 : f32 to vector<16xf32>
      %mul3A_292 = arith.mulf %mul3A_291, %add3A_286 : vector<16xf32>
      %select_n3A_293 = arith.select %gt3A_289, %add3A_286, %mul3A_292 : vector<16xi1>, vector<16xf32>
      %exp3A_294 = math.exp %select_n3A_293 : vector<16xf32>
      %swap3A_295 = arith.constant 48 : index
      %swap3A_296 = tpu.vector_load %arg14[%swap3A_295] {strides = array<i32>} : memref<128xf32, #tpu.memory_space<vmem>>, vector<16xf32>,
      tpu.vector_store %arg14[%swap3A_295], %exp3A_294 {strides = array<i32>} : memref<128xf32, #tpu.memory_space<vmem>>, vector<16xf32>,
      %get3A_297 = arith.constant 64 : index
      %get3A_298 = tpu.vector_load %arg12[%get3A_297] {strides = array<i32>} : memref<128xf32, #tpu.memory_space<vmem>>, vector<16xf32>,
      %get3A_299 = arith.constant 64 : index
      %get3A_300 = tpu.vector_load %arg13[%get3A_299] {strides = array<i32>} : memref<128xf32, #tpu.memory_space<vmem>>, vector<16xf32>,
      %add3A_301 = arith.addf %get3A_298, %get3A_300 : vector<16xf32>
      %gt3A_302 = arith.constant 0.000000e+00 : f32
      %gt3A_303 = vector.broadcast %gt3A_302 : f32 to vector<16xf32>
      %gt3A_304 = arith.cmpf ogt, %add3A_301, %gt3A_303 : vector<16xf32>
      %mul3A_305 = arith.constant 2.000000e-01 : f32
      %mul3A_306 = vector.broadcast %mul3A_305 : f32 to vector<16xf32>
      %mul3A_307 = arith.mulf %mul3A_306, %add3A_301 : vector<16xf32>
      %select_n3A_308 = arith.select %gt3A_304, %add3A_301, %mul3A_307 : vector<16xi1>, vector<16xf32>
      %exp3A_309 = math.exp %select_n3A_308 : vector<16xf32>
      %swap3A_310 = arith.constant 64 : index
      %swap3A_311 = tpu.vector_load %arg14[%swap3A_310] {strides = array<i32>} : memref<128xf32, #tpu.memory_space<vmem>>, vector<16xf32>,
      tpu.vector_store %arg14[%swap3A_310], %exp3A_309 {strides = array<i32>} : memref<128xf32, #tpu.memory_space<vmem>>, vector<16xf32>,
      %get3A_312 = arith.constant 80 : index
      %get3A_313 = tpu.vector_load %arg12[%get3A_312] {strides = array<i32>} : memref<128xf32, #tpu.memory_space<vmem>>, vector<16xf32>,
      %get3A_314 = arith.constant 80 : index
      %get3A_315 = tpu.vector_load %arg13[%get3A_314] {strides = array<i32>} : memref<128xf32, #tpu.memory_space<vmem>>, vector<16xf32>,
      %add3A_316 = arith.addf %get3A_313, %get3A_315 : vector<16xf32>
      %gt3A_317 = arith.constant 0.000000e+00 : f32
      %gt3A_318 = vector.broadcast %gt3A_317 : f32 to vector<16xf32>
      %gt3A_319 = arith.cmpf ogt, %add3A_316, %gt3A_318 : vector<16xf32>
      %mul3A_320 = arith.constant 2.000000e-01 : f32
      %mul3A_321 = vector.broadcast %mul3A_320 : f32 to vector<16xf32>
      %mul3A_322 = arith.mulf %mul3A_321, %add3A_316 : vector<16xf32>
      %select_n3A_323 = arith.select %gt3A_319, %add3A_316, %mul3A_322 : vector<16xi1>, vector<16xf32>
      %exp3A_324 = math.exp %select_n3A_323 : vector<16xf32>
      %swap3A_325 = arith.constant 80 : index
      %swap3A_326 = tpu.vector_load %arg14[%swap3A_325] {strides = array<i32>} : memref<128xf32, #tpu.memory_space<vmem>>, vector<16xf32>,
      tpu.vector_store %arg14[%swap3A_325], %exp3A_324 {strides = array<i32>} : memref<128xf32, #tpu.memory_space<vmem>>, vector<16xf32>,
      %get3A_327 = arith.constant 96 : index
      %get3A_328 = tpu.vector_load %arg12[%get3A_327] {strides = array<i32>} : memref<128xf32, #tpu.memory_space<vmem>>, vector<16xf32>,
      %get3A_329 = arith.constant 96 : index
      %get3A_330 = tpu.vector_load %arg13[%get3A_329] {strides = array<i32>} : memref<128xf32, #tpu.memory_space<vmem>>, vector<16xf32>,
      %add3A_331 = arith.addf %get3A_328, %get3A_330 : vector<16xf32>
      %gt3A_332 = arith.constant 0.000000e+00 : f32
      %gt3A_333 = vector.broadcast %gt3A_332 : f32 to vector<16xf32>
      %gt3A_334 = arith.cmpf ogt, %add3A_331, %gt3A_333 : vector<16xf32>
      %mul3A_335 = arith.constant 2.000000e-01 : f32
      %mul3A_336 = vector.broadcast %mul3A_335 : f32 to vector<16xf32>
      %mul3A_337 = arith.mulf %mul3A_336, %add3A_331 : vector<16xf32>
      %select_n3A_338 = arith.select %gt3A_334, %add3A_331, %mul3A_337 : vector<16xi1>, vector<16xf32>
      %exp3A_339 = math.exp %select_n3A_338 : vector<16xf32>
      %swap3A_340 = arith.constant 96 : index
      %swap3A_341 = tpu.vector_load %arg14[%swap3A_340] {strides = array<i32>} : memref<128xf32, #tpu.memory_space<vmem>>, vector<16xf32>,
      tpu.vector_store %arg14[%swap3A_340], %exp3A_339 {strides = array<i32>} : memref<128xf32, #tpu.memory_space<vmem>>, vector<16xf32>,
      %get3A_342 = arith.constant 112 : index
      %get3A_343 = tpu.vector_load %arg12[%get3A_342] {strides = array<i32>} : memref<128xf32, #tpu.memory_space<vmem>>, vector<16xf32>,
      %get3A_344 = arith.constant 112 : index
      %get3A_345 = tpu.vector_load %arg13[%get3A_344] {strides = array<i32>} : memref<128xf32, #tpu.memory_space<vmem>>, vector<16xf32>,
      %add3A_346 = arith.addf %get3A_343, %get3A_345 : vector<16xf32>
      %gt3A_347 = arith.constant 0.000000e+00 : f32
      %gt3A_348 = vector.broadcast %gt3A_347 : f32 to vector<16xf32>
      %gt3A_349 = arith.cmpf ogt, %add3A_346, %gt3A_348 : vector<16xf32>
      %mul3A_350 = arith.constant 2.000000e-01 : f32
      %mul3A_351 = vector.broadcast %mul3A_350 : f32 to vector<16xf32>
      %mul3A_352 = arith.mulf %mul3A_351, %add3A_346 : vector<16xf32>
      %select_n3A_353 = arith.select %gt3A_349, %add3A_346, %mul3A_352 : vector<16xi1>, vector<16xf32>
      %exp3A_354 = math.exp %select_n3A_353 : vector<16xf32>
      %swap3A_355 = arith.constant 112 : index
      %swap3A_356 = tpu.vector_load %arg14[%swap3A_355] {strides = array<i32>} : memref<128xf32, #tpu.memory_space<vmem>>, vector<16xf32>,
      tpu.vector_store %arg14[%swap3A_355], %exp3A_354 {strides = array<i32>} : memref<128xf32, #tpu.memory_space<vmem>>, vector<16xf32>,
      "tpu.region"() ({
        %run_scoped3A = tpu.sem_alloc : memref<!tpu.dma_semaphore, #tpu.memory_space<semaphore_mem>>
        %dma_start3A_368 = arith.constant 0 : i32
        %dma_start3A_369 = tpu.memref_slice %arg9[%add3A_53, %dma_start3A_368] : memref<81x128xi32, #tpu.memory_space<vmem>> -> memref<1x128xi32, #tpu.memory_space<vmem>>
        %dma_start3A_370 = tpu.memref_squeeze %dma_start3A_369 : memref<1x128xi32, #tpu.memory_space<vmem>> -> memref<128xi32, #tpu.memory_space<vmem>>
        %dma_start3A_371 = arith.constant 0 : i32
        %dma_start3A_372 = tpu.memref_slice %arg18[%dma_start3A_371] : memref<10240xf32, #tpu.memory_space<vmem_shared>> -> memref<10240xf32, #tpu.memory_space<vmem_shared>>
        tpu.enqueue_indirect_dma source(%arg14 : memref<128xf32, #tpu.memory_space<vmem>>) target(%dma_start3A_372 : memref<10240xf32, #tpu.memory_space<vmem_shared>>) offsets(%dma_start3A_370 : memref<128xi32, #tpu.memory_space<vmem>>) semaphore(%run_scoped3A : memref<!tpu.dma_semaphore, #tpu.memory_space<semaphore_mem>>) {add = true}
        %dma_wait3A_373 = arith.constant 0 : i32
        %dma_wait3A_374 = tpu.memref_slice %arg9[%add3A_53, %dma_wait3A_373] : memref<81x128xi32, #tpu.memory_space<vmem>> -> memref<1x128xi32, #tpu.memory_space<vmem>>
        %dma_wait3A_375 = tpu.memref_squeeze %dma_wait3A_374 : memref<1x128xi32, #tpu.memory_space<vmem>> -> memref<128xi32, #tpu.memory_space<vmem>>
        %dma_wait3A_376 = arith.constant 0 : i32
        %dma_wait3A_377 = tpu.memref_slice %arg18[%dma_wait3A_376] : memref<10240xf32, #tpu.memory_space<vmem_shared>> -> memref<10240xf32, #tpu.memory_space<vmem_shared>>
        tpu.wait_indirect_dma semaphore(%run_scoped3A : memref<!tpu.dma_semaphore, #tpu.memory_space<semaphore_mem>>) src(%arg14 : memref<128xf32, #tpu.memory_space<vmem>>) dst(%dma_wait3A_377 : memref<10240xf32, #tpu.memory_space<vmem_shared>>)
        tpu.yield
      }) : () -> ()
      %dma_wait3A_357 = arith.constant 0 : i32
      %dma_wait3A_358 = tpu.memref_slice %arg8[%add3A_53, %dma_wait3A_357] : memref<81x128xi32, #tpu.memory_space<vmem>> -> memref<1x128xi32, #tpu.memory_space<vmem>>
      %dma_wait3A_359 = tpu.memref_squeeze %dma_wait3A_358 : memref<1x128xi32, #tpu.memory_space<vmem>> -> memref<128xi32, #tpu.memory_space<vmem>>
      %dma_wait3A_360 = arith.constant 0 : i32
      %dma_wait3A_361 = arith.constant 0 : i32
      %dma_wait3A_362 = tpu.memref_slice %arg2[%dma_wait3A_360, %dma_wait3A_361] : memref<10000x128xf32, #tpu.memory_space<hbm>> -> memref<10000x128xf32, #tpu.memory_space<hbm>>
      tpu.wait_indirect_dma semaphore(%arg20 : memref<!tpu.dma_semaphore, #tpu.memory_space<semaphore_mem>>) src(%dma_wait3A_362 : memref<10000x128xf32, #tpu.memory_space<hbm>>) dst(%arg15 : memref<128x128xf32, #tpu.memory_space<vmem>>)
      %scan3A_363 = arith.constant 0 : i32
      %scan3A_364 = arith.constant 128 : i32
      %scan3A_365 = arith.addi %scan3A_363, %scan3A_364 : i32
      %scan3A_366 = arith.constant 4 : i32
      scf.for %scan3A_368 = %scan3A_363 to %scan3A_365 step %scan3A_366  : i32 {
        %mul3A_369 = arith.constant 1 : i32
        %mul3A_370 = arith.muli %scan3A_368, %mul3A_369 : i32
        %add3A_371 = arith.constant 0 : i32
        %add3A_372 = arith.addi %add3A_371, %mul3A_370 : i32
        %broadcast_in_dim3A_373 = arith.constant 0 : i32
        %broadcast_in_dim3A_374 = vector.broadcast %broadcast_in_dim3A_373 : i32 to vector<16xi32>
        %add3A_375 = vector.broadcast %add3A_372 : i32 to vector<16xi32>
        %add3A_376 = arith.addi %broadcast_in_dim3A_374, %add3A_375 : vector<16xi32>
        %gather3A = tpu.vector_load_idx %arg14[%add3A_376] : memref<128xf32, #tpu.memory_space<vmem>>[vector<16xi32>], vector<16xf32>,
        %get3A_377 = arith.index_cast %add3A_372 : i32 to index
        %get3A_378 = arith.constant 0 : index
        %get3A_379 = tpu.vector_load %arg15[%get3A_377, %get3A_378] {strides = array<i32>} : memref<128x128xf32, #tpu.memory_space<vmem>>, vector<16xf32>,
        %mul3A_380 = arith.mulf %get3A_379, %gather3A : vector<16xf32>
        %swap3A_381 = arith.index_cast %add3A_372 : i32 to index
        %swap3A_382 = arith.constant 0 : index
        %swap3A_383 = tpu.vector_load %arg15[%swap3A_381, %swap3A_382] {strides = array<i32>} : memref<128x128xf32, #tpu.memory_space<vmem>>, vector<16xf32>,
        tpu.vector_store %arg15[%swap3A_381, %swap3A_382], %mul3A_380 {strides = array<i32>} : memref<128x128xf32, #tpu.memory_space<vmem>>, vector<16xf32>,
        %get3A_384 = arith.index_cast %add3A_372 : i32 to index
        %get3A_385 = arith.constant 16 : index
        %get3A_386 = tpu.vector_load %arg15[%get3A_384, %get3A_385] {strides = array<i32>} : memref<128x128xf32, #tpu.memory_space<vmem>>, vector<16xf32>,
        %mul3A_387 = arith.mulf %get3A_386, %gather3A : vector<16xf32>
        %swap3A_388 = arith.index_cast %add3A_372 : i32 to index
        %swap3A_389 = arith.constant 16 : index
        %swap3A_390 = tpu.vector_load %arg15[%swap3A_388, %swap3A_389] {strides = array<i32>} : memref<128x128xf32, #tpu.memory_space<vmem>>, vector<16xf32>,
        tpu.vector_store %arg15[%swap3A_388, %swap3A_389], %mul3A_387 {strides = array<i32>} : memref<128x128xf32, #tpu.memory_space<vmem>>, vector<16xf32>,
        %get3A_391 = arith.index_cast %add3A_372 : i32 to index
        %get3A_392 = arith.constant 32 : index
        %get3A_393 = tpu.vector_load %arg15[%get3A_391, %get3A_392] {strides = array<i32>} : memref<128x128xf32, #tpu.memory_space<vmem>>, vector<16xf32>,
        %mul3A_394 = arith.mulf %get3A_393, %gather3A : vector<16xf32>
        %swap3A_395 = arith.index_cast %add3A_372 : i32 to index
        %swap3A_396 = arith.constant 32 : index
        %swap3A_397 = tpu.vector_load %arg15[%swap3A_395, %swap3A_396] {strides = array<i32>} : memref<128x128xf32, #tpu.memory_space<vmem>>, vector<16xf32>,
        tpu.vector_store %arg15[%swap3A_395, %swap3A_396], %mul3A_394 {strides = array<i32>} : memref<128x128xf32, #tpu.memory_space<vmem>>, vector<16xf32>,
        %get3A_398 = arith.index_cast %add3A_372 : i32 to index
        %get3A_399 = arith.constant 48 : index
        %get3A_400 = tpu.vector_load %arg15[%get3A_398, %get3A_399] {strides = array<i32>} : memref<128x128xf32, #tpu.memory_space<vmem>>, vector<16xf32>,
        %mul3A_401 = arith.mulf %get3A_400, %gather3A : vector<16xf32>
        %swap3A_402 = arith.index_cast %add3A_372 : i32 to index
        %swap3A_403 = arith.constant 48 : index
        %swap3A_404 = tpu.vector_load %arg15[%swap3A_402, %swap3A_403] {strides = array<i32>} : memref<128x128xf32, #tpu.memory_space<vmem>>, vector<16xf32>,
        tpu.vector_store %arg15[%swap3A_402, %swap3A_403], %mul3A_401 {strides = array<i32>} : memref<128x128xf32, #tpu.memory_space<vmem>>, vector<16xf32>,
        %get3A_405 = arith.index_cast %add3A_372 : i32 to index
        %get3A_406 = arith.constant 64 : index
        %get3A_407 = tpu.vector_load %arg15[%get3A_405, %get3A_406] {strides = array<i32>} : memref<128x128xf32, #tpu.memory_space<vmem>>, vector<16xf32>,
        %mul3A_408 = arith.mulf %get3A_407, %gather3A : vector<16xf32>
        %swap3A_409 = arith.index_cast %add3A_372 : i32 to index
        %swap3A_410 = arith.constant 64 : index
        %swap3A_411 = tpu.vector_load %arg15[%swap3A_409, %swap3A_410] {strides = array<i32>} : memref<128x128xf32, #tpu.memory_space<vmem>>, vector<16xf32>,
        tpu.vector_store %arg15[%swap3A_409, %swap3A_410], %mul3A_408 {strides = array<i32>} : memref<128x128xf32, #tpu.memory_space<vmem>>, vector<16xf32>,
        %get3A_412 = arith.index_cast %add3A_372 : i32 to index
        %get3A_413 = arith.constant 80 : index
        %get3A_414 = tpu.vector_load %arg15[%get3A_412, %get3A_413] {strides = array<i32>} : memref<128x128xf32, #tpu.memory_space<vmem>>, vector<16xf32>,
        %mul3A_415 = arith.mulf %get3A_414, %gather3A : vector<16xf32>
        %swap3A_416 = arith.index_cast %add3A_372 : i32 to index
        %swap3A_417 = arith.constant 80 : index
        %swap3A_418 = tpu.vector_load %arg15[%swap3A_416, %swap3A_417] {strides = array<i32>} : memref<128x128xf32, #tpu.memory_space<vmem>>, vector<16xf32>,
        tpu.vector_store %arg15[%swap3A_416, %swap3A_417], %mul3A_415 {strides = array<i32>} : memref<128x128xf32, #tpu.memory_space<vmem>>, vector<16xf32>,
        %get3A_419 = arith.index_cast %add3A_372 : i32 to index
        %get3A_420 = arith.constant 96 : index
        %get3A_421 = tpu.vector_load %arg15[%get3A_419, %get3A_420] {strides = array<i32>} : memref<128x128xf32, #tpu.memory_space<vmem>>, vector<16xf32>,
        %mul3A_422 = arith.mulf %get3A_421, %gather3A : vector<16xf32>
        %swap3A_423 = arith.index_cast %add3A_372 : i32 to index
        %swap3A_424 = arith.constant 96 : index
        %swap3A_425 = tpu.vector_load %arg15[%swap3A_423, %swap3A_424] {strides = array<i32>} : memref<128x128xf32, #tpu.memory_space<vmem>>, vector<16xf32>,
        tpu.vector_store %arg15[%swap3A_423, %swap3A_424], %mul3A_422 {strides = array<i32>} : memref<128x128xf32, #tpu.memory_space<vmem>>, vector<16xf32>,
        %get3A_426 = arith.index_cast %add3A_372 : i32 to index
        %get3A_427 = arith.constant 112 : index
        %get3A_428 = tpu.vector_load %arg15[%get3A_426, %get3A_427] {strides = array<i32>} : memref<128x128xf32, #tpu.memory_space<vmem>>, vector<16xf32>,
        %mul3A_429 = arith.mulf %get3A_428, %gather3A : vector<16xf32>
        %swap3A_430 = arith.index_cast %add3A_372 : i32 to index
        %swap3A_431 = arith.constant 112 : index
        %swap3A_432 = tpu.vector_load %arg15[%swap3A_430, %swap3A_431] {strides = array<i32>} : memref<128x128xf32, #tpu.memory_space<vmem>>, vector<16xf32>,
        tpu.vector_store %arg15[%swap3A_430, %swap3A_431], %mul3A_429 {strides = array<i32>} : memref<128x128xf32, #tpu.memory_space<vmem>>, vector<16xf32>,
        %scan3A_433 = arith.constant 1 : i32
        %scan3A_434 = arith.addi %scan3A_368, %scan3A_433 : i32
        %mul3A_435 = arith.constant 1 : i32
        %mul3A_436 = arith.muli %scan3A_434, %mul3A_435 : i32
        %add3A_437 = arith.constant 0 : i32
        %add3A_438 = arith.addi %add3A_437, %mul3A_436 : i32
        %broadcast_in_dim3A_439 = arith.constant 0 : i32
        %broadcast_in_dim3A_440 = vector.broadcast %broadcast_in_dim3A_439 : i32 to vector<16xi32>
        %add3A_441 = vector.broadcast %add3A_438 : i32 to vector<16xi32>
        %add3A_442 = arith.addi %broadcast_in_dim3A_440, %add3A_441 : vector<16xi32>
        %gather3A_443 = tpu.vector_load_idx %arg14[%add3A_442] : memref<128xf32, #tpu.memory_space<vmem>>[vector<16xi32>], vector<16xf32>,
        %get3A_444 = arith.index_cast %add3A_438 : i32 to index
        %get3A_445 = arith.constant 0 : index
        %get3A_446 = tpu.vector_load %arg15[%get3A_444, %get3A_445] {strides = array<i32>} : memref<128x128xf32, #tpu.memory_space<vmem>>, vector<16xf32>,
        %mul3A_447 = arith.mulf %get3A_446, %gather3A_443 : vector<16xf32>
        %swap3A_448 = arith.index_cast %add3A_438 : i32 to index
        %swap3A_449 = arith.constant 0 : index
        %swap3A_450 = tpu.vector_load %arg15[%swap3A_448, %swap3A_449] {strides = array<i32>} : memref<128x128xf32, #tpu.memory_space<vmem>>, vector<16xf32>,
        tpu.vector_store %arg15[%swap3A_448, %swap3A_449], %mul3A_447 {strides = array<i32>} : memref<128x128xf32, #tpu.memory_space<vmem>>, vector<16xf32>,
        %get3A_451 = arith.index_cast %add3A_438 : i32 to index
        %get3A_452 = arith.constant 16 : index
        %get3A_453 = tpu.vector_load %arg15[%get3A_451, %get3A_452] {strides = array<i32>} : memref<128x128xf32, #tpu.memory_space<vmem>>, vector<16xf32>,
        %mul3A_454 = arith.mulf %get3A_453, %gather3A_443 : vector<16xf32>
        %swap3A_455 = arith.index_cast %add3A_438 : i32 to index
        %swap3A_456 = arith.constant 16 : index
        %swap3A_457 = tpu.vector_load %arg15[%swap3A_455, %swap3A_456] {strides = array<i32>} : memref<128x128xf32, #tpu.memory_space<vmem>>, vector<16xf32>,
        tpu.vector_store %arg15[%swap3A_455, %swap3A_456], %mul3A_454 {strides = array<i32>} : memref<128x128xf32, #tpu.memory_space<vmem>>, vector<16xf32>,
        %get3A_458 = arith.index_cast %add3A_438 : i32 to index
        %get3A_459 = arith.constant 32 : index
        %get3A_460 = tpu.vector_load %arg15[%get3A_458, %get3A_459] {strides = array<i32>} : memref<128x128xf32, #tpu.memory_space<vmem>>, vector<16xf32>,
        %mul3A_461 = arith.mulf %get3A_460, %gather3A_443 : vector<16xf32>
        %swap3A_462 = arith.index_cast %add3A_438 : i32 to index
        %swap3A_463 = arith.constant 32 : index
        %swap3A_464 = tpu.vector_load %arg15[%swap3A_462, %swap3A_463] {strides = array<i32>} : memref<128x128xf32, #tpu.memory_space<vmem>>, vector<16xf32>,
        tpu.vector_store %arg15[%swap3A_462, %swap3A_463], %mul3A_461 {strides = array<i32>} : memref<128x128xf32, #tpu.memory_space<vmem>>, vector<16xf32>,
        %get3A_465 = arith.index_cast %add3A_438 : i32 to index
        %get3A_466 = arith.constant 48 : index
        %get3A_467 = tpu.vector_load %arg15[%get3A_465, %get3A_466] {strides = array<i32>} : memref<128x128xf32, #tpu.memory_space<vmem>>, vector<16xf32>,
        %mul3A_468 = arith.mulf %get3A_467, %gather3A_443 : vector<16xf32>
        %swap3A_469 = arith.index_cast %add3A_438 : i32 to index
        %swap3A_470 = arith.constant 48 : index
        %swap3A_471 = tpu.vector_load %arg15[%swap3A_469, %swap3A_470] {strides = array<i32>} : memref<128x128xf32, #tpu.memory_space<vmem>>, vector<16xf32>,
        tpu.vector_store %arg15[%swap3A_469, %swap3A_470], %mul3A_468 {strides = array<i32>} : memref<128x128xf32, #tpu.memory_space<vmem>>, vector<16xf32>,
        %get3A_472 = arith.index_cast %add3A_438 : i32 to index
        %get3A_473 = arith.constant 64 : index
        %get3A_474 = tpu.vector_load %arg15[%get3A_472, %get3A_473] {strides = array<i32>} : memref<128x128xf32, #tpu.memory_space<vmem>>, vector<16xf32>,
        %mul3A_475 = arith.mulf %get3A_474, %gather3A_443 : vector<16xf32>
        %swap3A_476 = arith.index_cast %add3A_438 : i32 to index
        %swap3A_477 = arith.constant 64 : index
        %swap3A_478 = tpu.vector_load %arg15[%swap3A_476, %swap3A_477] {strides = array<i32>} : memref<128x128xf32, #tpu.memory_space<vmem>>, vector<16xf32>,
        tpu.vector_store %arg15[%swap3A_476, %swap3A_477], %mul3A_475 {strides = array<i32>} : memref<128x128xf32, #tpu.memory_space<vmem>>, vector<16xf32>,
        %get3A_479 = arith.index_cast %add3A_438 : i32 to index
        %get3A_480 = arith.constant 80 : index
        %get3A_481 = tpu.vector_load %arg15[%get3A_479, %get3A_480] {strides = array<i32>} : memref<128x128xf32, #tpu.memory_space<vmem>>, vector<16xf32>,
        %mul3A_482 = arith.mulf %get3A_481, %gather3A_443 : vector<16xf32>
        %swap3A_483 = arith.index_cast %add3A_438 : i32 to index
        %swap3A_484 = arith.constant 80 : index
        %swap3A_485 = tpu.vector_load %arg15[%swap3A_483, %swap3A_484] {strides = array<i32>} : memref<128x128xf32, #tpu.memory_space<vmem>>, vector<16xf32>,
        tpu.vector_store %arg15[%swap3A_483, %swap3A_484], %mul3A_482 {strides = array<i32>} : memref<128x128xf32, #tpu.memory_space<vmem>>, vector<16xf32>,
        %get3A_486 = arith.index_cast %add3A_438 : i32 to index
        %get3A_487 = arith.constant 96 : index
        %get3A_488 = tpu.vector_load %arg15[%get3A_486, %get3A_487] {strides = array<i32>} : memref<128x128xf32, #tpu.memory_space<vmem>>, vector<16xf32>,
        %mul3A_489 = arith.mulf %get3A_488, %gather3A_443 : vector<16xf32>
        %swap3A_490 = arith.index_cast %add3A_438 : i32 to index
        %swap3A_491 = arith.constant 96 : index
        %swap3A_492 = tpu.vector_load %arg15[%swap3A_490, %swap3A_491] {strides = array<i32>} : memref<128x128xf32, #tpu.memory_space<vmem>>, vector<16xf32>,
        tpu.vector_store %arg15[%swap3A_490, %swap3A_491], %mul3A_489 {strides = array<i32>} : memref<128x128xf32, #tpu.memory_space<vmem>>, vector<16xf32>,
        %get3A_493 = arith.index_cast %add3A_438 : i32 to index
        %get3A_494 = arith.constant 112 : index
        %get3A_495 = tpu.vector_load %arg15[%get3A_493, %get3A_494] {strides = array<i32>} : memref<128x128xf32, #tpu.memory_space<vmem>>, vector<16xf32>,
        %mul3A_496 = arith.mulf %get3A_495, %gather3A_443 : vector<16xf32>
        %swap3A_497 = arith.index_cast %add3A_438 : i32 to index
        %swap3A_498 = arith.constant 112 : index
        %swap3A_499 = tpu.vector_load %arg15[%swap3A_497, %swap3A_498] {strides = array<i32>} : memref<128x128xf32, #tpu.memory_space<vmem>>, vector<16xf32>,
        tpu.vector_store %arg15[%swap3A_497, %swap3A_498], %mul3A_496 {strides = array<i32>} : memref<128x128xf32, #tpu.memory_space<vmem>>, vector<16xf32>,
        %scan3A_500 = arith.constant 2 : i32
        %scan3A_501 = arith.addi %scan3A_368, %scan3A_500 : i32
        %mul3A_502 = arith.constant 1 : i32
        %mul3A_503 = arith.muli %scan3A_501, %mul3A_502 : i32
        %add3A_504 = arith.constant 0 : i32
        %add3A_505 = arith.addi %add3A_504, %mul3A_503 : i32
        %broadcast_in_dim3A_506 = arith.constant 0 : i32
        %broadcast_in_dim3A_507 = vector.broadcast %broadcast_in_dim3A_506 : i32 to vector<16xi32>
        %add3A_508 = vector.broadcast %add3A_505 : i32 to vector<16xi32>
        %add3A_509 = arith.addi %broadcast_in_dim3A_507, %add3A_508 : vector<16xi32>
        %gather3A_510 = tpu.vector_load_idx %arg14[%add3A_509] : memref<128xf32, #tpu.memory_space<vmem>>[vector<16xi32>], vector<16xf32>,
        %get3A_511 = arith.index_cast %add3A_505 : i32 to index
        %get3A_512 = arith.constant 0 : index
        %get3A_513 = tpu.vector_load %arg15[%get3A_511, %get3A_512] {strides = array<i32>} : memref<128x128xf32, #tpu.memory_space<vmem>>, vector<16xf32>,
        %mul3A_514 = arith.mulf %get3A_513, %gather3A_510 : vector<16xf32>
        %swap3A_515 = arith.index_cast %add3A_505 : i32 to index
        %swap3A_516 = arith.constant 0 : index
        %swap3A_517 = tpu.vector_load %arg15[%swap3A_515, %swap3A_516] {strides = array<i32>} : memref<128x128xf32, #tpu.memory_space<vmem>>, vector<16xf32>,
        tpu.vector_store %arg15[%swap3A_515, %swap3A_516], %mul3A_514 {strides = array<i32>} : memref<128x128xf32, #tpu.memory_space<vmem>>, vector<16xf32>,
        %get3A_518 = arith.index_cast %add3A_505 : i32 to index
        %get3A_519 = arith.constant 16 : index
        %get3A_520 = tpu.vector_load %arg15[%get3A_518, %get3A_519] {strides = array<i32>} : memref<128x128xf32, #tpu.memory_space<vmem>>, vector<16xf32>,
        %mul3A_521 = arith.mulf %get3A_520, %gather3A_510 : vector<16xf32>
        %swap3A_522 = arith.index_cast %add3A_505 : i32 to index
        %swap3A_523 = arith.constant 16 : index
        %swap3A_524 = tpu.vector_load %arg15[%swap3A_522, %swap3A_523] {strides = array<i32>} : memref<128x128xf32, #tpu.memory_space<vmem>>, vector<16xf32>,
        tpu.vector_store %arg15[%swap3A_522, %swap3A_523], %mul3A_521 {strides = array<i32>} : memref<128x128xf32, #tpu.memory_space<vmem>>, vector<16xf32>,
        %get3A_525 = arith.index_cast %add3A_505 : i32 to index
        %get3A_526 = arith.constant 32 : index
        %get3A_527 = tpu.vector_load %arg15[%get3A_525, %get3A_526] {strides = array<i32>} : memref<128x128xf32, #tpu.memory_space<vmem>>, vector<16xf32>,
        %mul3A_528 = arith.mulf %get3A_527, %gather3A_510 : vector<16xf32>
        %swap3A_529 = arith.index_cast %add3A_505 : i32 to index
        %swap3A_530 = arith.constant 32 : index
        %swap3A_531 = tpu.vector_load %arg15[%swap3A_529, %swap3A_530] {strides = array<i32>} : memref<128x128xf32, #tpu.memory_space<vmem>>, vector<16xf32>,
        tpu.vector_store %arg15[%swap3A_529, %swap3A_530], %mul3A_528 {strides = array<i32>} : memref<128x128xf32, #tpu.memory_space<vmem>>, vector<16xf32>,
        %get3A_532 = arith.index_cast %add3A_505 : i32 to index
        %get3A_533 = arith.constant 48 : index
        %get3A_534 = tpu.vector_load %arg15[%get3A_532, %get3A_533] {strides = array<i32>} : memref<128x128xf32, #tpu.memory_space<vmem>>, vector<16xf32>,
        %mul3A_535 = arith.mulf %get3A_534, %gather3A_510 : vector<16xf32>
        %swap3A_536 = arith.index_cast %add3A_505 : i32 to index
        %swap3A_537 = arith.constant 48 : index
        %swap3A_538 = tpu.vector_load %arg15[%swap3A_536, %swap3A_537] {strides = array<i32>} : memref<128x128xf32, #tpu.memory_space<vmem>>, vector<16xf32>,
        tpu.vector_store %arg15[%swap3A_536, %swap3A_537], %mul3A_535 {strides = array<i32>} : memref<128x128xf32, #tpu.memory_space<vmem>>, vector<16xf32>,
        %get3A_539 = arith.index_cast %add3A_505 : i32 to index
        %get3A_540 = arith.constant 64 : index
        %get3A_541 = tpu.vector_load %arg15[%get3A_539, %get3A_540] {strides = array<i32>} : memref<128x128xf32, #tpu.memory_space<vmem>>, vector<16xf32>,
        %mul3A_542 = arith.mulf %get3A_541, %gather3A_510 : vector<16xf32>
        %swap3A_543 = arith.index_cast %add3A_505 : i32 to index
        %swap3A_544 = arith.constant 64 : index
        %swap3A_545 = tpu.vector_load %arg15[%swap3A_543, %swap3A_544] {strides = array<i32>} : memref<128x128xf32, #tpu.memory_space<vmem>>, vector<16xf32>,
        tpu.vector_store %arg15[%swap3A_543, %swap3A_544], %mul3A_542 {strides = array<i32>} : memref<128x128xf32, #tpu.memory_space<vmem>>, vector<16xf32>,
        %get3A_546 = arith.index_cast %add3A_505 : i32 to index
        %get3A_547 = arith.constant 80 : index
        %get3A_548 = tpu.vector_load %arg15[%get3A_546, %get3A_547] {strides = array<i32>} : memref<128x128xf32, #tpu.memory_space<vmem>>, vector<16xf32>,
        %mul3A_549 = arith.mulf %get3A_548, %gather3A_510 : vector<16xf32>
        %swap3A_550 = arith.index_cast %add3A_505 : i32 to index
        %swap3A_551 = arith.constant 80 : index
        %swap3A_552 = tpu.vector_load %arg15[%swap3A_550, %swap3A_551] {strides = array<i32>} : memref<128x128xf32, #tpu.memory_space<vmem>>, vector<16xf32>,
        tpu.vector_store %arg15[%swap3A_550, %swap3A_551], %mul3A_549 {strides = array<i32>} : memref<128x128xf32, #tpu.memory_space<vmem>>, vector<16xf32>,
        %get3A_553 = arith.index_cast %add3A_505 : i32 to index
        %get3A_554 = arith.constant 96 : index
        %get3A_555 = tpu.vector_load %arg15[%get3A_553, %get3A_554] {strides = array<i32>} : memref<128x128xf32, #tpu.memory_space<vmem>>, vector<16xf32>,
        %mul3A_556 = arith.mulf %get3A_555, %gather3A_510 : vector<16xf32>
        %swap3A_557 = arith.index_cast %add3A_505 : i32 to index
        %swap3A_558 = arith.constant 96 : index
        %swap3A_559 = tpu.vector_load %arg15[%swap3A_557, %swap3A_558] {strides = array<i32>} : memref<128x128xf32, #tpu.memory_space<vmem>>, vector<16xf32>,
        tpu.vector_store %arg15[%swap3A_557, %swap3A_558], %mul3A_556 {strides = array<i32>} : memref<128x128xf32, #tpu.memory_space<vmem>>, vector<16xf32>,
        %get3A_560 = arith.index_cast %add3A_505 : i32 to index
        %get3A_561 = arith.constant 112 : index
        %get3A_562 = tpu.vector_load %arg15[%get3A_560, %get3A_561] {strides = array<i32>} : memref<128x128xf32, #tpu.memory_space<vmem>>, vector<16xf32>,
        %mul3A_563 = arith.mulf %get3A_562, %gather3A_510 : vector<16xf32>
        %swap3A_564 = arith.index_cast %add3A_505 : i32 to index
        %swap3A_565 = arith.constant 112 : index
        %swap3A_566 = tpu.vector_load %arg15[%swap3A_564, %swap3A_565] {strides = array<i32>} : memref<128x128xf32, #tpu.memory_space<vmem>>, vector<16xf32>,
        tpu.vector_store %arg15[%swap3A_564, %swap3A_565], %mul3A_563 {strides = array<i32>} : memref<128x128xf32, #tpu.memory_space<vmem>>, vector<16xf32>,
        %scan3A_567 = arith.constant 3 : i32
        %scan3A_568 = arith.addi %scan3A_368, %scan3A_567 : i32
        %mul3A_569 = arith.constant 1 : i32
        %mul3A_570 = arith.muli %scan3A_568, %mul3A_569 : i32
        %add3A_571 = arith.constant 0 : i32
        %add3A_572 = arith.addi %add3A_571, %mul3A_570 : i32
        %broadcast_in_dim3A_573 = arith.constant 0 : i32
        %broadcast_in_dim3A_574 = vector.broadcast %broadcast_in_dim3A_573 : i32 to vector<16xi32>
        %add3A_575 = vector.broadcast %add3A_572 : i32 to vector<16xi32>
        %add3A_576 = arith.addi %broadcast_in_dim3A_574, %add3A_575 : vector<16xi32>
        %gather3A_577 = tpu.vector_load_idx %arg14[%add3A_576] : memref<128xf32, #tpu.memory_space<vmem>>[vector<16xi32>], vector<16xf32>,
        %get3A_578 = arith.index_cast %add3A_572 : i32 to index
        %get3A_579 = arith.constant 0 : index
        %get3A_580 = tpu.vector_load %arg15[%get3A_578, %get3A_579] {strides = array<i32>} : memref<128x128xf32, #tpu.memory_space<vmem>>, vector<16xf32>,
        %mul3A_581 = arith.mulf %get3A_580, %gather3A_577 : vector<16xf32>
        %swap3A_582 = arith.index_cast %add3A_572 : i32 to index
        %swap3A_583 = arith.constant 0 : index
        %swap3A_584 = tpu.vector_load %arg15[%swap3A_582, %swap3A_583] {strides = array<i32>} : memref<128x128xf32, #tpu.memory_space<vmem>>, vector<16xf32>,
        tpu.vector_store %arg15[%swap3A_582, %swap3A_583], %mul3A_581 {strides = array<i32>} : memref<128x128xf32, #tpu.memory_space<vmem>>, vector<16xf32>,
        %get3A_585 = arith.index_cast %add3A_572 : i32 to index
        %get3A_586 = arith.constant 16 : index
        %get3A_587 = tpu.vector_load %arg15[%get3A_585, %get3A_586] {strides = array<i32>} : memref<128x128xf32, #tpu.memory_space<vmem>>, vector<16xf32>,
        %mul3A_588 = arith.mulf %get3A_587, %gather3A_577 : vector<16xf32>
        %swap3A_589 = arith.index_cast %add3A_572 : i32 to index
        %swap3A_590 = arith.constant 16 : index
        %swap3A_591 = tpu.vector_load %arg15[%swap3A_589, %swap3A_590] {strides = array<i32>} : memref<128x128xf32, #tpu.memory_space<vmem>>, vector<16xf32>,
        tpu.vector_store %arg15[%swap3A_589, %swap3A_590], %mul3A_588 {strides = array<i32>} : memref<128x128xf32, #tpu.memory_space<vmem>>, vector<16xf32>,
        %get3A_592 = arith.index_cast %add3A_572 : i32 to index
        %get3A_593 = arith.constant 32 : index
        %get3A_594 = tpu.vector_load %arg15[%get3A_592, %get3A_593] {strides = array<i32>} : memref<128x128xf32, #tpu.memory_space<vmem>>, vector<16xf32>,
        %mul3A_595 = arith.mulf %get3A_594, %gather3A_577 : vector<16xf32>
        %swap3A_596 = arith.index_cast %add3A_572 : i32 to index
        %swap3A_597 = arith.constant 32 : index
        %swap3A_598 = tpu.vector_load %arg15[%swap3A_596, %swap3A_597] {strides = array<i32>} : memref<128x128xf32, #tpu.memory_space<vmem>>, vector<16xf32>,
        tpu.vector_store %arg15[%swap3A_596, %swap3A_597], %mul3A_595 {strides = array<i32>} : memref<128x128xf32, #tpu.memory_space<vmem>>, vector<16xf32>,
        %get3A_599 = arith.index_cast %add3A_572 : i32 to index
        %get3A_600 = arith.constant 48 : index
        %get3A_601 = tpu.vector_load %arg15[%get3A_599, %get3A_600] {strides = array<i32>} : memref<128x128xf32, #tpu.memory_space<vmem>>, vector<16xf32>,
        %mul3A_602 = arith.mulf %get3A_601, %gather3A_577 : vector<16xf32>
        %swap3A_603 = arith.index_cast %add3A_572 : i32 to index
        %swap3A_604 = arith.constant 48 : index
        %swap3A_605 = tpu.vector_load %arg15[%swap3A_603, %swap3A_604] {strides = array<i32>} : memref<128x128xf32, #tpu.memory_space<vmem>>, vector<16xf32>,
        tpu.vector_store %arg15[%swap3A_603, %swap3A_604], %mul3A_602 {strides = array<i32>} : memref<128x128xf32, #tpu.memory_space<vmem>>, vector<16xf32>,
        %get3A_606 = arith.index_cast %add3A_572 : i32 to index
        %get3A_607 = arith.constant 64 : index
        %get3A_608 = tpu.vector_load %arg15[%get3A_606, %get3A_607] {strides = array<i32>} : memref<128x128xf32, #tpu.memory_space<vmem>>, vector<16xf32>,
        %mul3A_609 = arith.mulf %get3A_608, %gather3A_577 : vector<16xf32>
        %swap3A_610 = arith.index_cast %add3A_572 : i32 to index
        %swap3A_611 = arith.constant 64 : index
        %swap3A_612 = tpu.vector_load %arg15[%swap3A_610, %swap3A_611] {strides = array<i32>} : memref<128x128xf32, #tpu.memory_space<vmem>>, vector<16xf32>,
        tpu.vector_store %arg15[%swap3A_610, %swap3A_611], %mul3A_609 {strides = array<i32>} : memref<128x128xf32, #tpu.memory_space<vmem>>, vector<16xf32>,
        %get3A_613 = arith.index_cast %add3A_572 : i32 to index
        %get3A_614 = arith.constant 80 : index
        %get3A_615 = tpu.vector_load %arg15[%get3A_613, %get3A_614] {strides = array<i32>} : memref<128x128xf32, #tpu.memory_space<vmem>>, vector<16xf32>,
        %mul3A_616 = arith.mulf %get3A_615, %gather3A_577 : vector<16xf32>
        %swap3A_617 = arith.index_cast %add3A_572 : i32 to index
        %swap3A_618 = arith.constant 80 : index
        %swap3A_619 = tpu.vector_load %arg15[%swap3A_617, %swap3A_618] {strides = array<i32>} : memref<128x128xf32, #tpu.memory_space<vmem>>, vector<16xf32>,
        tpu.vector_store %arg15[%swap3A_617, %swap3A_618], %mul3A_616 {strides = array<i32>} : memref<128x128xf32, #tpu.memory_space<vmem>>, vector<16xf32>,
        %get3A_620 = arith.index_cast %add3A_572 : i32 to index
        %get3A_621 = arith.constant 96 : index
        %get3A_622 = tpu.vector_load %arg15[%get3A_620, %get3A_621] {strides = array<i32>} : memref<128x128xf32, #tpu.memory_space<vmem>>, vector<16xf32>,
        %mul3A_623 = arith.mulf %get3A_622, %gather3A_577 : vector<16xf32>
        %swap3A_624 = arith.index_cast %add3A_572 : i32 to index
        %swap3A_625 = arith.constant 96 : index
        %swap3A_626 = tpu.vector_load %arg15[%swap3A_624, %swap3A_625] {strides = array<i32>} : memref<128x128xf32, #tpu.memory_space<vmem>>, vector<16xf32>,
        tpu.vector_store %arg15[%swap3A_624, %swap3A_625], %mul3A_623 {strides = array<i32>} : memref<128x128xf32, #tpu.memory_space<vmem>>, vector<16xf32>,
        %get3A_627 = arith.index_cast %add3A_572 : i32 to index
        %get3A_628 = arith.constant 112 : index
        %get3A_629 = tpu.vector_load %arg15[%get3A_627, %get3A_628] {strides = array<i32>} : memref<128x128xf32, #tpu.memory_space<vmem>>, vector<16xf32>,
        %mul3A_630 = arith.mulf %get3A_629, %gather3A_577 : vector<16xf32>
        %swap3A_631 = arith.index_cast %add3A_572 : i32 to index
        %swap3A_632 = arith.constant 112 : index
        %swap3A_633 = tpu.vector_load %arg15[%swap3A_631, %swap3A_632] {strides = array<i32>} : memref<128x128xf32, #tpu.memory_space<vmem>>, vector<16xf32>,
        tpu.vector_store %arg15[%swap3A_631, %swap3A_632], %mul3A_630 {strides = array<i32>} : memref<128x128xf32, #tpu.memory_space<vmem>>, vector<16xf32>,
      }
      %scan3A_367 = arith.constant 128 : i32
      "tpu.region"() ({
        %run_scoped3A = tpu.sem_alloc : memref<!tpu.dma_semaphore, #tpu.memory_space<semaphore_mem>>
        %dma_start3A_368 = arith.constant 0 : i32
        %dma_start3A_369 = tpu.memref_slice %arg9[%add3A_53, %dma_start3A_368] : memref<81x128xi32, #tpu.memory_space<vmem>> -> memref<1x128xi32, #tpu.memory_space<vmem>>
        %dma_start3A_370 = tpu.memref_squeeze %dma_start3A_369 : memref<1x128xi32, #tpu.memory_space<vmem>> -> memref<128xi32, #tpu.memory_space<vmem>>
        %dma_start3A_371 = arith.constant 0 : i32
        %dma_start3A_372 = arith.constant 0 : i32
        %dma_start3A_373 = tpu.memref_slice %arg17[%dma_start3A_371, %dma_start3A_372] : memref<10240x128xf32, #tpu.memory_space<vmem_shared>> -> memref<10240x128xf32, #tpu.memory_space<vmem_shared>>
        tpu.enqueue_indirect_dma source(%arg15 : memref<128x128xf32, #tpu.memory_space<vmem>>) target(%dma_start3A_373 : memref<10240x128xf32, #tpu.memory_space<vmem_shared>>) offsets(%dma_start3A_370 : memref<128xi32, #tpu.memory_space<vmem>>) semaphore(%run_scoped3A : memref<!tpu.dma_semaphore, #tpu.memory_space<semaphore_mem>>) {add = true}
        %dma_wait3A_374 = arith.constant 0 : i32
        %dma_wait3A_375 = tpu.memref_slice %arg9[%add3A_53, %dma_wait3A_374] : memref<81x128xi32, #tpu.memory_space<vmem>> -> memref<1x128xi32, #tpu.memory_space<vmem>>
        %dma_wait3A_376 = tpu.memref_squeeze %dma_wait3A_375 : memref<1x128xi32, #tpu.memory_space<vmem>> -> memref<128xi32, #tpu.memory_space<vmem>>
        %dma_wait3A_377 = arith.constant 0 : i32
        %dma_wait3A_378 = arith.constant 0 : i32
        %dma_wait3A_379 = tpu.memref_slice %arg17[%dma_wait3A_377, %dma_wait3A_378] : memref<10240x128xf32, #tpu.memory_space<vmem_shared>> -> memref<10240x128xf32, #tpu.memory_space<vmem_shared>>
        tpu.wait_indirect_dma semaphore(%run_scoped3A : memref<!tpu.dma_semaphore, #tpu.memory_space<semaphore_mem>>) src(%arg15 : memref<128x128xf32, #tpu.memory_space<vmem>>) dst(%dma_wait3A_379 : memref<10240x128xf32, #tpu.memory_space<vmem_shared>>)
        tpu.yield
      }) : () -> ()
    }
    %scan3A_27 = arith.constant 81 : i32
    %barrier3A_28 = arith.constant 0 : index
    tpu.barrier barrier_id(%barrier3A_28)
    %add3A_29 = arith.constant 0 : i32
    %add3A_30 = arith.addi %mul3A_12, %add3A_29 : i32
    "tpu.region"() ({
      %run_scoped3A = tpu.sem_alloc : memref<!tpu.dma_semaphore, #tpu.memory_space<semaphore_mem>>
      %dma_start3A = arith.constant 0 : i32
      %dma_start3A_49 = tpu.memref_slice %arg17[%add3A_30, %dma_start3A] : memref<10240x128xf32, #tpu.memory_space<vmem_shared>> -> memref<128x128xf32, #tpu.memory_space<vmem_shared>>
      %dma_start3A_50 = arith.constant 0 : i32
      %dma_start3A_51 = tpu.memref_slice %arg17[%add3A_30, %dma_start3A_50] : memref<10240x128xf32, #tpu.memory_space<vmem_shared>> -> memref<128x128xf32, #tpu.memory_space<vmem_shared>>
      tpu.enqueue_dma source(%dma_start3A_51 : memref<128x128xf32, #tpu.memory_space<vmem_shared>>) target(%arg15 : memref<128x128xf32, #tpu.memory_space<vmem>>) target_semaphore(%run_scoped3A : memref<!tpu.dma_semaphore, #tpu.memory_space<semaphore_mem>>)
      %dma_wait3A = arith.constant 0 : i32
      %dma_wait3A_52 = tpu.memref_slice %arg17[%add3A_30, %dma_wait3A] : memref<10240x128xf32, #tpu.memory_space<vmem_shared>> -> memref<128x128xf32, #tpu.memory_space<vmem_shared>>
      %dma_wait3A_53 = arith.constant 0 : i32
      %dma_wait3A_54 = tpu.memref_slice %arg17[%add3A_30, %dma_wait3A_53] : memref<10240x128xf32, #tpu.memory_space<vmem_shared>> -> memref<128x128xf32, #tpu.memory_space<vmem_shared>>
      tpu.wait_dma2 semaphore(%run_scoped3A : memref<!tpu.dma_semaphore, #tpu.memory_space<semaphore_mem>>) src(%dma_wait3A_54 : memref<128x128xf32, #tpu.memory_space<vmem_shared>>) dst(%arg15 : memref<128x128xf32, #tpu.memory_space<vmem>>)
      tpu.yield
    }) : () -> ()
    %add3A_31 = arith.constant 0 : i32
    %add3A_32 = arith.addi %mul3A_12, %add3A_31 : i32
    "tpu.region"() ({
      %run_scoped3A = tpu.sem_alloc : memref<!tpu.dma_semaphore, #tpu.memory_space<semaphore_mem>>
      %dma_start3A = arith.constant 0 : i32
      %dma_start3A_49 = tpu.memref_slice %arg6[%arg0, %add3A_32, %dma_start3A] : memref<2x10240x128xf32, #tpu.memory_space<hbm>> -> memref<1x128x128xf32, #tpu.memory_space<hbm>>
      %dma_start3A_50 = tpu.memref_squeeze %dma_start3A_49 : memref<1x128x128xf32, #tpu.memory_space<hbm>> -> memref<128x128xf32, #tpu.memory_space<hbm>>
      %dma_start3A_51 = arith.constant 0 : i32
      %dma_start3A_52 = tpu.memref_slice %arg6[%arg0, %add3A_32, %dma_start3A_51] : memref<2x10240x128xf32, #tpu.memory_space<hbm>> -> memref<1x128x128xf32, #tpu.memory_space<hbm>>
      %dma_start3A_53 = tpu.memref_squeeze %dma_start3A_52 : memref<1x128x128xf32, #tpu.memory_space<hbm>> -> memref<128x128xf32, #tpu.memory_space<hbm>>
      tpu.enqueue_dma source(%arg15 : memref<128x128xf32, #tpu.memory_space<vmem>>) target(%dma_start3A_53 : memref<128x128xf32, #tpu.memory_space<hbm>>) target_semaphore(%run_scoped3A : memref<!tpu.dma_semaphore, #tpu.memory_space<semaphore_mem>>)
      %dma_wait3A = arith.constant 0 : i32
      %dma_wait3A_54 = tpu.memref_slice %arg6[%arg0, %add3A_32, %dma_wait3A] : memref<2x10240x128xf32, #tpu.memory_space<hbm>> -> memref<1x128x128xf32, #tpu.memory_space<hbm>>
      %dma_wait3A_55 = tpu.memref_squeeze %dma_wait3A_54 : memref<1x128x128xf32, #tpu.memory_space<hbm>> -> memref<128x128xf32, #tpu.memory_space<hbm>>
      %dma_wait3A_56 = arith.constant 0 : i32
      %dma_wait3A_57 = tpu.memref_slice %arg6[%arg0, %add3A_32, %dma_wait3A_56] : memref<2x10240x128xf32, #tpu.memory_space<hbm>> -> memref<1x128x128xf32, #tpu.memory_space<hbm>>
      %dma_wait3A_58 = tpu.memref_squeeze %dma_wait3A_57 : memref<1x128x128xf32, #tpu.memory_space<hbm>> -> memref<128x128xf32, #tpu.memory_space<hbm>>
      tpu.wait_dma2 semaphore(%run_scoped3A : memref<!tpu.dma_semaphore, #tpu.memory_space<semaphore_mem>>) src(%arg15 : memref<128x128xf32, #tpu.memory_space<vmem>>) dst(%dma_wait3A_58 : memref<128x128xf32, #tpu.memory_space<hbm>>)
      tpu.yield
    }) : () -> ()
    %add3A_33 = arith.constant 128 : i32
    %add3A_34 = arith.addi %mul3A_12, %add3A_33 : i32
    "tpu.region"() ({
      %run_scoped3A = tpu.sem_alloc : memref<!tpu.dma_semaphore, #tpu.memory_space<semaphore_mem>>
      %dma_start3A = arith.constant 0 : i32
      %dma_start3A_49 = tpu.memref_slice %arg17[%add3A_34, %dma_start3A] : memref<10240x128xf32, #tpu.memory_space<vmem_shared>> -> memref<128x128xf32, #tpu.memory_space<vmem_shared>>
      %dma_start3A_50 = arith.constant 0 : i32
      %dma_start3A_51 = tpu.memref_slice %arg17[%add3A_34, %dma_start3A_50] : memref<10240x128xf32, #tpu.memory_space<vmem_shared>> -> memref<128x128xf32, #tpu.memory_space<vmem_shared>>
      tpu.enqueue_dma source(%dma_start3A_51 : memref<128x128xf32, #tpu.memory_space<vmem_shared>>) target(%arg15 : memref<128x128xf32, #tpu.memory_space<vmem>>) target_semaphore(%run_scoped3A : memref<!tpu.dma_semaphore, #tpu.memory_space<semaphore_mem>>)
      %dma_wait3A = arith.constant 0 : i32
      %dma_wait3A_52 = tpu.memref_slice %arg17[%add3A_34, %dma_wait3A] : memref<10240x128xf32, #tpu.memory_space<vmem_shared>> -> memref<128x128xf32, #tpu.memory_space<vmem_shared>>
      %dma_wait3A_53 = arith.constant 0 : i32
      %dma_wait3A_54 = tpu.memref_slice %arg17[%add3A_34, %dma_wait3A_53] : memref<10240x128xf32, #tpu.memory_space<vmem_shared>> -> memref<128x128xf32, #tpu.memory_space<vmem_shared>>
      tpu.wait_dma2 semaphore(%run_scoped3A : memref<!tpu.dma_semaphore, #tpu.memory_space<semaphore_mem>>) src(%dma_wait3A_54 : memref<128x128xf32, #tpu.memory_space<vmem_shared>>) dst(%arg15 : memref<128x128xf32, #tpu.memory_space<vmem>>)
      tpu.yield
    }) : () -> ()
    %add3A_35 = arith.constant 128 : i32
    %add3A_36 = arith.addi %mul3A_12, %add3A_35 : i32
    "tpu.region"() ({
      %run_scoped3A = tpu.sem_alloc : memref<!tpu.dma_semaphore, #tpu.memory_space<semaphore_mem>>
      %dma_start3A = arith.constant 0 : i32
      %dma_start3A_49 = tpu.memref_slice %arg6[%arg0, %add3A_36, %dma_start3A] : memref<2x10240x128xf32, #tpu.memory_space<hbm>> -> memref<1x128x128xf32, #tpu.memory_space<hbm>>
      %dma_start3A_50 = tpu.memref_squeeze %dma_start3A_49 : memref<1x128x128xf32, #tpu.memory_space<hbm>> -> memref<128x128xf32, #tpu.memory_space<hbm>>
      %dma_start3A_51 = arith.constant 0 : i32
      %dma_start3A_52 = tpu.memref_slice %arg6[%arg0, %add3A_36, %dma_start3A_51] : memref<2x10240x128xf32, #tpu.memory_space<hbm>> -> memref<1x128x128xf32, #tpu.memory_space<hbm>>
      %dma_start3A_53 = tpu.memref_squeeze %dma_start3A_52 : memref<1x128x128xf32, #tpu.memory_space<hbm>> -> memref<128x128xf32, #tpu.memory_space<hbm>>
      tpu.enqueue_dma source(%arg15 : memref<128x128xf32, #tpu.memory_space<vmem>>) target(%dma_start3A_53 : memref<128x128xf32, #tpu.memory_space<hbm>>) target_semaphore(%run_scoped3A : memref<!tpu.dma_semaphore, #tpu.memory_space<semaphore_mem>>)
      %dma_wait3A = arith.constant 0 : i32
      %dma_wait3A_54 = tpu.memref_slice %arg6[%arg0, %add3A_36, %dma_wait3A] : memref<2x10240x128xf32, #tpu.memory_space<hbm>> -> memref<1x128x128xf32, #tpu.memory_space<hbm>>
      %dma_wait3A_55 = tpu.memref_squeeze %dma_wait3A_54 : memref<1x128x128xf32, #tpu.memory_space<hbm>> -> memref<128x128xf32, #tpu.memory_space<hbm>>
      %dma_wait3A_56 = arith.constant 0 : i32
      %dma_wait3A_57 = tpu.memref_slice %arg6[%arg0, %add3A_36, %dma_wait3A_56] : memref<2x10240x128xf32, #tpu.memory_space<hbm>> -> memref<1x128x128xf32, #tpu.memory_space<hbm>>
      %dma_wait3A_58 = tpu.memref_squeeze %dma_wait3A_57 : memref<1x128x128xf32, #tpu.memory_space<hbm>> -> memref<128x128xf32, #tpu.memory_space<hbm>>
      tpu.wait_dma2 semaphore(%run_scoped3A : memref<!tpu.dma_semaphore, #tpu.memory_space<semaphore_mem>>) src(%arg15 : memref<128x128xf32, #tpu.memory_space<vmem>>) dst(%dma_wait3A_58 : memref<128x128xf32, #tpu.memory_space<hbm>>)
      tpu.yield
    }) : () -> ()
    %add3A_37 = arith.constant 256 : i32
    %add3A_38 = arith.addi %mul3A_12, %add3A_37 : i32
    "tpu.region"() ({
      %run_scoped3A = tpu.sem_alloc : memref<!tpu.dma_semaphore, #tpu.memory_space<semaphore_mem>>
      %dma_start3A = arith.constant 0 : i32
      %dma_start3A_49 = tpu.memref_slice %arg17[%add3A_38, %dma_start3A] : memref<10240x128xf32, #tpu.memory_space<vmem_shared>> -> memref<128x128xf32, #tpu.memory_space<vmem_shared>>
      %dma_start3A_50 = arith.constant 0 : i32
      %dma_start3A_51 = tpu.memref_slice %arg17[%add3A_38, %dma_start3A_50] : memref<10240x128xf32, #tpu.memory_space<vmem_shared>> -> memref<128x128xf32, #tpu.memory_space<vmem_shared>>
      tpu.enqueue_dma source(%dma_start3A_51 : memref<128x128xf32, #tpu.memory_space<vmem_shared>>) target(%arg15 : memref<128x128xf32, #tpu.memory_space<vmem>>) target_semaphore(%run_scoped3A : memref<!tpu.dma_semaphore, #tpu.memory_space<semaphore_mem>>)
      %dma_wait3A = arith.constant 0 : i32
      %dma_wait3A_52 = tpu.memref_slice %arg17[%add3A_38, %dma_wait3A] : memref<10240x128xf32, #tpu.memory_space<vmem_shared>> -> memref<128x128xf32, #tpu.memory_space<vmem_shared>>
      %dma_wait3A_53 = arith.constant 0 : i32
      %dma_wait3A_54 = tpu.memref_slice %arg17[%add3A_38, %dma_wait3A_53] : memref<10240x128xf32, #tpu.memory_space<vmem_shared>> -> memref<128x128xf32, #tpu.memory_space<vmem_shared>>
      tpu.wait_dma2 semaphore(%run_scoped3A : memref<!tpu.dma_semaphore, #tpu.memory_space<semaphore_mem>>) src(%dma_wait3A_54 : memref<128x128xf32, #tpu.memory_space<vmem_shared>>) dst(%arg15 : memref<128x128xf32, #tpu.memory_space<vmem>>)
      tpu.yield
    }) : () -> ()
    %add3A_39 = arith.constant 256 : i32
    %add3A_40 = arith.addi %mul3A_12, %add3A_39 : i32
    "tpu.region"() ({
      %run_scoped3A = tpu.sem_alloc : memref<!tpu.dma_semaphore, #tpu.memory_space<semaphore_mem>>
      %dma_start3A = arith.constant 0 : i32
      %dma_start3A_49 = tpu.memref_slice %arg6[%arg0, %add3A_40, %dma_start3A] : memref<2x10240x128xf32, #tpu.memory_space<hbm>> -> memref<1x128x128xf32, #tpu.memory_space<hbm>>
      %dma_start3A_50 = tpu.memref_squeeze %dma_start3A_49 : memref<1x128x128xf32, #tpu.memory_space<hbm>> -> memref<128x128xf32, #tpu.memory_space<hbm>>
      %dma_start3A_51 = arith.constant 0 : i32
      %dma_start3A_52 = tpu.memref_slice %arg6[%arg0, %add3A_40, %dma_start3A_51] : memref<2x10240x128xf32, #tpu.memory_space<hbm>> -> memref<1x128x128xf32, #tpu.memory_space<hbm>>
      %dma_start3A_53 = tpu.memref_squeeze %dma_start3A_52 : memref<1x128x128xf32, #tpu.memory_space<hbm>> -> memref<128x128xf32, #tpu.memory_space<hbm>>
      tpu.enqueue_dma source(%arg15 : memref<128x128xf32, #tpu.memory_space<vmem>>) target(%dma_start3A_53 : memref<128x128xf32, #tpu.memory_space<hbm>>) target_semaphore(%run_scoped3A : memref<!tpu.dma_semaphore, #tpu.memory_space<semaphore_mem>>)
      %dma_wait3A = arith.constant 0 : i32
      %dma_wait3A_54 = tpu.memref_slice %arg6[%arg0, %add3A_40, %dma_wait3A] : memref<2x10240x128xf32, #tpu.memory_space<hbm>> -> memref<1x128x128xf32, #tpu.memory_space<hbm>>
      %dma_wait3A_55 = tpu.memref_squeeze %dma_wait3A_54 : memref<1x128x128xf32, #tpu.memory_space<hbm>> -> memref<128x128xf32, #tpu.memory_space<hbm>>
      %dma_wait3A_56 = arith.constant 0 : i32
      %dma_wait3A_57 = tpu.memref_slice %arg6[%arg0, %add3A_40, %dma_wait3A_56] : memref<2x10240x128xf32, #tpu.memory_space<hbm>> -> memref<1x128x128xf32, #tpu.memory_space<hbm>>
      %dma_wait3A_58 = tpu.memref_squeeze %dma_wait3A_57 : memref<1x128x128xf32, #tpu.memory_space<hbm>> -> memref<128x128xf32, #tpu.memory_space<hbm>>
      tpu.wait_dma2 semaphore(%run_scoped3A : memref<!tpu.dma_semaphore, #tpu.memory_space<semaphore_mem>>) src(%arg15 : memref<128x128xf32, #tpu.memory_space<vmem>>) dst(%dma_wait3A_58 : memref<128x128xf32, #tpu.memory_space<hbm>>)
      tpu.yield
    }) : () -> ()
    %add3A_41 = arith.constant 384 : i32
    %add3A_42 = arith.addi %mul3A_12, %add3A_41 : i32
    "tpu.region"() ({
      %run_scoped3A = tpu.sem_alloc : memref<!tpu.dma_semaphore, #tpu.memory_space<semaphore_mem>>
      %dma_start3A = arith.constant 0 : i32
      %dma_start3A_49 = tpu.memref_slice %arg17[%add3A_42, %dma_start3A] : memref<10240x128xf32, #tpu.memory_space<vmem_shared>> -> memref<128x128xf32, #tpu.memory_space<vmem_shared>>
      %dma_start3A_50 = arith.constant 0 : i32
      %dma_start3A_51 = tpu.memref_slice %arg17[%add3A_42, %dma_start3A_50] : memref<10240x128xf32, #tpu.memory_space<vmem_shared>> -> memref<128x128xf32, #tpu.memory_space<vmem_shared>>
      tpu.enqueue_dma source(%dma_start3A_51 : memref<128x128xf32, #tpu.memory_space<vmem_shared>>) target(%arg15 : memref<128x128xf32, #tpu.memory_space<vmem>>) target_semaphore(%run_scoped3A : memref<!tpu.dma_semaphore, #tpu.memory_space<semaphore_mem>>)
      %dma_wait3A = arith.constant 0 : i32
      %dma_wait3A_52 = tpu.memref_slice %arg17[%add3A_42, %dma_wait3A] : memref<10240x128xf32, #tpu.memory_space<vmem_shared>> -> memref<128x128xf32, #tpu.memory_space<vmem_shared>>
      %dma_wait3A_53 = arith.constant 0 : i32
      %dma_wait3A_54 = tpu.memref_slice %arg17[%add3A_42, %dma_wait3A_53] : memref<10240x128xf32, #tpu.memory_space<vmem_shared>> -> memref<128x128xf32, #tpu.memory_space<vmem_shared>>
      tpu.wait_dma2 semaphore(%run_scoped3A : memref<!tpu.dma_semaphore, #tpu.memory_space<semaphore_mem>>) src(%dma_wait3A_54 : memref<128x128xf32, #tpu.memory_space<vmem_shared>>) dst(%arg15 : memref<128x128xf32, #tpu.memory_space<vmem>>)
      tpu.yield
    }) : () -> ()
    %add3A_43 = arith.constant 384 : i32
    %add3A_44 = arith.addi %mul3A_12, %add3A_43 : i32
    "tpu.region"() ({
      %run_scoped3A = tpu.sem_alloc : memref<!tpu.dma_semaphore, #tpu.memory_space<semaphore_mem>>
      %dma_start3A = arith.constant 0 : i32
      %dma_start3A_49 = tpu.memref_slice %arg6[%arg0, %add3A_44, %dma_start3A] : memref<2x10240x128xf32, #tpu.memory_space<hbm>> -> memref<1x128x128xf32, #tpu.memory_space<hbm>>
      %dma_start3A_50 = tpu.memref_squeeze %dma_start3A_49 : memref<1x128x128xf32, #tpu.memory_space<hbm>> -> memref<128x128xf32, #tpu.memory_space<hbm>>
      %dma_start3A_51 = arith.constant 0 : i32
      %dma_start3A_52 = tpu.memref_slice %arg6[%arg0, %add3A_44, %dma_start3A_51] : memref<2x10240x128xf32, #tpu.memory_space<hbm>> -> memref<1x128x128xf32, #tpu.memory_space<hbm>>
      %dma_start3A_53 = tpu.memref_squeeze %dma_start3A_52 : memref<1x128x128xf32, #tpu.memory_space<hbm>> -> memref<128x128xf32, #tpu.memory_space<hbm>>
      tpu.enqueue_dma source(%arg15 : memref<128x128xf32, #tpu.memory_space<vmem>>) target(%dma_start3A_53 : memref<128x128xf32, #tpu.memory_space<hbm>>) target_semaphore(%run_scoped3A : memref<!tpu.dma_semaphore, #tpu.memory_space<semaphore_mem>>)
      %dma_wait3A = arith.constant 0 : i32
      %dma_wait3A_54 = tpu.memref_slice %arg6[%arg0, %add3A_44, %dma_wait3A] : memref<2x10240x128xf32, #tpu.memory_space<hbm>> -> memref<1x128x128xf32, #tpu.memory_space<hbm>>
      %dma_wait3A_55 = tpu.memref_squeeze %dma_wait3A_54 : memref<1x128x128xf32, #tpu.memory_space<hbm>> -> memref<128x128xf32, #tpu.memory_space<hbm>>
      %dma_wait3A_56 = arith.constant 0 : i32
      %dma_wait3A_57 = tpu.memref_slice %arg6[%arg0, %add3A_44, %dma_wait3A_56] : memref<2x10240x128xf32, #tpu.memory_space<hbm>> -> memref<1x128x128xf32, #tpu.memory_space<hbm>>
      %dma_wait3A_58 = tpu.memref_squeeze %dma_wait3A_57 : memref<1x128x128xf32, #tpu.memory_space<hbm>> -> memref<128x128xf32, #tpu.memory_space<hbm>>
      tpu.wait_dma2 semaphore(%run_scoped3A : memref<!tpu.dma_semaphore, #tpu.memory_space<semaphore_mem>>) src(%arg15 : memref<128x128xf32, #tpu.memory_space<vmem>>) dst(%dma_wait3A_58 : memref<128x128xf32, #tpu.memory_space<hbm>>)
      tpu.yield
    }) : () -> ()
    %add3A_45 = arith.constant 512 : i32
    %add3A_46 = arith.addi %mul3A_12, %add3A_45 : i32
    "tpu.region"() ({
      %run_scoped3A = tpu.sem_alloc : memref<!tpu.dma_semaphore, #tpu.memory_space<semaphore_mem>>
      %dma_start3A = arith.constant 0 : i32
      %dma_start3A_49 = tpu.memref_slice %arg17[%add3A_46, %dma_start3A] : memref<10240x128xf32, #tpu.memory_space<vmem_shared>> -> memref<128x128xf32, #tpu.memory_space<vmem_shared>>
      %dma_start3A_50 = arith.constant 0 : i32
      %dma_start3A_51 = tpu.memref_slice %arg17[%add3A_46, %dma_start3A_50] : memref<10240x128xf32, #tpu.memory_space<vmem_shared>> -> memref<128x128xf32, #tpu.memory_space<vmem_shared>>
      tpu.enqueue_dma source(%dma_start3A_51 : memref<128x128xf32, #tpu.memory_space<vmem_shared>>) target(%arg15 : memref<128x128xf32, #tpu.memory_space<vmem>>) target_semaphore(%run_scoped3A : memref<!tpu.dma_semaphore, #tpu.memory_space<semaphore_mem>>)
      %dma_wait3A = arith.constant 0 : i32
      %dma_wait3A_52 = tpu.memref_slice %arg17[%add3A_46, %dma_wait3A] : memref<10240x128xf32, #tpu.memory_space<vmem_shared>> -> memref<128x128xf32, #tpu.memory_space<vmem_shared>>
      %dma_wait3A_53 = arith.constant 0 : i32
      %dma_wait3A_54 = tpu.memref_slice %arg17[%add3A_46, %dma_wait3A_53] : memref<10240x128xf32, #tpu.memory_space<vmem_shared>> -> memref<128x128xf32, #tpu.memory_space<vmem_shared>>
      tpu.wait_dma2 semaphore(%run_scoped3A : memref<!tpu.dma_semaphore, #tpu.memory_space<semaphore_mem>>) src(%dma_wait3A_54 : memref<128x128xf32, #tpu.memory_space<vmem_shared>>) dst(%arg15 : memref<128x128xf32, #tpu.memory_space<vmem>>)
      tpu.yield
    }) : () -> ()
    %add3A_47 = arith.constant 512 : i32
    %add3A_48 = arith.addi %mul3A_12, %add3A_47 : i32
    "tpu.region"() ({
      %run_scoped3A = tpu.sem_alloc : memref<!tpu.dma_semaphore, #tpu.memory_space<semaphore_mem>>
      %dma_start3A = arith.constant 0 : i32
      %dma_start3A_49 = tpu.memref_slice %arg6[%arg0, %add3A_48, %dma_start3A] : memref<2x10240x128xf32, #tpu.memory_space<hbm>> -> memref<1x128x128xf32, #tpu.memory_space<hbm>>
      %dma_start3A_50 = tpu.memref_squeeze %dma_start3A_49 : memref<1x128x128xf32, #tpu.memory_space<hbm>> -> memref<128x128xf32, #tpu.memory_space<hbm>>
      %dma_start3A_51 = arith.constant 0 : i32
      %dma_start3A_52 = tpu.memref_slice %arg6[%arg0, %add3A_48, %dma_start3A_51] : memref<2x10240x128xf32, #tpu.memory_space<hbm>> -> memref<1x128x128xf32, #tpu.memory_space<hbm>>
      %dma_start3A_53 = tpu.memref_squeeze %dma_start3A_52 : memref<1x128x128xf32, #tpu.memory_space<hbm>> -> memref<128x128xf32, #tpu.memory_space<hbm>>
      tpu.enqueue_dma source(%arg15 : memref<128x128xf32, #tpu.memory_space<vmem>>) target(%dma_start3A_53 : memref<128x128xf32, #tpu.memory_space<hbm>>) target_semaphore(%run_scoped3A : memref<!tpu.dma_semaphore, #tpu.memory_space<semaphore_mem>>)
      %dma_wait3A = arith.constant 0 : i32
      %dma_wait3A_54 = tpu.memref_slice %arg6[%arg0, %add3A_48, %dma_wait3A] : memref<2x10240x128xf32, #tpu.memory_space<hbm>> -> memref<1x128x128xf32, #tpu.memory_space<hbm>>
      %dma_wait3A_55 = tpu.memref_squeeze %dma_wait3A_54 : memref<1x128x128xf32, #tpu.memory_space<hbm>> -> memref<128x128xf32, #tpu.memory_space<hbm>>
      %dma_wait3A_56 = arith.constant 0 : i32
      %dma_wait3A_57 = tpu.memref_slice %arg6[%arg0, %add3A_48, %dma_wait3A_56] : memref<2x10240x128xf32, #tpu.memory_space<hbm>> -> memref<1x128x128xf32, #tpu.memory_space<hbm>>
      %dma_wait3A_58 = tpu.memref_squeeze %dma_wait3A_57 : memref<1x128x128xf32, #tpu.memory_space<hbm>> -> memref<128x128xf32, #tpu.memory_space<hbm>>
      tpu.wait_dma2 semaphore(%run_scoped3A : memref<!tpu.dma_semaphore, #tpu.memory_space<semaphore_mem>>) src(%arg15 : memref<128x128xf32, #tpu.memory_space<vmem>>) dst(%dma_wait3A_58 : memref<128x128xf32, #tpu.memory_space<hbm>>)
      tpu.yield
    }) : () -> ()
    "tpu.region"() ({
      %run_scoped3A = tpu.sem_alloc : memref<!tpu.dma_semaphore, #tpu.memory_space<semaphore_mem>>
      %dma_start3A = tpu.memref_slice %arg18[%mul3A_12] : memref<10240xf32, #tpu.memory_space<vmem_shared>> -> memref<640xf32, #tpu.memory_space<vmem_shared>>
      %dma_start3A_49 = tpu.memref_slice %arg18[%mul3A_12] : memref<10240xf32, #tpu.memory_space<vmem_shared>> -> memref<640xf32, #tpu.memory_space<vmem_shared>>
      tpu.enqueue_dma source(%dma_start3A_49 : memref<640xf32, #tpu.memory_space<vmem_shared>>) target(%arg16 : memref<640xf32, #tpu.memory_space<vmem>>) target_semaphore(%run_scoped3A : memref<!tpu.dma_semaphore, #tpu.memory_space<semaphore_mem>>)
      %dma_wait3A = tpu.memref_slice %arg18[%mul3A_12] : memref<10240xf32, #tpu.memory_space<vmem_shared>> -> memref<640xf32, #tpu.memory_space<vmem_shared>>
      %dma_wait3A_50 = tpu.memref_slice %arg18[%mul3A_12] : memref<10240xf32, #tpu.memory_space<vmem_shared>> -> memref<640xf32, #tpu.memory_space<vmem_shared>>
      tpu.wait_dma2 semaphore(%run_scoped3A : memref<!tpu.dma_semaphore, #tpu.memory_space<semaphore_mem>>) src(%dma_wait3A_50 : memref<640xf32, #tpu.memory_space<vmem_shared>>) dst(%arg16 : memref<640xf32, #tpu.memory_space<vmem>>)
      tpu.yield
    }) : () -> ()
    "tpu.region"() ({
      %run_scoped3A = tpu.sem_alloc : memref<!tpu.dma_semaphore, #tpu.memory_space<semaphore_mem>>
      %dma_start3A = tpu.memref_slice %arg7[%arg0, %mul3A_12] : memref<2x10240xf32, #tpu.memory_space<hbm>> -> memref<1x640xf32, #tpu.memory_space<hbm>>
      %dma_start3A_49 = tpu.memref_squeeze %dma_start3A : memref<1x640xf32, #tpu.memory_space<hbm>> -> memref<640xf32, #tpu.memory_space<hbm>>
      %dma_start3A_50 = tpu.memref_slice %arg7[%arg0, %mul3A_12] : memref<2x10240xf32, #tpu.memory_space<hbm>> -> memref<1x640xf32, #tpu.memory_space<hbm>>
      %dma_start3A_51 = tpu.memref_squeeze %dma_start3A_50 : memref<1x640xf32, #tpu.memory_space<hbm>> -> memref<640xf32, #tpu.memory_space<hbm>>
      tpu.enqueue_dma source(%arg16 : memref<640xf32, #tpu.memory_space<vmem>>) target(%dma_start3A_51 : memref<640xf32, #tpu.memory_space<hbm>>) target_semaphore(%run_scoped3A : memref<!tpu.dma_semaphore, #tpu.memory_space<semaphore_mem>>)
      %dma_wait3A = tpu.memref_slice %arg7[%arg0, %mul3A_12] : memref<2x10240xf32, #tpu.memory_space<hbm>> -> memref<1x640xf32, #tpu.memory_space<hbm>>
      %dma_wait3A_52 = tpu.memref_squeeze %dma_wait3A : memref<1x640xf32, #tpu.memory_space<hbm>> -> memref<640xf32, #tpu.memory_space<hbm>>
      %dma_wait3A_53 = tpu.memref_slice %arg7[%arg0, %mul3A_12] : memref<2x10240xf32, #tpu.memory_space<hbm>> -> memref<1x640xf32, #tpu.memory_space<hbm>>
      %dma_wait3A_54 = tpu.memref_squeeze %dma_wait3A_53 : memref<1x640xf32, #tpu.memory_space<hbm>> -> memref<640xf32, #tpu.memory_space<hbm>>
      tpu.wait_dma2 semaphore(%run_scoped3A : memref<!tpu.dma_semaphore, #tpu.memory_space<semaphore_mem>>) src(%arg16 : memref<640xf32, #tpu.memory_space<vmem>>) dst(%dma_wait3A_54 : memref<640xf32, #tpu.memory_space<hbm>>)
      tpu.yield
    }) : () -> ()
    return
  }
}

module attributes {stable_mosaic.version = 14 : i64} {
  func.func @_proj1_body(%arg0: i32, %arg1: memref<1000x128xf32, #tpu.memory_space<vmem>>, %arg2: memref<128x128xf32, #tpu.memory_space<vmem>>, %arg3: memref<128x128xf32, #tpu.memory_space<vmem>>, %arg4: memref<128x2xf32, #tpu.memory_space<vmem>>, %arg5: memref<1000x128xf32, #tpu.memory_space<vmem>>, %arg6: memref<1000x128xf32, #tpu.memory_space<vmem>>, %arg7: memref<1000x2xf32, #tpu.memory_space<vmem>>) attributes {dimension_semantics = [#tpu.dimension_semantics<arbitrary>], iteration_bounds = array<i64: 10>, scalar_prefetch = 0 : i64, scratch_operands = 0 : i64, tpu.core_type = #tpu.core_type<tc>, window_params = [{transform_indices = @transform_0, window_bounds = array<i64: 1000, 128>}, {pipeline_mode = #tpu.pipeline_mode<synchronous>, transform_indices = @transform_1, window_bounds = array<i64: 128, 128>}, {pipeline_mode = #tpu.pipeline_mode<synchronous>, transform_indices = @transform_2, window_bounds = array<i64: 128, 128>}, {pipeline_mode = #tpu.pipeline_mode<synchronous>, transform_indices = @transform_3, window_bounds = array<i64: 128, 2>}, {transform_indices = @transform_4, window_bounds = array<i64: 1000, 128>}, {transform_indices = @transform_5, window_bounds = array<i64: 1000, 128>}, {transform_indices = @transform_6, window_bounds = array<i64: 1000, 2>}]} {
    %get3A = arith.constant 0 : index
    %get3A_0 = arith.constant 0 : index
    %get3A_1 = vector.load %arg1[%get3A, %get3A_0] : memref<1000x128xf32, #tpu.memory_space<vmem>>, vector<1000x128xf32>
    %get3A_2 = arith.constant 0 : index
    %get3A_3 = arith.constant 0 : index
    %get3A_4 = vector.load %arg2[%get3A_2, %get3A_3] : memref<128x128xf32, #tpu.memory_space<vmem>>, vector<128x128xf32>
    %dot_general3A = arith.constant dense<0.000000e+00> : vector<1000x128xf32>
    %dot_general3A_5 = tpu.matmul %get3A_1, %get3A_4, %dot_general3A {dimension_numbers = #tpu.dot_dimension_numbers<[1], [0], [0], [1], [0, 0, 1, 1], [], []>, transpose_lhs_hint = false} : vector<1000x128xf32>, vector<128x128xf32>, vector<1000x128xf32> -> vector<1000x128xf32>
    %swap3A = arith.constant 0 : index
    %swap3A_6 = arith.constant 0 : index
    %swap3A_7 = vector.load %arg5[%swap3A, %swap3A_6] : memref<1000x128xf32, #tpu.memory_space<vmem>>, vector<1000x128xf32>
    tpu.vector_store %arg5[%swap3A, %swap3A_6], %dot_general3A_5 {strides = array<i32>} : memref<1000x128xf32, #tpu.memory_space<vmem>>, vector<1000x128xf32>,
    %get3A_8 = arith.constant 0 : index
    %get3A_9 = arith.constant 0 : index
    %get3A_10 = vector.load %arg3[%get3A_8, %get3A_9] : memref<128x128xf32, #tpu.memory_space<vmem>>, vector<128x128xf32>
    %dot_general3A_11 = arith.constant dense<0.000000e+00> : vector<1000x128xf32>
    %dot_general3A_12 = tpu.matmul %get3A_1, %get3A_10, %dot_general3A_11 {dimension_numbers = #tpu.dot_dimension_numbers<[1], [0], [0], [1], [0, 0, 1, 1], [], []>, transpose_lhs_hint = false} : vector<1000x128xf32>, vector<128x128xf32>, vector<1000x128xf32> -> vector<1000x128xf32>
    %swap3A_13 = arith.constant 0 : index
    %swap3A_14 = arith.constant 0 : index
    %swap3A_15 = vector.load %arg6[%swap3A_13, %swap3A_14] : memref<1000x128xf32, #tpu.memory_space<vmem>>, vector<1000x128xf32>
    tpu.vector_store %arg6[%swap3A_13, %swap3A_14], %dot_general3A_12 {strides = array<i32>} : memref<1000x128xf32, #tpu.memory_space<vmem>>, vector<1000x128xf32>,
    %get3A_16 = arith.constant 0 : index
    %get3A_17 = arith.constant 0 : index
    %get3A_18 = vector.load %arg4[%get3A_16, %get3A_17] : memref<128x2xf32, #tpu.memory_space<vmem>>, vector<128x2xf32>
    %dot_general3A_19 = arith.constant dense<0.000000e+00> : vector<1000x2xf32>
    %dot_general3A_20 = tpu.matmul %dot_general3A_5, %get3A_18, %dot_general3A_19 {dimension_numbers = #tpu.dot_dimension_numbers<[1], [0], [0], [1], [0, 0, 1, 1], [], []>, transpose_lhs_hint = false} : vector<1000x128xf32>, vector<128x2xf32>, vector<1000x2xf32> -> vector<1000x2xf32>
    %swap3A_21 = arith.constant 0 : index
    %swap3A_22 = arith.constant 0 : index
    %swap3A_23 = vector.load %arg7[%swap3A_21, %swap3A_22] : memref<1000x2xf32, #tpu.memory_space<vmem>>, vector<1000x2xf32>
    tpu.vector_store %arg7[%swap3A_21, %swap3A_22], %dot_general3A_20 {strides = array<i32>} : memref<1000x2xf32, #tpu.memory_space<vmem>>, vector<1000x2xf32>,
    return
  }
  func.func @transform_0(%arg0: i32) -> (i32, i32) {
    %c0_i32 = arith.constant 0 : i32
    %c0_i32_0 = arith.constant 0 : i32
    return %arg0, %c0_i32 : i32, i32
  }
  func.func @transform_1(%arg0: i32) -> (i32, i32) {
    %c0_i32 = arith.constant 0 : i32
    %c0_i32_0 = arith.constant 0 : i32
    %c0_i32_1 = arith.constant 0 : i32
    return %c0_i32, %c0_i32_0 : i32, i32
  }
  func.func @transform_2(%arg0: i32) -> (i32, i32) {
    %c0_i32 = arith.constant 0 : i32
    %c0_i32_0 = arith.constant 0 : i32
    %c0_i32_1 = arith.constant 0 : i32
    return %c0_i32, %c0_i32_0 : i32, i32
  }
  func.func @transform_3(%arg0: i32) -> (i32, i32) {
    %c0_i32 = arith.constant 0 : i32
    %c0_i32_0 = arith.constant 0 : i32
    %c0_i32_1 = arith.constant 0 : i32
    return %c0_i32, %c0_i32_0 : i32, i32
  }
  func.func @transform_4(%arg0: i32) -> (i32, i32) {
    %c0_i32 = arith.constant 0 : i32
    %c0_i32_0 = arith.constant 0 : i32
    return %arg0, %c0_i32 : i32, i32
  }
  func.func @transform_5(%arg0: i32) -> (i32, i32) {
    %c0_i32 = arith.constant 0 : i32
    %c0_i32_0 = arith.constant 0 : i32
    return %arg0, %c0_i32 : i32, i32
  }
  func.func @transform_6(%arg0: i32) -> (i32, i32) {
    %c0_i32 = arith.constant 0 : i32
    %c0_i32_0 = arith.constant 0 : i32
    return %arg0, %c0_i32 : i32, i32
  }
}

module attributes {stable_mosaic.version = 14 : i64} {
  func.func @_fin1_body(%arg0: i32, %arg1: memref<2x1000x128xf32, #tpu.memory_space<vmem>>, %arg2: memref<1x2x1000xf32, #tpu.memory_space<vmem>>, %arg3: memref<1x128xf32, #tpu.memory_space<vmem>>, %arg4: memref<128x128xf32, #tpu.memory_space<vmem>>, %arg5: memref<128x4xf32, #tpu.memory_space<vmem>>, %arg6: memref<1000x128xf32, #tpu.memory_space<vmem>>, %arg7: memref<1000x128xf32, #tpu.memory_space<vmem>>, %arg8: memref<1000x4xf32, #tpu.memory_space<vmem>>) attributes {dimension_semantics = [#tpu.dimension_semantics<arbitrary>], iteration_bounds = array<i64: 10>, scalar_prefetch = 0 : i64, scratch_operands = 0 : i64, tpu.core_type = #tpu.core_type<tc>, window_params = [{transform_indices = @transform_0, window_bounds = array<i64: 2, 1000, 128>}, {transform_indices = @transform_1, window_bounds = array<i64: 1, 2, 1000>}, {pipeline_mode = #tpu.pipeline_mode<synchronous>, transform_indices = @transform_2, window_bounds = array<i64: 1, 128>}, {pipeline_mode = #tpu.pipeline_mode<synchronous>, transform_indices = @transform_3, window_bounds = array<i64: 128, 128>}, {pipeline_mode = #tpu.pipeline_mode<synchronous>, transform_indices = @transform_4, window_bounds = array<i64: 128, 4>}, {transform_indices = @transform_5, window_bounds = array<i64: 1000, 128>}, {transform_indices = @transform_6, window_bounds = array<i64: 1000, 128>}, {transform_indices = @transform_7, window_bounds = array<i64: 1000, 4>}]} {
    %get3A = arith.constant 0 : index
    %get3A_0 = arith.constant 0 : index
    %get3A_1 = arith.constant 0 : index
    %get3A_2 = vector.load %arg1[%get3A, %get3A_0, %get3A_1] : memref<2x1000x128xf32, #tpu.memory_space<vmem>>, vector<2x1000x128xf32>
    %get3A_3 = arith.constant 0 : index
    %get3A_4 = arith.constant 0 : index
    %get3A_5 = arith.constant 0 : index
    %get3A_6 = vector.load %arg2[%get3A_3, %get3A_4, %get3A_5] : memref<1x2x1000xf32, #tpu.memory_space<vmem>>, vector<1x2x1000xf32>
    %slice3A = vector.extract_strided_slice %get3A_6 {offsets = [0, 0, 0], sizes = [1, 1, 1000], strides = [1, 1, 1]} : vector<1x2x1000xf32> to vector<1x1x1000xf32>
    %squeeze3A = vector.shape_cast %slice3A : vector<1x1x1000xf32> to vector<1000xf32>
    %slice3A_7 = vector.extract_strided_slice %get3A_6 {offsets = [0, 1, 0], sizes = [1, 1, 1000], strides = [1, 1, 1]} : vector<1x2x1000xf32> to vector<1x1x1000xf32>
    %squeeze3A_8 = vector.shape_cast %slice3A_7 : vector<1x1x1000xf32> to vector<1000xf32>
    %add3A = arith.addf %squeeze3A, %squeeze3A_8 : vector<1000xf32>
    %slice3A_9 = vector.extract_strided_slice %get3A_2 {offsets = [0, 0, 0], sizes = [1, 1000, 128], strides = [1, 1, 1]} : vector<2x1000x128xf32> to vector<1x1000x128xf32>
    %squeeze3A_10 = vector.shape_cast %slice3A_9 : vector<1x1000x128xf32> to vector<1000x128xf32>
    %slice3A_11 = vector.extract_strided_slice %get3A_2 {offsets = [1, 0, 0], sizes = [1, 1000, 128], strides = [1, 1, 1]} : vector<2x1000x128xf32> to vector<1x1000x128xf32>
    %squeeze3A_12 = vector.shape_cast %slice3A_11 : vector<1x1000x128xf32> to vector<1000x128xf32>
    %add3A_13 = arith.addf %squeeze3A_10, %squeeze3A_12 : vector<1000x128xf32>
    %broadcast_in_dim3A = vector.shape_cast %add3A : vector<1000xf32> to vector<1000x1xf32>
    %add3A_14 = arith.constant 1.000000e-16 : f32
    %add3A_15 = vector.broadcast %add3A_14 : f32 to vector<1000x1xf32>
    %add3A_16 = arith.addf %broadcast_in_dim3A, %add3A_15 : vector<1000x1xf32>
    %div3A = vector.broadcast %add3A_16 : vector<1000x1xf32> to vector<1000x128xf32>
    %div3A_17 = arith.divf %add3A_13, %div3A : vector<1000x128xf32>
    %get3A_18 = arith.constant 0 : index
    %get3A_19 = arith.constant 0 : index
    %get3A_20 = vector.load %arg3[%get3A_18, %get3A_19] : memref<1x128xf32, #tpu.memory_space<vmem>>, vector<1x128xf32>
    %add3A_21 = vector.broadcast %get3A_20 : vector<1x128xf32> to vector<1000x128xf32>
    %add3A_22 = arith.addf %div3A_17, %add3A_21 : vector<1000x128xf32>
    %max3A = arith.constant 0.000000e+00 : f32
    %max3A_23 = vector.broadcast %max3A : f32 to vector<1000x128xf32>
    %max3A_24 = arith.maximumf %add3A_22, %max3A_23 : vector<1000x128xf32>
    %swap3A = arith.constant 0 : index
    %swap3A_25 = arith.constant 0 : index
    %swap3A_26 = vector.load %arg6[%swap3A, %swap3A_25] : memref<1000x128xf32, #tpu.memory_space<vmem>>, vector<1000x128xf32>
    tpu.vector_store %arg6[%swap3A, %swap3A_25], %max3A_24 {strides = array<i32>} : memref<1000x128xf32, #tpu.memory_space<vmem>>, vector<1000x128xf32>,
    %get3A_27 = arith.constant 0 : index
    %get3A_28 = arith.constant 0 : index
    %get3A_29 = vector.load %arg4[%get3A_27, %get3A_28] : memref<128x128xf32, #tpu.memory_space<vmem>>, vector<128x128xf32>
    %dot_general3A = arith.constant dense<0.000000e+00> : vector<1000x128xf32>
    %dot_general3A_30 = tpu.matmul %max3A_24, %get3A_29, %dot_general3A {dimension_numbers = #tpu.dot_dimension_numbers<[1], [0], [0], [1], [0, 0, 1, 1], [], []>, transpose_lhs_hint = false} : vector<1000x128xf32>, vector<128x128xf32>, vector<1000x128xf32> -> vector<1000x128xf32>
    %swap3A_31 = arith.constant 0 : index
    %swap3A_32 = arith.constant 0 : index
    %swap3A_33 = vector.load %arg7[%swap3A_31, %swap3A_32] : memref<1000x128xf32, #tpu.memory_space<vmem>>, vector<1000x128xf32>
    tpu.vector_store %arg7[%swap3A_31, %swap3A_32], %dot_general3A_30 {strides = array<i32>} : memref<1000x128xf32, #tpu.memory_space<vmem>>, vector<1000x128xf32>,
    %get3A_34 = arith.constant 0 : index
    %get3A_35 = arith.constant 0 : index
    %get3A_36 = vector.load %arg5[%get3A_34, %get3A_35] : memref<128x4xf32, #tpu.memory_space<vmem>>, vector<128x4xf32>
    %dot_general3A_37 = arith.constant dense<0.000000e+00> : vector<1000x4xf32>
    %dot_general3A_38 = tpu.matmul %dot_general3A_30, %get3A_36, %dot_general3A_37 {dimension_numbers = #tpu.dot_dimension_numbers<[1], [0], [0], [1], [0, 0, 1, 1], [], []>, transpose_lhs_hint = false} : vector<1000x128xf32>, vector<128x4xf32>, vector<1000x4xf32> -> vector<1000x4xf32>
    %swap3A_39 = arith.constant 0 : index
    %swap3A_40 = arith.constant 0 : index
    %swap3A_41 = vector.load %arg8[%swap3A_39, %swap3A_40] : memref<1000x4xf32, #tpu.memory_space<vmem>>, vector<1000x4xf32>
    tpu.vector_store %arg8[%swap3A_39, %swap3A_40], %dot_general3A_38 {strides = array<i32>} : memref<1000x4xf32, #tpu.memory_space<vmem>>, vector<1000x4xf32>,
    return
  }
  func.func @transform_0(%arg0: i32) -> (i32, i32, i32) {
    %c0_i32 = arith.constant 0 : i32
    %c0_i32_0 = arith.constant 0 : i32
    %c0_i32_1 = arith.constant 0 : i32
    return %c0_i32, %arg0, %c0_i32_0 : i32, i32, i32
  }
  func.func @transform_1(%arg0: i32) -> (i32, i32, i32) {
    %c0_i32 = arith.constant 0 : i32
    %c0_i32_0 = arith.constant 0 : i32
    %c0_i32_1 = arith.constant 0 : i32
    return %arg0, %c0_i32, %c0_i32_0 : i32, i32, i32
  }
  func.func @transform_2(%arg0: i32) -> (i32, i32) {
    %c0_i32 = arith.constant 0 : i32
    %c0_i32_0 = arith.constant 0 : i32
    %c0_i32_1 = arith.constant 0 : i32
    return %c0_i32, %c0_i32_0 : i32, i32
  }
  func.func @transform_3(%arg0: i32) -> (i32, i32) {
    %c0_i32 = arith.constant 0 : i32
    %c0_i32_0 = arith.constant 0 : i32
    %c0_i32_1 = arith.constant 0 : i32
    return %c0_i32, %c0_i32_0 : i32, i32
  }
  func.func @transform_4(%arg0: i32) -> (i32, i32) {
    %c0_i32 = arith.constant 0 : i32
    %c0_i32_0 = arith.constant 0 : i32
    %c0_i32_1 = arith.constant 0 : i32
    return %c0_i32, %c0_i32_0 : i32, i32
  }
  func.func @transform_5(%arg0: i32) -> (i32, i32) {
    %c0_i32 = arith.constant 0 : i32
    %c0_i32_0 = arith.constant 0 : i32
    return %arg0, %c0_i32 : i32, i32
  }
  func.func @transform_6(%arg0: i32) -> (i32, i32) {
    %c0_i32 = arith.constant 0 : i32
    %c0_i32_0 = arith.constant 0 : i32
    return %arg0, %c0_i32 : i32, i32
  }
  func.func @transform_7(%arg0: i32) -> (i32, i32) {
    %c0_i32 = arith.constant 0 : i32
    %c0_i32_0 = arith.constant 0 : i32
    return %arg0, %c0_i32 : i32, i32
  }
}

module attributes {stable_mosaic.version = 14 : i64} {
  func.func @_gcn1_body(%arg0: i32, %arg1: memref<200x10000xf32, #tpu.memory_space<vmem>>, %arg2: memref<10000x128xf32, #tpu.memory_space<vmem>>, %arg3: memref<128x128xf32, #tpu.memory_space<vmem>>, %arg4: memref<1x128xf32, #tpu.memory_space<vmem>>, %arg5: memref<200x128xf32, #tpu.memory_space<vmem>>, %arg6: memref<200x128xf32, #tpu.memory_space<vmem>>) attributes {dimension_semantics = [#tpu.dimension_semantics<arbitrary>], iteration_bounds = array<i64: 50>, scalar_prefetch = 0 : i64, scratch_operands = 0 : i64, tpu.core_type = #tpu.core_type<tc>, window_params = [{transform_indices = @transform_0, window_bounds = array<i64: 200, 10000>}, {pipeline_mode = #tpu.pipeline_mode<synchronous>, transform_indices = @transform_1, window_bounds = array<i64: 10000, 128>}, {pipeline_mode = #tpu.pipeline_mode<synchronous>, transform_indices = @transform_2, window_bounds = array<i64: 128, 128>}, {pipeline_mode = #tpu.pipeline_mode<synchronous>, transform_indices = @transform_3, window_bounds = array<i64: 1, 128>}, {transform_indices = @transform_4, window_bounds = array<i64: 200, 128>}, {transform_indices = @transform_5, window_bounds = array<i64: 200, 128>}]} {
    %get3A = arith.constant 0 : index
    %get3A_0 = arith.constant 0 : index
    %get3A_1 = vector.load %arg1[%get3A, %get3A_0] : memref<200x10000xf32, #tpu.memory_space<vmem>>, vector<200x10000xf32>
    %get3A_2 = arith.constant 0 : index
    %get3A_3 = arith.constant 0 : index
    %get3A_4 = vector.load %arg2[%get3A_2, %get3A_3] : memref<10000x128xf32, #tpu.memory_space<vmem>>, vector<10000x128xf32>
    %dot_general3A = arith.constant dense<0.000000e+00> : vector<200x128xf32>
    %dot_general3A_5 = tpu.matmul %get3A_1, %get3A_4, %dot_general3A {dimension_numbers = #tpu.dot_dimension_numbers<[1], [0], [0], [1], [0, 0, 1, 1], [], []>, transpose_lhs_hint = false} : vector<200x10000xf32>, vector<10000x128xf32>, vector<200x128xf32> -> vector<200x128xf32>
    %get3A_6 = arith.constant 0 : index
    %get3A_7 = arith.constant 0 : index
    %get3A_8 = vector.load %arg4[%get3A_6, %get3A_7] : memref<1x128xf32, #tpu.memory_space<vmem>>, vector<1x128xf32>
    %add3A = vector.broadcast %get3A_8 : vector<1x128xf32> to vector<200x128xf32>
    %add3A_9 = arith.addf %dot_general3A_5, %add3A : vector<200x128xf32>
    %max3A = arith.constant 0.000000e+00 : f32
    %max3A_10 = vector.broadcast %max3A : f32 to vector<200x128xf32>
    %max3A_11 = arith.maximumf %add3A_9, %max3A_10 : vector<200x128xf32>
    %swap3A = arith.constant 0 : index
    %swap3A_12 = arith.constant 0 : index
    %swap3A_13 = vector.load %arg5[%swap3A, %swap3A_12] : memref<200x128xf32, #tpu.memory_space<vmem>>, vector<200x128xf32>
    tpu.vector_store %arg5[%swap3A, %swap3A_12], %max3A_11 {strides = array<i32>} : memref<200x128xf32, #tpu.memory_space<vmem>>, vector<200x128xf32>,
    %get3A_14 = arith.constant 0 : index
    %get3A_15 = arith.constant 0 : index
    %get3A_16 = vector.load %arg3[%get3A_14, %get3A_15] : memref<128x128xf32, #tpu.memory_space<vmem>>, vector<128x128xf32>
    %dot_general3A_17 = arith.constant dense<0.000000e+00> : vector<200x128xf32>
    %dot_general3A_18 = tpu.matmul %max3A_11, %get3A_16, %dot_general3A_17 {dimension_numbers = #tpu.dot_dimension_numbers<[1], [0], [0], [1], [0, 0, 1, 1], [], []>, transpose_lhs_hint = false} : vector<200x128xf32>, vector<128x128xf32>, vector<200x128xf32> -> vector<200x128xf32>
    %swap3A_19 = arith.constant 0 : index
    %swap3A_20 = arith.constant 0 : index
    %swap3A_21 = vector.load %arg6[%swap3A_19, %swap3A_20] : memref<200x128xf32, #tpu.memory_space<vmem>>, vector<200x128xf32>
    tpu.vector_store %arg6[%swap3A_19, %swap3A_20], %dot_general3A_18 {strides = array<i32>} : memref<200x128xf32, #tpu.memory_space<vmem>>, vector<200x128xf32>,
    return
  }
  func.func @transform_0(%arg0: i32) -> (i32, i32) {
    %c0_i32 = arith.constant 0 : i32
    %c0_i32_0 = arith.constant 0 : i32
    return %arg0, %c0_i32 : i32, i32
  }
  func.func @transform_1(%arg0: i32) -> (i32, i32) {
    %c0_i32 = arith.constant 0 : i32
    %c0_i32_0 = arith.constant 0 : i32
    %c0_i32_1 = arith.constant 0 : i32
    return %c0_i32, %c0_i32_0 : i32, i32
  }
  func.func @transform_2(%arg0: i32) -> (i32, i32) {
    %c0_i32 = arith.constant 0 : i32
    %c0_i32_0 = arith.constant 0 : i32
    %c0_i32_1 = arith.constant 0 : i32
    return %c0_i32, %c0_i32_0 : i32, i32
  }
  func.func @transform_3(%arg0: i32) -> (i32, i32) {
    %c0_i32 = arith.constant 0 : i32
    %c0_i32_0 = arith.constant 0 : i32
    %c0_i32_1 = arith.constant 0 : i32
    return %c0_i32, %c0_i32_0 : i32, i32
  }
  func.func @transform_4(%arg0: i32) -> (i32, i32) {
    %c0_i32 = arith.constant 0 : i32
    %c0_i32_0 = arith.constant 0 : i32
    return %arg0, %c0_i32 : i32, i32
  }
  func.func @transform_5(%arg0: i32) -> (i32, i32) {
    %c0_i32 = arith.constant 0 : i32
    %c0_i32_0 = arith.constant 0 : i32
    return %arg0, %c0_i32 : i32, i32
  }
}

module attributes {stable_mosaic.version = 14 : i64} {
  func.func @_gcn2_body(%arg0: i32, %arg1: memref<200x10000xf32, #tpu.memory_space<vmem>>, %arg2: memref<10000x128xf32, #tpu.memory_space<vmem>>, %arg3: memref<1x64xf32, #tpu.memory_space<vmem>>, %arg4: memref<1x64xf32, #tpu.memory_space<vmem>>, %arg5: memref<200x64xf32, #tpu.memory_space<vmem>>, %arg6: memref<200x64xf32, #tpu.memory_space<vmem>>) attributes {dimension_semantics = [#tpu.dimension_semantics<arbitrary>], iteration_bounds = array<i64: 50>, scalar_prefetch = 0 : i64, scratch_operands = 0 : i64, tpu.core_type = #tpu.core_type<tc>, window_params = [{transform_indices = @transform_0, window_bounds = array<i64: 200, 10000>}, {pipeline_mode = #tpu.pipeline_mode<synchronous>, transform_indices = @transform_1, window_bounds = array<i64: 10000, 128>}, {pipeline_mode = #tpu.pipeline_mode<synchronous>, transform_indices = @transform_2, window_bounds = array<i64: 1, 64>}, {pipeline_mode = #tpu.pipeline_mode<synchronous>, transform_indices = @transform_3, window_bounds = array<i64: 1, 64>}, {transform_indices = @transform_4, window_bounds = array<i64: 200, 64>}, {transform_indices = @transform_5, window_bounds = array<i64: 200, 64>}]} {
    %get3A = arith.constant 0 : index
    %get3A_0 = arith.constant 0 : index
    %get3A_1 = vector.load %arg1[%get3A, %get3A_0] : memref<200x10000xf32, #tpu.memory_space<vmem>>, vector<200x10000xf32>
    %get3A_2 = arith.constant 0 : index
    %get3A_3 = arith.constant 0 : index
    %get3A_4 = vector.load %arg2[%get3A_2, %get3A_3] : memref<10000x128xf32, #tpu.memory_space<vmem>>, vector<10000x128xf32>
    %dot_general3A = arith.constant dense<0.000000e+00> : vector<200x128xf32>
    %dot_general3A_5 = tpu.matmul %get3A_1, %get3A_4, %dot_general3A {dimension_numbers = #tpu.dot_dimension_numbers<[1], [0], [0], [1], [0, 0, 1, 1], [], []>, transpose_lhs_hint = false} : vector<200x10000xf32>, vector<10000x128xf32>, vector<200x128xf32> -> vector<200x128xf32>
    %slice3A = vector.extract_strided_slice %dot_general3A_5 {offsets = [0, 0], sizes = [200, 64], strides = [1, 1]} : vector<200x128xf32> to vector<200x64xf32>
    %get3A_6 = arith.constant 0 : index
    %get3A_7 = arith.constant 0 : index
    %get3A_8 = vector.load %arg3[%get3A_6, %get3A_7] : memref<1x64xf32, #tpu.memory_space<vmem>>, vector<1x64xf32>
    %add3A = vector.broadcast %get3A_8 : vector<1x64xf32> to vector<200x64xf32>
    %add3A_9 = arith.addf %slice3A, %add3A : vector<200x64xf32>
    %swap3A = arith.constant 0 : index
    %swap3A_10 = arith.constant 0 : index
    %swap3A_11 = vector.load %arg5[%swap3A, %swap3A_10] : memref<200x64xf32, #tpu.memory_space<vmem>>, vector<200x64xf32>
    tpu.vector_store %arg5[%swap3A, %swap3A_10], %add3A_9 {strides = array<i32>} : memref<200x64xf32, #tpu.memory_space<vmem>>, vector<200x64xf32>,
    %slice3A_12 = vector.extract_strided_slice %dot_general3A_5 {offsets = [0, 64], sizes = [200, 64], strides = [1, 1]} : vector<200x128xf32> to vector<200x64xf32>
    %get3A_13 = arith.constant 0 : index
    %get3A_14 = arith.constant 0 : index
    %get3A_15 = vector.load %arg4[%get3A_13, %get3A_14] : memref<1x64xf32, #tpu.memory_space<vmem>>, vector<1x64xf32>
    %add3A_16 = vector.broadcast %get3A_15 : vector<1x64xf32> to vector<200x64xf32>
    %add3A_17 = arith.addf %slice3A_12, %add3A_16 : vector<200x64xf32>
    %swap3A_18 = arith.constant 0 : index
    %swap3A_19 = arith.constant 0 : index
    %swap3A_20 = vector.load %arg6[%swap3A_18, %swap3A_19] : memref<200x64xf32, #tpu.memory_space<vmem>>, vector<200x64xf32>
    tpu.vector_store %arg6[%swap3A_18, %swap3A_19], %add3A_17 {strides = array<i32>} : memref<200x64xf32, #tpu.memory_space<vmem>>, vector<200x64xf32>,
    return
  }
  func.func @transform_0(%arg0: i32) -> (i32, i32) {
    %c0_i32 = arith.constant 0 : i32
    %c0_i32_0 = arith.constant 0 : i32
    return %arg0, %c0_i32 : i32, i32
  }
  func.func @transform_1(%arg0: i32) -> (i32, i32) {
    %c0_i32 = arith.constant 0 : i32
    %c0_i32_0 = arith.constant 0 : i32
    %c0_i32_1 = arith.constant 0 : i32
    return %c0_i32, %c0_i32_0 : i32, i32
  }
  func.func @transform_2(%arg0: i32) -> (i32, i32) {
    %c0_i32 = arith.constant 0 : i32
    %c0_i32_0 = arith.constant 0 : i32
    %c0_i32_1 = arith.constant 0 : i32
    return %c0_i32, %c0_i32_0 : i32, i32
  }
  func.func @transform_3(%arg0: i32) -> (i32, i32) {
    %c0_i32 = arith.constant 0 : i32
    %c0_i32_0 = arith.constant 0 : i32
    %c0_i32_1 = arith.constant 0 : i32
    return %c0_i32, %c0_i32_0 : i32, i32
  }
  func.func @transform_4(%arg0: i32) -> (i32, i32) {
    %c0_i32 = arith.constant 0 : i32
    %c0_i32_0 = arith.constant 0 : i32
    return %arg0, %c0_i32 : i32, i32
  }
  func.func @transform_5(%arg0: i32) -> (i32, i32) {
    %c0_i32 = arith.constant 0 : i32
    %c0_i32_0 = arith.constant 0 : i32
    return %arg0, %c0_i32 : i32, i32
  }
}

module attributes {stable_mosaic.version = 14 : i64} {
  func.func @_fin23_body(%arg0: i32, %arg1: memref<2x1000x128xf32, #tpu.memory_space<vmem>>, %arg2: memref<1x2x1000xf32, #tpu.memory_space<vmem>>, %arg3: memref<1x2x1000xf32, #tpu.memory_space<vmem>>, %arg4: memref<1x64xf32, #tpu.memory_space<vmem>>, %arg5: memref<1x64xf32, #tpu.memory_space<vmem>>, %arg6: memref<1000x64xf32, #tpu.memory_space<vmem>>, %arg7: memref<1000x64xf32, #tpu.memory_space<vmem>>) attributes {dimension_semantics = [#tpu.dimension_semantics<arbitrary>], iteration_bounds = array<i64: 10>, scalar_prefetch = 0 : i64, scratch_operands = 0 : i64, tpu.core_type = #tpu.core_type<tc>, window_params = [{transform_indices = @transform_0, window_bounds = array<i64: 2, 1000, 128>}, {transform_indices = @transform_1, window_bounds = array<i64: 1, 2, 1000>}, {transform_indices = @transform_2, window_bounds = array<i64: 1, 2, 1000>}, {pipeline_mode = #tpu.pipeline_mode<synchronous>, transform_indices = @transform_3, window_bounds = array<i64: 1, 64>}, {pipeline_mode = #tpu.pipeline_mode<synchronous>, transform_indices = @transform_4, window_bounds = array<i64: 1, 64>}, {transform_indices = @transform_5, window_bounds = array<i64: 1000, 64>}, {transform_indices = @transform_6, window_bounds = array<i64: 1000, 64>}]} {
    %get3A = arith.constant 0 : index
    %get3A_0 = arith.constant 0 : index
    %get3A_1 = arith.constant 0 : index
    %get3A_2 = vector.load %arg1[%get3A, %get3A_0, %get3A_1] : memref<2x1000x128xf32, #tpu.memory_space<vmem>>, vector<2x1000x128xf32>
    %slice3A = vector.extract_strided_slice %get3A_2 {offsets = [0, 0, 0], sizes = [1, 1000, 128], strides = [1, 1, 1]} : vector<2x1000x128xf32> to vector<1x1000x128xf32>
    %squeeze3A = vector.shape_cast %slice3A : vector<1x1000x128xf32> to vector<1000x128xf32>
    %slice3A_3 = vector.extract_strided_slice %get3A_2 {offsets = [1, 0, 0], sizes = [1, 1000, 128], strides = [1, 1, 1]} : vector<2x1000x128xf32> to vector<1x1000x128xf32>
    %squeeze3A_4 = vector.shape_cast %slice3A_3 : vector<1x1000x128xf32> to vector<1000x128xf32>
    %add3A = arith.addf %squeeze3A, %squeeze3A_4 : vector<1000x128xf32>
    %get3A_5 = arith.constant 0 : index
    %get3A_6 = arith.constant 0 : index
    %get3A_7 = arith.constant 0 : index
    %get3A_8 = vector.load %arg2[%get3A_5, %get3A_6, %get3A_7] : memref<1x2x1000xf32, #tpu.memory_space<vmem>>, vector<1x2x1000xf32>
    %get3A_9 = arith.constant 0 : index
    %get3A_10 = arith.constant 0 : index
    %get3A_11 = arith.constant 0 : index
    %get3A_12 = vector.load %arg3[%get3A_9, %get3A_10, %get3A_11] : memref<1x2x1000xf32, #tpu.memory_space<vmem>>, vector<1x2x1000xf32>
    %slice3A_13 = vector.extract_strided_slice %get3A_8 {offsets = [0, 0, 0], sizes = [1, 1, 1000], strides = [1, 1, 1]} : vector<1x2x1000xf32> to vector<1x1x1000xf32>
    %squeeze3A_14 = vector.shape_cast %slice3A_13 : vector<1x1x1000xf32> to vector<1000xf32>
    %slice3A_15 = vector.extract_strided_slice %get3A_8 {offsets = [0, 1, 0], sizes = [1, 1, 1000], strides = [1, 1, 1]} : vector<1x2x1000xf32> to vector<1x1x1000xf32>
    %squeeze3A_16 = vector.shape_cast %slice3A_15 : vector<1x1x1000xf32> to vector<1000xf32>
    %add3A_17 = arith.addf %squeeze3A_14, %squeeze3A_16 : vector<1000xf32>
    %slice3A_18 = vector.extract_strided_slice %get3A_12 {offsets = [0, 0, 0], sizes = [1, 1, 1000], strides = [1, 1, 1]} : vector<1x2x1000xf32> to vector<1x1x1000xf32>
    %squeeze3A_19 = vector.shape_cast %slice3A_18 : vector<1x1x1000xf32> to vector<1000xf32>
    %slice3A_20 = vector.extract_strided_slice %get3A_12 {offsets = [0, 1, 0], sizes = [1, 1, 1000], strides = [1, 1, 1]} : vector<1x2x1000xf32> to vector<1x1x1000xf32>
    %squeeze3A_21 = vector.shape_cast %slice3A_20 : vector<1x1x1000xf32> to vector<1000xf32>
    %add3A_22 = arith.addf %squeeze3A_19, %squeeze3A_21 : vector<1000xf32>
    %slice3A_23 = vector.extract_strided_slice %add3A {offsets = [0, 0], sizes = [1000, 64], strides = [1, 1]} : vector<1000x128xf32> to vector<1000x64xf32>
    %broadcast_in_dim3A = vector.shape_cast %add3A_17 : vector<1000xf32> to vector<1000x1xf32>
    %add3A_24 = arith.constant 1.000000e-16 : f32
    %add3A_25 = vector.broadcast %add3A_24 : f32 to vector<1000x1xf32>
    %add3A_26 = arith.addf %broadcast_in_dim3A, %add3A_25 : vector<1000x1xf32>
    %div3A = vector.broadcast %add3A_26 : vector<1000x1xf32> to vector<1000x64xf32>
    %div3A_27 = arith.divf %slice3A_23, %div3A : vector<1000x64xf32>
    %get3A_28 = arith.constant 0 : index
    %get3A_29 = arith.constant 0 : index
    %get3A_30 = vector.load %arg4[%get3A_28, %get3A_29] : memref<1x64xf32, #tpu.memory_space<vmem>>, vector<1x64xf32>
    %add3A_31 = vector.broadcast %get3A_30 : vector<1x64xf32> to vector<1000x64xf32>
    %add3A_32 = arith.addf %div3A_27, %add3A_31 : vector<1000x64xf32>
    %swap3A = arith.constant 0 : index
    %swap3A_33 = arith.constant 0 : index
    %swap3A_34 = vector.load %arg6[%swap3A, %swap3A_33] : memref<1000x64xf32, #tpu.memory_space<vmem>>, vector<1000x64xf32>
    tpu.vector_store %arg6[%swap3A, %swap3A_33], %add3A_32 {strides = array<i32>} : memref<1000x64xf32, #tpu.memory_space<vmem>>, vector<1000x64xf32>,
    %slice3A_35 = vector.extract_strided_slice %add3A {offsets = [0, 64], sizes = [1000, 64], strides = [1, 1]} : vector<1000x128xf32> to vector<1000x64xf32>
    %broadcast_in_dim3A_36 = vector.shape_cast %add3A_22 : vector<1000xf32> to vector<1000x1xf32>
    %add3A_37 = arith.constant 1.000000e-16 : f32
    %add3A_38 = vector.broadcast %add3A_37 : f32 to vector<1000x1xf32>
    %add3A_39 = arith.addf %broadcast_in_dim3A_36, %add3A_38 : vector<1000x1xf32>
    %div3A_40 = vector.broadcast %add3A_39 : vector<1000x1xf32> to vector<1000x64xf32>
    %div3A_41 = arith.divf %slice3A_35, %div3A_40 : vector<1000x64xf32>
    %get3A_42 = arith.constant 0 : index
    %get3A_43 = arith.constant 0 : index
    %get3A_44 = vector.load %arg5[%get3A_42, %get3A_43] : memref<1x64xf32, #tpu.memory_space<vmem>>, vector<1x64xf32>
    %add3A_45 = vector.broadcast %get3A_44 : vector<1x64xf32> to vector<1000x64xf32>
    %add3A_46 = arith.addf %div3A_41, %add3A_45 : vector<1000x64xf32>
    %swap3A_47 = arith.constant 0 : index
    %swap3A_48 = arith.constant 0 : index
    %swap3A_49 = vector.load %arg7[%swap3A_47, %swap3A_48] : memref<1000x64xf32, #tpu.memory_space<vmem>>, vector<1000x64xf32>
    tpu.vector_store %arg7[%swap3A_47, %swap3A_48], %add3A_46 {strides = array<i32>} : memref<1000x64xf32, #tpu.memory_space<vmem>>, vector<1000x64xf32>,
    return
  }
  func.func @transform_0(%arg0: i32) -> (i32, i32, i32) {
    %c0_i32 = arith.constant 0 : i32
    %c0_i32_0 = arith.constant 0 : i32
    %c0_i32_1 = arith.constant 0 : i32
    return %c0_i32, %arg0, %c0_i32_0 : i32, i32, i32
  }
  func.func @transform_1(%arg0: i32) -> (i32, i32, i32) {
    %c0_i32 = arith.constant 0 : i32
    %c0_i32_0 = arith.constant 0 : i32
    %c0_i32_1 = arith.constant 0 : i32
    return %arg0, %c0_i32, %c0_i32_0 : i32, i32, i32
  }
  func.func @transform_2(%arg0: i32) -> (i32, i32, i32) {
    %c0_i32 = arith.constant 0 : i32
    %c0_i32_0 = arith.constant 0 : i32
    %c0_i32_1 = arith.constant 0 : i32
    return %arg0, %c0_i32, %c0_i32_0 : i32, i32, i32
  }
  func.func @transform_3(%arg0: i32) -> (i32, i32) {
    %c0_i32 = arith.constant 0 : i32
    %c0_i32_0 = arith.constant 0 : i32
    %c0_i32_1 = arith.constant 0 : i32
    return %c0_i32, %c0_i32_0 : i32, i32
  }
  func.func @transform_4(%arg0: i32) -> (i32, i32) {
    %c0_i32 = arith.constant 0 : i32
    %c0_i32_0 = arith.constant 0 : i32
    %c0_i32_1 = arith.constant 0 : i32
    return %c0_i32, %c0_i32_0 : i32, i32
  }
  func.func @transform_5(%arg0: i32) -> (i32, i32) {
    %c0_i32 = arith.constant 0 : i32
    %c0_i32_0 = arith.constant 0 : i32
    return %arg0, %c0_i32 : i32, i32
  }
  func.func @transform_6(%arg0: i32) -> (i32, i32) {
    %c0_i32 = arith.constant 0 : i32
    %c0_i32_0 = arith.constant 0 : i32
    return %arg0, %c0_i32 : i32, i32
  }
}

</mosaic_0001>

<sc_bundles>
// kernel: kernel.12.cloned.1.call-start
scs
__scs_entry_jumppad:
0x0: {  	(pc) =	sbr.rel $0x88, $3  }
0x1: {  	(tag) =	ssettag $0x0;
	lr =	simm.s32 $0x1  }
0x2: {  	[smem:$0x3F8C] =	sst lr;
	_ =	strace $0xD0000000  }
0x3: {  	_ = 	snop  }
0x4: {  	_ = 	snop  }
0x5: {  	_ = 	snop  }
0x6: {  	_ = 	snop  }
0x7: {  	_ = 	snop  }
__scs_overlays_trampoline_lowered:
0x8: {  	[smem:$0x3F9B] =	sst s0  }
0x9: {  	[smem:$0x3F9C] =	sst s1  }
0xa: {  	[smem:$0x3F9D] =	sst s2  }
0xb: {  	[smem:$0x3F9E] =	sst s3  }
0xc: {  	[smem:$0x3F9F] =	sst s4  }
0xd: {  	[smem:$0x3FA0] =	sst s5  }
0xe: {  	[smem:$0x3FA1] =	sst s6  }
0xf: {  	[smem:$0x3FA2] =	sst s7  }
0x10: {  	[smem:$0x3FA3] =	sst s8  }
0x11: {  	[smem:$0x3FA4] =	sst s9;
	s0 =	simm.s32 @!p0 $0x0  }
0x12: {  	s1 =	sld [smem:$0x3F8A];
	s0 =	simm.s32 @p0 $0x1  }
0x13: {  	[smem:$0x3FA5] =	sst s0;
	s0 =	simm.s32 @!p1 $0x0  }
0x14: {  	s2 =	sld [smem:$0x3F89];
	s0 =	simm.s32 @p1 $0x1  }
0x15: {  	[smem:$0x3FA6] =	sst s0;
	s0 =	simm.s32 @!p2 $0x0  }
0x16: {  	s3 =	sld [smem:$0x3FDB];
	s0 =	simm.s32 @p2 $0x1  }
0x17: {  	s4 =	simm.s32 $0x1BF5;
	[smem:$0x3FA8] =	sst s0  }
0x18: {  	s0 =	sld [smem:$0x3F8B];
	_ =	swait.ge [sflag:s4], $0x0  }
0x19: {  	s7 =	sld [smem:$0x3F8C]  }
0x1a: {  	s8 =	sadd.s32 $0xFFFFE003, lr  }
0x1b: {  	s9 =	sadd.s32 $0xFFFFFEF7, lr;
	s5 =	simm.s32 $0xFFFFFFFF;
	p2 =	slt.u32 s8, $0xFFFFF086  }
0x1c: {  	p1 =	slt.u32 s9, $0xF7A;
	s5 =	simm.s32 @!p2 $0x0  }
0x1d: {  	s5 =	simm.s32 @p1 $0x1;
	p0 =	seq.s32 s7, s2  }
0x1e: {  	s7 =	smul.u32 @!p0 $0xF7A, s2;
	p2 =	seq.s32 @!p0 s5, $0x0  }
0x1f: {  	s9 =	smul.u32 $0xF7A, s1;
	s8 =	simm.s32 @!p0 $0x1BF5;
	p2 =	por !p2, p0  }
0x20: {  	[sflag:s8] =	ssyncset.s32 @!p0 $0xFFFFF086;
	s6 =	sadd.s32 @!p0 s3, s7;
	s7 =	simm.s32 @!p0 $0x108  }
0x21: {  	s3 =	sadd.s32 s3, s9;
	s6 =	sadd.s32 @!p0 $0x88, s6;
	s7 =	simm.s32 @p2 $0x1082  }
0x22: {  	[simem:s7], [sflag:s8] =	dma.local @!p0 [hbm:s6], $0xF7A  }
0x23: {  	s9 =	sor.u32 $0xD0000000, s2;
	s6 =	simm.s32 $0x108;
	_ =	swait.ge @!p0 [sflag:s8], $0x0  }
0x24: {  	s3 =	sadd.s32 $0x88, s3;
	s6 =	simm.s32 @!p1 $0x1082;
	[sflag:s4] =	ssyncset.s32 $0xFFFFF086  }
0x25: {  	[simem:s6], [sflag:s4] =	dma.local [hbm:s3], $0xF7A  }
0x26: {  	[smem:$0x3F8C] =	sst s1;
	(tag) =	ssettag s2;
	_ =	strace s9  }
0x27: {  	s1 =	sld [smem:$0x3F9C]  }
0x28: {  	s2 =	sld [smem:$0x3F9D]  }
0x29: {  	s4 =	sld [smem:$0x3F9F]  }
0x2a: {  	p0 =	seq.s32 s5, $0x0;
	s5 =	sld [smem:$0x3FA0]  }
0x2b: {  	s6 =	sld [smem:$0x3FA1]  }
0x2c: {  	s7 =	sld [smem:$0x3FA2]  }
0x2d: {  	s3 =	simm.s32 $0x108;
	s8 =	sld [smem:$0x3FA3]  }
0x2e: {  	s3 =	simm.s32 @!p0 $0x1082;
	s9 =	sld [smem:$0x3FA4]  }
0x2f: {  	lr =	sadd.s32 s0, s3;
	s0 =	sld [smem:$0x3F9B]  }
0x30: {  	s3 =	sld [smem:$0x3F9E]  }
0x31: {  	[smem:$0x3FA7] =	sst s10  }
0x32: {  	s10 =	sld [smem:$0x3FA5];
	_ =	sdelay $0x3  }
0x33: {  	p0 =	seq.s32 s10, $0x1;
	s10 =	sld [smem:$0x3FA7];
	_ =	sdelay $0x3  }
0x34: {  	[smem:$0x3FA7] =	sst s10  }
0x35: {  	s10 =	sld [smem:$0x3FA6];
	_ =	sdelay $0x3  }
0x36: {  	p1 =	seq.s32 s10, $0x1;
	s10 =	sld [smem:$0x3FA7];
	_ =	sdelay $0x3  }
0x37: {  	[smem:$0x3FA7] =	sst s10  }
0x38: {  	s10 =	sld [smem:$0x3FA8]  }
0x39: {  	_ = 	snop;
	(pc) =	sbr.ind lr, $3  }
0x3a: {  	_ = 	snop  }
0x3b: {  	_ = 	snop  }
0x3c: {  	p2 =	seq.s32 s10, $0x1;
	s10 =	sld [smem:$0x3FA7]  }
0x3d: {  	_ =	shalt  }
0x3e: {  	_ =	shalt  }
0x3f: {  	_ =	shalt  }
0x40: {  	_ =	shalt  }
0x41: {  	_ =	shalt  }
0x42: {  	_ =	shalt  }
0x43: {  	_ =	shalt  }
0x44: {  	_ =	shalt  }
0x45: {  	_ =	shalt  }
0x46: {  	_ =	shalt  }
0x47: {  	_ =	shalt  }
0x48: {  	_ =	shalt  }
0x49: {  	_ =	shalt  }
0x4a: {  	_ =	shalt  }
0x4b: {  	_ =	shalt  }
0x4c: {  	_ =	shalt  }
0x4d: {  	_ =	shalt  }
0x4e: {  	_ =	shalt  }
0x4f: {  	_ =	shalt  }
0x50: {  	_ =	shalt  }
0x51: {  	_ =	shalt  }
0x52: {  	_ =	shalt  }
0x53: {  	_ =	shalt  }
0x54: {  	_ =	shalt  }
0x55: {  	_ =	shalt  }
0x56: {  	_ =	shalt  }
0x57: {  	_ =	shalt  }
0x58: {  	_ =	shalt  }
0x59: {  	_ =	shalt  }
0x5a: {  	_ =	shalt  }
0x5b: {  	_ =	shalt  }
0x5c: {  	_ =	shalt  }
0x5d: {  	_ =	shalt  }
0x5e: {  	_ =	shalt  }
0x5f: {  	_ =	shalt  }
0x60: {  	_ =	shalt  }
0x61: {  	_ =	shalt  }
0x62: {  	_ =	shalt  }
0x63: {  	_ =	shalt  }
0x64: {  	_ =	shalt  }
0x65: {  	_ =	shalt  }
0x66: {  	_ =	shalt  }
0x67: {  	_ =	shalt  }
0x68: {  	_ =	shalt  }
0x69: {  	_ =	shalt  }
0x6a: {  	_ =	shalt  }
0x6b: {  	_ =	shalt  }
0x6c: {  	_ =	shalt  }
0x6d: {  	_ =	shalt  }
0x6e: {  	_ =	shalt  }
0x6f: {  	_ =	shalt  }
0x70: {  	_ =	shalt  }
0x71: {  	_ =	shalt  }
0x72: {  	_ =	shalt  }
0x73: {  	_ =	shalt  }
0x74: {  	_ =	shalt  }
0x75: {  	_ =	shalt  }
0x76: {  	_ =	shalt  }
0x77: {  	_ =	shalt  }
0x78: {  	_ =	shalt  }
0x79: {  	_ =	shalt  }
0x7a: {  	_ =	shalt  }
0x7b: {  	_ =	shalt  }
0x7c: {  	_ =	shalt  }
0x7d: {  	_ =	shalt  }
0x7e: {  	_ =	shalt  }
0x7f: {  	_ =	shalt  }
0x80: {  	_ =	shalt  }
0x81: {  	_ =	shalt  }
0x82: {  	_ =	shalt  }
0x83: {  	_ =	shalt  }
0x84: {  	_ =	shalt  }
0x85: {  	_ =	shalt  }
0x86: {  	_ =	shalt  }
0x87: {  	_ =	shalt  }
.Lfunc_end0:
.L_simem_size_0:
called_computation.1_lowered:
.L_overlay_start_0:
0x88: {  	s2 =	sld [smem:$0x3FD9]  }
0x89: {  	s3 =	sld [smem:$0x3FFE];
	_ =	sdelay $0x1  }
0x8a: {  	s1 =	srdreg.scid  }
0x8b: {  	s0 =	sand.u32 $0x1, s1  }
0x8c: {  	s14 =	sshll.u32 s0, $0xA;
	s2 =	sadd.s32 s3, s2  }
0x8d: {  	s2 =	sadd.s32 s2, s14  }
0x8e: {  	[smem:$0x3FB3] =	sst s2  }
0x8f: {  	_ = 	snop  }
0x90: {  	s2 =	sld [smem:$0x3FD0];
	_ =	sdelay $0x2  }
0x91: {  	s15 =	simm.s32 $0xA;
	s4 =	simm.s32 $0x10  }
0x92: {  	[smem:s4], [sflag:s15] =	dma.local [hbm:s2], $0x1  }
0x93: {  	_ =	swait.eq [sflag:s15], $0x1  }
0x94: {  	s16 =	sld [smem:$0x11]  }
0x95: {  	s17 =	sld [smem:$0x12];
	[sflag:s15] =	ssyncset.done $0x0  }
0x96: {  	s5 =	sld [smem:$0x13];
	[sflag:s15] =	ssyncadd.s32 $0xFFFFFFFF  }
0x97: {  	s18 =	sld [smem:$0x16];
	(tm) =	ssettm $0x1  }
0x98: {  	s6 =	sld [smem:$0x3FFB];
	_ =	sdelay $0x3  }
0x99: {  	_ =	strace s6  }
0x9a: {  	s6 =	sld [smem:$0x3FFC];
	_ =	sdelay $0x3  }
0x9b: {  	_ =	strace s6  }
0x9c: {  	s6 =	sld [smem:$0x3FFD];
	_ =	sdelay $0x3  }
0x9d: {  	_ =	strace s6  }
0x9e: {  	_ =	strace $0x8FFFFFFF  }
0x9f: {  	s19 =	sld [smem:$0x3FDB];
	_ =	sdelay $0x1  }
0xa0: {  	s7 =	simm.s32 $_scs_section_size  }
0xa1: {  	s8 =	simm.s32 $_size__tile_overlayer_lowered;
	s9 =	simm.s32 $_tile_overlayer_lowered  }
0xa2: {  	s22 =	simm.s32 $0x1BFF;
	s21 =	sshll.u32 s9, $0x1;
	s6 =	sadd.s32 s7, s19  }
0xa3: {  	s10 =	simm.s32 $0x0;
	s20 =	sshll.u32 s8, $0x1;
	s8 =	sadd.s32 s21, s6  }
0xa4: {  	[timem:s10], [sflag:s22] =	dma.local [hbm:s8], s20  }
0xa5: {  	_ =	swait.ge [sflag:s22], s20  }
0xa6: {  	s7 =	ssub.s32 $0x0, s20;
	[sflag:s22] =	ssyncset.done $0x0  }
0xa7: {  	[sflag:s22] =	ssyncadd.s32 s7;
	_ =	sdelay $0x1  }
0xa8: {  	s23 =	simm.s32 $0x1B8B  }
0xa9: {  	_ =	swait.ge [sflag:s23], $0x1  }
0xaa: {  	[sflag:s23] =	ssyncset.done $0x0  }
0xab: {  	s25 =	simm.s32 $0x1B8E;
	s24 =	sld [smem:$0x3FFE];
	[sflag:s23] =	ssyncadd.s32 $0xFFFFFFFF  }
0xac: {  	s26 =	simm.s32 $execute0_lowered;
	[smem:$0x3FD2] =	sst s25  }
0xad: {  	s8 =	sshll.u32 s26, $0x1;
	_ =	strace $0x80000049;
	[dreg:$0x1] =	wrdreg $0xFFFFFFFF  }
0xae: {  	s28 =	simm.s32 $_size_execute0_lowered;
	s6 =	sadd.s32 s6, s8;
	[dreg:$0x0] =	wrdreg $0x0  }
0xaf: {  	s8 =	sshll.u32 s28, $0x1;
	[dreg:$0x2] =	wrdreg s6  }
0xb0: {  	[dreg:$0x3] =	wrdreg s8  }
0xb1: {  	[dreg:$0x4] =	wrdreg $0xC0  }
0xb2: {  	_ =	task [dreg:s10], $0x5FFFF  }
0xb3: {  	[dreg:$0x1] =	wrdreg $0xFFFFFFFF  }
0xb4: {  	[dreg:$0x0] =	wrdreg $0x60  }
0xb5: {  	[dreg:$0x2] =	wrdreg s24  }
0xb6: {  	[dreg:$0x3] =	wrdreg s18  }
0xb7: {  	[dreg:$0x4] =	wrdreg s5  }
0xb8: {  	[dreg:$0x5] =	wrdreg s17  }
0xb9: {  	[dreg:$0x6] =	wrdreg s16  }
0xba: {  	[dreg:$0x7] =	wrdreg $0x9F800  }
0xbb: {  	[dreg:$0x8] =	wrdreg $0x1DF800  }
0xbc: {  	[dreg:$0x9] =	wrdreg $0x1E2000  }
0xbd: {  	[dreg:$0xa] =	wrdreg $0x9  }
0xbe: {  	_ =	task.clear_ibuf [dreg:s10], $0xBFFFF;
	_ =	strace $0x90000049  }
0xbf: {  	s29 =	simm.s32 $0x9;
	_ =	strace $0x8000004B  }
0xc0: {  	_ =	swait.ge [sflag:s29], $0x1  }
0xc1: {  	[sflag:s29] =	ssyncadd.s32 $0xFFFFFFFF  }
0xc2: {  	_ =	strace $0x9000004B  }
0xc3: {  	_ =	sfence  }
0xc4: {  	s30 =	sld [smem:$0x0];
	_ =	sdelay $0x2  }
0xc5: {  	s31 =	sshll.u32 s1, $0xD;
	s1 =	sshrl.u32 s1, $0x2  }
0xc6: {  	s3 =	sand.u32 $0x4000, s31;
	s1 =	sadd.s32 s1, s30  }
0xc7: {  	s0 =	sor.u32 s3, s0;
	s1 =	sshll.u32 s1, $0x11  }
0xc8: {  	s0 =	sor.u32 s1, s0  }
0xc9: {  	s0 =	sadd.s32 $0x8F2B, s0  }
0xca: {  	[sflag:s0] =	ssyncadd.remote.s32 $0x1  }
0xcb: {  	_ =	sfence.sel $0xFFFF  }
0xcc: {  	[dreg:$0x0] =	wrdreg $0xFFFFFFFF;
	(pc) =	sbr.abs _section_cstart, $3  }
0xcd: {  	[dreg:$0x1] =	wrdreg $0xFFFFFFFF  }
0xce: {  	_ =	task.clear_ibuf [dreg:s10], $0x2FFFF;
	_ =	strace $0x9FFFFFFF  }
0xcf: {  	(tm) =	ssettm $0x7FFFFFFF  }
tec
execute0_lowered:
.L_overlay_start_1:
0x0: {  	(tag) =	ssettag $0x1  }
0x1: {  	s0 =	rddreg [dreg:$0x0]  }
0x2: {  	s5 =	rddreg [dreg:$0x1]  }
0x3: {  	s8 =	rddreg [dreg:$0x2]  }
0x4: {  	s1 =	rddreg [dreg:$0x3]  }
0x5: {  	s9 =	rddreg [dreg:$0x4]  }
0x6: {  	s2 =	rddreg [dreg:$0x5]  }
0x7: {  	s3 =	rddreg [dreg:$0x6]  }
0x8: {  	s4 =	rddreg [dreg:$0x7]  }
0x9: {  	s6 =	simm.s32 $0x0;
	s7 =	srdreg.scid;
	s17 =	stileid.u32  }
0xa: {  	s28 =	simm.s32 $0x5D00;
	s29 =	simm.s32 $0x9D00;
	s30 =	simm.s32 $0x80  }
0xb: {  	s31 =	simm.s32 $0x5800;
	[smem:$0x7FF] =	sst s6;
	s11 =	smul.u32 $0x500, s17  }
0xc: {  	s10 =	sand.u32 $0x1, s7;
	s7 =	sadd.s32 $0x4E00, s0;
	s16 =	smul.u32 $0x50000, s17  }
0xd: {  	s13 =	sadd.s32 $0x2CA00, s0;
	s24 =	smul.u32 $0x14000, s17;
	s12 =	sshll.u32 s10, $0x4  }
0xe: {  	s14 =	sshll.u32 s10, $0x7;
	s25 =	ssub.s32 $0x2, s10;
	s12 =	sor.u32 s17, s12  }
0xf: {  	s11 =	sor.u32 s14, s11;
	s15 =	sshrl.u32 s25, $0x1;
	s12 =	smul.u32 $0x580, s12  }
0x10: {  	_ =	strace $0x8000004A;
	s11 =	sshrl.u32 s11, $0x3;
	s14 =	ssub.s32 s25, s15  }
0x11: {  	s15 =	smul.u32 $0x280, s17;
	s0 =	sadd.s32 s11, s0;
	s5 =	sadd.s32 s5, s12  }
0x12: {  	s26 =	sadd.s32 s8, s12;
	s8 =	sshrl.u32 s16, $0x2;
	[dreg:$0x9] =	wrdreg s5  }
0x13: {  	s12 =	sshll.u32 s15, $0x7;
	s0 =	sadd.s32 $0x2C000, s0;
	[dreg:$0xa] =	wrdreg s26  }
0x14: {  	s20 =	sadd.s32 s8, s2;
	s26 =	smul.u32 $0x140000, s10;
	s19 =	sadd.s32 $0x4000, s12  }
0x15: {  	s22 =	sadd.s32 $0x8000, s12;
	s25 =	sadd.s32 $0xC000, s12;
	s5 =	sadd.s32 $0x10000, s12  }
0x16: {  	[dreg:$0x18] =	wrdreg s0;
	s0 =	simm.s32 $0x5A00;
	s21 =	sadd.s32 s19, s2  }
0x17: {  	s23 =	sadd.s32 s22, s2;
	s18 =	sadd.s32 s25, s2;
	[dreg:$0xb] =	wrdreg s20  }
0x18: {  	[dreg:$0xe] =	wrdreg s18;
	s16 =	sadd.s32 s24, s26;
	s10 =	sadd.s32 s26, s19  }
0x19: {  	s12 =	sadd.s32 s26, s22;
	s17 =	sadd.s32 s26, s25;
	s8 =	sadd.s32 s26, s5  }
0x1a: {  	s5 =	sadd.s32 s5, s2;
	s25 =	sadd.s32 s9, s11;
	[dreg:$0xc] =	wrdreg s21  }
0x1b: {  	s9 =	simm.s32 $0x5B00;
	[dreg:$0xd] =	wrdreg s23;
	s16 =	sshrl.u32 s16, $0x3  }
0x1c: {  	s10 =	sshrl.u32 s10, $0x3;
	[dreg:$0xf] =	wrdreg s5;
	s18 =	sshrl.u32 s12, $0x3  }
0x1d: {  	s19 =	sshrl.u32 s17, $0x3;
	s8 =	sshrl.u32 s8, $0x3;
	s12 =	sadd.s32 s15, s3  }
0x1e: {  	[dreg:$0x17] =	wrdreg s25;
	s25 =	simm.s32 $0x3;
	s17 =	simm.s32 $0x1  }
0x1f: {  	s26 =	sadd.s32 s13, s16;
	s16 =	sadd.s32 s13, s10;
	[dreg:$0x15] =	wrdreg s12  }
0x20: {  	s5 =	sadd.s32 s13, s18;
	s22 =	sadd.s32 s13, s19;
	[dreg:$0x10] =	wrdreg s26  }
0x21: {  	s24 =	sadd.s32 s13, s8;
	s13 =	sadd.s32 s15, s4;
	[dreg:$0x11] =	wrdreg s16  }
0x22: {  	s8 =	simm.s32 $0x5900;
	s15 =	simm.s32 $0x5980;
	[dreg:$0x12] =	wrdreg s5  }
0x23: {  	s18 =	simm.s32 $0x5C00;
	s19 =	simm.s32 $0x5C80;
	[dreg:$0x13] =	wrdreg s22  }
0x24: {  	[dreg:$0x14] =	wrdreg s24;
	s26 =	smax.u32 s14, $0x1;
	s5 =	simm.s32 $0x5880  }
0x25: {  	s16 =	simm.s32 $0x5B80;
	s22 =	simm.s32 $0x2;
	[dreg:$0x16] =	wrdreg s13  }
0x26: {  	v0 =	vimm.f32 $0.0e+00;
	s24 =	simm.s32 $0x0;
	[dreg:$0x19] =	wrdreg s26;
	s26 =	simm.s32 $0x5A80  }
.LBB2_1:
0x27: {  	s10 =	rddreg [dreg:$0x9]  }
0x28: {  	[tilespmem:s6], [sflag:$0x3] =	stream.linear.gather [hbm4b:s10+s6], $0x2880, $0x38;
	[tilespmem:$0x1E480] =	vst v63  }
0x29: {  	_ =	swait.ge [sflag:s25], $0x2880  }
0x2a: {  	[sflag:s25] =	ssyncset.done $0x0  }
0x2b: {  	s11 =	simm.s32 $0x2C00;
	s14 =	rddreg [dreg:$0xa];
	[sflag:s25] =	ssyncadd.s32 $0xFFFFD780  }
0x2c: {  	[tilespmem:s11], [sflag:$0x3] =	stream.linear.gather [hbm4b:s14+s6], $0x2880, $0x38;
	[tilespmem:$0x1E480] =	vst v63  }
0x2d: {  	_ =	swait.ge [sflag:s25], $0x2880  }
0x2e: {  	[sflag:s25] =	ssyncset.done $0x0  }
0x2f: {  	s10 =	simm.s32 $0x0;
	s11 =	simm.s32 $0x200;
	[sflag:s25] =	ssyncadd.s32 $0xFFFFD780  }
.LBB2_2:
0x30: {  	p0 =	sne.s32 s11, $0xFE00;
	[tilespmem:s10+$0x5D70] =	vst v0  }
0x31: {  	[tilespmem:s10+$0x5D00] =	vst v0  }
0x32: {  	[tilespmem:s10+$0x5D10] =	vst v0  }
.Ltmp0:
0x33: {  	[tilespmem:s10+$0x5D20] =	vst v0;
	(pc) =	sbr.rel @p0 .LBB2_2-.Ltmp0, $4  }
0x34: {  	[tilespmem:s10+$0x5D30] =	vst v0  }
0x35: {  	[tilespmem:s10+$0x5D40] =	vst v0  }
0x36: {  	[tilespmem:s10+$0x5D50] =	vst v0  }
0x37: {  	[tilespmem:s10+$0x5D60] =	vst v0;
	s10 =	sshra.s32 s11, $0x2;
	s11 =	sadd.s32 $0x200, s11  }
0x38: {  	[tilespmem:s10+$0x5D70] =	vst v0  }
0x39: {  	[tilespmem:s10+$0x5D00] =	vst v0  }
0x3a: {  	[tilespmem:s10+$0x5D10] =	vst v0  }
0x3b: {  	[tilespmem:s10+$0x5D20] =	vst v0  }
0x3c: {  	[tilespmem:s10+$0x5D30] =	vst v0  }
0x3d: {  	[tilespmem:s10+$0x5D40] =	vst v0  }
0x3e: {  	[tilespmem:s10+$0x5D50] =	vst v0  }
0x3f: {  	[tilespmem:s10+$0x5D60] =	vst v0  }
0x40: {  	[tilespmem:$0x9D00] =	vst v0  }
0x41: {  	[tilespmem:$0x9D10] =	vst v0  }
0x42: {  	[tilespmem:$0x9D20] =	vst v0  }
0x43: {  	[tilespmem:$0x9D30] =	vst v0  }
0x44: {  	[tilespmem:$0x9D40] =	vst v0  }
0x45: {  	[tilespmem:$0x9D50] =	vst v0  }
0x46: {  	[tilespmem:$0x9D60] =	vst v0  }
0x47: {  	[tilespmem:$0x9D70] =	vst v0  }
0x48: {  	[tilespmem:$0x9D80] =	vst v0  }
0x49: {  	[tilespmem:$0x9D90] =	vst v0  }
0x4a: {  	[tilespmem:$0x9DA0] =	vst v0  }
0x4b: {  	[tilespmem:$0x9DB0] =	vst v0  }
0x4c: {  	[tilespmem:$0x9DC0] =	vst v0  }
0x4d: {  	[tilespmem:$0x9DD0] =	vst v0  }
0x4e: {  	[tilespmem:$0x9DE0] =	vst v0  }
0x4f: {  	[tilespmem:$0x9DF0] =	vst v0  }
0x50: {  	[tilespmem:$0x9E00] =	vst v0  }
0x51: {  	[tilespmem:$0x9E10] =	vst v0  }
0x52: {  	[tilespmem:$0x9E20] =	vst v0  }
0x53: {  	[tilespmem:$0x9E30] =	vst v0  }
0x54: {  	[tilespmem:$0x9E40] =	vst v0  }
0x55: {  	[tilespmem:$0x9E50] =	vst v0  }
0x56: {  	[tilespmem:$0x9E60] =	vst v0  }
0x57: {  	[tilespmem:$0x9E70] =	vst v0  }
0x58: {  	[tilespmem:$0x9E80] =	vst v0  }
0x59: {  	[tilespmem:$0x9E90] =	vst v0  }
0x5a: {  	[tilespmem:$0x9EA0] =	vst v0  }
0x5b: {  	[tilespmem:$0x9EB0] =	vst v0  }
0x5c: {  	[tilespmem:$0x9EC0] =	vst v0  }
0x5d: {  	[tilespmem:$0x9ED0] =	vst v0  }
0x5e: {  	[tilespmem:$0x9EE0] =	vst v0  }
0x5f: {  	[tilespmem:$0x9EF0] =	vst v0  }
0x60: {  	[tilespmem:$0x9F00] =	vst v0  }
0x61: {  	[tilespmem:$0x9F10] =	vst v0  }
0x62: {  	[tilespmem:$0x9F20] =	vst v0  }
0x63: {  	[tilespmem:$0x9F30] =	vst v0  }
0x64: {  	[tilespmem:$0x9F40] =	vst v0  }
0x65: {  	[tilespmem:$0x9F50] =	vst v0  }
0x66: {  	[tilespmem:$0x9F60] =	vst v0  }
0x67: {  	[tilespmem:$0x9F70] =	vst v0  }
0x68: {  	[spmem:s20] =	stream.linear.scatter [tilespmem:s28], [sflag:$0x3], $0x4000, $0x38;
	[tilespmem:$0x1E480] =	vst v63  }
0x69: {  	_ =	swait.ge [sflag:s25], $0x4000  }
0x6a: {  	[sflag:s25] =	ssyncset.done $0x0  }
0x6b: {  	[sflag:s25] =	ssyncadd.s32 $0xFFFFC000  }
0x6c: {  	[spmem:s21] =	stream.linear.scatter [tilespmem:s28], [sflag:$0x3], $0x4000, $0x38;
	[tilespmem:$0x1E480] =	vst v63  }
0x6d: {  	_ =	swait.ge [sflag:s25], $0x4000  }
0x6e: {  	[sflag:s25] =	ssyncset.done $0x0  }
0x6f: {  	[sflag:s25] =	ssyncadd.s32 $0xFFFFC000  }
0x70: {  	[spmem:s23] =	stream.linear.scatter [tilespmem:s28], [sflag:$0x3], $0x4000, $0x38;
	[tilespmem:$0x1E480] =	vst v63  }
0x71: {  	_ =	swait.ge [sflag:s25], $0x4000  }
0x72: {  	[sflag:s25] =	ssyncset.done $0x0  }
0x73: {  	s21 =	rddreg [dreg:$0xe];
	[sflag:s25] =	ssyncadd.s32 $0xFFFFC000  }
0x74: {  	[spmem:s21] =	stream.linear.scatter [tilespmem:s28], [sflag:$0x3], $0x4000, $0x38;
	[tilespmem:$0x1E480] =	vst v63  }
0x75: {  	_ =	swait.ge [sflag:s25], $0x4000  }
0x76: {  	[sflag:s25] =	ssyncset.done $0x0  }
0x77: {  	s23 =	rddreg [dreg:$0xf];
	[sflag:s25] =	ssyncadd.s32 $0xFFFFC000  }
0x78: {  	[spmem:s23] =	stream.linear.scatter [tilespmem:s28], [sflag:$0x3], $0x4000, $0x38;
	[tilespmem:$0x1E480] =	vst v63  }
0x79: {  	_ =	swait.ge [sflag:s25], $0x4000  }
0x7a: {  	[sflag:s25] =	ssyncset.done $0x0  }
0x7b: {  	[sflag:s25] =	ssyncadd.s32 $0xFFFFC000  }
0x7c: {  	[spmem:s12] =	stream.linear.scatter [tilespmem:s29], [sflag:$0x3], $0x280, $0x38;
	[tilespmem:$0x1E480] =	vst v63  }
0x7d: {  	_ =	swait.ge [sflag:s25], $0x280  }
0x7e: {  	[sflag:s25] =	ssyncset.done $0x0  }
0x7f: {  	[sflag:s25] =	ssyncadd.s32 $0xFFFFFD80  }
0x80: {  	[spmem:s13] =	stream.linear.scatter [tilespmem:s29], [sflag:$0x3], $0x280, $0x38;
	[tilespmem:$0x1E480] =	vst v63  }
0x81: {  	_ =	swait.ge [sflag:s25], $0x280  }
0x82: {  	[sflag:s25] =	ssyncset.done $0x0  }
0x83: {  	[sflag:s25] =	ssyncadd.s32 $0xFFFFFD80  }
0x84: {  	s10 =	simm.s32 $0x0;
	s23 =	simm.s32 $0x0;
	[bflag:$0x0] =	sbarrier.arrive $0xFFFF  }
.LBB2_4:
0x85: {  	s11 =	sshll.u32 s10, $0x7  }
0x86: {  	v1 =	vld [tilespmem:s11+$0x0]  }
0x87: {  	v2 =	vld [tilespmem:s11+$0x2C00];
	_ =	sdelay $0x4  }
0x88: {  	v1 =	vshll.u32 v1, $0x2;
	v2 =	vshll.u32 v2, $0x2  }
0x89: {  	[tilespmem:$0x5800] =	vst v1;
	v3 =	vor.u32 $0x1, v2  }
0x8a: {  	v1 =	vor.u32 $0x2, v1;
	[tilespmem:$0x5880] =	vst v3  }
0x8b: {  	[tilespmem:$0x5900] =	vst v1;
	v1 =	vor.u32 $0x3, v2  }
0x8c: {  	[tilespmem:$0x5980] =	vst v1  }
0x8d: {  	v1 =	vld [tilespmem:s11+$0x10]  }
0x8e: {  	v2 =	vld [tilespmem:s11+$0x2C10];
	_ =	sdelay $0x4  }
0x8f: {  	v1 =	vshll.u32 v1, $0x2;
	v2 =	vshll.u32 v2, $0x2  }
0x90: {  	[tilespmem:$0x5810] =	vst v1;
	v3 =	vor.u32 $0x1, v2  }
0x91: {  	v1 =	vor.u32 $0x2, v1;
	[tilespmem:$0x5890] =	vst v3  }
0x92: {  	[tilespmem:$0x5910] =	vst v1;
	v1 =	vor.u32 $0x3, v2  }
0x93: {  	[tilespmem:$0x5990] =	vst v1  }
0x94: {  	v1 =	vld [tilespmem:s11+$0x20]  }
0x95: {  	v2 =	vld [tilespmem:s11+$0x2C20];
	_ =	sdelay $0x4  }
0x96: {  	v1 =	vshll.u32 v1, $0x2;
	v2 =	vshll.u32 v2, $0x2  }
0x97: {  	[tilespmem:$0x5820] =	vst v1;
	v3 =	vor.u32 $0x1, v2  }
0x98: {  	v1 =	vor.u32 $0x2, v1;
	[tilespmem:$0x58A0] =	vst v3  }
0x99: {  	[tilespmem:$0x5920] =	vst v1;
	v1 =	vor.u32 $0x3, v2  }
0x9a: {  	[tilespmem:$0x59A0] =	vst v1  }
0x9b: {  	v1 =	vld [tilespmem:s11+$0x30]  }
0x9c: {  	v2 =	vld [tilespmem:s11+$0x2C30];
	_ =	sdelay $0x4  }
0x9d: {  	v1 =	vshll.u32 v1, $0x2;
	v2 =	vshll.u32 v2, $0x2  }
0x9e: {  	[tilespmem:$0x5830] =	vst v1;
	v3 =	vor.u32 $0x1, v2  }
0x9f: {  	v1 =	vor.u32 $0x2, v1;
	[tilespmem:$0x58B0] =	vst v3  }
0xa0: {  	[tilespmem:$0x5930] =	vst v1;
	v1 =	vor.u32 $0x3, v2  }
0xa1: {  	[tilespmem:$0x59B0] =	vst v1  }
0xa2: {  	v1 =	vld [tilespmem:s11+$0x40]  }
0xa3: {  	v2 =	vld [tilespmem:s11+$0x2C40];
	_ =	sdelay $0x4  }
0xa4: {  	v1 =	vshll.u32 v1, $0x2;
	v2 =	vshll.u32 v2, $0x2  }
0xa5: {  	[tilespmem:$0x5840] =	vst v1;
	v3 =	vor.u32 $0x1, v2  }
0xa6: {  	v1 =	vor.u32 $0x2, v1;
	[tilespmem:$0x58C0] =	vst v3  }
0xa7: {  	[tilespmem:$0x5940] =	vst v1;
	v1 =	vor.u32 $0x3, v2  }
0xa8: {  	[tilespmem:$0x59C0] =	vst v1  }
0xa9: {  	v1 =	vld [tilespmem:s11+$0x50]  }
0xaa: {  	v2 =	vld [tilespmem:s11+$0x2C50];
	_ =	sdelay $0x4  }
0xab: {  	v1 =	vshll.u32 v1, $0x2;
	v2 =	vshll.u32 v2, $0x2  }
0xac: {  	[tilespmem:$0x5850] =	vst v1;
	v3 =	vor.u32 $0x1, v2  }
0xad: {  	v1 =	vor.u32 $0x2, v1;
	[tilespmem:$0x58D0] =	vst v3  }
0xae: {  	[tilespmem:$0x5950] =	vst v1;
	v1 =	vor.u32 $0x3, v2  }
0xaf: {  	[tilespmem:$0x59D0] =	vst v1  }
0xb0: {  	v1 =	vld [tilespmem:s11+$0x60]  }
0xb1: {  	v2 =	vld [tilespmem:s11+$0x2C60];
	_ =	sdelay $0x4  }
0xb2: {  	v1 =	vshll.u32 v1, $0x2;
	v2 =	vshll.u32 v2, $0x2  }
0xb3: {  	[tilespmem:$0x5860] =	vst v1;
	v3 =	vor.u32 $0x1, v2  }
0xb4: {  	v1 =	vor.u32 $0x2, v1;
	[tilespmem:$0x58E0] =	vst v3  }
0xb5: {  	[tilespmem:$0x5960] =	vst v1;
	v1 =	vor.u32 $0x3, v2  }
0xb6: {  	[tilespmem:$0x59E0] =	vst v1  }
0xb7: {  	v1 =	vld [tilespmem:s11+$0x70]  }
0xb8: {  	v2 =	vld [tilespmem:s11+$0x2C70];
	_ =	sdelay $0x4  }
0xb9: {  	v1 =	vshll.u32 v1, $0x2;
	v2 =	vshll.u32 v2, $0x2  }
0xba: {  	[tilespmem:$0x5870] =	vst v1;
	v3 =	vor.u32 $0x1, v2  }
0xbb: {  	v1 =	vor.u32 $0x2, v1;
	[tilespmem:$0x58F0] =	vst v3  }
0xbc: {  	[tilespmem:$0x5970] =	vst v1;
	v1 =	vor.u32 $0x3, v2  }
0xbd: {  	[tilespmem:$0x59F0] =	vst v1  }
0xbe: {  	[tilespmem:s28], [sflag:$0x2] =	stream.indirect.gather [hbm4b:s7+s30], $0x80, s11, s30, $0xb8;
	[tilespmem:$0x1E480] =	vst v63  }
0xbf: {  	_ = 	snop  }
0xc0: {  	[tilespmem:s0], [sflag:$0x1] =	stream.indirect.gather [hbm4b:s1+s30], $0x1, s31, s30, $0xb8;
	[tilespmem:$0x1E480] =	vst v63  }
0xc1: {  	_ = 	snop  }
0xc2: {  	[tilespmem:s26], [sflag:$0x1] =	stream.indirect.gather [hbm4b:s1+s30], $0x1, s5, s30, $0xb8;
	[tilespmem:$0x1E480] =	vst v63  }
0xc3: {  	_ = 	snop  }
0xc4: {  	[tilespmem:s9], [sflag:$0x1] =	stream.indirect.gather [hbm4b:s1+s30], $0x1, s8, s30, $0xb8;
	[tilespmem:$0x1E480] =	vst v63  }
0xc5: {  	_ = 	snop  }
0xc6: {  	[tilespmem:s16], [sflag:$0x1] =	stream.indirect.gather [hbm4b:s1+s30], $0x1, s15, s30, $0xb8;
	[tilespmem:$0x1E480] =	vst v63  }
0xc7: {  	_ =	swait.ge [sflag:s17], $0x80  }
0xc8: {  	[sflag:s17] =	ssyncset.done $0x0  }
0xc9: {  	[sflag:s17] =	ssyncadd.s32 $0xFFFFFF80  }
0xca: {  	_ =	swait.ge [sflag:s17], $0x80  }
0xcb: {  	[sflag:s17] =	ssyncset.done $0x0  }
0xcc: {  	[sflag:s17] =	ssyncadd.s32 $0xFFFFFF80  }
0xcd: {  	_ =	swait.ge [sflag:s17], $0x80  }
0xce: {  	[sflag:s17] =	ssyncset.done $0x0  }
0xcf: {  	[sflag:s17] =	ssyncadd.s32 $0xFFFFFF80  }
0xd0: {  	_ =	swait.ge [sflag:s17], $0x80  }
0xd1: {  	[sflag:s17] =	ssyncset.done $0x0  }
0xd2: {  	[sflag:s17] =	ssyncadd.s32 $0xFFFFFF80  }
0xd3: {  	v1 =	vld [tilespmem:$0x5A00]  }
0xd4: {  	v2 =	vld [tilespmem:$0x5A80]  }
0xd5: {  	v3 =	vld [tilespmem:$0x5B00]  }
0xd6: {  	v4 =	vld [tilespmem:$0x5B80]  }
0xd7: {  	v5 =	vld [tilespmem:$0x5A10]  }
0xd8: {  	v6 =	vld [tilespmem:$0x5A90]  }
0xd9: {  	v7 =	vld [tilespmem:$0x5B10]  }
0xda: {  	v8 =	vld [tilespmem:$0x5B90]  }
0xdb: {  	v16 =	vld [tilespmem:$0x5AA0]  }
0xdc: {  	v17 =	vld [tilespmem:$0x5B20];
	v1 =	vadd.f32 v2, v1  }
0xdd: {  	v11 =	vld [tilespmem:$0x5BA0];
	v3 =	vadd.f32 v4, v3  }
0xde: {  	v2 =	vld [tilespmem:$0x5A20];
	v5 =	vadd.f32 v6, v5;
	v9 =	vmul.f32 $2.000000030e-01, v1  }
0xdf: {  	v12 =	vld [tilespmem:$0x5A30];
	vm0 =	vgt.f32 v1, $0.0e+00;
	v10 =	vmul.f32 $2.000000030e-01, v3  }
0xe0: {  	v19 =	vld [tilespmem:$0x5AB0];
	vm13 =	vgt.f32 v3, $0.0e+00;
	v18 =	vmul.f32 $2.000000030e-01, v5;
	v1 =	vsel vm0, v1, v9  }
0xe1: {  	v20 =	vld [tilespmem:$0x5B30];
	vm14 =	vgt.f32 v5, $0.0e+00;
	v3 =	vsel vm13, v3, v10;
	v1 =	vmul.f32 $1.442695020e+00, v1  }
0xe2: {  	v21 =	vld [tilespmem:$0x5BB0];
	v7 =	vadd.f32 v8, v7;
	v5 =	vsel vm14, v5, v18;
	v3 =	vmul.f32 $1.442695020e+00, v3  }
0xe3: {  	v23 =	vld [tilespmem:$0x5A40];
	v2 =	vadd.f32 v16, v2;
	(erf) = vpow2.f32 v1;
	v1 =	vmul.f32 $1.442695020e+00, v5  }
0xe4: {  	v24 =	vld [tilespmem:$0x5AC0];
	v22 =	vadd.f32 v11, v17;
	(erf) = vpow2.f32 v3;
	v3 =	vmul.f32 $2.000000030e-01, v7  }
0xe5: {  	v26 =	vld [tilespmem:$0x5B40];
	vm15 =	vgt.f32 v7, $0.0e+00;
	(erf) = vpow2.f32 v1;
	v1 =	vmul.f32 $2.000000030e-01, v2  }
0xe6: {  	v28 =	vld [tilespmem:$0x5A50];
	v25 =	vmul.f32 $2.000000030e-01, v22;
	vm4 =	vgt.f32 v2, $0.0e+00;
	v3 =	vsel vm15, v7, v3  }
0xe7: {  	v29 =	vld [tilespmem:$0x5AD0];
	vm5 =	vgt.f32 v22, $0.0e+00;
	v3 =	vmul.f32 $1.442695020e+00, v3;
	v1 =	vsel vm4, v2, v1  }
0xe8: {  	v30 =	vld [tilespmem:$0x5B50];
	v27 =	vadd.f32 v19, v12;
	v5 =	vsel vm5, v22, v25;
	v1 =	vmul.f32 $1.442695020e+00, v1  }
0xe9: {  	v4 =	vadd.f32 v21, v20;
	v2 =	vld [tilespmem:$0x5BC0];
	(erf) = vpow2.f32 v3;
	v3 =	vmul.f32 $1.442695020e+00, v5  }
0xea: {  	v31 =	vld [tilespmem:$0x5BD0];
	v6 =	vadd.f32 v24, v23;
	(erf) = vpow2.f32 v1;
	v1 =	vmul.f32 $2.000000030e-01, v27  }
0xeb: {  	v33 =	vld [tilespmem:$0x5A60];
	vm6 =	vgt.f32 v27, $0.0e+00;
	(erf) = vpow2.f32 v3;
	v3 =	vmul.f32 $2.000000030e-01, v4  }
0xec: {  	v34 =	vld [tilespmem:$0x5AE0];
	vm7 =	vgt.f32 v4, $0.0e+00;
	v32 =	vmul.f32 $2.000000030e-01, v6;
	v1 =	vsel vm6, v27, v1  }
0xed: {  	v35 =	vld [tilespmem:$0x5B60];
	vm8 =	vgt.f32 v6, $0.0e+00;
	v1 =	vmul.f32 $1.442695020e+00, v1;
	v3 =	vsel vm7, v4, v3  }
0xee: {  	v36 =	vld [tilespmem:$0x5BE0];
	v6 =	vsel vm8, v6, v32;
	v2 =	vadd.f32 v2, v26;
	v3 =	vmul.f32 $1.442695020e+00, v3  }
0xef: {  	v37 =	vld [tilespmem:$0x5A70];
	v5 =	vadd.f32 v29, v28;
	(erf) = vpow2.f32 v1;
	v1 =	vmul.f32 $1.442695020e+00, v6  }
0xf0: {  	v39 =	vld [tilespmem:$0x5B70];
	v8 =	vadd.f32 v31, v30;
	(erf) = vpow2.f32 v3;
	v3 =	vmul.f32 $2.000000030e-01, v2  }
0xf1: {  	v40 =	vld [tilespmem:$0x5BF0];
	vm9 =	vgt.f32 v2, $0.0e+00;
	(erf) = vpow2.f32 v1;
	v1 =	vmul.f32 $2.000000030e-01, v5  }
0xf2: {  	v38 =	vld [tilespmem:$0x5AF0];
	vm10 =	vgt.f32 v5, $0.0e+00;
	v2 =	vsel vm9, v2, v3;
	v3 =	vmul.f32 $2.000000030e-01, v8  }
0xf3: {  	vm11 =	vgt.f32 v8, $0.0e+00;
	v2 =	vmul.f32 $1.442695020e+00, v2;
	v1 =	vsel vm10, v5, v1  }
0xf4: {  	v3 =	vsel vm11, v8, v3;
	v1 =	vmul.f32 $1.442695020e+00, v1  }
0xf5: {  	v4 =	vadd.f32 v34, v33;
	(erf) = vpow2.f32 v2;
	v2 =	vmul.f32 $1.442695020e+00, v3  }
0xf6: {  	v5 =	vadd.f32 v40, v39;
	(erf) = vpow2.f32 v1;
	v1 =	vadd.f32 v36, v35  }
0xf7: {  	v3 =	vmul.f32 $2.000000030e-01, v4;
	(erf) = vpow2.f32 v2;
	v2 =	vadd.f32 v38, v37  }
0xf8: {  	vm12 =	vgt.f32 v4, $0.0e+00;
	v45 =	vmul.f32 $2.000000030e-01, v5;
	v41 =	vmul.f32 $2.000000030e-01, v1  }
0xf9: {  	v3 =	vsel vm12, v4, v3;
	vm13 =	vgt.f32 v1, $0.0e+00;
	v43 =	vmul.f32 $2.000000030e-01, v2  }
0xfa: {  	v42 =	vpop (erf);
	v3 =	vmul.f32 $1.442695020e+00, v3;
	vm14 =	vgt.f32 v2, $0.0e+00;
	v1 =	vsel vm13, v1, v41  }
0xfb: {  	v44 =	vpop (erf);
	[tilespmem:$0x5C00] =	vst v42;
	vm15 =	vgt.f32 v5, $0.0e+00;
	v2 =	vsel vm14, v2, v43;
	v1 =	vmul.f32 $1.442695020e+00, v1  }
0xfc: {  	v46 =	vpop (erf);
	[tilespmem:$0x5C80] =	vst v44;
	(erf) = vpow2.f32 v3;
	v3 =	vsel vm15, v5, v45;
	v2 =	vmul.f32 $1.442695020e+00, v2  }
0xfd: {  	[tilespmem:$0x5C10] =	vst v46;
	v47 =	vpop (erf);
	(erf) = vpow2.f32 v1;
	v1 =	vmul.f32 $1.442695020e+00, v3  }
0xfe: {  	[tilespmem:$0x5C90] =	vst v47;
	v48 =	vpop (erf)  }
0xff: {  	[tilespmem:$0x5C20] =	vst v48;
	v3 =	vpop (erf);
	(erf) = vpow2.f32 v2  }
0x100: {  	[tilespmem:$0x5CA0] =	vst v3;
	(erf) = vpow2.f32 v1;
	v2 =	vpop (erf)  }
0x101: {  	v1 =	vpop (erf);
	[tilespmem:$0x5C30] =	vst v2  }
0x102: {  	v2 =	vpop (erf);
	[tilespmem:$0x5CB0] =	vst v1  }
0x103: {  	v1 =	vpop (erf);
	[tilespmem:$0x5C40] =	vst v2  }
0x104: {  	v2 =	vpop (erf);
	[tilespmem:$0x5CC0] =	vst v1  }
0x105: {  	v1 =	vpop (erf);
	[tilespmem:$0x5C50] =	vst v2  }
0x106: {  	v2 =	vpop (erf);
	[tilespmem:$0x5CD0] =	vst v1  }
0x107: {  	v1 =	vpop (erf);
	[tilespmem:$0x5C60] =	vst v2  }
0x108: {  	v2 =	vpop (erf);
	[tilespmem:$0x5CE0] =	vst v1  }
0x109: {  	[tilespmem:$0x5C70] =	vst v2;
	v1 =	vpop (erf)  }
0x10a: {  	s11 =	sadd.s32 $0x2C00, s11;
	[tilespmem:$0x5CF0] =	vst v1  }
0x10b: {  	[spmem:s3] =	stream.indirect.scatter.add.f32 [tilespmem:s18], [sflag:$0x3], $0x1, s11, s30, $0xb8;
	[tilespmem:$0x1E480] =	vst v63  }
0x10c: {  	_ =	swait.ge [sflag:s25], $0x80  }
0x10d: {  	[sflag:s25] =	ssyncset.done $0x0  }
0x10e: {  	[sflag:s25] =	ssyncadd.s32 $0xFFFFFF80  }
0x10f: {  	v1 =	vmov s23;
	[spmem:s4] =	stream.indirect.scatter.add.f32 [tilespmem:s19], [sflag:$0x3], $0x1, s11, s30, $0xb8;
	[tilespmem:$0x1E480] =	vst v63  }
0x110: {  	v1 =	vand.u32 $0xFFFFFFFC, v1;
	_ =	swait.ge [sflag:s25], $0x80  }
0x111: {  	v1 =	vbroadcast v1, $0x0;
	[sflag:s25] =	ssyncset.done $0x0  }
0x112: {  	[sflag:s25] =	ssyncadd.s32 $0xFFFFFF80  }
0x113: {  	_ =	swait.ge [sflag:s22], $0x4000  }
0x114: {  	[sflag:s22] =	ssyncset.done $0x0  }
0x115: {  	s12 =	simm.s32 $0x5E00;
	[sflag:s22] =	ssyncadd.s32 $0xFFFFC000  }
0x116: {  	v2 =	vld [tilespmem:s12+$0xFFFFFF30]  }
0x117: {  	v3 =	vld.idx.msk [tilespmem:v1+s18+$0x0], $0xffff  }
0x118: {  	v49 =	vld [tilespmem:s12+$0xFFFFFF00]  }
0x119: {  	v50 =	vld [tilespmem:s12+$0xFFFFFF10]  }
0x11a: {  	v51 =	vld [tilespmem:s12+$0xFFFFFF20];
	_ =	sdelay $0x1  }
0x11b: {  	v2 =	vmul.f32 v2, v3  }
0x11c: {  	v4 =	vmul.f32 v49, v3  }
0x11d: {  	v5 =	vmul.f32 v50, v3;
	[tilespmem:s12+$0xFFFFFF30] =	vst v2  }
0x11e: {  	v2 =	vmul.f32 v51, v3;
	[tilespmem:s12+$0xFFFFFF00] =	vst v4  }
0x11f: {  	[tilespmem:s12+$0xFFFFFF10] =	vst v5  }
0x120: {  	[tilespmem:s12+$0xFFFFFF20] =	vst v2;
	v2 =	vld [tilespmem:s12+$0xFFFFFF40]  }
0x121: {  	v1 =	vld.idx.msk [tilespmem:v1+s19+$0x0], $0xffff  }
0x122: {  	v3 =	vld [tilespmem:s12+$0xFFFFFF50]  }
0x123: {  	s13 =	simm.s32 $0x1;
	v52 =	vld [tilespmem:s12+$0xFFFFFF70]  }
0x124: {  	v54 =	vmov s13;
	v53 =	vld [tilespmem:s12+$0xFFFFFF60]  }
0x125: {  	v6 =	vand.u32 $0xFFFFFFFD, v54  }
0x126: {  	v6 =	vbroadcast v6, $0x0;
	v2 =	vmul.f32 v2, v1  }
0x127: {  	v3 =	vmul.f32 v3, v1  }
0x128: {  	[tilespmem:s12+$0xFFFFFF40] =	vst v2;
	v2 =	vmul.f32 v52, v1  }
0x129: {  	v1 =	vmul.f32 v53, v1;
	[tilespmem:s12+$0xFFFFFF50] =	vst v3  }
0x12a: {  	[tilespmem:s12+$0xFFFFFF70] =	vst v2  }
0x12b: {  	[tilespmem:s12+$0xFFFFFF60] =	vst v1;
	v2 =	vld [tilespmem:s12+$0xFFFFFF80]  }
0x12c: {  	v1 =	vld.idx.msk [tilespmem:v6+s18+$0x0], $0xffff  }
0x12d: {  	v3 =	vld [tilespmem:s12+$0xFFFFFFB0]  }
0x12e: {  	v55 =	vld [tilespmem:s12+$0xFFFFFF90]  }
0x12f: {  	v56 =	vld [tilespmem:s12+$0xFFFFFFA0];
	_ =	sdelay $0x1  }
0x130: {  	v2 =	vmul.f32 v2, v1  }
0x131: {  	v3 =	vmul.f32 v3, v1  }
0x132: {  	v4 =	vmul.f32 v55, v1;
	[tilespmem:s12+$0xFFFFFF80] =	vst v2  }
0x133: {  	v1 =	vmul.f32 v56, v1;
	[tilespmem:s12+$0xFFFFFFB0] =	vst v3  }
0x134: {  	[tilespmem:s12+$0xFFFFFF90] =	vst v4  }
0x135: {  	[tilespmem:s12+$0xFFFFFFA0] =	vst v1;
	v2 =	vld [tilespmem:s12+$0xFFFFFFC0]  }
0x136: {  	v1 =	vld.idx.msk [tilespmem:v6+s19+$0x0], $0xffff  }
0x137: {  	v3 =	vld [tilespmem:s12+$0xFFFFFFF0]  }
0x138: {  	s21 =	simm.s32 $0x2;
	v57 =	vld [tilespmem:s12+$0xFFFFFFD0]  }
0x139: {  	v59 =	vmov s21;
	v58 =	vld [tilespmem:s12+$0xFFFFFFE0]  }
0x13a: {  	v6 =	vand.u32 $0xFFFFFFFE, v59  }
0x13b: {  	v6 =	vbroadcast v6, $0x0;
	v2 =	vmul.f32 v2, v1  }
0x13c: {  	v3 =	vmul.f32 v3, v1  }
0x13d: {  	[tilespmem:s12+$0xFFFFFFC0] =	vst v2;
	v2 =	vmul.f32 v57, v1  }
0x13e: {  	v1 =	vmul.f32 v58, v1;
	[tilespmem:s12+$0xFFFFFFF0] =	vst v3  }
0x13f: {  	[tilespmem:s12+$0xFFFFFFD0] =	vst v2  }
0x140: {  	[tilespmem:s12+$0xFFFFFFE0] =	vst v1;
	v2 =	vld [tilespmem:s12+$0x0]  }
0x141: {  	v1 =	vld.idx.msk [tilespmem:v6+s18+$0x0], $0xffff  }
0x142: {  	v3 =	vld [tilespmem:s12+$0x10]  }
0x143: {  	v60 =	vld [tilespmem:s12+$0x20]  }
0x144: {  	v61 =	vld [tilespmem:s12+$0x30];
	_ =	sdelay $0x1  }
0x145: {  	v2 =	vmul.f32 v2, v1  }
0x146: {  	v3 =	vmul.f32 v3, v1  }
0x147: {  	v4 =	vmul.f32 v60, v1;
	[tilespmem:s12+$0x0] =	vst v2  }
0x148: {  	v1 =	vmul.f32 v61, v1;
	[tilespmem:s12+$0x10] =	vst v3  }
0x149: {  	[tilespmem:s12+$0x20] =	vst v4  }
0x14a: {  	[tilespmem:s12+$0x30] =	vst v1;
	v1 =	vld [tilespmem:s12+$0x40]  }
0x14b: {  	v2 =	vld.idx.msk [tilespmem:v6+s19+$0x0], $0xffff  }
0x14c: {  	v3 =	vld [tilespmem:s12+$0x70]  }
0x14d: {  	v62 =	vld [tilespmem:s12+$0x60];
	_ =	sdelay $0x1  }
0x14e: {  	v63 =	vld [tilespmem:s12+$0x50]  }
0x14f: {  	v1 =	vmul.f32 v1, v2  }
0x150: {  	v3 =	vmul.f32 v3, v2  }
0x151: {  	v4 =	vmul.f32 v62, v2;
	[tilespmem:s12+$0x40] =	vst v1  }
0x152: {  	s14 =	simm.s32 $0x3;
	[tilespmem:s12+$0x70] =	vst v3  }
0x153: {  	s13 =	simm.s32 $0x4;
	v2 =	vmul.f32 v63, v2;
	v1 =	vmov s14;
	[tilespmem:s12+$0x60] =	vst v4;
	s14 =	simm.s32 $0x5E00  }
.LBB2_5:
0x154: {  	p0 =	slt.u32 s13, $0x7C  }
0x155: {  	[tilespmem:s12+$0x50] =	vst v2;
	s14 =	sadd.s32 $0x200, s14;
	s20 =	smov.u32 s13;
	s13 =	sadd.s32 $0x4, s13  }
0x156: {  	v2 =	vld [tilespmem:s12+$0xB0]  }
0x157: {  	v3 =	vld [tilespmem:s12+$0x90]  }
0x158: {  	v4 =	vld.idx.msk [tilespmem:v1+s18+$0x0], $0xffff  }
0x159: {  	v5 =	vld [tilespmem:s12+$0x80]  }
0x15a: {  	v6 =	vld [tilespmem:s12+$0xA0];
	_ =	sdelay $0x3  }
0x15b: {  	v2 =	vmul.f32 v2, v4;
	v5 =	vmul.f32 v5, v4  }
0x15c: {  	v3 =	vmul.f32 v3, v4;
	v4 =	vmul.f32 v6, v4  }
0x15d: {  	[tilespmem:s12+$0xB0] =	vst v2  }
0x15e: {  	[tilespmem:s12+$0x80] =	vst v5  }
0x15f: {  	[tilespmem:s12+$0x90] =	vst v3  }
0x160: {  	[tilespmem:s12+$0xA0] =	vst v4;
	v2 =	vld [tilespmem:s12+$0xF0]  }
0x161: {  	v1 =	vld.idx.msk [tilespmem:v1+s19+$0x0], $0xffff  }
0x162: {  	v3 =	vld [tilespmem:s12+$0xC0]  }
0x163: {  	v4 =	vld [tilespmem:s12+$0xD0]  }
0x164: {  	v5 =	vld [tilespmem:s12+$0xE0]  }
0x165: {  	v6 =	vmov s20  }
0x166: {  	v6 =	vand.u32 $0xFFFFFFFC, v6  }
0x167: {  	v6 =	vbroadcast v6, $0x0;
	v3 =	vmul.f32 v3, v1  }
0x168: {  	v2 =	vmul.f32 v2, v1;
	v4 =	vmul.f32 v4, v1  }
0x169: {  	[tilespmem:s12+$0xC0] =	vst v3;
	v1 =	vmul.f32 v5, v1  }
0x16a: {  	[tilespmem:s12+$0xF0] =	vst v2  }
0x16b: {  	v2 =	vld [tilespmem:s14+$0xFFFFFF20];
	[tilespmem:s12+$0xD0] =	vst v4  }
0x16c: {  	v3 =	vld [tilespmem:s14+$0xFFFFFF30];
	[tilespmem:s12+$0xE0] =	vst v1;
	s12 =	smov.u32 s14  }
0x16d: {  	v1 =	vld.idx.msk [tilespmem:v6+s18+$0x0], $0xffff  }
0x16e: {  	v4 =	vld [tilespmem:s14+$0xFFFFFF00]  }
0x16f: {  	v5 =	vld [tilespmem:s14+$0xFFFFFF10];
	_ =	sdelay $0x3  }
0x170: {  	v3 =	vmul.f32 v3, v1;
	v4 =	vmul.f32 v4, v1  }
0x171: {  	v5 =	vmul.f32 v5, v1;
	v1 =	vmul.f32 v2, v1  }
0x172: {  	[tilespmem:s14+$0xFFFFFF30] =	vst v3  }
0x173: {  	[tilespmem:s14+$0xFFFFFF00] =	vst v4  }
0x174: {  	[tilespmem:s14+$0xFFFFFF10] =	vst v5;
	v2 =	vld [tilespmem:s14+$0xFFFFFF70]  }
0x175: {  	[tilespmem:s14+$0xFFFFFF20] =	vst v1;
	v1 =	vld [tilespmem:s14+$0xFFFFFF50]  }
0x176: {  	v3 =	vld.idx.msk [tilespmem:v6+s19+$0x0], $0xffff  }
0x177: {  	v4 =	vld [tilespmem:s14+$0xFFFFFF40]  }
0x178: {  	v5 =	vld [tilespmem:s14+$0xFFFFFF60]  }
0x179: {  	s21 =	sadd.s32 $0x1, s20  }
0x17a: {  	v6 =	vmov s21  }
0x17b: {  	v6 =	vand.u32 $0xFFFFFFFD, v6  }
0x17c: {  	v6 =	vbroadcast v6, $0x0;
	v4 =	vmul.f32 v4, v3  }
0x17d: {  	v1 =	vmul.f32 v1, v3;
	v5 =	vmul.f32 v5, v3  }
0x17e: {  	v2 =	vmul.f32 v2, v3;
	[tilespmem:s14+$0xFFFFFF40] =	vst v4  }
0x17f: {  	[tilespmem:s14+$0xFFFFFF50] =	vst v1  }
0x180: {  	[tilespmem:s14+$0xFFFFFF70] =	vst v2;
	v1 =	vld [tilespmem:s14+$0xFFFFFFB0]  }
0x181: {  	[tilespmem:s14+$0xFFFFFF60] =	vst v5;
	v2 =	vld [tilespmem:s14+$0xFFFFFF90]  }
0x182: {  	v3 =	vld.idx.msk [tilespmem:v6+s18+$0x0], $0xffff  }
0x183: {  	v4 =	vld [tilespmem:s14+$0xFFFFFF80]  }
0x184: {  	v5 =	vld [tilespmem:s14+$0xFFFFFFA0];
	_ =	sdelay $0x3  }
0x185: {  	v2 =	vmul.f32 v2, v3;
	v4 =	vmul.f32 v4, v3  }
0x186: {  	v1 =	vmul.f32 v1, v3;
	v5 =	vmul.f32 v5, v3  }
0x187: {  	[tilespmem:s14+$0xFFFFFF80] =	vst v4  }
0x188: {  	[tilespmem:s14+$0xFFFFFFB0] =	vst v1  }
0x189: {  	[tilespmem:s14+$0xFFFFFF90] =	vst v2;
	v1 =	vld [tilespmem:s14+$0xFFFFFFF0]  }
0x18a: {  	[tilespmem:s14+$0xFFFFFFA0] =	vst v5;
	v2 =	vld [tilespmem:s14+$0xFFFFFFD0]  }
0x18b: {  	v3 =	vld.idx.msk [tilespmem:v6+s19+$0x0], $0xffff  }
0x18c: {  	v4 =	vld [tilespmem:s14+$0xFFFFFFC0]  }
0x18d: {  	v5 =	vld [tilespmem:s14+$0xFFFFFFE0]  }
0x18e: {  	s21 =	sadd.s32 $0x2, s20  }
0x18f: {  	v6 =	vmov s21  }
0x190: {  	v6 =	vand.u32 $0xFFFFFFFE, v6  }
0x191: {  	v6 =	vbroadcast v6, $0x0;
	v4 =	vmul.f32 v4, v3  }
0x192: {  	v1 =	vmul.f32 v1, v3;
	v5 =	vmul.f32 v5, v3  }
0x193: {  	v2 =	vmul.f32 v2, v3;
	[tilespmem:s14+$0xFFFFFFC0] =	vst v4  }
0x194: {  	[tilespmem:s14+$0xFFFFFFF0] =	vst v1  }
0x195: {  	[tilespmem:s14+$0xFFFFFFD0] =	vst v2;
	v1 =	vld [tilespmem:s14+$0x30]  }
0x196: {  	[tilespmem:s14+$0xFFFFFFE0] =	vst v5;
	v2 =	vld [tilespmem:s14+$0x10]  }
0x197: {  	v3 =	vld.idx.msk [tilespmem:v6+s18+$0x0], $0xffff  }
0x198: {  	v4 =	vld [tilespmem:s14+$0x0]  }
0x199: {  	v5 =	vld [tilespmem:s14+$0x20];
	_ =	sdelay $0x3  }
0x19a: {  	v2 =	vmul.f32 v2, v3;
	v4 =	vmul.f32 v4, v3  }
0x19b: {  	v1 =	vmul.f32 v1, v3;
	v5 =	vmul.f32 v5, v3  }
0x19c: {  	[tilespmem:s14+$0x0] =	vst v4  }
0x19d: {  	[tilespmem:s14+$0x10] =	vst v2  }
0x19e: {  	[tilespmem:s14+$0x20] =	vst v5;
	v3 =	vld [tilespmem:s14+$0x70]  }
0x19f: {  	[tilespmem:s14+$0x30] =	vst v1;
	v1 =	vld [tilespmem:s14+$0x40]  }
0x1a0: {  	v4 =	vld.idx.msk [tilespmem:v6+s19+$0x0], $0xffff  }
0x1a1: {  	v2 =	vld [tilespmem:s14+$0x50]  }
0x1a2: {  	v5 =	vld [tilespmem:s14+$0x60];
	_ =	sdelay $0x3  }
.Ltmp1:
0x1a3: {  	v1 =	vmul.f32 v1, v4;
	v2 =	vmul.f32 v2, v4;
	(pc) =	sbr.rel @p0 .LBB2_5-.Ltmp1, $4  }
0x1a4: {  	v3 =	vmul.f32 v3, v4;
	v5 =	vmul.f32 v5, v4  }
0x1a5: {  	s20 =	sadd.s32 $0x3, s20;
	[tilespmem:s14+$0x40] =	vst v1  }
0x1a6: {  	v1 =	vmov s20;
	[tilespmem:s14+$0x70] =	vst v3  }
0x1a7: {  	[tilespmem:s14+$0x60] =	vst v5  }
0x1a8: {  	_ =	sdelay $0x2  }
0x1a9: {  	[tilespmem:s12+$0x50] =	vst v2;
	v2 =	vld [tilespmem:s12+$0xB0]  }
0x1aa: {  	v3 =	vld.idx.msk [tilespmem:v1+s18+$0x0], $0xffff  }
0x1ab: {  	v4 =	vld [tilespmem:s12+$0x80]  }
0x1ac: {  	v5 =	vld [tilespmem:s12+$0x90]  }
0x1ad: {  	v6 =	vld [tilespmem:s12+$0xA0];
	_ =	sdelay $0x1  }
0x1ae: {  	v2 =	vmul.f32 v2, v3  }
0x1af: {  	v4 =	vmul.f32 v4, v3  }
0x1b0: {  	v5 =	vmul.f32 v5, v3;
	[tilespmem:s12+$0xB0] =	vst v2  }
0x1b1: {  	v2 =	vmul.f32 v6, v3;
	[tilespmem:s12+$0x80] =	vst v4  }
0x1b2: {  	[tilespmem:s12+$0x90] =	vst v5  }
0x1b3: {  	[tilespmem:s12+$0xA0] =	vst v2;
	v2 =	vld [tilespmem:s12+$0xC0]  }
0x1b4: {  	v1 =	vld.idx.msk [tilespmem:v1+s19+$0x0], $0xffff  }
0x1b5: {  	v3 =	vld [tilespmem:s12+$0xF0]  }
0x1b6: {  	v62 =	vld [tilespmem:s12+$0xD0]  }
0x1b7: {  	v63 =	vld [tilespmem:s12+$0xE0];
	_ =	sdelay $0x1  }
0x1b8: {  	v2 =	vmul.f32 v2, v1  }
0x1b9: {  	v3 =	vmul.f32 v3, v1  }
0x1ba: {  	v4 =	vmul.f32 v62, v1;
	[tilespmem:s12+$0xC0] =	vst v2  }
0x1bb: {  	s10 =	sadd.s32 $0x1, s10;
	v1 =	vmul.f32 v63, v1;
	[tilespmem:s12+$0xF0] =	vst v3  }
0x1bc: {  	p0 =	sne.s32 s10, $0x51;
	[tilespmem:s12+$0xD0] =	vst v4  }
.Ltmp2:
0x1bd: {  	[tilespmem:s12+$0xE0] =	vst v1;
	(pc) =	sbr.rel @p0 .LBB2_4-.Ltmp2, $4  }
0x1be: {  	[spmem:s2] =	stream.indirect.scatter.add.f32 [tilespmem:s28], [sflag:$0x3], $0x80, s11, s30, $0xb8;
	[tilespmem:$0x1E480] =	vst v63  }
0x1bf: {  	_ =	swait.ge [sflag:s25], $0x4000  }
0x1c0: {  	[sflag:s25] =	ssyncset.done $0x0  }
0x1c1: {  	[sflag:s25] =	ssyncadd.s32 $0xFFFFC000  }
0x1c2: {  	[bflag:$0x0] =	sbarrier.arrive $0xFFFF  }
0x1c3: {  	s20 =	rddreg [dreg:$0xb]  }
0x1c4: {  	[tilespmem:s28], [sflag:$0x3] =	stream.linear.gather [spmem:s20], $0x4000, $0x38;
	[tilespmem:$0x1E480] =	vst v63  }
0x1c5: {  	_ =	swait.ge [sflag:s25], $0x4000  }
0x1c6: {  	[sflag:s25] =	ssyncset.done $0x0  }
0x1c7: {  	s10 =	rddreg [dreg:$0x10];
	[sflag:s25] =	ssyncadd.s32 $0xFFFFC000  }
0x1c8: {  	[hbm4b:s10+s6] =	stream.linear.scatter [tilespmem:s28], [sflag:$0x3], $0x4000, $0x38;
	[tilespmem:$0x1E480] =	vst v63  }
0x1c9: {  	_ =	swait.ge [sflag:s25], $0x4000  }
0x1ca: {  	[sflag:s25] =	ssyncset.done $0x0  }
0x1cb: {  	s21 =	rddreg [dreg:$0xc];
	[sflag:s25] =	ssyncadd.s32 $0xFFFFC000  }
0x1cc: {  	[tilespmem:s28], [sflag:$0x3] =	stream.linear.gather [spmem:s21], $0x4000, $0x38;
	[tilespmem:$0x1E480] =	vst v63  }
0x1cd: {  	_ =	swait.ge [sflag:s25], $0x4000  }
0x1ce: {  	[sflag:s25] =	ssyncset.done $0x0  }
0x1cf: {  	s11 =	rddreg [dreg:$0x11];
	[sflag:s25] =	ssyncadd.s32 $0xFFFFC000  }
0x1d0: {  	[hbm4b:s11+s6] =	stream.linear.scatter [tilespmem:s28], [sflag:$0x3], $0x4000, $0x38;
	[tilespmem:$0x1E480] =	vst v63  }
0x1d1: {  	_ =	swait.ge [sflag:s25], $0x4000  }
0x1d2: {  	[sflag:s25] =	ssyncset.done $0x0  }
0x1d3: {  	s23 =	rddreg [dreg:$0xd];
	[sflag:s25] =	ssyncadd.s32 $0xFFFFC000  }
0x1d4: {  	[tilespmem:s28], [sflag:$0x3] =	stream.linear.gather [spmem:s23], $0x4000, $0x38;
	[tilespmem:$0x1E480] =	vst v63  }
0x1d5: {  	_ =	swait.ge [sflag:s25], $0x4000  }
0x1d6: {  	[sflag:s25] =	ssyncset.done $0x0  }
0x1d7: {  	s12 =	rddreg [dreg:$0x12];
	[sflag:s25] =	ssyncadd.s32 $0xFFFFC000  }
0x1d8: {  	[hbm4b:s12+s6] =	stream.linear.scatter [tilespmem:s28], [sflag:$0x3], $0x4000, $0x38;
	[tilespmem:$0x1E480] =	vst v63  }
0x1d9: {  	_ =	swait.ge [sflag:s25], $0x4000  }
0x1da: {  	[sflag:s25] =	ssyncset.done $0x0  }
0x1db: {  	s13 =	rddreg [dreg:$0xe];
	[sflag:s25] =	ssyncadd.s32 $0xFFFFC000  }
0x1dc: {  	[tilespmem:s28], [sflag:$0x3] =	stream.linear.gather [spmem:s13], $0x4000, $0x38;
	[tilespmem:$0x1E480] =	vst v63  }
0x1dd: {  	_ =	swait.ge [sflag:s25], $0x4000  }
0x1de: {  	[sflag:s25] =	ssyncset.done $0x0  }
0x1df: {  	s14 =	rddreg [dreg:$0x13];
	[sflag:s25] =	ssyncadd.s32 $0xFFFFC000  }
0x1e0: {  	[hbm4b:s14+s6] =	stream.linear.scatter [tilespmem:s28], [sflag:$0x3], $0x4000, $0x38;
	[tilespmem:$0x1E480] =	vst v63  }
0x1e1: {  	_ =	swait.ge [sflag:s25], $0x4000  }
0x1e2: {  	[sflag:s25] =	ssyncset.done $0x0  }
0x1e3: {  	s11 =	rddreg [dreg:$0xf];
	[sflag:s25] =	ssyncadd.s32 $0xFFFFC000  }
0x1e4: {  	[tilespmem:s28], [sflag:$0x3] =	stream.linear.gather [spmem:s11], $0x4000, $0x38;
	[tilespmem:$0x1E480] =	vst v63  }
0x1e5: {  	_ =	swait.ge [sflag:s25], $0x4000  }
0x1e6: {  	[sflag:s25] =	ssyncset.done $0x0  }
0x1e7: {  	s12 =	rddreg [dreg:$0x14];
	[sflag:s25] =	ssyncadd.s32 $0xFFFFC000  }
0x1e8: {  	[hbm4b:s12+s6] =	stream.linear.scatter [tilespmem:s28], [sflag:$0x3], $0x4000, $0x38;
	[tilespmem:$0x1E480] =	vst v63  }
0x1e9: {  	_ =	swait.ge [sflag:s25], $0x4000  }
0x1ea: {  	[sflag:s25] =	ssyncset.done $0x0  }
0x1eb: {  	s12 =	rddreg [dreg:$0x15];
	[sflag:s25] =	ssyncadd.s32 $0xFFFFC000  }
0x1ec: {  	[tilespmem:s29], [sflag:$0x3] =	stream.linear.gather [spmem:s12], $0x280, $0x38;
	[tilespmem:$0x1E480] =	vst v63  }
0x1ed: {  	_ =	swait.ge [sflag:s25], $0x280  }
0x1ee: {  	[sflag:s25] =	ssyncset.done $0x0  }
0x1ef: {  	s11 =	simm.s32 $0x100;
	s13 =	rddreg [dreg:$0x17];
	[sflag:s25] =	ssyncadd.s32 $0xFFFFFD80  }
0x1f0: {  	[hbm4b:s13+s30] =	stream.strided.scatter [tilespmem:s29], [sflag:$0x3], $0x280, s11, s30, $0x38;
	[tilespmem:$0x1E480] =	vst v63  }
0x1f1: {  	_ =	swait.ge [sflag:s25], $0x280  }
0x1f2: {  	[sflag:s25] =	ssyncset.done $0x0  }
0x1f3: {  	s13 =	rddreg [dreg:$0x16];
	[sflag:s25] =	ssyncadd.s32 $0xFFFFFD80  }
0x1f4: {  	[tilespmem:s29], [sflag:$0x3] =	stream.linear.gather [spmem:s13], $0x280, $0x38;
	[tilespmem:$0x1E480] =	vst v63  }
0x1f5: {  	_ =	swait.ge [sflag:s25], $0x280  }
0x1f6: {  	[sflag:s25] =	ssyncset.done $0x0  }
0x1f7: {  	s14 =	rddreg [dreg:$0x18];
	[sflag:s25] =	ssyncadd.s32 $0xFFFFFD80  }
0x1f8: {  	[hbm4b:s14+s30] =	stream.strided.scatter [tilespmem:s29], [sflag:$0x3], $0x280, s11, s30, $0x38;
	[tilespmem:$0x1E480] =	vst v63  }
0x1f9: {  	_ =	swait.ge [sflag:s25], $0x280  }
0x1fa: {  	s24 =	sadd.s32 $0x1, s24;
	s14 =	rddreg [dreg:$0x19]  }
0x1fb: {  	p0 =	sne.s32 s24, s14  }
.Ltmp3:
0x1fc: {  	_ = 	snop;
	(pc) =	sbr.rel @p0 .LBB2_1-.Ltmp3, $3  }
0x1fd: {  	_ =	sdelay $0x1  }
0x1fe: {  	[sflag:s25] =	ssyncset.done $0x0  }
0x1ff: {  	[sflag:s25] =	ssyncadd.s32 $0xFFFFFD80  }
0x200: {  	_ =	sfence.sel $0x180000  }
0x201: {  	[bflag:$0x0] =	sbarrier.arrive $0xFFFF  }
0x202: {  	_ =	strace $0x9000004A  }
0x203: {  	s0 =	stileid.u32;
	[bflag:$0x2] =	sbarrier.arrive $0xFFFF  }
0x204: {  	p0 =	sne.s32 s0, $0x0;
	s0 =	rddreg [dreg:$0x8]  }
0x205: {  	s0 =	sadd.s32 @!p0 $0x100000, s0  }
0x206: {  	[sflag:s0] =	ssyncadd.tile.s32 @!p0 $0x1;
	_ =	shalt  }
.Lfunc_end2:
_tile_overlayer_lowered:
.L_overlay_start_2:
0x207: {  	(tag) =	ssettag $0x2  }
0x208: {  	s0 =	rddreg [dreg:$0x0];
	s2 =	stileid.u32  }
0x209: {  	s1 =	rddreg [dreg:$0x1];
	p0 =	sne.s32 s2, $0x0  }
0x20a: {  	s3 =	rddreg [dreg:$0x2];
	[bflag:$0x3] =	sbarrier.arrive $0xFFFF;
	s2 =	simm.s32 @!p0 $0x1C03  }
0x20b: {  	[timem:s3], [sflag:s2] =	dma.local @!p0 [hbm:s0], s1  }
0x20c: {  	s0 =	simm.s32 @!p0 $0x3  }
0x20d: {  	_ =	swait.ge @!p0 [sflag:s0], s1  }
0x20e: {  	s1 =	ssub.s32 @!p0 $0x0, s1;
	[sflag:s0] =	ssyncset.done @!p0 $0x0  }
0x20f: {  	[sflag:s0] =	ssyncadd.s32 @!p0 s1  }
0x210: {  	[bflag:$0x3] =	sbarrier.arrive $0xFFFF  }
0x211: {  	_ =	shalt  }

// kernel: kernel.9.cloned.1.call-start
scs
__scs_entry_jumppad:
0x0: {  	(pc) =	sbr.rel $0x88, $3  }
0x1: {  	(tag) =	ssettag $0x0;
	lr =	simm.s32 $0x1  }
0x2: {  	[smem:$0x3F8C] =	sst lr;
	_ =	strace $0xD0000000  }
0x3: {  	_ = 	snop  }
0x4: {  	_ = 	snop  }
0x5: {  	_ = 	snop  }
0x6: {  	_ = 	snop  }
0x7: {  	_ = 	snop  }
__scs_overlays_trampoline_lowered:
0x8: {  	[smem:$0x3F9B] =	sst s0  }
0x9: {  	[smem:$0x3F9C] =	sst s1  }
0xa: {  	[smem:$0x3F9D] =	sst s2  }
0xb: {  	[smem:$0x3F9E] =	sst s3  }
0xc: {  	[smem:$0x3F9F] =	sst s4  }
0xd: {  	[smem:$0x3FA0] =	sst s5  }
0xe: {  	[smem:$0x3FA1] =	sst s6  }
0xf: {  	[smem:$0x3FA2] =	sst s7  }
0x10: {  	[smem:$0x3FA3] =	sst s8  }
0x11: {  	[smem:$0x3FA4] =	sst s9;
	s0 =	simm.s32 @!p0 $0x0  }
0x12: {  	s1 =	sld [smem:$0x3F8A];
	s0 =	simm.s32 @p0 $0x1  }
0x13: {  	[smem:$0x3FA5] =	sst s0;
	s0 =	simm.s32 @!p1 $0x0  }
0x14: {  	s2 =	sld [smem:$0x3F89];
	s0 =	simm.s32 @p1 $0x1  }
0x15: {  	[smem:$0x3FA6] =	sst s0;
	s0 =	simm.s32 @!p2 $0x0  }
0x16: {  	s3 =	sld [smem:$0x3FDB];
	s0 =	simm.s32 @p2 $0x1  }
0x17: {  	s4 =	simm.s32 $0x1BF5;
	[smem:$0x3FA8] =	sst s0  }
0x18: {  	s0 =	sld [smem:$0x3F8B];
	_ =	swait.ge [sflag:s4], $0x0  }
0x19: {  	s7 =	sld [smem:$0x3F8C]  }
0x1a: {  	s8 =	sadd.s32 $0xFFFFE003, lr  }
0x1b: {  	s9 =	sadd.s32 $0xFFFFFEF7, lr;
	s5 =	simm.s32 $0xFFFFFFFF;
	p2 =	slt.u32 s8, $0xFFFFF086  }
0x1c: {  	p1 =	slt.u32 s9, $0xF7A;
	s5 =	simm.s32 @!p2 $0x0  }
0x1d: {  	s5 =	simm.s32 @p1 $0x1;
	p0 =	seq.s32 s7, s2  }
0x1e: {  	s7 =	smul.u32 @!p0 $0xF7A, s2;
	p2 =	seq.s32 @!p0 s5, $0x0  }
0x1f: {  	s9 =	smul.u32 $0xF7A, s1;
	s8 =	simm.s32 @!p0 $0x1BF5;
	p2 =	por !p2, p0  }
0x20: {  	[sflag:s8] =	ssyncset.s32 @!p0 $0xFFFFF086;
	s6 =	sadd.s32 @!p0 s3, s7;
	s7 =	simm.s32 @!p0 $0x108  }
0x21: {  	s3 =	sadd.s32 s3, s9;
	s6 =	sadd.s32 @!p0 $0x88, s6;
	s7 =	simm.s32 @p2 $0x1082  }
0x22: {  	[simem:s7], [sflag:s8] =	dma.local @!p0 [hbm:s6], $0xF7A  }
0x23: {  	s9 =	sor.u32 $0xD0000000, s2;
	s6 =	simm.s32 $0x108;
	_ =	swait.ge @!p0 [sflag:s8], $0x0  }
0x24: {  	s3 =	sadd.s32 $0x88, s3;
	s6 =	simm.s32 @!p1 $0x1082;
	[sflag:s4] =	ssyncset.s32 $0xFFFFF086  }
0x25: {  	[simem:s6], [sflag:s4] =	dma.local [hbm:s3], $0xF7A  }
0x26: {  	[smem:$0x3F8C] =	sst s1;
	(tag) =	ssettag s2;
	_ =	strace s9  }
0x27: {  	s1 =	sld [smem:$0x3F9C]  }
0x28: {  	s2 =	sld [smem:$0x3F9D]  }
0x29: {  	s4 =	sld [smem:$0x3F9F]  }
0x2a: {  	p0 =	seq.s32 s5, $0x0;
	s5 =	sld [smem:$0x3FA0]  }
0x2b: {  	s6 =	sld [smem:$0x3FA1]  }
0x2c: {  	s7 =	sld [smem:$0x3FA2]  }
0x2d: {  	s3 =	simm.s32 $0x108;
	s8 =	sld [smem:$0x3FA3]  }
0x2e: {  	s3 =	simm.s32 @!p0 $0x1082;
	s9 =	sld [smem:$0x3FA4]  }
0x2f: {  	lr =	sadd.s32 s0, s3;
	s0 =	sld [smem:$0x3F9B]  }
0x30: {  	s3 =	sld [smem:$0x3F9E]  }
0x31: {  	[smem:$0x3FA7] =	sst s10  }
0x32: {  	s10 =	sld [smem:$0x3FA5];
	_ =	sdelay $0x3  }
0x33: {  	p0 =	seq.s32 s10, $0x1;
	s10 =	sld [smem:$0x3FA7];
	_ =	sdelay $0x3  }
0x34: {  	[smem:$0x3FA7] =	sst s10  }
0x35: {  	s10 =	sld [smem:$0x3FA6];
	_ =	sdelay $0x3  }
0x36: {  	p1 =	seq.s32 s10, $0x1;
	s10 =	sld [smem:$0x3FA7];
	_ =	sdelay $0x3  }
0x37: {  	[smem:$0x3FA7] =	sst s10  }
0x38: {  	s10 =	sld [smem:$0x3FA8]  }
0x39: {  	_ = 	snop;
	(pc) =	sbr.ind lr, $3  }
0x3a: {  	_ = 	snop  }
0x3b: {  	_ = 	snop  }
0x3c: {  	p2 =	seq.s32 s10, $0x1;
	s10 =	sld [smem:$0x3FA7]  }
0x3d: {  	_ =	shalt  }
0x3e: {  	_ =	shalt  }
0x3f: {  	_ =	shalt  }
0x40: {  	_ =	shalt  }
0x41: {  	_ =	shalt  }
0x42: {  	_ =	shalt  }
0x43: {  	_ =	shalt  }
0x44: {  	_ =	shalt  }
0x45: {  	_ =	shalt  }
0x46: {  	_ =	shalt  }
0x47: {  	_ =	shalt  }
0x48: {  	_ =	shalt  }
0x49: {  	_ =	shalt  }
0x4a: {  	_ =	shalt  }
0x4b: {  	_ =	shalt  }
0x4c: {  	_ =	shalt  }
0x4d: {  	_ =	shalt  }
0x4e: {  	_ =	shalt  }
0x4f: {  	_ =	shalt  }
0x50: {  	_ =	shalt  }
0x51: {  	_ =	shalt  }
0x52: {  	_ =	shalt  }
0x53: {  	_ =	shalt  }
0x54: {  	_ =	shalt  }
0x55: {  	_ =	shalt  }
0x56: {  	_ =	shalt  }
0x57: {  	_ =	shalt  }
0x58: {  	_ =	shalt  }
0x59: {  	_ =	shalt  }
0x5a: {  	_ =	shalt  }
0x5b: {  	_ =	shalt  }
0x5c: {  	_ =	shalt  }
0x5d: {  	_ =	shalt  }
0x5e: {  	_ =	shalt  }
0x5f: {  	_ =	shalt  }
0x60: {  	_ =	shalt  }
0x61: {  	_ =	shalt  }
0x62: {  	_ =	shalt  }
0x63: {  	_ =	shalt  }
0x64: {  	_ =	shalt  }
0x65: {  	_ =	shalt  }
0x66: {  	_ =	shalt  }
0x67: {  	_ =	shalt  }
0x68: {  	_ =	shalt  }
0x69: {  	_ =	shalt  }
0x6a: {  	_ =	shalt  }
0x6b: {  	_ =	shalt  }
0x6c: {  	_ =	shalt  }
0x6d: {  	_ =	shalt  }
0x6e: {  	_ =	shalt  }
0x6f: {  	_ =	shalt  }
0x70: {  	_ =	shalt  }
0x71: {  	_ =	shalt  }
0x72: {  	_ =	shalt  }
0x73: {  	_ =	shalt  }
0x74: {  	_ =	shalt  }
0x75: {  	_ =	shalt  }
0x76: {  	_ =	shalt  }
0x77: {  	_ =	shalt  }
0x78: {  	_ =	shalt  }
0x79: {  	_ =	shalt  }
0x7a: {  	_ =	shalt  }
0x7b: {  	_ =	shalt  }
0x7c: {  	_ =	shalt  }
0x7d: {  	_ =	shalt  }
0x7e: {  	_ =	shalt  }
0x7f: {  	_ =	shalt  }
0x80: {  	_ =	shalt  }
0x81: {  	_ =	shalt  }
0x82: {  	_ =	shalt  }
0x83: {  	_ =	shalt  }
0x84: {  	_ =	shalt  }
0x85: {  	_ =	shalt  }
0x86: {  	_ =	shalt  }
0x87: {  	_ =	shalt  }
.Lfunc_end0:
.L_simem_size_0:
called_computation_lowered:
.L_overlay_start_0:
0x88: {  	s2 =	sld [smem:$0x3FD9]  }
0x89: {  	s3 =	sld [smem:$0x3FFE];
	_ =	sdelay $0x1  }
0x8a: {  	s1 =	srdreg.scid  }
0x8b: {  	s0 =	sand.u32 $0x1, s1  }
0x8c: {  	s14 =	sshll.u32 s0, $0xA;
	s2 =	sadd.s32 s3, s2  }
0x8d: {  	s2 =	sadd.s32 s2, s14  }
0x8e: {  	[smem:$0x3FB3] =	sst s2  }
0x8f: {  	_ = 	snop  }
0x90: {  	s2 =	sld [smem:$0x3FD0];
	_ =	sdelay $0x2  }
0x91: {  	s15 =	simm.s32 $0xA;
	s4 =	simm.s32 $0x10  }
0x92: {  	[smem:s4], [sflag:s15] =	dma.local [hbm:s2], $0x1  }
0x93: {  	_ =	swait.eq [sflag:s15], $0x1  }
0x94: {  	s16 =	sld [smem:$0x13]  }
0x95: {  	s17 =	sld [smem:$0x14]  }
0x96: {  	s5 =	sld [smem:$0x15];
	[sflag:s15] =	ssyncset.done $0x0  }
0x97: {  	s6 =	sld [smem:$0x16];
	[sflag:s15] =	ssyncadd.s32 $0xFFFFFFFF  }
0x98: {  	s18 =	sld [smem:$0x17];
	(tm) =	ssettm $0x1  }
0x99: {  	s7 =	sld [smem:$0x3FFB];
	_ =	sdelay $0x3  }
0x9a: {  	_ =	strace s7  }
0x9b: {  	s7 =	sld [smem:$0x3FFC];
	_ =	sdelay $0x3  }
0x9c: {  	_ =	strace s7  }
0x9d: {  	s7 =	sld [smem:$0x3FFD];
	_ =	sdelay $0x3  }
0x9e: {  	_ =	strace s7  }
0x9f: {  	_ =	strace $0x8FFFFFFF  }
0xa0: {  	s19 =	sld [smem:$0x3FDB];
	_ =	sdelay $0x1  }
0xa1: {  	s8 =	simm.s32 $_scs_section_size  }
0xa2: {  	s9 =	simm.s32 $_size__tile_overlayer_lowered;
	s10 =	simm.s32 $_tile_overlayer_lowered  }
0xa3: {  	s22 =	simm.s32 $0x1BFF;
	s21 =	sshll.u32 s10, $0x1;
	s7 =	sadd.s32 s8, s19  }
0xa4: {  	s11 =	simm.s32 $0x0;
	s20 =	sshll.u32 s9, $0x1;
	s9 =	sadd.s32 s21, s7  }
0xa5: {  	[timem:s11], [sflag:s22] =	dma.local [hbm:s9], s20  }
0xa6: {  	_ =	swait.ge [sflag:s22], s20  }
0xa7: {  	s8 =	ssub.s32 $0x0, s20;
	[sflag:s22] =	ssyncset.done $0x0  }
0xa8: {  	[sflag:s22] =	ssyncadd.s32 s8;
	_ =	sdelay $0x1  }
0xa9: {  	s23 =	simm.s32 $0x1B8B  }
0xaa: {  	_ =	swait.ge [sflag:s23], $0x1  }
0xab: {  	[sflag:s23] =	ssyncset.done $0x0  }
0xac: {  	s25 =	simm.s32 $0x1B8E;
	s24 =	sld [smem:$0x3FFE];
	[sflag:s23] =	ssyncadd.s32 $0xFFFFFFFF  }
0xad: {  	s26 =	simm.s32 $execute0_lowered;
	[smem:$0x3FD2] =	sst s25  }
0xae: {  	s9 =	sshll.u32 s26, $0x1;
	_ =	strace $0x80000046;
	[dreg:$0x1] =	wrdreg $0xFFFFFFFF  }
0xaf: {  	s28 =	simm.s32 $_size_execute0_lowered;
	s7 =	sadd.s32 s7, s9;
	[dreg:$0x0] =	wrdreg $0x0  }
0xb0: {  	s9 =	sshll.u32 s28, $0x1;
	[dreg:$0x2] =	wrdreg s7  }
0xb1: {  	[dreg:$0x3] =	wrdreg s9  }
0xb2: {  	[dreg:$0x4] =	wrdreg $0xC0  }
0xb3: {  	_ =	task [dreg:s11], $0x5FFFF  }
0xb4: {  	[dreg:$0x1] =	wrdreg $0xFFFFFFFF  }
0xb5: {  	[dreg:$0x0] =	wrdreg $0x60  }
0xb6: {  	[dreg:$0x2] =	wrdreg s17  }
0xb7: {  	[dreg:$0x3] =	wrdreg s6  }
0xb8: {  	[dreg:$0x4] =	wrdreg s16  }
0xb9: {  	[dreg:$0x5] =	wrdreg s18  }
0xba: {  	[dreg:$0x6] =	wrdreg s24  }
0xbb: {  	[dreg:$0x7] =	wrdreg s5  }
0xbc: {  	[dreg:$0x8] =	wrdreg $0x9D000  }
0xbd: {  	[dreg:$0x9] =	wrdreg $0x1DD000  }
0xbe: {  	[dreg:$0xa] =	wrdreg $0x9  }
0xbf: {  	_ =	task.clear_ibuf [dreg:s11], $0xBFFFF;
	_ =	strace $0x90000046  }
0xc0: {  	s29 =	simm.s32 $0x9;
	_ =	strace $0x80000048  }
0xc1: {  	_ =	swait.ge [sflag:s29], $0x1  }
0xc2: {  	[sflag:s29] =	ssyncadd.s32 $0xFFFFFFFF  }
0xc3: {  	_ =	strace $0x90000048  }
0xc4: {  	_ =	sfence  }
0xc5: {  	s30 =	sld [smem:$0x0];
	_ =	sdelay $0x2  }
0xc6: {  	s31 =	sshll.u32 s1, $0xD;
	s1 =	sshrl.u32 s1, $0x2  }
0xc7: {  	s3 =	sand.u32 $0x4000, s31;
	s1 =	sadd.s32 s1, s30  }
0xc8: {  	s0 =	sor.u32 s3, s0;
	s1 =	sshll.u32 s1, $0x11  }
0xc9: {  	s0 =	sor.u32 s1, s0  }
0xca: {  	s0 =	sadd.s32 $0x8F2B, s0  }
0xcb: {  	[sflag:s0] =	ssyncadd.remote.s32 $0x1  }
0xcc: {  	_ =	sfence.sel $0xFFFF  }
0xcd: {  	[dreg:$0x0] =	wrdreg $0xFFFFFFFF;
	(pc) =	sbr.abs _section_cstart, $3  }
0xce: {  	[dreg:$0x1] =	wrdreg $0xFFFFFFFF  }
0xcf: {  	_ =	task.clear_ibuf [dreg:s11], $0x2FFFF;
	_ =	strace $0x9FFFFFFF  }
0xd0: {  	(tm) =	ssettm $0x7FFFFFFF  }
0xd1: {  	_ =	shalt  }
tec
execute0_lowered:
.L_overlay_start_1:
0x0: {  	(tag) =	ssettag $0x1  }
0x1: {  	s0 =	rddreg [dreg:$0x0]  }
0x2: {  	s2 =	rddreg [dreg:$0x1]  }
0x3: {  	s3 =	rddreg [dreg:$0x2]  }
0x4: {  	s1 =	rddreg [dreg:$0x3]  }
0x5: {  	s7 =	rddreg [dreg:$0x4]  }
0x6: {  	s8 =	rddreg [dreg:$0x5];
	s5 =	srdreg.scid  }
0x7: {  	s4 =	rddreg [dreg:$0x6];
	s21 =	stileid.u32  }
0x8: {  	s6 =	simm.s32 $0x0;
	s28 =	simm.s32 $0x5800;
	s29 =	simm.s32 $0x5900  }
0x9: {  	s30 =	simm.s32 $0x5880;
	s31 =	simm.s32 $0x5980;
	s12 =	smul.u32 $0x50000, s21  }
0xa: {  	s15 =	sand.u32 $0x1, s5;
	s5 =	rddreg [dreg:$0x7];
	s14 =	smul.u32 $0x280, s21  }
0xb: {  	[smem:$0x7FF] =	sst s6;
	s7 =	sadd.s32 $0x4E00, s7;
	s13 =	smul.u32 $0x14000, s21  }
0xc: {  	s26 =	smul.u32 $0x500, s21;
	s9 =	sshll.u32 s15, $0x4;
	s10 =	ssub.s32 $0x2, s15  }
0xd: {  	_ =	strace $0x80000047;
	s25 =	smul.u32 $0x140000, s15;
	s15 =	sshll.u32 s15, $0x7  }
0xe: {  	s9 =	sor.u32 s21, s9;
	s11 =	sshrl.u32 s10, $0x1;
	s23 =	sshrl.u32 s12, $0x2  }
0xf: {  	s24 =	sshll.u32 s14, $0x7;
	s14 =	sadd.s32 s14, s5;
	s9 =	smul.u32 $0x580, s9  }
0x10: {  	s16 =	ssub.s32 s10, s11;
	s17 =	sadd.s32 $0x4000, s24;
	s18 =	sadd.s32 $0x8000, s24  }
0x11: {  	s19 =	sadd.s32 $0xC000, s24;
	s20 =	sadd.s32 s13, s25;
	s10 =	sadd.s32 s17, s4  }
0x12: {  	s11 =	sadd.s32 s18, s4;
	s12 =	sadd.s32 s19, s4;
	s20 =	sshrl.u32 s20, $0x3  }
0x13: {  	s17 =	sadd.s32 s25, s17;
	s18 =	sadd.s32 s25, s18;
	s2 =	sadd.s32 s2, s9  }
0x14: {  	s22 =	sadd.s32 s3, s9;
	s9 =	sadd.s32 s23, s4;
	s20 =	sadd.s32 s7, s20  }
0x15: {  	s17 =	sshrl.u32 s17, $0x3;
	s18 =	sshrl.u32 s18, $0x3;
	[dreg:$0x9] =	wrdreg s2  }
0x16: {  	s23 =	sor.u32 s15, s26;
	s26 =	smax.u32 s16, $0x1;
	[dreg:$0xa] =	wrdreg s22  }
0x17: {  	s16 =	simm.s32 $0x9A80;
	s2 =	sadd.s32 $0x10000, s24;
	[dreg:$0xb] =	wrdreg s20  }
0x18: {  	s17 =	sadd.s32 s7, s17;
	s21 =	sadd.s32 s7, s18;
	s22 =	sadd.s32 s25, s19  }
0x19: {  	s3 =	sshrl.u32 s23, $0x3;
	[dreg:$0x11] =	wrdreg s26;
	s26 =	simm.s32 $0x80  }
0x1a: {  	s23 =	simm.s32 $0x2;
	s13 =	sadd.s32 s2, s4;
	[dreg:$0xc] =	wrdreg s17  }
0x1b: {  	[dreg:$0xd] =	wrdreg s21;
	s2 =	sadd.s32 s25, s2;
	s24 =	sshrl.u32 s22, $0x3  }
0x1c: {  	s25 =	sadd.s32 s8, s3;
	s22 =	simm.s32 $0x3;
	s3 =	simm.s32 $0x5A00  }
0x1d: {  	s2 =	sshrl.u32 s2, $0x3;
	s15 =	sadd.s32 s7, s24;
	[dreg:$0x10] =	wrdreg s25  }
0x1e: {  	s24 =	simm.s32 $0x5A80;
	[dreg:$0xe] =	wrdreg s15;
	s2 =	sadd.s32 s7, s2  }
0x1f: {  	v0 =	vimm.f32 $0.0e+00;
	s7 =	simm.s32 $0x0;
	[dreg:$0xf] =	wrdreg s2;
	s2 =	simm.s32 $0x1  }
.LBB2_1:
0x20: {  	s8 =	rddreg [dreg:$0x9]  }
0x21: {  	[tilespmem:s6], [sflag:$0x3] =	stream.linear.gather [hbm4b:s8+s6], $0x2880, $0x38;
	[tilespmem:$0x1DF80] =	vst v63  }
0x22: {  	_ =	swait.ge [sflag:s22], $0x2880  }
0x23: {  	[sflag:s22] =	ssyncset.done $0x0  }
0x24: {  	s15 =	simm.s32 $0x2C00;
	s25 =	rddreg [dreg:$0xa];
	[sflag:s22] =	ssyncadd.s32 $0xFFFFD780  }
0x25: {  	[tilespmem:s15], [sflag:$0x3] =	stream.linear.gather [hbm4b:s25+s6], $0x2880, $0x38;
	[tilespmem:$0x1DF80] =	vst v63  }
0x26: {  	_ =	swait.ge [sflag:s22], $0x2880  }
0x27: {  	[sflag:s22] =	ssyncset.done $0x0  }
0x28: {  	s8 =	simm.s32 $0x0;
	s15 =	simm.s32 $0x200;
	[sflag:s22] =	ssyncadd.s32 $0xFFFFD780  }
.LBB2_2:
0x29: {  	p0 =	sne.s32 s15, $0xFE00;
	[tilespmem:s8+$0x5AF0] =	vst v0  }
0x2a: {  	[tilespmem:s8+$0x5A80] =	vst v0  }
0x2b: {  	[tilespmem:s8+$0x5A90] =	vst v0  }
.Ltmp0:
0x2c: {  	[tilespmem:s8+$0x5AA0] =	vst v0;
	(pc) =	sbr.rel @p0 .LBB2_2-.Ltmp0, $4  }
0x2d: {  	[tilespmem:s8+$0x5AB0] =	vst v0  }
0x2e: {  	[tilespmem:s8+$0x5AC0] =	vst v0  }
0x2f: {  	[tilespmem:s8+$0x5AD0] =	vst v0  }
0x30: {  	[tilespmem:s8+$0x5AE0] =	vst v0;
	s8 =	sshra.s32 s15, $0x2;
	s15 =	sadd.s32 $0x200, s15  }
0x31: {  	[tilespmem:s8+$0x5AF0] =	vst v0  }
0x32: {  	[tilespmem:s8+$0x5A80] =	vst v0  }
0x33: {  	[tilespmem:s8+$0x5A90] =	vst v0  }
0x34: {  	[tilespmem:s8+$0x5AA0] =	vst v0  }
0x35: {  	[tilespmem:s8+$0x5AB0] =	vst v0  }
0x36: {  	[tilespmem:s8+$0x5AC0] =	vst v0  }
0x37: {  	[tilespmem:s8+$0x5AD0] =	vst v0  }
0x38: {  	[tilespmem:s8+$0x5AE0] =	vst v0  }
0x39: {  	[tilespmem:$0x9A80] =	vst v0  }
0x3a: {  	[tilespmem:$0x9A90] =	vst v0  }
0x3b: {  	[tilespmem:$0x9AA0] =	vst v0  }
0x3c: {  	[tilespmem:$0x9AB0] =	vst v0  }
0x3d: {  	[tilespmem:$0x9AC0] =	vst v0  }
0x3e: {  	[tilespmem:$0x9AD0] =	vst v0  }
0x3f: {  	[tilespmem:$0x9AE0] =	vst v0  }
0x40: {  	[tilespmem:$0x9AF0] =	vst v0  }
0x41: {  	[tilespmem:$0x9B00] =	vst v0  }
0x42: {  	[tilespmem:$0x9B10] =	vst v0  }
0x43: {  	[tilespmem:$0x9B20] =	vst v0  }
0x44: {  	[tilespmem:$0x9B30] =	vst v0  }
0x45: {  	[tilespmem:$0x9B40] =	vst v0  }
0x46: {  	[tilespmem:$0x9B50] =	vst v0  }
0x47: {  	[tilespmem:$0x9B60] =	vst v0  }
0x48: {  	[tilespmem:$0x9B70] =	vst v0  }
0x49: {  	[tilespmem:$0x9B80] =	vst v0  }
0x4a: {  	[tilespmem:$0x9B90] =	vst v0  }
0x4b: {  	[tilespmem:$0x9BA0] =	vst v0  }
0x4c: {  	[tilespmem:$0x9BB0] =	vst v0  }
0x4d: {  	[tilespmem:$0x9BC0] =	vst v0  }
0x4e: {  	[tilespmem:$0x9BD0] =	vst v0  }
0x4f: {  	[tilespmem:$0x9BE0] =	vst v0  }
0x50: {  	[tilespmem:$0x9BF0] =	vst v0  }
0x51: {  	[tilespmem:$0x9C00] =	vst v0  }
0x52: {  	[tilespmem:$0x9C10] =	vst v0  }
0x53: {  	[tilespmem:$0x9C20] =	vst v0  }
0x54: {  	[tilespmem:$0x9C30] =	vst v0  }
0x55: {  	[tilespmem:$0x9C40] =	vst v0  }
0x56: {  	[tilespmem:$0x9C50] =	vst v0  }
0x57: {  	[tilespmem:$0x9C60] =	vst v0  }
0x58: {  	[tilespmem:$0x9C70] =	vst v0  }
0x59: {  	[tilespmem:$0x9C80] =	vst v0  }
0x5a: {  	[tilespmem:$0x9C90] =	vst v0  }
0x5b: {  	[tilespmem:$0x9CA0] =	vst v0  }
0x5c: {  	[tilespmem:$0x9CB0] =	vst v0  }
0x5d: {  	[tilespmem:$0x9CC0] =	vst v0  }
0x5e: {  	[tilespmem:$0x9CD0] =	vst v0  }
0x5f: {  	[tilespmem:$0x9CE0] =	vst v0  }
0x60: {  	[tilespmem:$0x9CF0] =	vst v0  }
0x61: {  	[spmem:s9] =	stream.linear.scatter [tilespmem:s24], [sflag:$0x3], $0x4000, $0x38;
	[tilespmem:$0x1DF80] =	vst v63  }
0x62: {  	_ =	swait.ge [sflag:s22], $0x4000  }
0x63: {  	[sflag:s22] =	ssyncset.done $0x0  }
0x64: {  	[sflag:s22] =	ssyncadd.s32 $0xFFFFC000  }
0x65: {  	[spmem:s10] =	stream.linear.scatter [tilespmem:s24], [sflag:$0x3], $0x4000, $0x38;
	[tilespmem:$0x1DF80] =	vst v63  }
0x66: {  	_ =	swait.ge [sflag:s22], $0x4000  }
0x67: {  	[sflag:s22] =	ssyncset.done $0x0  }
0x68: {  	[sflag:s22] =	ssyncadd.s32 $0xFFFFC000  }
0x69: {  	[spmem:s11] =	stream.linear.scatter [tilespmem:s24], [sflag:$0x3], $0x4000, $0x38;
	[tilespmem:$0x1DF80] =	vst v63  }
0x6a: {  	_ =	swait.ge [sflag:s22], $0x4000  }
0x6b: {  	[sflag:s22] =	ssyncset.done $0x0  }
0x6c: {  	[sflag:s22] =	ssyncadd.s32 $0xFFFFC000  }
0x6d: {  	[spmem:s12] =	stream.linear.scatter [tilespmem:s24], [sflag:$0x3], $0x4000, $0x38;
	[tilespmem:$0x1DF80] =	vst v63  }
0x6e: {  	_ =	swait.ge [sflag:s22], $0x4000  }
0x6f: {  	[sflag:s22] =	ssyncset.done $0x0  }
0x70: {  	[sflag:s22] =	ssyncadd.s32 $0xFFFFC000  }
0x71: {  	[spmem:s13] =	stream.linear.scatter [tilespmem:s24], [sflag:$0x3], $0x4000, $0x38;
	[tilespmem:$0x1DF80] =	vst v63  }
0x72: {  	_ =	swait.ge [sflag:s22], $0x4000  }
0x73: {  	[sflag:s22] =	ssyncset.done $0x0  }
0x74: {  	[sflag:s22] =	ssyncadd.s32 $0xFFFFC000  }
0x75: {  	[spmem:s14] =	stream.linear.scatter [tilespmem:s16], [sflag:$0x3], $0x280, $0x38;
	[tilespmem:$0x1DF80] =	vst v63  }
0x76: {  	_ =	swait.ge [sflag:s22], $0x280  }
0x77: {  	[sflag:s22] =	ssyncset.done $0x0  }
0x78: {  	[sflag:s22] =	ssyncadd.s32 $0xFFFFFD80  }
0x79: {  	s8 =	simm.s32 $0x0;
	s15 =	simm.s32 $0x0;
	[bflag:$0x0] =	sbarrier.arrive $0xFFFF  }
.LBB2_4:
0x7a: {  	s16 =	sshll.u32 s15, $0x7  }
0x7b: {  	v1 =	vld [tilespmem:s16+$0x0]  }
0x7c: {  	v2 =	vld [tilespmem:s16+$0x2C00];
	_ =	sdelay $0x4  }
0x7d: {  	v1 =	vshll.u32 v1, $0x1;
	v2 =	vshll.u32 v2, $0x1  }
0x7e: {  	[tilespmem:$0x5800] =	vst v1;
	v1 =	vor.u32 $0x1, v2  }
0x7f: {  	[tilespmem:$0x5880] =	vst v1  }
0x80: {  	v1 =	vld [tilespmem:s16+$0x10]  }
0x81: {  	v2 =	vld [tilespmem:s16+$0x2C10];
	_ =	sdelay $0x4  }
0x82: {  	v1 =	vshll.u32 v1, $0x1;
	v2 =	vshll.u32 v2, $0x1  }
0x83: {  	[tilespmem:$0x5810] =	vst v1;
	v1 =	vor.u32 $0x1, v2  }
0x84: {  	[tilespmem:$0x5890] =	vst v1  }
0x85: {  	v1 =	vld [tilespmem:s16+$0x20]  }
0x86: {  	v2 =	vld [tilespmem:s16+$0x2C20];
	_ =	sdelay $0x4  }
0x87: {  	v1 =	vshll.u32 v1, $0x1;
	v2 =	vshll.u32 v2, $0x1  }
0x88: {  	[tilespmem:$0x5820] =	vst v1;
	v1 =	vor.u32 $0x1, v2  }
0x89: {  	[tilespmem:$0x58A0] =	vst v1  }
0x8a: {  	v1 =	vld [tilespmem:s16+$0x30]  }
0x8b: {  	v2 =	vld [tilespmem:s16+$0x2C30];
	_ =	sdelay $0x4  }
0x8c: {  	v1 =	vshll.u32 v1, $0x1;
	v2 =	vshll.u32 v2, $0x1  }
0x8d: {  	[tilespmem:$0x5830] =	vst v1;
	v1 =	vor.u32 $0x1, v2  }
0x8e: {  	[tilespmem:$0x58B0] =	vst v1  }
0x8f: {  	v1 =	vld [tilespmem:s16+$0x40]  }
0x90: {  	v2 =	vld [tilespmem:s16+$0x2C40];
	_ =	sdelay $0x4  }
0x91: {  	v1 =	vshll.u32 v1, $0x1;
	v2 =	vshll.u32 v2, $0x1  }
0x92: {  	[tilespmem:$0x5840] =	vst v1;
	v1 =	vor.u32 $0x1, v2  }
0x93: {  	[tilespmem:$0x58C0] =	vst v1  }
0x94: {  	v1 =	vld [tilespmem:s16+$0x50]  }
0x95: {  	v2 =	vld [tilespmem:s16+$0x2C50];
	_ =	sdelay $0x4  }
0x96: {  	v1 =	vshll.u32 v1, $0x1;
	v2 =	vshll.u32 v2, $0x1  }
0x97: {  	[tilespmem:$0x5850] =	vst v1;
	v1 =	vor.u32 $0x1, v2  }
0x98: {  	[tilespmem:$0x58D0] =	vst v1  }
0x99: {  	v1 =	vld [tilespmem:s16+$0x60]  }
0x9a: {  	v2 =	vld [tilespmem:s16+$0x2C60];
	_ =	sdelay $0x4  }
0x9b: {  	v1 =	vshll.u32 v1, $0x1;
	v2 =	vshll.u32 v2, $0x1  }
0x9c: {  	[tilespmem:$0x5860] =	vst v1;
	v1 =	vor.u32 $0x1, v2  }
0x9d: {  	[tilespmem:$0x58E0] =	vst v1  }
0x9e: {  	v1 =	vld [tilespmem:s16+$0x70]  }
0x9f: {  	v2 =	vld [tilespmem:s16+$0x2C70];
	_ =	sdelay $0x4  }
0xa0: {  	v1 =	vshll.u32 v1, $0x1;
	v2 =	vshll.u32 v2, $0x1  }
0xa1: {  	[tilespmem:$0x5870] =	vst v1;
	v1 =	vor.u32 $0x1, v2  }
0xa2: {  	[tilespmem:$0x58F0] =	vst v1  }
0xa3: {  	[tilespmem:s24], [sflag:$0x2] =	stream.indirect.gather [hbm4b:s0+s26], $0x80, s16, s26, $0xb8;
	[tilespmem:$0x1DF80] =	vst v63  }
0xa4: {  	_ = 	snop  }
0xa5: {  	[tilespmem:s29], [sflag:$0x1] =	stream.indirect.gather [hbm4b:s1+s26], $0x1, s28, s26, $0xb8;
	[tilespmem:$0x1DF80] =	vst v63  }
0xa6: {  	_ = 	snop  }
0xa7: {  	[tilespmem:s31], [sflag:$0x1] =	stream.indirect.gather [hbm4b:s1+s26], $0x1, s30, s26, $0xb8;
	[tilespmem:$0x1DF80] =	vst v63  }
0xa8: {  	_ =	swait.ge [sflag:s2], $0x80  }
0xa9: {  	[sflag:s2] =	ssyncset.done $0x0  }
0xaa: {  	[sflag:s2] =	ssyncadd.s32 $0xFFFFFF80  }
0xab: {  	_ =	swait.ge [sflag:s2], $0x80  }
0xac: {  	[sflag:s2] =	ssyncset.done $0x0  }
0xad: {  	[sflag:s2] =	ssyncadd.s32 $0xFFFFFF80  }
0xae: {  	v1 =	vld [tilespmem:$0x5900]  }
0xaf: {  	v2 =	vld [tilespmem:$0x5980]  }
0xb0: {  	v3 =	vld [tilespmem:$0x5910]  }
0xb1: {  	v4 =	vld [tilespmem:$0x5990]  }
0xb2: {  	v5 =	vld [tilespmem:$0x5920]  }
0xb3: {  	v6 =	vld [tilespmem:$0x59A0]  }
0xb4: {  	v7 =	vld [tilespmem:$0x59B0];
	v1 =	vadd.f32 v2, v1  }
0xb5: {  	v2 =	vld [tilespmem:$0x5930]  }
0xb6: {  	v8 =	vmul.f32 $2.000000030e-01, v1  }
0xb7: {  	v9 =	vld [tilespmem:$0x5940];
	vm0 =	vgt.f32 v1, $0.0e+00  }
0xb8: {  	v10 =	vld [tilespmem:$0x59C0];
	v3 =	vadd.f32 v4, v3;
	v1 =	vsel vm0, v1, v8  }
0xb9: {  	v4 =	vld [tilespmem:$0x5950];
	v1 =	vmul.f32 $1.442695020e+00, v1  }
0xba: {  	v5 =	vadd.f32 v6, v5;
	v6 =	vld [tilespmem:$0x59D0];
	v8 =	vmul.f32 $2.000000030e-01, v3;
	v2 =	vadd.f32 v7, v2  }
0xbb: {  	v11 =	vld [tilespmem:$0x59E0];
	vm9 =	vgt.f32 v3, $0.0e+00;
	(erf) = vpow2.f32 v1  }
0xbc: {  	v12 =	vld [tilespmem:$0x5970];
	v3 =	vsel vm9, v3, v8;
	v1 =	vmul.f32 $2.000000030e-01, v5;
	v8 =	vmul.f32 $2.000000030e-01, v2  }
0xbd: {  	vm10 =	vgt.f32 v5, $0.0e+00;
	v7 =	vld [tilespmem:$0x5960];
	v3 =	vmul.f32 $1.442695020e+00, v3;
	vm11 =	vgt.f32 v2, $0.0e+00  }
0xbe: {  	v1 =	vsel vm10, v5, v1;
	v5 =	vld [tilespmem:$0x59F0];
	v2 =	vsel vm11, v2, v8  }
0xbf: {  	(erf) = vpow2.f32 v3;
	v3 =	vadd.f32 v6, v4;
	v1 =	vmul.f32 $1.442695020e+00, v1  }
0xc0: {  	v8 =	vadd.f32 v10, v9;
	v2 =	vmul.f32 $1.442695020e+00, v2  }
0xc1: {  	v4 =	vmul.f32 $2.000000030e-01, v3;
	(erf) = vpow2.f32 v1  }
0xc2: {  	v1 =	vmul.f32 $2.000000030e-01, v8;
	(erf) = vpow2.f32 v2;
	v2 =	vadd.f32 v11, v7  }
0xc3: {  	vm12 =	vgt.f32 v8, $0.0e+00;
	vm13 =	vgt.f32 v3, $0.0e+00;
	v5 =	vadd.f32 v5, v12  }
0xc4: {  	v3 =	vsel vm13, v3, v4;
	v1 =	vsel vm12, v8, v1;
	v6 =	vmul.f32 $2.000000030e-01, v2  }
0xc5: {  	v1 =	vmul.f32 $1.442695020e+00, v1;
	vm14 =	vgt.f32 v2, $0.0e+00;
	v4 =	vmul.f32 $2.000000030e-01, v5  }
0xc6: {  	v3 =	vmul.f32 $1.442695020e+00, v3;
	vm15 =	vgt.f32 v5, $0.0e+00;
	v2 =	vsel vm14, v2, v6  }
0xc7: {  	(erf) = vpow2.f32 v1;
	v1 =	vmul.f32 $1.442695020e+00, v2;
	v2 =	vsel vm15, v5, v4  }
0xc8: {  	(erf) = vpow2.f32 v3;
	v2 =	vmul.f32 $1.442695020e+00, v2  }
0xc9: {  	(erf) = vpow2.f32 v1  }
0xca: {  	(erf) = vpow2.f32 v2;
	_ =	sdelay $0x1  }
0xcb: {  	v1 =	vpop (erf)  }
0xcc: {  	v2 =	vpop (erf);
	[tilespmem:$0x5A00] =	vst v1  }
0xcd: {  	v1 =	vpop (erf);
	[tilespmem:$0x5A10] =	vst v2  }
0xce: {  	v2 =	vpop (erf);
	[tilespmem:$0x5A20] =	vst v1  }
0xcf: {  	v1 =	vpop (erf);
	[tilespmem:$0x5A30] =	vst v2  }
0xd0: {  	v2 =	vpop (erf);
	[tilespmem:$0x5A40] =	vst v1  }
0xd1: {  	[tilespmem:$0x5A50] =	vst v2;
	v1 =	vpop (erf)  }
0xd2: {  	[tilespmem:$0x5A60] =	vst v1;
	v1 =	vpop (erf)  }
0xd3: {  	s16 =	sadd.s32 $0x2C00, s16;
	[tilespmem:$0x5A70] =	vst v1  }
0xd4: {  	v1 =	vmov s8;
	[spmem:s5] =	stream.indirect.scatter.add.f32 [tilespmem:s3], [sflag:$0x3], $0x1, s16, s26, $0xb8;
	[tilespmem:$0x1DF80] =	vst v63  }
0xd5: {  	v1 =	vand.u32 $0xFFFFFFFC, v1;
	_ =	swait.ge [sflag:s22], $0x80  }
0xd6: {  	v1 =	vbroadcast v1, $0x0;
	[sflag:s22] =	ssyncset.done $0x0  }
0xd7: {  	[sflag:s22] =	ssyncadd.s32 $0xFFFFFF80  }
0xd8: {  	_ =	swait.ge [sflag:s23], $0x4000  }
0xd9: {  	[sflag:s23] =	ssyncset.done $0x0  }
0xda: {  	s17 =	simm.s32 $0x5B80;
	[sflag:s23] =	ssyncadd.s32 $0xFFFFC000  }
0xdb: {  	v2 =	vld [tilespmem:s17+$0xFFFFFF70]  }
0xdc: {  	v1 =	vld.idx.msk [tilespmem:v1+s3+$0x0], $0xffff  }
0xdd: {  	v3 =	vld [tilespmem:s17+$0xFFFFFF00]  }
0xde: {  	v4 =	vld [tilespmem:s17+$0xFFFFFF20]  }
0xdf: {  	v5 =	vld [tilespmem:s17+$0xFFFFFF50]  }
0xe0: {  	v6 =	vld [tilespmem:s17+$0xFFFFFF40]  }
0xe1: {  	v7 =	vld [tilespmem:s17+$0xFFFFFF60];
	v2 =	vmul.f32 v2, v1  }
0xe2: {  	s18 =	simm.s32 $0x1;
	v8 =	vld [tilespmem:s17+$0xFFFFFF30];
	v3 =	vmul.f32 v3, v1  }
0xe3: {  	v61 =	vld [tilespmem:s17+$0xFFFFFF10];
	v4 =	vmul.f32 v4, v1;
	[tilespmem:s17+$0xFFFFFF70] =	vst v2;
	v2 =	vmov s18  }
0xe4: {  	v5 =	vmul.f32 v5, v1;
	[tilespmem:s17+$0xFFFFFF00] =	vst v3;
	v2 =	vand.u32 $0xFFFFFFFD, v2  }
0xe5: {  	v3 =	vmul.f32 v6, v1;
	[tilespmem:s17+$0xFFFFFF20] =	vst v4;
	v2 =	vbroadcast v2, $0x0  }
0xe6: {  	v4 =	vmul.f32 v7, v1;
	[tilespmem:s17+$0xFFFFFF50] =	vst v5  }
0xe7: {  	v5 =	vmul.f32 v8, v1;
	[tilespmem:s17+$0xFFFFFF40] =	vst v3  }
0xe8: {  	v1 =	vmul.f32 v61, v1;
	[tilespmem:s17+$0xFFFFFF60] =	vst v4  }
0xe9: {  	[tilespmem:s17+$0xFFFFFF30] =	vst v5  }
0xea: {  	[tilespmem:s17+$0xFFFFFF10] =	vst v1;
	v1 =	vld [tilespmem:s17+$0xFFFFFF90]  }
0xeb: {  	v3 =	vld.idx.msk [tilespmem:v2+s3+$0x0], $0xffff  }
0xec: {  	v2 =	vld [tilespmem:s17+$0xFFFFFFA0]  }
0xed: {  	v4 =	vld [tilespmem:s17+$0xFFFFFF80]  }
0xee: {  	v5 =	vld [tilespmem:s17+$0xFFFFFFB0]  }
0xef: {  	v6 =	vld [tilespmem:s17+$0xFFFFFFC0]  }
0xf0: {  	v7 =	vld [tilespmem:s17+$0xFFFFFFD0];
	v1 =	vmul.f32 v1, v3  }
0xf1: {  	s25 =	simm.s32 $0x2;
	v8 =	vld [tilespmem:s17+$0xFFFFFFF0];
	v2 =	vmul.f32 v2, v3  }
0xf2: {  	v62 =	vld [tilespmem:s17+$0xFFFFFFE0];
	v4 =	vmul.f32 v4, v3;
	[tilespmem:s17+$0xFFFFFF90] =	vst v1;
	v1 =	vmov s25  }
0xf3: {  	v5 =	vmul.f32 v5, v3;
	[tilespmem:s17+$0xFFFFFFA0] =	vst v2;
	v1 =	vand.u32 $0xFFFFFFFE, v1  }
0xf4: {  	v2 =	vmul.f32 v6, v3;
	[tilespmem:s17+$0xFFFFFF80] =	vst v4;
	v6 =	vld [tilespmem:s17+$0x60];
	v63 =	vbroadcast v1, $0x0  }
0xf5: {  	v4 =	vmul.f32 v7, v3;
	[tilespmem:s17+$0xFFFFFFB0] =	vst v5;
	v7 =	vld [tilespmem:s17+$0x0]  }
0xf6: {  	v5 =	vmul.f32 v8, v3;
	v1 =	vld [tilespmem:s17+$0x20];
	[tilespmem:s17+$0xFFFFFFC0] =	vst v2  }
0xf7: {  	v3 =	vmul.f32 v62, v3;
	v2 =	vld [tilespmem:s17+$0x30];
	[tilespmem:s17+$0xFFFFFFD0] =	vst v4  }
0xf8: {  	[tilespmem:s17+$0xFFFFFFF0] =	vst v5;
	v4 =	vld [tilespmem:s17+$0x40]  }
0xf9: {  	[tilespmem:s17+$0xFFFFFFE0] =	vst v3;
	v5 =	vld [tilespmem:s17+$0x10]  }
0xfa: {  	s19 =	simm.s32 $0x4;
	s20 =	simm.s32 $0x5B80;
	s18 =	simm.s32 $0x0;
	v3 =	vld.idx.msk [tilespmem:v63+s3+$0x0], $0xffff  }
.LBB2_5:
0xfb: {  	p0 =	slt.u32 s19, $0x7C  }
0xfc: {  	v8 =	vld [tilespmem:s17+$0x50];
	s20 =	sadd.s32 $0x200, s20;
	s21 =	smov.u32 s19;
	s19 =	sadd.s32 $0x4, s19  }
0xfd: {  	v9 =	vld [tilespmem:s17+$0x70];
	_ =	sdelay $0x1  }
0xfe: {  	v6 =	vmul.f32 v6, v3;
	v7 =	vmul.f32 v7, v3  }
0xff: {  	v4 =	vmul.f32 v4, v3;
	v5 =	vmul.f32 v5, v3  }
0x100: {  	v1 =	vmul.f32 v1, v3;
	v2 =	vmul.f32 v2, v3;
	[tilespmem:s17+$0x60] =	vst v6  }
0x101: {  	[tilespmem:s17+$0x40] =	vst v4;
	v4 =	vmul.f32 v8, v3;
	v3 =	vmul.f32 v9, v3  }
0x102: {  	s25 =	sadd.s32 $0x3, s18;
	s18 =	smov.u32 s21;
	[tilespmem:s17+$0x20] =	vst v1;
	v6 =	vld [tilespmem:s17+$0x80]  }
0x103: {  	v1 =	vld [tilespmem:s20+$0x20];
	[tilespmem:s17+$0x0] =	vst v7;
	v7 =	vmov s25  }
0x104: {  	[tilespmem:s17+$0x50] =	vst v4;
	v4 =	vld [tilespmem:s17+$0xE0]  }
0x105: {  	[tilespmem:s17+$0x30] =	vst v2;
	v8 =	vld [tilespmem:s17+$0xC0]  }
0x106: {  	v2 =	vld [tilespmem:s20+$0x30];
	[tilespmem:s17+$0x10] =	vst v5  }
0x107: {  	[tilespmem:s17+$0x70] =	vst v3;
	v3 =	vld [tilespmem:s17+$0xA0]  }
0x108: {  	v5 =	vld.idx.msk [tilespmem:v7+s3+$0x0], $0xffff  }
0x109: {  	v7 =	vld [tilespmem:s17+$0x90]  }
0x10a: {  	v9 =	vld [tilespmem:s17+$0xB0]  }
0x10b: {  	v10 =	vld [tilespmem:s17+$0xD0]  }
0x10c: {  	v11 =	vld [tilespmem:s17+$0xF0];
	_ =	sdelay $0x1  }
0x10d: {  	v6 =	vmul.f32 v6, v5;
	v7 =	vmul.f32 v7, v5  }
0x10e: {  	v3 =	vmul.f32 v3, v5;
	v9 =	vmul.f32 v9, v5  }
0x10f: {  	v12 =	vmov s18;
	[tilespmem:s17+$0x80] =	vst v6;
	v6 =	vmul.f32 v8, v5;
	v8 =	vmul.f32 v10, v5  }
0x110: {  	v10 =	vand.u32 $0xFFFFFFFC, v12;
	[tilespmem:s17+$0xA0] =	vst v3;
	v3 =	vmul.f32 v4, v5;
	v4 =	vmul.f32 v11, v5  }
0x111: {  	v5 =	vbroadcast v10, $0x0;
	[tilespmem:s17+$0xC0] =	vst v6  }
0x112: {  	[tilespmem:s17+$0xF0] =	vst v4  }
0x113: {  	v4 =	vld [tilespmem:s20+$0xFFFFFF40];
	[tilespmem:s17+$0xE0] =	vst v3  }
0x114: {  	v3 =	vld [tilespmem:s20+$0xFFFFFF50];
	[tilespmem:s17+$0x90] =	vst v7  }
0x115: {  	v6 =	vld [tilespmem:s20+$0xFFFFFF60];
	[tilespmem:s17+$0xB0] =	vst v9  }
0x116: {  	v7 =	vld [tilespmem:s20+$0xFFFFFF70];
	[tilespmem:s17+$0xD0] =	vst v8;
	s17 =	smov.u32 s20  }
0x117: {  	v5 =	vld.idx.msk [tilespmem:v5+s3+$0x0], $0xffff  }
0x118: {  	v8 =	vld [tilespmem:s20+$0xFFFFFF00]  }
0x119: {  	v9 =	vld [tilespmem:s20+$0xFFFFFF20]  }
0x11a: {  	v10 =	vld [tilespmem:s20+$0xFFFFFF10]  }
0x11b: {  	v11 =	vld [tilespmem:s20+$0xFFFFFF30];
	_ =	sdelay $0x1  }
0x11c: {  	v7 =	vmul.f32 v7, v5;
	v8 =	vmul.f32 v8, v5  }
0x11d: {  	s21 =	sadd.s32 $0x1, s18;
	v6 =	vmul.f32 v6, v5;
	v9 =	vmul.f32 v9, v5  }
0x11e: {  	v3 =	vmul.f32 v3, v5;
	v10 =	vmul.f32 v10, v5;
	[tilespmem:s20+$0xFFFFFF70] =	vst v7;
	v7 =	vmov s21  }
0x11f: {  	v4 =	vmul.f32 v4, v5;
	[tilespmem:s20+$0xFFFFFF00] =	vst v8;
	v8 =	vmul.f32 v11, v5;
	v5 =	vand.u32 $0xFFFFFFFD, v7  }
0x120: {  	[tilespmem:s20+$0xFFFFFF20] =	vst v9;
	v5 =	vbroadcast v5, $0x0  }
0x121: {  	[tilespmem:s20+$0xFFFFFF50] =	vst v3  }
0x122: {  	[tilespmem:s20+$0xFFFFFF40] =	vst v4;
	v3 =	vld [tilespmem:s20+$0xFFFFFFF0]  }
0x123: {  	[tilespmem:s20+$0xFFFFFF60] =	vst v6;
	v4 =	vld [tilespmem:s20+$0xFFFFFFC0]  }
0x124: {  	[tilespmem:s20+$0xFFFFFF30] =	vst v8;
	v6 =	vld [tilespmem:s20+$0xFFFFFFD0]  }
0x125: {  	[tilespmem:s20+$0xFFFFFF10] =	vst v10;
	v7 =	vld [tilespmem:s20+$0xFFFFFF90]  }
0x126: {  	v5 =	vld.idx.msk [tilespmem:v5+s3+$0x0], $0xffff  }
0x127: {  	v8 =	vld [tilespmem:s20+$0xFFFFFF80]  }
0x128: {  	v9 =	vld [tilespmem:s20+$0xFFFFFFA0]  }
0x129: {  	v10 =	vld [tilespmem:s20+$0xFFFFFFB0]  }
0x12a: {  	v11 =	vld [tilespmem:s20+$0xFFFFFFE0];
	_ =	sdelay $0x1  }
0x12b: {  	v7 =	vmul.f32 v7, v5;
	v8 =	vmul.f32 v8, v5  }
0x12c: {  	s21 =	sadd.s32 $0x2, s18;
	v6 =	vmul.f32 v6, v5;
	v9 =	vmul.f32 v9, v5  }
0x12d: {  	v4 =	vmul.f32 v4, v5;
	[tilespmem:s20+$0xFFFFFF90] =	vst v7;
	v7 =	vmul.f32 v10, v5;
	v10 =	vmov s21  }
0x12e: {  	v3 =	vmul.f32 v3, v5;
	[tilespmem:s20+$0xFFFFFFA0] =	vst v9;
	v9 =	vmul.f32 v11, v5;
	v5 =	vand.u32 $0xFFFFFFFE, v10  }
0x12f: {  	[tilespmem:s20+$0xFFFFFF80] =	vst v8;
	v5 =	vbroadcast v5, $0x0  }
0x130: {  	[tilespmem:s20+$0xFFFFFFB0] =	vst v7  }
0x131: {  	[tilespmem:s20+$0xFFFFFFC0] =	vst v4  }
0x132: {  	[tilespmem:s20+$0xFFFFFFD0] =	vst v6  }
.Ltmp1:
0x133: {  	[tilespmem:s20+$0xFFFFFFF0] =	vst v3;
	v4 =	vld [tilespmem:s20+$0x40];
	(pc) =	sbr.rel @p0 .LBB2_5-.Ltmp1, $4  }
0x134: {  	[tilespmem:s20+$0xFFFFFFE0] =	vst v9;
	v6 =	vld [tilespmem:s20+$0x60]  }
0x135: {  	v3 =	vld.idx.msk [tilespmem:v5+s3+$0x0], $0xffff  }
0x136: {  	v7 =	vld [tilespmem:s20+$0x0]  }
0x137: {  	v5 =	vld [tilespmem:s20+$0x10]  }
0x138: {  	_ =	sdelay $0x1  }
0x139: {  	v6 =	vmul.f32 v6, v3  }
0x13a: {  	v8 =	vld [tilespmem:s17+$0x50];
	v4 =	vmul.f32 v4, v3  }
0x13b: {  	v9 =	vld [tilespmem:s17+$0x70];
	v1 =	vmul.f32 v1, v3;
	[tilespmem:s17+$0x60] =	vst v6  }
0x13c: {  	v54 =	vmul.f32 v7, v3;
	[tilespmem:s17+$0x40] =	vst v4  }
0x13d: {  	s18 =	sadd.s32 $0x3, s18;
	[tilespmem:s17+$0x20] =	vst v1;
	v1 =	vmul.f32 v2, v3  }
0x13e: {  	v56 =	vmov s18;
	v5 =	vmul.f32 v5, v3;
	[tilespmem:s17+$0x0] =	vst v54  }
0x13f: {  	v55 =	vmul.f32 v8, v3;
	[tilespmem:s17+$0x30] =	vst v1  }
0x140: {  	v3 =	vmul.f32 v9, v3;
	[tilespmem:s17+$0x10] =	vst v5  }
0x141: {  	[tilespmem:s17+$0x50] =	vst v55  }
0x142: {  	v2 =	vld [tilespmem:s17+$0x80];
	[tilespmem:s17+$0x70] =	vst v3  }
0x143: {  	v1 =	vld.idx.msk [tilespmem:v56+s3+$0x0], $0xffff  }
0x144: {  	v3 =	vld [tilespmem:s17+$0xA0]  }
0x145: {  	v59 =	vld [tilespmem:s17+$0xE0]  }
0x146: {  	v57 =	vld [tilespmem:s17+$0xC0]  }
0x147: {  	v58 =	vld [tilespmem:s17+$0xF0]  }
0x148: {  	v60 =	vld [tilespmem:s17+$0x90];
	v2 =	vmul.f32 v2, v1  }
0x149: {  	v61 =	vld [tilespmem:s17+$0xB0];
	v3 =	vmul.f32 v3, v1  }
0x14a: {  	v62 =	vld [tilespmem:s17+$0xD0];
	v63 =	vmul.f32 v59, v1;
	[tilespmem:s17+$0x80] =	vst v2  }
0x14b: {  	v2 =	vmul.f32 v57, v1;
	[tilespmem:s17+$0xA0] =	vst v3  }
0x14c: {  	v3 =	vmul.f32 v58, v1;
	[tilespmem:s17+$0xE0] =	vst v63  }
0x14d: {  	[tilespmem:s17+$0xC0] =	vst v2;
	v2 =	vmul.f32 v60, v1  }
0x14e: {  	[tilespmem:s17+$0xF0] =	vst v3;
	v3 =	vmul.f32 v61, v1  }
0x14f: {  	s15 =	sadd.s32 $0x1, s15;
	v1 =	vmul.f32 v62, v1;
	[tilespmem:s17+$0x90] =	vst v2  }
0x150: {  	p0 =	sne.s32 s15, $0x51;
	[tilespmem:s17+$0xB0] =	vst v3  }
.Ltmp2:
0x151: {  	[tilespmem:s17+$0xD0] =	vst v1;
	(pc) =	sbr.rel @p0 .LBB2_4-.Ltmp2, $4  }
0x152: {  	[spmem:s4] =	stream.indirect.scatter.add.f32 [tilespmem:s24], [sflag:$0x3], $0x80, s16, s26, $0xb8;
	[tilespmem:$0x1DF80] =	vst v63  }
0x153: {  	_ =	swait.ge [sflag:s22], $0x4000  }
0x154: {  	[sflag:s22] =	ssyncset.done $0x0  }
0x155: {  	[sflag:s22] =	ssyncadd.s32 $0xFFFFC000  }
0x156: {  	[bflag:$0x0] =	sbarrier.arrive $0xFFFF  }
0x157: {  	[tilespmem:s24], [sflag:$0x3] =	stream.linear.gather [spmem:s9], $0x4000, $0x38;
	[tilespmem:$0x1DF80] =	vst v63  }
0x158: {  	_ =	swait.ge [sflag:s22], $0x4000  }
0x159: {  	[sflag:s22] =	ssyncset.done $0x0  }
0x15a: {  	s8 =	rddreg [dreg:$0xb];
	[sflag:s22] =	ssyncadd.s32 $0xFFFFC000  }
0x15b: {  	[hbm4b:s8+s6] =	stream.linear.scatter [tilespmem:s24], [sflag:$0x3], $0x4000, $0x38;
	[tilespmem:$0x1DF80] =	vst v63  }
0x15c: {  	_ =	swait.ge [sflag:s22], $0x4000  }
0x15d: {  	[sflag:s22] =	ssyncset.done $0x0  }
0x15e: {  	[sflag:s22] =	ssyncadd.s32 $0xFFFFC000  }
0x15f: {  	[tilespmem:s24], [sflag:$0x3] =	stream.linear.gather [spmem:s10], $0x4000, $0x38;
	[tilespmem:$0x1DF80] =	vst v63  }
0x160: {  	_ =	swait.ge [sflag:s22], $0x4000  }
0x161: {  	[sflag:s22] =	ssyncset.done $0x0  }
0x162: {  	s17 =	rddreg [dreg:$0xc];
	[sflag:s22] =	ssyncadd.s32 $0xFFFFC000  }
0x163: {  	[hbm4b:s17+s6] =	stream.linear.scatter [tilespmem:s24], [sflag:$0x3], $0x4000, $0x38;
	[tilespmem:$0x1DF80] =	vst v63  }
0x164: {  	_ =	swait.ge [sflag:s22], $0x4000  }
0x165: {  	[sflag:s22] =	ssyncset.done $0x0  }
0x166: {  	[sflag:s22] =	ssyncadd.s32 $0xFFFFC000  }
0x167: {  	[tilespmem:s24], [sflag:$0x3] =	stream.linear.gather [spmem:s11], $0x4000, $0x38;
	[tilespmem:$0x1DF80] =	vst v63  }
0x168: {  	_ =	swait.ge [sflag:s22], $0x4000  }
0x169: {  	[sflag:s22] =	ssyncset.done $0x0  }
0x16a: {  	s18 =	rddreg [dreg:$0xd];
	[sflag:s22] =	ssyncadd.s32 $0xFFFFC000  }
0x16b: {  	[hbm4b:s18+s6] =	stream.linear.scatter [tilespmem:s24], [sflag:$0x3], $0x4000, $0x38;
	[tilespmem:$0x1DF80] =	vst v63  }
0x16c: {  	_ =	swait.ge [sflag:s22], $0x4000  }
0x16d: {  	[sflag:s22] =	ssyncset.done $0x0  }
0x16e: {  	[sflag:s22] =	ssyncadd.s32 $0xFFFFC000  }
0x16f: {  	[tilespmem:s24], [sflag:$0x3] =	stream.linear.gather [spmem:s12], $0x4000, $0x38;
	[tilespmem:$0x1DF80] =	vst v63  }
0x170: {  	_ =	swait.ge [sflag:s22], $0x4000  }
0x171: {  	[sflag:s22] =	ssyncset.done $0x0  }
0x172: {  	s19 =	rddreg [dreg:$0xe];
	[sflag:s22] =	ssyncadd.s32 $0xFFFFC000  }
0x173: {  	[hbm4b:s19+s6] =	stream.linear.scatter [tilespmem:s24], [sflag:$0x3], $0x4000, $0x38;
	[tilespmem:$0x1DF80] =	vst v63  }
0x174: {  	_ =	swait.ge [sflag:s22], $0x4000  }
0x175: {  	[sflag:s22] =	ssyncset.done $0x0  }
0x176: {  	[sflag:s22] =	ssyncadd.s32 $0xFFFFC000  }
0x177: {  	[tilespmem:s24], [sflag:$0x3] =	stream.linear.gather [spmem:s13], $0x4000, $0x38;
	[tilespmem:$0x1DF80] =	vst v63  }
0x178: {  	_ =	swait.ge [sflag:s22], $0x4000  }
0x179: {  	[sflag:s22] =	ssyncset.done $0x0  }
0x17a: {  	s20 =	rddreg [dreg:$0xf];
	[sflag:s22] =	ssyncadd.s32 $0xFFFFC000  }
0x17b: {  	[hbm4b:s20+s6] =	stream.linear.scatter [tilespmem:s24], [sflag:$0x3], $0x4000, $0x38;
	[tilespmem:$0x1DF80] =	vst v63  }
0x17c: {  	_ =	swait.ge [sflag:s22], $0x4000  }
0x17d: {  	[sflag:s22] =	ssyncset.done $0x0  }
0x17e: {  	s16 =	simm.s32 $0x9A80;
	[sflag:s22] =	ssyncadd.s32 $0xFFFFC000  }
0x17f: {  	[tilespmem:s16], [sflag:$0x3] =	stream.linear.gather [spmem:s14], $0x280, $0x38;
	[tilespmem:$0x1DF80] =	vst v63  }
0x180: {  	_ =	swait.ge [sflag:s22], $0x280  }
0x181: {  	[sflag:s22] =	ssyncset.done $0x0  }
0x182: {  	s15 =	simm.s32 $0x100;
	s21 =	rddreg [dreg:$0x10];
	[sflag:s22] =	ssyncadd.s32 $0xFFFFFD80  }
0x183: {  	[hbm4b:s21+s26] =	stream.strided.scatter [tilespmem:s16], [sflag:$0x3], $0x280, s15, s26, $0x38;
	[tilespmem:$0x1DF80] =	vst v63  }
0x184: {  	_ =	swait.ge [sflag:s22], $0x280  }
0x185: {  	s7 =	sadd.s32 $0x1, s7;
	s25 =	rddreg [dreg:$0x11]  }
0x186: {  	p0 =	sne.s32 s7, s25  }
.Ltmp3:
0x187: {  	_ = 	snop;
	(pc) =	sbr.rel @p0 .LBB2_1-.Ltmp3, $3  }
0x188: {  	_ =	sdelay $0x1  }
0x189: {  	[sflag:s22] =	ssyncset.done $0x0  }
0x18a: {  	[sflag:s22] =	ssyncadd.s32 $0xFFFFFD80  }
0x18b: {  	_ =	sfence.sel $0x180000  }
0x18c: {  	[bflag:$0x0] =	sbarrier.arrive $0xFFFF  }
0x18d: {  	_ =	strace $0x90000047  }
0x18e: {  	s0 =	stileid.u32;
	[bflag:$0x2] =	sbarrier.arrive $0xFFFF  }
0x18f: {  	p0 =	sne.s32 s0, $0x0;
	s0 =	rddreg [dreg:$0x8]  }
0x190: {  	s0 =	sadd.s32 @!p0 $0x100000, s0  }
0x191: {  	[sflag:s0] =	ssyncadd.tile.s32 @!p0 $0x1;
	_ =	shalt  }
.Lfunc_end2:
_tile_overlayer_lowered:
.L_overlay_start_2:
0x192: {  	(tag) =	ssettag $0x2  }
0x193: {  	s0 =	rddreg [dreg:$0x0];
	s2 =	stileid.u32  }
0x194: {  	s1 =	rddreg [dreg:$0x1];
	p0 =	sne.s32 s2, $0x0  }
0x195: {  	s3 =	rddreg [dreg:$0x2];
	[bflag:$0x3] =	sbarrier.arrive $0xFFFF;
	s2 =	simm.s32 @!p0 $0x1C03  }
0x196: {  	[timem:s3], [sflag:s2] =	dma.local @!p0 [hbm:s0], s1  }
0x197: {  	s0 =	simm.s32 @!p0 $0x3  }
0x198: {  	_ =	swait.ge @!p0 [sflag:s0], s1  }
0x199: {  	s1 =	ssub.s32 @!p0 $0x0, s1;
	[sflag:s0] =	ssyncset.done @!p0 $0x0  }
0x19a: {  	[sflag:s0] =	ssyncadd.s32 @!p0 s1  }
0x19b: {  	[bflag:$0x3] =	sbarrier.arrive $0xFFFF  }
0x19c: {  	_ =	shalt  }

</sc_bundles>
